<compile_context>
chip_gen: v7x
topology: tpu7x:2x2x1
jax: 0.10.2.dev20260603
libtpu: 0.0.44.dev20260713+nightly
codegen_flags: <defaults>
</compile_context>

<pallas_src>
import functools

import jax
import jax.numpy as jnp
from jax import lax
from jax.experimental import pallas as pl
from jax.experimental.pallas import tpu as pltpu
from jax.experimental.pallas import tpu_sc as plsc

NUM_CORES = 2
NUM_SUBCORES = 16
NUM_WORKERS = NUM_CORES * NUM_SUBCORES
NBUF = 2
LANES = 16
TILE_R = 8
TILE_C = 128


@functools.lru_cache(maxsize=None)
def _make_kernel(S: int, R: int, V: int, D: int):
    assert S % (NUM_WORKERS * TILE_C) == 0 and D % LANES == 0
    assert D % TILE_R == 0
    W = S // NUM_WORKERS
    NCT = W // TILE_C
    NDT = D // TILE_R
    PADC = TILE_C + 1
    n_chunks = R

    mesh = plsc.VectorSubcoreMesh(
        core_axis_name="c", subcore_axis_name="s", num_cores=NUM_CORES,
        num_subcores=NUM_SUBCORES)

    @functools.partial(
        pl.kernel,
        out_type=jax.ShapeDtypeStruct((R, NDT, S // TILE_C, TILE_R, TILE_C),
                                      jnp.float32),
        mesh=mesh,
        scratch_types=[
            [pltpu.VMEM((W,), jnp.int32) for _ in range(NBUF)],
            [pltpu.VMEM((W, D), jnp.float32) for _ in range(NBUF)],
            [pltpu.VMEM((D // LANES, NCT, LANES, PADC), jnp.float32)
             for _ in range(NBUF)],
            [pltpu.SemaphoreType.DMA for _ in range(NBUF)],
            [pltpu.SemaphoreType.DMA for _ in range(NBUF)],
        ],
        compiler_params=pltpu.CompilerParams(use_tc_tiling_on_sc=False,
                                             needs_layout_passes=False),
    )
    def gather_kernel(tok_hbm, table_hbm, out_hbm, idx_v, rows_v, trows_v,
                      gsem, wsem):
        wid = lax.axis_index("s") * NUM_CORES + lax.axis_index("c")
        col0 = wid * W
        ct0 = wid * NCT

        def load_and_fire(i, b):
            pltpu.sync_copy(tok_hbm.at[pl.ds(i * S + col0, W)], idx_v[b])
            pltpu.async_copy(table_hbm.at[idx_v[b]], rows_v[b], gsem[b])

        def wait_gather(b):
            pltpu.make_async_copy(table_hbm.at[idx_v[b]], rows_v[b],
                                  gsem[b]).wait()

        def _write_pairs(i, b):
            for dt in range(NDT):
                src = trows_v[b].at[dt // 2, :,
                                    pl.ds((dt % 2) * TILE_R, TILE_R),
                                    pl.ds(0, TILE_C)]
                dst = out_hbm.at[i, dt, pl.ds(ct0, NCT), :, :]
                yield src, dst

        def fire_write(i, b):
            for src, dst in _write_pairs(i, b):
                pltpu.async_copy(src, dst, wsem[b])

        def wait_write(i, b):
            for src, dst in _write_pairs(i, b):
                pltpu.make_async_copy(src, dst, wsem[b]).wait()

        d_iota = lax.iota(jnp.int32, LANES)

        def transpose(b):
            @plsc.parallel_loop(0, W, step=1, unroll=8)
            def _(j):
                ct_vec = jnp.full((LANES,), j // TILE_C, jnp.int32)
                ic_vec = jnp.full((LANES,), j % TILE_C, jnp.int32)
                for g in range(D // LANES):
                    g_vec = jnp.full((LANES,), g, jnp.int32)
                    vals = rows_v[b][j, pl.ds(g * LANES, LANES)]
                    plsc.store_scatter(
                        trows_v[b], [g_vec, ct_vec, d_iota, ic_vec], vals)

        for b in range(NBUF):
            load_and_fire(b, b)

        for b in range(NBUF):
            wait_gather(b)
            transpose(b)
            load_and_fire(b + NBUF, b)
            fire_write(b, b)

        def group_body(g, carry):
            for b in range(NBUF):
                i = NBUF * g + b
                wait_gather(b)
                wait_write(i - NBUF, b)
                transpose(b)
                load_and_fire(i + NBUF, b)
                fire_write(i, b)
            return carry

        lax.fori_loop(1, n_chunks // NBUF - 1, group_body, 0)

        for b in range(NBUF):
            i = n_chunks - NBUF + b
            wait_gather(b)
            wait_write(i - NBUF, b)
            transpose(b)
            fire_write(i, b)
        for b in range(NBUF):
            i = n_chunks - NBUF + b
            wait_write(i, b)

    return gather_kernel


def kernel(token_ids, weight):
    S, R = token_ids.shape
    V, D = weight.shape
    flat = jnp.reshape(jnp.transpose(token_ids), (S * R,)).astype(jnp.int32)
    out5 = _make_kernel(S, R, V, D)(flat, weight)
    return jnp.reshape(jnp.transpose(out5, (2, 4, 0, 1, 3)), (S, R, D))

# --- scband reference (transcript-rebuilt; emitter-appended) ---
"""Pipeline reference for scband-embedding-32693291057176 (READ-ONLY COPY).

The authoritative reference and input builder live on the scoring server;
editing this copy changes nothing except your own understanding.
"""

import jax, jax.numpy as jnp
import numpy as np

NUM_EMBEDDINGS = 1000000
EMBEDDING_DIM = 32
STD = 1.0
ALPHA_INPUT = 1.0


def setup_inputs(seed: int = 0) -> dict:
    key = jax.random.key(seed)
    k_idx, k_w = jax.random.split(key)
    token_ids = jax.random.randint(k_idx, (16384, 200), 0, NUM_EMBEDDINGS, dtype=jnp.int64 if jax.config.jax_enable_x64 else jnp.int32)
    weight = jax.random.truncated_normal(k_w, lower=-3.0 * STD, upper=3.0 * STD, shape=(NUM_EMBEDDINGS, EMBEDDING_DIM), dtype=jnp.float32) * jnp.array(STD, dtype=jnp.float32)
    return {"token_ids": token_ids, "weight": weight}


def reference(token_ids, weight):
    # Embedding lookup: weight.at[token_ids].get() * alpha_input
    alpha = jnp.array(ALPHA_INPUT, dtype=weight.dtype)
    out = jnp.take(weight, token_ids, axis=0) * alpha
    return out

if __name__ == "__main__":
    import jax
    _d = setup_inputs()
    print(jax.jit(kernel)(*tuple(_d.values())))

</pallas_src>

<mosaic_0001>
#map = affine_map<(d0, d1) -> (0)>
#map1 = affine_map<(d0, d1) -> (0, 0)>
#map2 = affine_map<(d0, d1) -> (0, 0, 0, 0, 0)>
module attributes {stable_mosaic.version = 14 : i64} {
  func.func @gather_kernel(%arg0: i32, %arg1: i32, %arg2: memref<3276800xi32, #tpu.memory_space<hbm>>, %arg3: memref<1000000x32xf32, #tpu.memory_space<hbm>>, %arg4: memref<200x4x128x8x128xf32, #tpu.memory_space<hbm>>, %arg5: memref<512xi32, #tpu.memory_space<vmem>>, %arg6: memref<512xi32, #tpu.memory_space<vmem>>, %arg7: memref<512x32xf32, #tpu.memory_space<vmem>>, %arg8: memref<512x32xf32, #tpu.memory_space<vmem>>, %arg9: memref<2x4x16x129xf32, #tpu.memory_space<vmem>>, %arg10: memref<2x4x16x129xf32, #tpu.memory_space<vmem>>, %arg11: memref<!tpu.dma_semaphore, #tpu.memory_space<semaphore_mem>>, %arg12: memref<!tpu.dma_semaphore, #tpu.memory_space<semaphore_mem>>, %arg13: memref<!tpu.dma_semaphore, #tpu.memory_space<semaphore_mem>>, %arg14: memref<!tpu.dma_semaphore, #tpu.memory_space<semaphore_mem>>) attributes {dimension_semantics = [#tpu.dimension_semantics<core_parallel>, #tpu.dimension_semantics<subcore_parallel>], iteration_bounds = array<i64: 2, 16>, scalar_prefetch = 0 : i64, scratch_operands = 10 : i64, tpu.core_type = #tpu.core_type<sc_vector_subcore>, window_params = [{transform_indices = #map}, {transform_indices = #map1}, {transform_indices = #map2}]} {
    %mul3A = arith.constant 2 : i32
    %mul3A_0 = arith.muli %arg1, %mul3A : i32
    %add3A = arith.addi %mul3A_0, %arg0 : i32
    %mul3A_1 = arith.constant 512 : i32
    %mul3A_2 = arith.muli %add3A, %mul3A_1 : i32
    %mul3A_3 = arith.constant 4 : i32
    %mul3A_4 = arith.muli %add3A, %mul3A_3 : i32
    %iota3A = tpu.iota {dimensions = array<i32: 0>} : vector<16xi32>
    %add3A_5 = arith.constant 0 : i32
    %add3A_6 = arith.addi %add3A_5, %mul3A_2 : i32
    "tpu.region"() ({
      %run_scoped3A = tpu.sem_alloc : memref<!tpu.dma_semaphore, #tpu.memory_space<semaphore_mem>>
      %dma_start3A_723 = tpu.memref_slice %arg2[%add3A_6] : memref<3276800xi32, #tpu.memory_space<hbm>> -> memref<512xi32, #tpu.memory_space<hbm>>
      %dma_start3A_724 = tpu.memref_slice %arg2[%add3A_6] : memref<3276800xi32, #tpu.memory_space<hbm>> -> memref<512xi32, #tpu.memory_space<hbm>>
      tpu.enqueue_dma source(%dma_start3A_724 : memref<512xi32, #tpu.memory_space<hbm>>) target(%arg5 : memref<512xi32, #tpu.memory_space<vmem>>) target_semaphore(%run_scoped3A : memref<!tpu.dma_semaphore, #tpu.memory_space<semaphore_mem>>)
      %dma_wait3A_725 = tpu.memref_slice %arg2[%add3A_6] : memref<3276800xi32, #tpu.memory_space<hbm>> -> memref<512xi32, #tpu.memory_space<hbm>>
      %dma_wait3A_726 = tpu.memref_slice %arg2[%add3A_6] : memref<3276800xi32, #tpu.memory_space<hbm>> -> memref<512xi32, #tpu.memory_space<hbm>>
      tpu.wait_dma2 semaphore(%run_scoped3A : memref<!tpu.dma_semaphore, #tpu.memory_space<semaphore_mem>>) src(%dma_wait3A_726 : memref<512xi32, #tpu.memory_space<hbm>>) dst(%arg5 : memref<512xi32, #tpu.memory_space<vmem>>)
      tpu.yield
    }) : () -> ()
    %dma_start3A = arith.constant 0 : i32
    %dma_start3A_7 = arith.constant 0 : i32
    %dma_start3A_8 = tpu.memref_slice %arg3[%dma_start3A, %dma_start3A_7] : memref<1000000x32xf32, #tpu.memory_space<hbm>> -> memref<1000000x32xf32, #tpu.memory_space<hbm>>
    tpu.enqueue_indirect_dma source(%dma_start3A_8 : memref<1000000x32xf32, #tpu.memory_space<hbm>>) target(%arg7 : memref<512x32xf32, #tpu.memory_space<vmem>>) offsets(%arg5 : memref<512xi32, #tpu.memory_space<vmem>>) semaphore(%arg11 : memref<!tpu.dma_semaphore, #tpu.memory_space<semaphore_mem>>)
    %add3A_9 = arith.constant 16384 : i32
    %add3A_10 = arith.addi %add3A_9, %mul3A_2 : i32
    "tpu.region"() ({
      %run_scoped3A = tpu.sem_alloc : memref<!tpu.dma_semaphore, #tpu.memory_space<semaphore_mem>>
      %dma_start3A_723 = tpu.memref_slice %arg2[%add3A_10] : memref<3276800xi32, #tpu.memory_space<hbm>> -> memref<512xi32, #tpu.memory_space<hbm>>
      %dma_start3A_724 = tpu.memref_slice %arg2[%add3A_10] : memref<3276800xi32, #tpu.memory_space<hbm>> -> memref<512xi32, #tpu.memory_space<hbm>>
      tpu.enqueue_dma source(%dma_start3A_724 : memref<512xi32, #tpu.memory_space<hbm>>) target(%arg6 : memref<512xi32, #tpu.memory_space<vmem>>) target_semaphore(%run_scoped3A : memref<!tpu.dma_semaphore, #tpu.memory_space<semaphore_mem>>)
      %dma_wait3A_725 = tpu.memref_slice %arg2[%add3A_10] : memref<3276800xi32, #tpu.memory_space<hbm>> -> memref<512xi32, #tpu.memory_space<hbm>>
      %dma_wait3A_726 = tpu.memref_slice %arg2[%add3A_10] : memref<3276800xi32, #tpu.memory_space<hbm>> -> memref<512xi32, #tpu.memory_space<hbm>>
      tpu.wait_dma2 semaphore(%run_scoped3A : memref<!tpu.dma_semaphore, #tpu.memory_space<semaphore_mem>>) src(%dma_wait3A_726 : memref<512xi32, #tpu.memory_space<hbm>>) dst(%arg6 : memref<512xi32, #tpu.memory_space<vmem>>)
      tpu.yield
    }) : () -> ()
    %dma_start3A_11 = arith.constant 0 : i32
    %dma_start3A_12 = arith.constant 0 : i32
    %dma_start3A_13 = tpu.memref_slice %arg3[%dma_start3A_11, %dma_start3A_12] : memref<1000000x32xf32, #tpu.memory_space<hbm>> -> memref<1000000x32xf32, #tpu.memory_space<hbm>>
    tpu.enqueue_indirect_dma source(%dma_start3A_13 : memref<1000000x32xf32, #tpu.memory_space<hbm>>) target(%arg8 : memref<512x32xf32, #tpu.memory_space<vmem>>) offsets(%arg6 : memref<512xi32, #tpu.memory_space<vmem>>) semaphore(%arg12 : memref<!tpu.dma_semaphore, #tpu.memory_space<semaphore_mem>>)
    %dma_wait3A = arith.constant 0 : i32
    %dma_wait3A_14 = arith.constant 0 : i32
    %dma_wait3A_15 = tpu.memref_slice %arg3[%dma_wait3A, %dma_wait3A_14] : memref<1000000x32xf32, #tpu.memory_space<hbm>> -> memref<1000000x32xf32, #tpu.memory_space<hbm>>
    tpu.wait_indirect_dma semaphore(%arg11 : memref<!tpu.dma_semaphore, #tpu.memory_space<semaphore_mem>>) src(%dma_wait3A_15 : memref<1000000x32xf32, #tpu.memory_space<hbm>>) dst(%arg7 : memref<512x32xf32, #tpu.memory_space<vmem>>)
    %parallel_loop3A = arith.constant 0 : i32
    %parallel_loop3A_16 = arith.constant 512 : i32
    %parallel_loop3A_17 = arith.constant 1 : i32
    scf.for %parallel_loop3A_723 = %parallel_loop3A to %parallel_loop3A_16 step %parallel_loop3A_17  : i32 {
      %parallel_loop3A_724 = arith.constant 128 : i32
      %parallel_loop3A_725 = arith.divsi %parallel_loop3A_723, %parallel_loop3A_724 : i32
      %parallel_loop3A_726 = arith.constant 0 : i32
      %parallel_loop3A_727 = arith.cmpi sgt, %parallel_loop3A_723, %parallel_loop3A_726 : i32
      %parallel_loop3A_728 = arith.extui %parallel_loop3A_727 : i1 to i32
      %parallel_loop3A_729 = arith.constant 0 : i32
      %parallel_loop3A_730 = arith.cmpi slt, %parallel_loop3A_723, %parallel_loop3A_729 : i32
      %parallel_loop3A_731 = arith.extui %parallel_loop3A_730 : i1 to i32
      %parallel_loop3A_732 = arith.subi %parallel_loop3A_728, %parallel_loop3A_731 : i32
      %parallel_loop3A_733 = arith.constant 0 : i32
      %parallel_loop3A_734 = arith.cmpi sgt, %parallel_loop3A_724, %parallel_loop3A_733 : i32
      %parallel_loop3A_735 = arith.extui %parallel_loop3A_734 : i1 to i32
      %parallel_loop3A_736 = arith.constant 0 : i32
      %parallel_loop3A_737 = arith.cmpi slt, %parallel_loop3A_724, %parallel_loop3A_736 : i32
      %parallel_loop3A_738 = arith.extui %parallel_loop3A_737 : i1 to i32
      %parallel_loop3A_739 = arith.subi %parallel_loop3A_735, %parallel_loop3A_738 : i32
      %parallel_loop3A_740 = arith.cmpi ne, %parallel_loop3A_732, %parallel_loop3A_739 : i32
      %parallel_loop3A_741 = arith.remsi %parallel_loop3A_723, %parallel_loop3A_724 : i32
      %parallel_loop3A_742 = arith.constant 0 : i32
      %parallel_loop3A_743 = arith.cmpi ne, %parallel_loop3A_741, %parallel_loop3A_742 : i32
      %parallel_loop3A_744 = arith.andi %parallel_loop3A_740, %parallel_loop3A_743 : i1
      %parallel_loop3A_745 = arith.constant 1 : i32
      %parallel_loop3A_746 = arith.subi %parallel_loop3A_725, %parallel_loop3A_745 : i32
      %parallel_loop3A_747 = arith.select %parallel_loop3A_744, %parallel_loop3A_746, %parallel_loop3A_725 : i32
      %parallel_loop3A_748 = vector.broadcast %parallel_loop3A_747 : i32 to vector<16xi32>
      %parallel_loop3A_749 = arith.constant 128 : i32
      %parallel_loop3A_750 = arith.constant 0 : i32
      %parallel_loop3A_751 = arith.cmpi eq, %parallel_loop3A_749, %parallel_loop3A_750 : i32
      %parallel_loop3A_752 = arith.constant 1 : i32
      %parallel_loop3A_753 = arith.select %parallel_loop3A_751, %parallel_loop3A_752, %parallel_loop3A_749 : i32
      %parallel_loop3A_754 = arith.remsi %parallel_loop3A_723, %parallel_loop3A_753 : i32
      %parallel_loop3A_755 = arith.constant 0 : i32
      %parallel_loop3A_756 = arith.cmpi ne, %parallel_loop3A_754, %parallel_loop3A_755 : i32
      %parallel_loop3A_757 = arith.constant 0 : i32
      %parallel_loop3A_758 = arith.cmpi slt, %parallel_loop3A_754, %parallel_loop3A_757 : i32
      %parallel_loop3A_759 = arith.constant 0 : i32
      %parallel_loop3A_760 = arith.cmpi slt, %parallel_loop3A_753, %parallel_loop3A_759 : i32
      %parallel_loop3A_761 = arith.xori %parallel_loop3A_758, %parallel_loop3A_760 : i1
      %parallel_loop3A_762 = arith.andi %parallel_loop3A_761, %parallel_loop3A_756 : i1
      %parallel_loop3A_763 = arith.addi %parallel_loop3A_754, %parallel_loop3A_753 : i32
      %parallel_loop3A_764 = arith.select %parallel_loop3A_762, %parallel_loop3A_763, %parallel_loop3A_754 : i32
      %parallel_loop3A_765 = vector.broadcast %parallel_loop3A_764 : i32 to vector<16xi32>
      %parallel_loop3A_766 = arith.constant 0 : i32
      %parallel_loop3A_767 = vector.broadcast %parallel_loop3A_766 : i32 to vector<16xi32>
      %parallel_loop3A_768 = arith.index_cast %parallel_loop3A_723 : i32 to index
      %parallel_loop3A_769 = arith.constant 0 : index
      %parallel_loop3A_770 = tpu.vector_load %arg7[%parallel_loop3A_768, %parallel_loop3A_769] {strides = array<i32>} : memref<512x32xf32, #tpu.memory_space<vmem>>, vector<16xf32>,
      tpu.vector_store_idx %arg9[%parallel_loop3A_767, %parallel_loop3A_748, %iota3A, %parallel_loop3A_765], %parallel_loop3A_770 : memref<2x4x16x129xf32, #tpu.memory_space<vmem>>[vector<16xi32>, vector<16xi32>, vector<16xi32>, vector<16xi32>], vector<16xf32>,
      %parallel_loop3A_771 = arith.constant 1 : i32
      %parallel_loop3A_772 = vector.broadcast %parallel_loop3A_771 : i32 to vector<16xi32>
      %parallel_loop3A_773 = arith.index_cast %parallel_loop3A_723 : i32 to index
      %parallel_loop3A_774 = arith.constant 16 : index
      %parallel_loop3A_775 = tpu.vector_load %arg7[%parallel_loop3A_773, %parallel_loop3A_774] {strides = array<i32>} : memref<512x32xf32, #tpu.memory_space<vmem>>, vector<16xf32>,
      tpu.vector_store_idx %arg9[%parallel_loop3A_772, %parallel_loop3A_748, %iota3A, %parallel_loop3A_765], %parallel_loop3A_775 : memref<2x4x16x129xf32, #tpu.memory_space<vmem>>[vector<16xi32>, vector<16xi32>, vector<16xi32>, vector<16xi32>], vector<16xf32>,
    } {sc.loop_unroll_factor = 8 : i64, sc.parallel_access}
    %add3A_18 = arith.constant 32768 : i32
    %add3A_19 = arith.addi %add3A_18, %mul3A_2 : i32
    "tpu.region"() ({
      %run_scoped3A = tpu.sem_alloc : memref<!tpu.dma_semaphore, #tpu.memory_space<semaphore_mem>>
      %dma_start3A_723 = tpu.memref_slice %arg2[%add3A_19] : memref<3276800xi32, #tpu.memory_space<hbm>> -> memref<512xi32, #tpu.memory_space<hbm>>
      %dma_start3A_724 = tpu.memref_slice %arg2[%add3A_19] : memref<3276800xi32, #tpu.memory_space<hbm>> -> memref<512xi32, #tpu.memory_space<hbm>>
      tpu.enqueue_dma source(%dma_start3A_724 : memref<512xi32, #tpu.memory_space<hbm>>) target(%arg5 : memref<512xi32, #tpu.memory_space<vmem>>) target_semaphore(%run_scoped3A : memref<!tpu.dma_semaphore, #tpu.memory_space<semaphore_mem>>)
      %dma_wait3A_725 = tpu.memref_slice %arg2[%add3A_19] : memref<3276800xi32, #tpu.memory_space<hbm>> -> memref<512xi32, #tpu.memory_space<hbm>>
      %dma_wait3A_726 = tpu.memref_slice %arg2[%add3A_19] : memref<3276800xi32, #tpu.memory_space<hbm>> -> memref<512xi32, #tpu.memory_space<hbm>>
      tpu.wait_dma2 semaphore(%run_scoped3A : memref<!tpu.dma_semaphore, #tpu.memory_space<semaphore_mem>>) src(%dma_wait3A_726 : memref<512xi32, #tpu.memory_space<hbm>>) dst(%arg5 : memref<512xi32, #tpu.memory_space<vmem>>)
      tpu.yield
    }) : () -> ()
    %dma_start3A_20 = arith.constant 0 : i32
    %dma_start3A_21 = arith.constant 0 : i32
    %dma_start3A_22 = tpu.memref_slice %arg3[%dma_start3A_20, %dma_start3A_21] : memref<1000000x32xf32, #tpu.memory_space<hbm>> -> memref<1000000x32xf32, #tpu.memory_space<hbm>>
    tpu.enqueue_indirect_dma source(%dma_start3A_22 : memref<1000000x32xf32, #tpu.memory_space<hbm>>) target(%arg7 : memref<512x32xf32, #tpu.memory_space<vmem>>) offsets(%arg5 : memref<512xi32, #tpu.memory_space<vmem>>) semaphore(%arg11 : memref<!tpu.dma_semaphore, #tpu.memory_space<semaphore_mem>>)
    %dma_start3A_23 = arith.constant 0 : i32
    %dma_start3A_24 = arith.constant 0 : i32
    %dma_start3A_25 = arith.constant 0 : i32
    %dma_start3A_26 = arith.constant 0 : i32
    %dma_start3A_27 = arith.constant 0 : i32
    %dma_start3A_28 = arith.constant 0 : i32
    %dma_start3A_29 = tpu.memref_slice %arg9[%dma_start3A_23, %dma_start3A_26, %dma_start3A_27, %dma_start3A_28] : memref<2x4x16x129xf32, #tpu.memory_space<vmem>> -> memref<1x4x8x128xf32, #tpu.memory_space<vmem>>
    %dma_start3A_30 = tpu.memref_squeeze %dma_start3A_29 : memref<1x4x8x128xf32, #tpu.memory_space<vmem>> -> memref<4x8x128xf32, #tpu.memory_space<vmem>>
    %dma_start3A_31 = arith.constant 0 : i32
    %dma_start3A_32 = arith.constant 0 : i32
    %dma_start3A_33 = tpu.memref_slice %arg4[%dma_start3A_24, %dma_start3A_25, %mul3A_4, %dma_start3A_31, %dma_start3A_32] : memref<200x4x128x8x128xf32, #tpu.memory_space<hbm>> -> memref<1x1x4x8x128xf32, #tpu.memory_space<hbm>>
    %dma_start3A_34 = tpu.memref_squeeze %dma_start3A_33 : memref<1x1x4x8x128xf32, #tpu.memory_space<hbm>> -> memref<4x8x128xf32, #tpu.memory_space<hbm>>
    %dma_start3A_35 = arith.constant 0 : i32
    %dma_start3A_36 = arith.constant 0 : i32
    %dma_start3A_37 = tpu.memref_slice %arg4[%dma_start3A_24, %dma_start3A_25, %mul3A_4, %dma_start3A_35, %dma_start3A_36] : memref<200x4x128x8x128xf32, #tpu.memory_space<hbm>> -> memref<1x1x4x8x128xf32, #tpu.memory_space<hbm>>
    %dma_start3A_38 = tpu.memref_squeeze %dma_start3A_37 : memref<1x1x4x8x128xf32, #tpu.memory_space<hbm>> -> memref<4x8x128xf32, #tpu.memory_space<hbm>>
    %dma_start3A_39 = arith.constant 0 : i32
    %dma_start3A_40 = arith.constant 0 : i32
    %dma_start3A_41 = arith.constant 0 : i32
    %dma_start3A_42 = tpu.memref_slice %arg9[%dma_start3A_23, %dma_start3A_39, %dma_start3A_40, %dma_start3A_41] : memref<2x4x16x129xf32, #tpu.memory_space<vmem>> -> memref<1x4x8x128xf32, #tpu.memory_space<vmem>>
    %dma_start3A_43 = tpu.memref_squeeze %dma_start3A_42 : memref<1x4x8x128xf32, #tpu.memory_space<vmem>> -> memref<4x8x128xf32, #tpu.memory_space<vmem>>
    tpu.enqueue_dma source(%dma_start3A_43 : memref<4x8x128xf32, #tpu.memory_space<vmem>>) target(%dma_start3A_38 : memref<4x8x128xf32, #tpu.memory_space<hbm>>) target_semaphore(%arg13 : memref<!tpu.dma_semaphore, #tpu.memory_space<semaphore_mem>>)
    %dma_start3A_44 = arith.constant 0 : i32
    %dma_start3A_45 = arith.constant 0 : i32
    %dma_start3A_46 = arith.constant 1 : i32
    %dma_start3A_47 = arith.constant 0 : i32
    %dma_start3A_48 = arith.constant 8 : i32
    %dma_start3A_49 = arith.constant 0 : i32
    %dma_start3A_50 = tpu.memref_slice %arg9[%dma_start3A_44, %dma_start3A_47, %dma_start3A_48, %dma_start3A_49] : memref<2x4x16x129xf32, #tpu.memory_space<vmem>> -> memref<1x4x8x128xf32, #tpu.memory_space<vmem>>
    %dma_start3A_51 = tpu.memref_squeeze %dma_start3A_50 : memref<1x4x8x128xf32, #tpu.memory_space<vmem>> -> memref<4x8x128xf32, #tpu.memory_space<vmem>>
    %dma_start3A_52 = arith.constant 0 : i32
    %dma_start3A_53 = arith.constant 0 : i32
    %dma_start3A_54 = tpu.memref_slice %arg4[%dma_start3A_45, %dma_start3A_46, %mul3A_4, %dma_start3A_52, %dma_start3A_53] : memref<200x4x128x8x128xf32, #tpu.memory_space<hbm>> -> memref<1x1x4x8x128xf32, #tpu.memory_space<hbm>>
    %dma_start3A_55 = tpu.memref_squeeze %dma_start3A_54 : memref<1x1x4x8x128xf32, #tpu.memory_space<hbm>> -> memref<4x8x128xf32, #tpu.memory_space<hbm>>
    %dma_start3A_56 = arith.constant 0 : i32
    %dma_start3A_57 = arith.constant 0 : i32
    %dma_start3A_58 = tpu.memref_slice %arg4[%dma_start3A_45, %dma_start3A_46, %mul3A_4, %dma_start3A_56, %dma_start3A_57] : memref<200x4x128x8x128xf32, #tpu.memory_space<hbm>> -> memref<1x1x4x8x128xf32, #tpu.memory_space<hbm>>
    %dma_start3A_59 = tpu.memref_squeeze %dma_start3A_58 : memref<1x1x4x8x128xf32, #tpu.memory_space<hbm>> -> memref<4x8x128xf32, #tpu.memory_space<hbm>>
    %dma_start3A_60 = arith.constant 0 : i32
    %dma_start3A_61 = arith.constant 8 : i32
    %dma_start3A_62 = arith.constant 0 : i32
    %dma_start3A_63 = tpu.memref_slice %arg9[%dma_start3A_44, %dma_start3A_60, %dma_start3A_61, %dma_start3A_62] : memref<2x4x16x129xf32, #tpu.memory_space<vmem>> -> memref<1x4x8x128xf32, #tpu.memory_space<vmem>>
    %dma_start3A_64 = tpu.memref_squeeze %dma_start3A_63 : memref<1x4x8x128xf32, #tpu.memory_space<vmem>> -> memref<4x8x128xf32, #tpu.memory_space<vmem>>
    tpu.enqueue_dma source(%dma_start3A_64 : memref<4x8x128xf32, #tpu.memory_space<vmem>>) target(%dma_start3A_59 : memref<4x8x128xf32, #tpu.memory_space<hbm>>) target_semaphore(%arg13 : memref<!tpu.dma_semaphore, #tpu.memory_space<semaphore_mem>>)
    %dma_start3A_65 = arith.constant 1 : i32
    %dma_start3A_66 = arith.constant 0 : i32
    %dma_start3A_67 = arith.constant 2 : i32
    %dma_start3A_68 = arith.constant 0 : i32
    %dma_start3A_69 = arith.constant 0 : i32
    %dma_start3A_70 = arith.constant 0 : i32
    %dma_start3A_71 = tpu.memref_slice %arg9[%dma_start3A_65, %dma_start3A_68, %dma_start3A_69, %dma_start3A_70] : memref<2x4x16x129xf32, #tpu.memory_space<vmem>> -> memref<1x4x8x128xf32, #tpu.memory_space<vmem>>
    %dma_start3A_72 = tpu.memref_squeeze %dma_start3A_71 : memref<1x4x8x128xf32, #tpu.memory_space<vmem>> -> memref<4x8x128xf32, #tpu.memory_space<vmem>>
    %dma_start3A_73 = arith.constant 0 : i32
    %dma_start3A_74 = arith.constant 0 : i32
    %dma_start3A_75 = tpu.memref_slice %arg4[%dma_start3A_66, %dma_start3A_67, %mul3A_4, %dma_start3A_73, %dma_start3A_74] : memref<200x4x128x8x128xf32, #tpu.memory_space<hbm>> -> memref<1x1x4x8x128xf32, #tpu.memory_space<hbm>>
    %dma_start3A_76 = tpu.memref_squeeze %dma_start3A_75 : memref<1x1x4x8x128xf32, #tpu.memory_space<hbm>> -> memref<4x8x128xf32, #tpu.memory_space<hbm>>
    %dma_start3A_77 = arith.constant 0 : i32
    %dma_start3A_78 = arith.constant 0 : i32
    %dma_start3A_79 = tpu.memref_slice %arg4[%dma_start3A_66, %dma_start3A_67, %mul3A_4, %dma_start3A_77, %dma_start3A_78] : memref<200x4x128x8x128xf32, #tpu.memory_space<hbm>> -> memref<1x1x4x8x128xf32, #tpu.memory_space<hbm>>
    %dma_start3A_80 = tpu.memref_squeeze %dma_start3A_79 : memref<1x1x4x8x128xf32, #tpu.memory_space<hbm>> -> memref<4x8x128xf32, #tpu.memory_space<hbm>>
    %dma_start3A_81 = arith.constant 0 : i32
    %dma_start3A_82 = arith.constant 0 : i32
    %dma_start3A_83 = arith.constant 0 : i32
    %dma_start3A_84 = tpu.memref_slice %arg9[%dma_start3A_65, %dma_start3A_81, %dma_start3A_82, %dma_start3A_83] : memref<2x4x16x129xf32, #tpu.memory_space<vmem>> -> memref<1x4x8x128xf32, #tpu.memory_space<vmem>>
    %dma_start3A_85 = tpu.memref_squeeze %dma_start3A_84 : memref<1x4x8x128xf32, #tpu.memory_space<vmem>> -> memref<4x8x128xf32, #tpu.memory_space<vmem>>
    tpu.enqueue_dma source(%dma_start3A_85 : memref<4x8x128xf32, #tpu.memory_space<vmem>>) target(%dma_start3A_80 : memref<4x8x128xf32, #tpu.memory_space<hbm>>) target_semaphore(%arg13 : memref<!tpu.dma_semaphore, #tpu.memory_space<semaphore_mem>>)
    %dma_start3A_86 = arith.constant 1 : i32
    %dma_start3A_87 = arith.constant 0 : i32
    %dma_start3A_88 = arith.constant 3 : i32
    %dma_start3A_89 = arith.constant 0 : i32
    %dma_start3A_90 = arith.constant 8 : i32
    %dma_start3A_91 = arith.constant 0 : i32
    %dma_start3A_92 = tpu.memref_slice %arg9[%dma_start3A_86, %dma_start3A_89, %dma_start3A_90, %dma_start3A_91] : memref<2x4x16x129xf32, #tpu.memory_space<vmem>> -> memref<1x4x8x128xf32, #tpu.memory_space<vmem>>
    %dma_start3A_93 = tpu.memref_squeeze %dma_start3A_92 : memref<1x4x8x128xf32, #tpu.memory_space<vmem>> -> memref<4x8x128xf32, #tpu.memory_space<vmem>>
    %dma_start3A_94 = arith.constant 0 : i32
    %dma_start3A_95 = arith.constant 0 : i32
    %dma_start3A_96 = tpu.memref_slice %arg4[%dma_start3A_87, %dma_start3A_88, %mul3A_4, %dma_start3A_94, %dma_start3A_95] : memref<200x4x128x8x128xf32, #tpu.memory_space<hbm>> -> memref<1x1x4x8x128xf32, #tpu.memory_space<hbm>>
    %dma_start3A_97 = tpu.memref_squeeze %dma_start3A_96 : memref<1x1x4x8x128xf32, #tpu.memory_space<hbm>> -> memref<4x8x128xf32, #tpu.memory_space<hbm>>
    %dma_start3A_98 = arith.constant 0 : i32
    %dma_start3A_99 = arith.constant 0 : i32
    %dma_start3A_100 = tpu.memref_slice %arg4[%dma_start3A_87, %dma_start3A_88, %mul3A_4, %dma_start3A_98, %dma_start3A_99] : memref<200x4x128x8x128xf32, #tpu.memory_space<hbm>> -> memref<1x1x4x8x128xf32, #tpu.memory_space<hbm>>
    %dma_start3A_101 = tpu.memref_squeeze %dma_start3A_100 : memref<1x1x4x8x128xf32, #tpu.memory_space<hbm>> -> memref<4x8x128xf32, #tpu.memory_space<hbm>>
    %dma_start3A_102 = arith.constant 0 : i32
    %dma_start3A_103 = arith.constant 8 : i32
    %dma_start3A_104 = arith.constant 0 : i32
    %dma_start3A_105 = tpu.memref_slice %arg9[%dma_start3A_86, %dma_start3A_102, %dma_start3A_103, %dma_start3A_104] : memref<2x4x16x129xf32, #tpu.memory_space<vmem>> -> memref<1x4x8x128xf32, #tpu.memory_space<vmem>>
    %dma_start3A_106 = tpu.memref_squeeze %dma_start3A_105 : memref<1x4x8x128xf32, #tpu.memory_space<vmem>> -> memref<4x8x128xf32, #tpu.memory_space<vmem>>
    tpu.enqueue_dma source(%dma_start3A_106 : memref<4x8x128xf32, #tpu.memory_space<vmem>>) target(%dma_start3A_101 : memref<4x8x128xf32, #tpu.memory_space<hbm>>) target_semaphore(%arg13 : memref<!tpu.dma_semaphore, #tpu.memory_space<semaphore_mem>>)
    %dma_wait3A_107 = arith.constant 0 : i32
    %dma_wait3A_108 = arith.constant 0 : i32
    %dma_wait3A_109 = tpu.memref_slice %arg3[%dma_wait3A_107, %dma_wait3A_108] : memref<1000000x32xf32, #tpu.memory_space<hbm>> -> memref<1000000x32xf32, #tpu.memory_space<hbm>>
    tpu.wait_indirect_dma semaphore(%arg12 : memref<!tpu.dma_semaphore, #tpu.memory_space<semaphore_mem>>) src(%dma_wait3A_109 : memref<1000000x32xf32, #tpu.memory_space<hbm>>) dst(%arg8 : memref<512x32xf32, #tpu.memory_space<vmem>>)
    %parallel_loop3A_110 = arith.constant 0 : i32
    %parallel_loop3A_111 = arith.constant 512 : i32
    %parallel_loop3A_112 = arith.constant 1 : i32
    scf.for %parallel_loop3A_723 = %parallel_loop3A_110 to %parallel_loop3A_111 step %parallel_loop3A_112  : i32 {
      %parallel_loop3A_724 = arith.constant 128 : i32
      %parallel_loop3A_725 = arith.divsi %parallel_loop3A_723, %parallel_loop3A_724 : i32
      %parallel_loop3A_726 = arith.constant 0 : i32
      %parallel_loop3A_727 = arith.cmpi sgt, %parallel_loop3A_723, %parallel_loop3A_726 : i32
      %parallel_loop3A_728 = arith.extui %parallel_loop3A_727 : i1 to i32
      %parallel_loop3A_729 = arith.constant 0 : i32
      %parallel_loop3A_730 = arith.cmpi slt, %parallel_loop3A_723, %parallel_loop3A_729 : i32
      %parallel_loop3A_731 = arith.extui %parallel_loop3A_730 : i1 to i32
      %parallel_loop3A_732 = arith.subi %parallel_loop3A_728, %parallel_loop3A_731 : i32
      %parallel_loop3A_733 = arith.constant 0 : i32
      %parallel_loop3A_734 = arith.cmpi sgt, %parallel_loop3A_724, %parallel_loop3A_733 : i32
      %parallel_loop3A_735 = arith.extui %parallel_loop3A_734 : i1 to i32
      %parallel_loop3A_736 = arith.constant 0 : i32
      %parallel_loop3A_737 = arith.cmpi slt, %parallel_loop3A_724, %parallel_loop3A_736 : i32
      %parallel_loop3A_738 = arith.extui %parallel_loop3A_737 : i1 to i32
      %parallel_loop3A_739 = arith.subi %parallel_loop3A_735, %parallel_loop3A_738 : i32
      %parallel_loop3A_740 = arith.cmpi ne, %parallel_loop3A_732, %parallel_loop3A_739 : i32
      %parallel_loop3A_741 = arith.remsi %parallel_loop3A_723, %parallel_loop3A_724 : i32
      %parallel_loop3A_742 = arith.constant 0 : i32
      %parallel_loop3A_743 = arith.cmpi ne, %parallel_loop3A_741, %parallel_loop3A_742 : i32
      %parallel_loop3A_744 = arith.andi %parallel_loop3A_740, %parallel_loop3A_743 : i1
      %parallel_loop3A_745 = arith.constant 1 : i32
      %parallel_loop3A_746 = arith.subi %parallel_loop3A_725, %parallel_loop3A_745 : i32
      %parallel_loop3A_747 = arith.select %parallel_loop3A_744, %parallel_loop3A_746, %parallel_loop3A_725 : i32
      %parallel_loop3A_748 = vector.broadcast %parallel_loop3A_747 : i32 to vector<16xi32>
      %parallel_loop3A_749 = arith.constant 128 : i32
      %parallel_loop3A_750 = arith.constant 0 : i32
      %parallel_loop3A_751 = arith.cmpi eq, %parallel_loop3A_749, %parallel_loop3A_750 : i32
      %parallel_loop3A_752 = arith.constant 1 : i32
      %parallel_loop3A_753 = arith.select %parallel_loop3A_751, %parallel_loop3A_752, %parallel_loop3A_749 : i32
      %parallel_loop3A_754 = arith.remsi %parallel_loop3A_723, %parallel_loop3A_753 : i32
      %parallel_loop3A_755 = arith.constant 0 : i32
      %parallel_loop3A_756 = arith.cmpi ne, %parallel_loop3A_754, %parallel_loop3A_755 : i32
      %parallel_loop3A_757 = arith.constant 0 : i32
      %parallel_loop3A_758 = arith.cmpi slt, %parallel_loop3A_754, %parallel_loop3A_757 : i32
      %parallel_loop3A_759 = arith.constant 0 : i32
      %parallel_loop3A_760 = arith.cmpi slt, %parallel_loop3A_753, %parallel_loop3A_759 : i32
      %parallel_loop3A_761 = arith.xori %parallel_loop3A_758, %parallel_loop3A_760 : i1
      %parallel_loop3A_762 = arith.andi %parallel_loop3A_761, %parallel_loop3A_756 : i1
      %parallel_loop3A_763 = arith.addi %parallel_loop3A_754, %parallel_loop3A_753 : i32
      %parallel_loop3A_764 = arith.select %parallel_loop3A_762, %parallel_loop3A_763, %parallel_loop3A_754 : i32
      %parallel_loop3A_765 = vector.broadcast %parallel_loop3A_764 : i32 to vector<16xi32>
      %parallel_loop3A_766 = arith.constant 0 : i32
      %parallel_loop3A_767 = vector.broadcast %parallel_loop3A_766 : i32 to vector<16xi32>
      %parallel_loop3A_768 = arith.index_cast %parallel_loop3A_723 : i32 to index
      %parallel_loop3A_769 = arith.constant 0 : index
      %parallel_loop3A_770 = tpu.vector_load %arg8[%parallel_loop3A_768, %parallel_loop3A_769] {strides = array<i32>} : memref<512x32xf32, #tpu.memory_space<vmem>>, vector<16xf32>,
      tpu.vector_store_idx %arg10[%parallel_loop3A_767, %parallel_loop3A_748, %iota3A, %parallel_loop3A_765], %parallel_loop3A_770 : memref<2x4x16x129xf32, #tpu.memory_space<vmem>>[vector<16xi32>, vector<16xi32>, vector<16xi32>, vector<16xi32>], vector<16xf32>,
      %parallel_loop3A_771 = arith.constant 1 : i32
      %parallel_loop3A_772 = vector.broadcast %parallel_loop3A_771 : i32 to vector<16xi32>
      %parallel_loop3A_773 = arith.index_cast %parallel_loop3A_723 : i32 to index
      %parallel_loop3A_774 = arith.constant 16 : index
      %parallel_loop3A_775 = tpu.vector_load %arg8[%parallel_loop3A_773, %parallel_loop3A_774] {strides = array<i32>} : memref<512x32xf32, #tpu.memory_space<vmem>>, vector<16xf32>,
      tpu.vector_store_idx %arg10[%parallel_loop3A_772, %parallel_loop3A_748, %iota3A, %parallel_loop3A_765], %parallel_loop3A_775 : memref<2x4x16x129xf32, #tpu.memory_space<vmem>>[vector<16xi32>, vector<16xi32>, vector<16xi32>, vector<16xi32>], vector<16xf32>,
    } {sc.loop_unroll_factor = 8 : i64, sc.parallel_access}
    %add3A_113 = arith.constant 49152 : i32
    %add3A_114 = arith.addi %add3A_113, %mul3A_2 : i32
    "tpu.region"() ({
      %run_scoped3A = tpu.sem_alloc : memref<!tpu.dma_semaphore, #tpu.memory_space<semaphore_mem>>
      %dma_start3A_723 = tpu.memref_slice %arg2[%add3A_114] : memref<3276800xi32, #tpu.memory_space<hbm>> -> memref<512xi32, #tpu.memory_space<hbm>>
      %dma_start3A_724 = tpu.memref_slice %arg2[%add3A_114] : memref<3276800xi32, #tpu.memory_space<hbm>> -> memref<512xi32, #tpu.memory_space<hbm>>
      tpu.enqueue_dma source(%dma_start3A_724 : memref<512xi32, #tpu.memory_space<hbm>>) target(%arg6 : memref<512xi32, #tpu.memory_space<vmem>>) target_semaphore(%run_scoped3A : memref<!tpu.dma_semaphore, #tpu.memory_space<semaphore_mem>>)
      %dma_wait3A_725 = tpu.memref_slice %arg2[%add3A_114] : memref<3276800xi32, #tpu.memory_space<hbm>> -> memref<512xi32, #tpu.memory_space<hbm>>
      %dma_wait3A_726 = tpu.memref_slice %arg2[%add3A_114] : memref<3276800xi32, #tpu.memory_space<hbm>> -> memref<512xi32, #tpu.memory_space<hbm>>
      tpu.wait_dma2 semaphore(%run_scoped3A : memref<!tpu.dma_semaphore, #tpu.memory_space<semaphore_mem>>) src(%dma_wait3A_726 : memref<512xi32, #tpu.memory_space<hbm>>) dst(%arg6 : memref<512xi32, #tpu.memory_space<vmem>>)
      tpu.yield
    }) : () -> ()
    %dma_start3A_115 = arith.constant 0 : i32
    %dma_start3A_116 = arith.constant 0 : i32
    %dma_start3A_117 = tpu.memref_slice %arg3[%dma_start3A_115, %dma_start3A_116] : memref<1000000x32xf32, #tpu.memory_space<hbm>> -> memref<1000000x32xf32, #tpu.memory_space<hbm>>
    tpu.enqueue_indirect_dma source(%dma_start3A_117 : memref<1000000x32xf32, #tpu.memory_space<hbm>>) target(%arg8 : memref<512x32xf32, #tpu.memory_space<vmem>>) offsets(%arg6 : memref<512xi32, #tpu.memory_space<vmem>>) semaphore(%arg12 : memref<!tpu.dma_semaphore, #tpu.memory_space<semaphore_mem>>)
    %dma_start3A_118 = arith.constant 0 : i32
    %dma_start3A_119 = arith.constant 1 : i32
    %dma_start3A_120 = arith.constant 0 : i32
    %dma_start3A_121 = arith.constant 0 : i32
    %dma_start3A_122 = arith.constant 0 : i32
    %dma_start3A_123 = arith.constant 0 : i32
    %dma_start3A_124 = tpu.memref_slice %arg10[%dma_start3A_118, %dma_start3A_121, %dma_start3A_122, %dma_start3A_123] : memref<2x4x16x129xf32, #tpu.memory_space<vmem>> -> memref<1x4x8x128xf32, #tpu.memory_space<vmem>>
    %dma_start3A_125 = tpu.memref_squeeze %dma_start3A_124 : memref<1x4x8x128xf32, #tpu.memory_space<vmem>> -> memref<4x8x128xf32, #tpu.memory_space<vmem>>
    %dma_start3A_126 = arith.constant 0 : i32
    %dma_start3A_127 = arith.constant 0 : i32
    %dma_start3A_128 = tpu.memref_slice %arg4[%dma_start3A_119, %dma_start3A_120, %mul3A_4, %dma_start3A_126, %dma_start3A_127] : memref<200x4x128x8x128xf32, #tpu.memory_space<hbm>> -> memref<1x1x4x8x128xf32, #tpu.memory_space<hbm>>
    %dma_start3A_129 = tpu.memref_squeeze %dma_start3A_128 : memref<1x1x4x8x128xf32, #tpu.memory_space<hbm>> -> memref<4x8x128xf32, #tpu.memory_space<hbm>>
    %dma_start3A_130 = arith.constant 0 : i32
    %dma_start3A_131 = arith.constant 0 : i32
    %dma_start3A_132 = tpu.memref_slice %arg4[%dma_start3A_119, %dma_start3A_120, %mul3A_4, %dma_start3A_130, %dma_start3A_131] : memref<200x4x128x8x128xf32, #tpu.memory_space<hbm>> -> memref<1x1x4x8x128xf32, #tpu.memory_space<hbm>>
    %dma_start3A_133 = tpu.memref_squeeze %dma_start3A_132 : memref<1x1x4x8x128xf32, #tpu.memory_space<hbm>> -> memref<4x8x128xf32, #tpu.memory_space<hbm>>
    %dma_start3A_134 = arith.constant 0 : i32
    %dma_start3A_135 = arith.constant 0 : i32
    %dma_start3A_136 = arith.constant 0 : i32
    %dma_start3A_137 = tpu.memref_slice %arg10[%dma_start3A_118, %dma_start3A_134, %dma_start3A_135, %dma_start3A_136] : memref<2x4x16x129xf32, #tpu.memory_space<vmem>> -> memref<1x4x8x128xf32, #tpu.memory_space<vmem>>
    %dma_start3A_138 = tpu.memref_squeeze %dma_start3A_137 : memref<1x4x8x128xf32, #tpu.memory_space<vmem>> -> memref<4x8x128xf32, #tpu.memory_space<vmem>>
    tpu.enqueue_dma source(%dma_start3A_138 : memref<4x8x128xf32, #tpu.memory_space<vmem>>) target(%dma_start3A_133 : memref<4x8x128xf32, #tpu.memory_space<hbm>>) target_semaphore(%arg14 : memref<!tpu.dma_semaphore, #tpu.memory_space<semaphore_mem>>)
    %dma_start3A_139 = arith.constant 0 : i32
    %dma_start3A_140 = arith.constant 1 : i32
    %dma_start3A_141 = arith.constant 1 : i32
    %dma_start3A_142 = arith.constant 0 : i32
    %dma_start3A_143 = arith.constant 8 : i32
    %dma_start3A_144 = arith.constant 0 : i32
    %dma_start3A_145 = tpu.memref_slice %arg10[%dma_start3A_139, %dma_start3A_142, %dma_start3A_143, %dma_start3A_144] : memref<2x4x16x129xf32, #tpu.memory_space<vmem>> -> memref<1x4x8x128xf32, #tpu.memory_space<vmem>>
    %dma_start3A_146 = tpu.memref_squeeze %dma_start3A_145 : memref<1x4x8x128xf32, #tpu.memory_space<vmem>> -> memref<4x8x128xf32, #tpu.memory_space<vmem>>
    %dma_start3A_147 = arith.constant 0 : i32
    %dma_start3A_148 = arith.constant 0 : i32
    %dma_start3A_149 = tpu.memref_slice %arg4[%dma_start3A_140, %dma_start3A_141, %mul3A_4, %dma_start3A_147, %dma_start3A_148] : memref<200x4x128x8x128xf32, #tpu.memory_space<hbm>> -> memref<1x1x4x8x128xf32, #tpu.memory_space<hbm>>
    %dma_start3A_150 = tpu.memref_squeeze %dma_start3A_149 : memref<1x1x4x8x128xf32, #tpu.memory_space<hbm>> -> memref<4x8x128xf32, #tpu.memory_space<hbm>>
    %dma_start3A_151 = arith.constant 0 : i32
    %dma_start3A_152 = arith.constant 0 : i32
    %dma_start3A_153 = tpu.memref_slice %arg4[%dma_start3A_140, %dma_start3A_141, %mul3A_4, %dma_start3A_151, %dma_start3A_152] : memref<200x4x128x8x128xf32, #tpu.memory_space<hbm>> -> memref<1x1x4x8x128xf32, #tpu.memory_space<hbm>>
    %dma_start3A_154 = tpu.memref_squeeze %dma_start3A_153 : memref<1x1x4x8x128xf32, #tpu.memory_space<hbm>> -> memref<4x8x128xf32, #tpu.memory_space<hbm>>
    %dma_start3A_155 = arith.constant 0 : i32
    %dma_start3A_156 = arith.constant 8 : i32
    %dma_start3A_157 = arith.constant 0 : i32
    %dma_start3A_158 = tpu.memref_slice %arg10[%dma_start3A_139, %dma_start3A_155, %dma_start3A_156, %dma_start3A_157] : memref<2x4x16x129xf32, #tpu.memory_space<vmem>> -> memref<1x4x8x128xf32, #tpu.memory_space<vmem>>
    %dma_start3A_159 = tpu.memref_squeeze %dma_start3A_158 : memref<1x4x8x128xf32, #tpu.memory_space<vmem>> -> memref<4x8x128xf32, #tpu.memory_space<vmem>>
    tpu.enqueue_dma source(%dma_start3A_159 : memref<4x8x128xf32, #tpu.memory_space<vmem>>) target(%dma_start3A_154 : memref<4x8x128xf32, #tpu.memory_space<hbm>>) target_semaphore(%arg14 : memref<!tpu.dma_semaphore, #tpu.memory_space<semaphore_mem>>)
    %dma_start3A_160 = arith.constant 1 : i32
    %dma_start3A_161 = arith.constant 1 : i32
    %dma_start3A_162 = arith.constant 2 : i32
    %dma_start3A_163 = arith.constant 0 : i32
    %dma_start3A_164 = arith.constant 0 : i32
    %dma_start3A_165 = arith.constant 0 : i32
    %dma_start3A_166 = tpu.memref_slice %arg10[%dma_start3A_160, %dma_start3A_163, %dma_start3A_164, %dma_start3A_165] : memref<2x4x16x129xf32, #tpu.memory_space<vmem>> -> memref<1x4x8x128xf32, #tpu.memory_space<vmem>>
    %dma_start3A_167 = tpu.memref_squeeze %dma_start3A_166 : memref<1x4x8x128xf32, #tpu.memory_space<vmem>> -> memref<4x8x128xf32, #tpu.memory_space<vmem>>
    %dma_start3A_168 = arith.constant 0 : i32
    %dma_start3A_169 = arith.constant 0 : i32
    %dma_start3A_170 = tpu.memref_slice %arg4[%dma_start3A_161, %dma_start3A_162, %mul3A_4, %dma_start3A_168, %dma_start3A_169] : memref<200x4x128x8x128xf32, #tpu.memory_space<hbm>> -> memref<1x1x4x8x128xf32, #tpu.memory_space<hbm>>
    %dma_start3A_171 = tpu.memref_squeeze %dma_start3A_170 : memref<1x1x4x8x128xf32, #tpu.memory_space<hbm>> -> memref<4x8x128xf32, #tpu.memory_space<hbm>>
    %dma_start3A_172 = arith.constant 0 : i32
    %dma_start3A_173 = arith.constant 0 : i32
    %dma_start3A_174 = tpu.memref_slice %arg4[%dma_start3A_161, %dma_start3A_162, %mul3A_4, %dma_start3A_172, %dma_start3A_173] : memref<200x4x128x8x128xf32, #tpu.memory_space<hbm>> -> memref<1x1x4x8x128xf32, #tpu.memory_space<hbm>>
    %dma_start3A_175 = tpu.memref_squeeze %dma_start3A_174 : memref<1x1x4x8x128xf32, #tpu.memory_space<hbm>> -> memref<4x8x128xf32, #tpu.memory_space<hbm>>
    %dma_start3A_176 = arith.constant 0 : i32
    %dma_start3A_177 = arith.constant 0 : i32
    %dma_start3A_178 = arith.constant 0 : i32
    %dma_start3A_179 = tpu.memref_slice %arg10[%dma_start3A_160, %dma_start3A_176, %dma_start3A_177, %dma_start3A_178] : memref<2x4x16x129xf32, #tpu.memory_space<vmem>> -> memref<1x4x8x128xf32, #tpu.memory_space<vmem>>
    %dma_start3A_180 = tpu.memref_squeeze %dma_start3A_179 : memref<1x4x8x128xf32, #tpu.memory_space<vmem>> -> memref<4x8x128xf32, #tpu.memory_space<vmem>>
    tpu.enqueue_dma source(%dma_start3A_180 : memref<4x8x128xf32, #tpu.memory_space<vmem>>) target(%dma_start3A_175 : memref<4x8x128xf32, #tpu.memory_space<hbm>>) target_semaphore(%arg14 : memref<!tpu.dma_semaphore, #tpu.memory_space<semaphore_mem>>)
    %dma_start3A_181 = arith.constant 1 : i32
    %dma_start3A_182 = arith.constant 1 : i32
    %dma_start3A_183 = arith.constant 3 : i32
    %dma_start3A_184 = arith.constant 0 : i32
    %dma_start3A_185 = arith.constant 8 : i32
    %dma_start3A_186 = arith.constant 0 : i32
    %dma_start3A_187 = tpu.memref_slice %arg10[%dma_start3A_181, %dma_start3A_184, %dma_start3A_185, %dma_start3A_186] : memref<2x4x16x129xf32, #tpu.memory_space<vmem>> -> memref<1x4x8x128xf32, #tpu.memory_space<vmem>>
    %dma_start3A_188 = tpu.memref_squeeze %dma_start3A_187 : memref<1x4x8x128xf32, #tpu.memory_space<vmem>> -> memref<4x8x128xf32, #tpu.memory_space<vmem>>
    %dma_start3A_189 = arith.constant 0 : i32
    %dma_start3A_190 = arith.constant 0 : i32
    %dma_start3A_191 = tpu.memref_slice %arg4[%dma_start3A_182, %dma_start3A_183, %mul3A_4, %dma_start3A_189, %dma_start3A_190] : memref<200x4x128x8x128xf32, #tpu.memory_space<hbm>> -> memref<1x1x4x8x128xf32, #tpu.memory_space<hbm>>
    %dma_start3A_192 = tpu.memref_squeeze %dma_start3A_191 : memref<1x1x4x8x128xf32, #tpu.memory_space<hbm>> -> memref<4x8x128xf32, #tpu.memory_space<hbm>>
    %dma_start3A_193 = arith.constant 0 : i32
    %dma_start3A_194 = arith.constant 0 : i32
    %dma_start3A_195 = tpu.memref_slice %arg4[%dma_start3A_182, %dma_start3A_183, %mul3A_4, %dma_start3A_193, %dma_start3A_194] : memref<200x4x128x8x128xf32, #tpu.memory_space<hbm>> -> memref<1x1x4x8x128xf32, #tpu.memory_space<hbm>>
    %dma_start3A_196 = tpu.memref_squeeze %dma_start3A_195 : memref<1x1x4x8x128xf32, #tpu.memory_space<hbm>> -> memref<4x8x128xf32, #tpu.memory_space<hbm>>
    %dma_start3A_197 = arith.constant 0 : i32
    %dma_start3A_198 = arith.constant 8 : i32
    %dma_start3A_199 = arith.constant 0 : i32
    %dma_start3A_200 = tpu.memref_slice %arg10[%dma_start3A_181, %dma_start3A_197, %dma_start3A_198, %dma_start3A_199] : memref<2x4x16x129xf32, #tpu.memory_space<vmem>> -> memref<1x4x8x128xf32, #tpu.memory_space<vmem>>
    %dma_start3A_201 = tpu.memref_squeeze %dma_start3A_200 : memref<1x4x8x128xf32, #tpu.memory_space<vmem>> -> memref<4x8x128xf32, #tpu.memory_space<vmem>>
    tpu.enqueue_dma source(%dma_start3A_201 : memref<4x8x128xf32, #tpu.memory_space<vmem>>) target(%dma_start3A_196 : memref<4x8x128xf32, #tpu.memory_space<hbm>>) target_semaphore(%arg14 : memref<!tpu.dma_semaphore, #tpu.memory_space<semaphore_mem>>)
    %scan3A = arith.constant 0 : i32
    %scan3A_202 = arith.constant 1 : i32
    %scan3A_203 = arith.constant 98 : i32
    %scan3A_204 = arith.addi %scan3A_202, %scan3A_203 : i32
    %scan3A_205 = arith.constant 1 : i32
    scf.for %scan3A_723 = %scan3A_202 to %scan3A_204 step %scan3A_205  : i32 {
      %mul3A_724 = arith.constant 2 : i32
      %mul3A_725 = arith.muli %mul3A_724, %scan3A_723 : i32
      %add3A_726 = arith.constant 0 : i32
      %add3A_727 = arith.addi %mul3A_725, %add3A_726 : i32
      %dma_wait3A_728 = arith.constant 0 : i32
      %dma_wait3A_729 = arith.constant 0 : i32
      %dma_wait3A_730 = tpu.memref_slice %arg3[%dma_wait3A_728, %dma_wait3A_729] : memref<1000000x32xf32, #tpu.memory_space<hbm>> -> memref<1000000x32xf32, #tpu.memory_space<hbm>>
      tpu.wait_indirect_dma semaphore(%arg11 : memref<!tpu.dma_semaphore, #tpu.memory_space<semaphore_mem>>) src(%dma_wait3A_730 : memref<1000000x32xf32, #tpu.memory_space<hbm>>) dst(%arg7 : memref<512x32xf32, #tpu.memory_space<vmem>>)
      %sub3A = arith.constant 2 : i32
      %sub3A_731 = arith.subi %add3A_727, %sub3A : i32
      %dma_wait3A_732 = arith.constant 0 : i32
      %dma_wait3A_733 = arith.constant 0 : i32
      %dma_wait3A_734 = arith.constant 0 : i32
      %dma_wait3A_735 = arith.constant 0 : i32
      %dma_wait3A_736 = arith.constant 0 : i32
      %dma_wait3A_737 = tpu.memref_slice %arg9[%dma_wait3A_732, %dma_wait3A_734, %dma_wait3A_735, %dma_wait3A_736] : memref<2x4x16x129xf32, #tpu.memory_space<vmem>> -> memref<1x4x8x128xf32, #tpu.memory_space<vmem>>
      %dma_wait3A_738 = tpu.memref_squeeze %dma_wait3A_737 : memref<1x4x8x128xf32, #tpu.memory_space<vmem>> -> memref<4x8x128xf32, #tpu.memory_space<vmem>>
      %dma_wait3A_739 = arith.constant 0 : i32
      %dma_wait3A_740 = arith.constant 0 : i32
      %dma_wait3A_741 = tpu.memref_slice %arg4[%sub3A_731, %dma_wait3A_733, %mul3A_4, %dma_wait3A_739, %dma_wait3A_740] : memref<200x4x128x8x128xf32, #tpu.memory_space<hbm>> -> memref<1x1x4x8x128xf32, #tpu.memory_space<hbm>>
      %dma_wait3A_742 = tpu.memref_squeeze %dma_wait3A_741 : memref<1x1x4x8x128xf32, #tpu.memory_space<hbm>> -> memref<4x8x128xf32, #tpu.memory_space<hbm>>
      %dma_wait3A_743 = arith.constant 0 : i32
      %dma_wait3A_744 = arith.constant 0 : i32
      %dma_wait3A_745 = tpu.memref_slice %arg4[%sub3A_731, %dma_wait3A_733, %mul3A_4, %dma_wait3A_743, %dma_wait3A_744] : memref<200x4x128x8x128xf32, #tpu.memory_space<hbm>> -> memref<1x1x4x8x128xf32, #tpu.memory_space<hbm>>
      %dma_wait3A_746 = tpu.memref_squeeze %dma_wait3A_745 : memref<1x1x4x8x128xf32, #tpu.memory_space<hbm>> -> memref<4x8x128xf32, #tpu.memory_space<hbm>>
      %dma_wait3A_747 = arith.constant 0 : i32
      %dma_wait3A_748 = arith.constant 0 : i32
      %dma_wait3A_749 = arith.constant 0 : i32
      %dma_wait3A_750 = tpu.memref_slice %arg9[%dma_wait3A_732, %dma_wait3A_747, %dma_wait3A_748, %dma_wait3A_749] : memref<2x4x16x129xf32, #tpu.memory_space<vmem>> -> memref<1x4x8x128xf32, #tpu.memory_space<vmem>>
      %dma_wait3A_751 = tpu.memref_squeeze %dma_wait3A_750 : memref<1x4x8x128xf32, #tpu.memory_space<vmem>> -> memref<4x8x128xf32, #tpu.memory_space<vmem>>
      tpu.wait_dma2 semaphore(%arg13 : memref<!tpu.dma_semaphore, #tpu.memory_space<semaphore_mem>>) src(%dma_wait3A_751 : memref<4x8x128xf32, #tpu.memory_space<vmem>>) dst(%dma_wait3A_746 : memref<4x8x128xf32, #tpu.memory_space<hbm>>)
      %dma_wait3A_752 = arith.constant 0 : i32
      %dma_wait3A_753 = arith.constant 1 : i32
      %dma_wait3A_754 = arith.constant 0 : i32
      %dma_wait3A_755 = arith.constant 8 : i32
      %dma_wait3A_756 = arith.constant 0 : i32
      %dma_wait3A_757 = tpu.memref_slice %arg9[%dma_wait3A_752, %dma_wait3A_754, %dma_wait3A_755, %dma_wait3A_756] : memref<2x4x16x129xf32, #tpu.memory_space<vmem>> -> memref<1x4x8x128xf32, #tpu.memory_space<vmem>>
      %dma_wait3A_758 = tpu.memref_squeeze %dma_wait3A_757 : memref<1x4x8x128xf32, #tpu.memory_space<vmem>> -> memref<4x8x128xf32, #tpu.memory_space<vmem>>
      %dma_wait3A_759 = arith.constant 0 : i32
      %dma_wait3A_760 = arith.constant 0 : i32
      %dma_wait3A_761 = tpu.memref_slice %arg4[%sub3A_731, %dma_wait3A_753, %mul3A_4, %dma_wait3A_759, %dma_wait3A_760] : memref<200x4x128x8x128xf32, #tpu.memory_space<hbm>> -> memref<1x1x4x8x128xf32, #tpu.memory_space<hbm>>
      %dma_wait3A_762 = tpu.memref_squeeze %dma_wait3A_761 : memref<1x1x4x8x128xf32, #tpu.memory_space<hbm>> -> memref<4x8x128xf32, #tpu.memory_space<hbm>>
      %dma_wait3A_763 = arith.constant 0 : i32
      %dma_wait3A_764 = arith.constant 0 : i32
      %dma_wait3A_765 = tpu.memref_slice %arg4[%sub3A_731, %dma_wait3A_753, %mul3A_4, %dma_wait3A_763, %dma_wait3A_764] : memref<200x4x128x8x128xf32, #tpu.memory_space<hbm>> -> memref<1x1x4x8x128xf32, #tpu.memory_space<hbm>>
      %dma_wait3A_766 = tpu.memref_squeeze %dma_wait3A_765 : memref<1x1x4x8x128xf32, #tpu.memory_space<hbm>> -> memref<4x8x128xf32, #tpu.memory_space<hbm>>
      %dma_wait3A_767 = arith.constant 0 : i32
      %dma_wait3A_768 = arith.constant 8 : i32
      %dma_wait3A_769 = arith.constant 0 : i32
      %dma_wait3A_770 = tpu.memref_slice %arg9[%dma_wait3A_752, %dma_wait3A_767, %dma_wait3A_768, %dma_wait3A_769] : memref<2x4x16x129xf32, #tpu.memory_space<vmem>> -> memref<1x4x8x128xf32, #tpu.memory_space<vmem>>
      %dma_wait3A_771 = tpu.memref_squeeze %dma_wait3A_770 : memref<1x4x8x128xf32, #tpu.memory_space<vmem>> -> memref<4x8x128xf32, #tpu.memory_space<vmem>>
      tpu.wait_dma2 semaphore(%arg13 : memref<!tpu.dma_semaphore, #tpu.memory_space<semaphore_mem>>) src(%dma_wait3A_771 : memref<4x8x128xf32, #tpu.memory_space<vmem>>) dst(%dma_wait3A_766 : memref<4x8x128xf32, #tpu.memory_space<hbm>>)
      %dma_wait3A_772 = arith.constant 1 : i32
      %dma_wait3A_773 = arith.constant 2 : i32
      %dma_wait3A_774 = arith.constant 0 : i32
      %dma_wait3A_775 = arith.constant 0 : i32
      %dma_wait3A_776 = arith.constant 0 : i32
      %dma_wait3A_777 = tpu.memref_slice %arg9[%dma_wait3A_772, %dma_wait3A_774, %dma_wait3A_775, %dma_wait3A_776] : memref<2x4x16x129xf32, #tpu.memory_space<vmem>> -> memref<1x4x8x128xf32, #tpu.memory_space<vmem>>
      %dma_wait3A_778 = tpu.memref_squeeze %dma_wait3A_777 : memref<1x4x8x128xf32, #tpu.memory_space<vmem>> -> memref<4x8x128xf32, #tpu.memory_space<vmem>>
      %dma_wait3A_779 = arith.constant 0 : i32
      %dma_wait3A_780 = arith.constant 0 : i32
      %dma_wait3A_781 = tpu.memref_slice %arg4[%sub3A_731, %dma_wait3A_773, %mul3A_4, %dma_wait3A_779, %dma_wait3A_780] : memref<200x4x128x8x128xf32, #tpu.memory_space<hbm>> -> memref<1x1x4x8x128xf32, #tpu.memory_space<hbm>>
      %dma_wait3A_782 = tpu.memref_squeeze %dma_wait3A_781 : memref<1x1x4x8x128xf32, #tpu.memory_space<hbm>> -> memref<4x8x128xf32, #tpu.memory_space<hbm>>
      %dma_wait3A_783 = arith.constant 0 : i32
      %dma_wait3A_784 = arith.constant 0 : i32
      %dma_wait3A_785 = tpu.memref_slice %arg4[%sub3A_731, %dma_wait3A_773, %mul3A_4, %dma_wait3A_783, %dma_wait3A_784] : memref<200x4x128x8x128xf32, #tpu.memory_space<hbm>> -> memref<1x1x4x8x128xf32, #tpu.memory_space<hbm>>
      %dma_wait3A_786 = tpu.memref_squeeze %dma_wait3A_785 : memref<1x1x4x8x128xf32, #tpu.memory_space<hbm>> -> memref<4x8x128xf32, #tpu.memory_space<hbm>>
      %dma_wait3A_787 = arith.constant 0 : i32
      %dma_wait3A_788 = arith.constant 0 : i32
      %dma_wait3A_789 = arith.constant 0 : i32
      %dma_wait3A_790 = tpu.memref_slice %arg9[%dma_wait3A_772, %dma_wait3A_787, %dma_wait3A_788, %dma_wait3A_789] : memref<2x4x16x129xf32, #tpu.memory_space<vmem>> -> memref<1x4x8x128xf32, #tpu.memory_space<vmem>>
      %dma_wait3A_791 = tpu.memref_squeeze %dma_wait3A_790 : memref<1x4x8x128xf32, #tpu.memory_space<vmem>> -> memref<4x8x128xf32, #tpu.memory_space<vmem>>
      tpu.wait_dma2 semaphore(%arg13 : memref<!tpu.dma_semaphore, #tpu.memory_space<semaphore_mem>>) src(%dma_wait3A_791 : memref<4x8x128xf32, #tpu.memory_space<vmem>>) dst(%dma_wait3A_786 : memref<4x8x128xf32, #tpu.memory_space<hbm>>)
      %dma_wait3A_792 = arith.constant 1 : i32
      %dma_wait3A_793 = arith.constant 3 : i32
      %dma_wait3A_794 = arith.constant 0 : i32
      %dma_wait3A_795 = arith.constant 8 : i32
      %dma_wait3A_796 = arith.constant 0 : i32
      %dma_wait3A_797 = tpu.memref_slice %arg9[%dma_wait3A_792, %dma_wait3A_794, %dma_wait3A_795, %dma_wait3A_796] : memref<2x4x16x129xf32, #tpu.memory_space<vmem>> -> memref<1x4x8x128xf32, #tpu.memory_space<vmem>>
      %dma_wait3A_798 = tpu.memref_squeeze %dma_wait3A_797 : memref<1x4x8x128xf32, #tpu.memory_space<vmem>> -> memref<4x8x128xf32, #tpu.memory_space<vmem>>
      %dma_wait3A_799 = arith.constant 0 : i32
      %dma_wait3A_800 = arith.constant 0 : i32
      %dma_wait3A_801 = tpu.memref_slice %arg4[%sub3A_731, %dma_wait3A_793, %mul3A_4, %dma_wait3A_799, %dma_wait3A_800] : memref<200x4x128x8x128xf32, #tpu.memory_space<hbm>> -> memref<1x1x4x8x128xf32, #tpu.memory_space<hbm>>
      %dma_wait3A_802 = tpu.memref_squeeze %dma_wait3A_801 : memref<1x1x4x8x128xf32, #tpu.memory_space<hbm>> -> memref<4x8x128xf32, #tpu.memory_space<hbm>>
      %dma_wait3A_803 = arith.constant 0 : i32
      %dma_wait3A_804 = arith.constant 0 : i32
      %dma_wait3A_805 = tpu.memref_slice %arg4[%sub3A_731, %dma_wait3A_793, %mul3A_4, %dma_wait3A_803, %dma_wait3A_804] : memref<200x4x128x8x128xf32, #tpu.memory_space<hbm>> -> memref<1x1x4x8x128xf32, #tpu.memory_space<hbm>>
      %dma_wait3A_806 = tpu.memref_squeeze %dma_wait3A_805 : memref<1x1x4x8x128xf32, #tpu.memory_space<hbm>> -> memref<4x8x128xf32, #tpu.memory_space<hbm>>
      %dma_wait3A_807 = arith.constant 0 : i32
      %dma_wait3A_808 = arith.constant 8 : i32
      %dma_wait3A_809 = arith.constant 0 : i32
      %dma_wait3A_810 = tpu.memref_slice %arg9[%dma_wait3A_792, %dma_wait3A_807, %dma_wait3A_808, %dma_wait3A_809] : memref<2x4x16x129xf32, #tpu.memory_space<vmem>> -> memref<1x4x8x128xf32, #tpu.memory_space<vmem>>
      %dma_wait3A_811 = tpu.memref_squeeze %dma_wait3A_810 : memref<1x4x8x128xf32, #tpu.memory_space<vmem>> -> memref<4x8x128xf32, #tpu.memory_space<vmem>>
      tpu.wait_dma2 semaphore(%arg13 : memref<!tpu.dma_semaphore, #tpu.memory_space<semaphore_mem>>) src(%dma_wait3A_811 : memref<4x8x128xf32, #tpu.memory_space<vmem>>) dst(%dma_wait3A_806 : memref<4x8x128xf32, #tpu.memory_space<hbm>>)
      %parallel_loop3A_812 = arith.constant 0 : i32
      %parallel_loop3A_813 = arith.constant 512 : i32
      %parallel_loop3A_814 = arith.constant 1 : i32
      scf.for %parallel_loop3A_1083 = %parallel_loop3A_812 to %parallel_loop3A_813 step %parallel_loop3A_814  : i32 {
        %parallel_loop3A_1084 = arith.constant 128 : i32
        %parallel_loop3A_1085 = arith.divsi %parallel_loop3A_1083, %parallel_loop3A_1084 : i32
        %parallel_loop3A_1086 = arith.constant 0 : i32
        %parallel_loop3A_1087 = arith.cmpi sgt, %parallel_loop3A_1083, %parallel_loop3A_1086 : i32
        %parallel_loop3A_1088 = arith.extui %parallel_loop3A_1087 : i1 to i32
        %parallel_loop3A_1089 = arith.constant 0 : i32
        %parallel_loop3A_1090 = arith.cmpi slt, %parallel_loop3A_1083, %parallel_loop3A_1089 : i32
        %parallel_loop3A_1091 = arith.extui %parallel_loop3A_1090 : i1 to i32
        %parallel_loop3A_1092 = arith.subi %parallel_loop3A_1088, %parallel_loop3A_1091 : i32
        %parallel_loop3A_1093 = arith.constant 0 : i32
        %parallel_loop3A_1094 = arith.cmpi sgt, %parallel_loop3A_1084, %parallel_loop3A_1093 : i32
        %parallel_loop3A_1095 = arith.extui %parallel_loop3A_1094 : i1 to i32
        %parallel_loop3A_1096 = arith.constant 0 : i32
        %parallel_loop3A_1097 = arith.cmpi slt, %parallel_loop3A_1084, %parallel_loop3A_1096 : i32
        %parallel_loop3A_1098 = arith.extui %parallel_loop3A_1097 : i1 to i32
        %parallel_loop3A_1099 = arith.subi %parallel_loop3A_1095, %parallel_loop3A_1098 : i32
        %parallel_loop3A_1100 = arith.cmpi ne, %parallel_loop3A_1092, %parallel_loop3A_1099 : i32
        %parallel_loop3A_1101 = arith.remsi %parallel_loop3A_1083, %parallel_loop3A_1084 : i32
        %parallel_loop3A_1102 = arith.constant 0 : i32
        %parallel_loop3A_1103 = arith.cmpi ne, %parallel_loop3A_1101, %parallel_loop3A_1102 : i32
        %parallel_loop3A_1104 = arith.andi %parallel_loop3A_1100, %parallel_loop3A_1103 : i1
        %parallel_loop3A_1105 = arith.constant 1 : i32
        %parallel_loop3A_1106 = arith.subi %parallel_loop3A_1085, %parallel_loop3A_1105 : i32
        %parallel_loop3A_1107 = arith.select %parallel_loop3A_1104, %parallel_loop3A_1106, %parallel_loop3A_1085 : i32
        %parallel_loop3A_1108 = vector.broadcast %parallel_loop3A_1107 : i32 to vector<16xi32>
        %parallel_loop3A_1109 = arith.constant 128 : i32
        %parallel_loop3A_1110 = arith.constant 0 : i32
        %parallel_loop3A_1111 = arith.cmpi eq, %parallel_loop3A_1109, %parallel_loop3A_1110 : i32
        %parallel_loop3A_1112 = arith.constant 1 : i32
        %parallel_loop3A_1113 = arith.select %parallel_loop3A_1111, %parallel_loop3A_1112, %parallel_loop3A_1109 : i32
        %parallel_loop3A_1114 = arith.remsi %parallel_loop3A_1083, %parallel_loop3A_1113 : i32
        %parallel_loop3A_1115 = arith.constant 0 : i32
        %parallel_loop3A_1116 = arith.cmpi ne, %parallel_loop3A_1114, %parallel_loop3A_1115 : i32
        %parallel_loop3A_1117 = arith.constant 0 : i32
        %parallel_loop3A_1118 = arith.cmpi slt, %parallel_loop3A_1114, %parallel_loop3A_1117 : i32
        %parallel_loop3A_1119 = arith.constant 0 : i32
        %parallel_loop3A_1120 = arith.cmpi slt, %parallel_loop3A_1113, %parallel_loop3A_1119 : i32
        %parallel_loop3A_1121 = arith.xori %parallel_loop3A_1118, %parallel_loop3A_1120 : i1
        %parallel_loop3A_1122 = arith.andi %parallel_loop3A_1121, %parallel_loop3A_1116 : i1
        %parallel_loop3A_1123 = arith.addi %parallel_loop3A_1114, %parallel_loop3A_1113 : i32
        %parallel_loop3A_1124 = arith.select %parallel_loop3A_1122, %parallel_loop3A_1123, %parallel_loop3A_1114 : i32
        %parallel_loop3A_1125 = vector.broadcast %parallel_loop3A_1124 : i32 to vector<16xi32>
        %parallel_loop3A_1126 = arith.constant 0 : i32
        %parallel_loop3A_1127 = vector.broadcast %parallel_loop3A_1126 : i32 to vector<16xi32>
        %parallel_loop3A_1128 = arith.index_cast %parallel_loop3A_1083 : i32 to index
        %parallel_loop3A_1129 = arith.constant 0 : index
        %parallel_loop3A_1130 = tpu.vector_load %arg7[%parallel_loop3A_1128, %parallel_loop3A_1129] {strides = array<i32>} : memref<512x32xf32, #tpu.memory_space<vmem>>, vector<16xf32>,
        tpu.vector_store_idx %arg9[%parallel_loop3A_1127, %parallel_loop3A_1108, %iota3A, %parallel_loop3A_1125], %parallel_loop3A_1130 : memref<2x4x16x129xf32, #tpu.memory_space<vmem>>[vector<16xi32>, vector<16xi32>, vector<16xi32>, vector<16xi32>], vector<16xf32>,
        %parallel_loop3A_1131 = arith.constant 1 : i32
        %parallel_loop3A_1132 = vector.broadcast %parallel_loop3A_1131 : i32 to vector<16xi32>
        %parallel_loop3A_1133 = arith.index_cast %parallel_loop3A_1083 : i32 to index
        %parallel_loop3A_1134 = arith.constant 16 : index
        %parallel_loop3A_1135 = tpu.vector_load %arg7[%parallel_loop3A_1133, %parallel_loop3A_1134] {strides = array<i32>} : memref<512x32xf32, #tpu.memory_space<vmem>>, vector<16xf32>,
        tpu.vector_store_idx %arg9[%parallel_loop3A_1132, %parallel_loop3A_1108, %iota3A, %parallel_loop3A_1125], %parallel_loop3A_1135 : memref<2x4x16x129xf32, #tpu.memory_space<vmem>>[vector<16xi32>, vector<16xi32>, vector<16xi32>, vector<16xi32>], vector<16xf32>,
      } {sc.loop_unroll_factor = 8 : i64, sc.parallel_access}
      %add3A_815 = arith.constant 2 : i32
      %add3A_816 = arith.addi %add3A_727, %add3A_815 : i32
      %mul3A_817 = arith.constant 16384 : i32
      %mul3A_818 = arith.muli %add3A_816, %mul3A_817 : i32
      %add3A_819 = arith.addi %mul3A_818, %mul3A_2 : i32
      "tpu.region"() ({
        %run_scoped3A = tpu.sem_alloc : memref<!tpu.dma_semaphore, #tpu.memory_space<semaphore_mem>>
        %dma_start3A_1083 = tpu.memref_slice %arg2[%add3A_819] : memref<3276800xi32, #tpu.memory_space<hbm>> -> memref<512xi32, #tpu.memory_space<hbm>>
        %dma_start3A_1084 = tpu.memref_slice %arg2[%add3A_819] : memref<3276800xi32, #tpu.memory_space<hbm>> -> memref<512xi32, #tpu.memory_space<hbm>>
        tpu.enqueue_dma source(%dma_start3A_1084 : memref<512xi32, #tpu.memory_space<hbm>>) target(%arg5 : memref<512xi32, #tpu.memory_space<vmem>>) target_semaphore(%run_scoped3A : memref<!tpu.dma_semaphore, #tpu.memory_space<semaphore_mem>>)
        %dma_wait3A_1085 = tpu.memref_slice %arg2[%add3A_819] : memref<3276800xi32, #tpu.memory_space<hbm>> -> memref<512xi32, #tpu.memory_space<hbm>>
        %dma_wait3A_1086 = tpu.memref_slice %arg2[%add3A_819] : memref<3276800xi32, #tpu.memory_space<hbm>> -> memref<512xi32, #tpu.memory_space<hbm>>
        tpu.wait_dma2 semaphore(%run_scoped3A : memref<!tpu.dma_semaphore, #tpu.memory_space<semaphore_mem>>) src(%dma_wait3A_1086 : memref<512xi32, #tpu.memory_space<hbm>>) dst(%arg5 : memref<512xi32, #tpu.memory_space<vmem>>)
        tpu.yield
      }) : () -> ()
      %dma_start3A_820 = arith.constant 0 : i32
      %dma_start3A_821 = arith.constant 0 : i32
      %dma_start3A_822 = tpu.memref_slice %arg3[%dma_start3A_820, %dma_start3A_821] : memref<1000000x32xf32, #tpu.memory_space<hbm>> -> memref<1000000x32xf32, #tpu.memory_space<hbm>>
      tpu.enqueue_indirect_dma source(%dma_start3A_822 : memref<1000000x32xf32, #tpu.memory_space<hbm>>) target(%arg7 : memref<512x32xf32, #tpu.memory_space<vmem>>) offsets(%arg5 : memref<512xi32, #tpu.memory_space<vmem>>) semaphore(%arg11 : memref<!tpu.dma_semaphore, #tpu.memory_space<semaphore_mem>>)
      %dma_start3A_823 = arith.constant 0 : i32
      %dma_start3A_824 = arith.constant 0 : i32
      %dma_start3A_825 = arith.constant 0 : i32
      %dma_start3A_826 = arith.constant 0 : i32
      %dma_start3A_827 = arith.constant 0 : i32
      %dma_start3A_828 = tpu.memref_slice %arg9[%dma_start3A_823, %dma_start3A_825, %dma_start3A_826, %dma_start3A_827] : memref<2x4x16x129xf32, #tpu.memory_space<vmem>> -> memref<1x4x8x128xf32, #tpu.memory_space<vmem>>
      %dma_start3A_829 = tpu.memref_squeeze %dma_start3A_828 : memref<1x4x8x128xf32, #tpu.memory_space<vmem>> -> memref<4x8x128xf32, #tpu.memory_space<vmem>>
      %dma_start3A_830 = arith.constant 0 : i32
      %dma_start3A_831 = arith.constant 0 : i32
      %dma_start3A_832 = tpu.memref_slice %arg4[%add3A_727, %dma_start3A_824, %mul3A_4, %dma_start3A_830, %dma_start3A_831] : memref<200x4x128x8x128xf32, #tpu.memory_space<hbm>> -> memref<1x1x4x8x128xf32, #tpu.memory_space<hbm>>
      %dma_start3A_833 = tpu.memref_squeeze %dma_start3A_832 : memref<1x1x4x8x128xf32, #tpu.memory_space<hbm>> -> memref<4x8x128xf32, #tpu.memory_space<hbm>>
      %dma_start3A_834 = arith.constant 0 : i32
      %dma_start3A_835 = arith.constant 0 : i32
      %dma_start3A_836 = tpu.memref_slice %arg4[%add3A_727, %dma_start3A_824, %mul3A_4, %dma_start3A_834, %dma_start3A_835] : memref<200x4x128x8x128xf32, #tpu.memory_space<hbm>> -> memref<1x1x4x8x128xf32, #tpu.memory_space<hbm>>
      %dma_start3A_837 = tpu.memref_squeeze %dma_start3A_836 : memref<1x1x4x8x128xf32, #tpu.memory_space<hbm>> -> memref<4x8x128xf32, #tpu.memory_space<hbm>>
      %dma_start3A_838 = arith.constant 0 : i32
      %dma_start3A_839 = arith.constant 0 : i32
      %dma_start3A_840 = arith.constant 0 : i32
      %dma_start3A_841 = tpu.memref_slice %arg9[%dma_start3A_823, %dma_start3A_838, %dma_start3A_839, %dma_start3A_840] : memref<2x4x16x129xf32, #tpu.memory_space<vmem>> -> memref<1x4x8x128xf32, #tpu.memory_space<vmem>>
      %dma_start3A_842 = tpu.memref_squeeze %dma_start3A_841 : memref<1x4x8x128xf32, #tpu.memory_space<vmem>> -> memref<4x8x128xf32, #tpu.memory_space<vmem>>
      tpu.enqueue_dma source(%dma_start3A_842 : memref<4x8x128xf32, #tpu.memory_space<vmem>>) target(%dma_start3A_837 : memref<4x8x128xf32, #tpu.memory_space<hbm>>) target_semaphore(%arg13 : memref<!tpu.dma_semaphore, #tpu.memory_space<semaphore_mem>>)
      %dma_start3A_843 = arith.constant 0 : i32
      %dma_start3A_844 = arith.constant 1 : i32
      %dma_start3A_845 = arith.constant 0 : i32
      %dma_start3A_846 = arith.constant 8 : i32
      %dma_start3A_847 = arith.constant 0 : i32
      %dma_start3A_848 = tpu.memref_slice %arg9[%dma_start3A_843, %dma_start3A_845, %dma_start3A_846, %dma_start3A_847] : memref<2x4x16x129xf32, #tpu.memory_space<vmem>> -> memref<1x4x8x128xf32, #tpu.memory_space<vmem>>
      %dma_start3A_849 = tpu.memref_squeeze %dma_start3A_848 : memref<1x4x8x128xf32, #tpu.memory_space<vmem>> -> memref<4x8x128xf32, #tpu.memory_space<vmem>>
      %dma_start3A_850 = arith.constant 0 : i32
      %dma_start3A_851 = arith.constant 0 : i32
      %dma_start3A_852 = tpu.memref_slice %arg4[%add3A_727, %dma_start3A_844, %mul3A_4, %dma_start3A_850, %dma_start3A_851] : memref<200x4x128x8x128xf32, #tpu.memory_space<hbm>> -> memref<1x1x4x8x128xf32, #tpu.memory_space<hbm>>
      %dma_start3A_853 = tpu.memref_squeeze %dma_start3A_852 : memref<1x1x4x8x128xf32, #tpu.memory_space<hbm>> -> memref<4x8x128xf32, #tpu.memory_space<hbm>>
      %dma_start3A_854 = arith.constant 0 : i32
      %dma_start3A_855 = arith.constant 0 : i32
      %dma_start3A_856 = tpu.memref_slice %arg4[%add3A_727, %dma_start3A_844, %mul3A_4, %dma_start3A_854, %dma_start3A_855] : memref<200x4x128x8x128xf32, #tpu.memory_space<hbm>> -> memref<1x1x4x8x128xf32, #tpu.memory_space<hbm>>
      %dma_start3A_857 = tpu.memref_squeeze %dma_start3A_856 : memref<1x1x4x8x128xf32, #tpu.memory_space<hbm>> -> memref<4x8x128xf32, #tpu.memory_space<hbm>>
      %dma_start3A_858 = arith.constant 0 : i32
      %dma_start3A_859 = arith.constant 8 : i32
      %dma_start3A_860 = arith.constant 0 : i32
      %dma_start3A_861 = tpu.memref_slice %arg9[%dma_start3A_843, %dma_start3A_858, %dma_start3A_859, %dma_start3A_860] : memref<2x4x16x129xf32, #tpu.memory_space<vmem>> -> memref<1x4x8x128xf32, #tpu.memory_space<vmem>>
      %dma_start3A_862 = tpu.memref_squeeze %dma_start3A_861 : memref<1x4x8x128xf32, #tpu.memory_space<vmem>> -> memref<4x8x128xf32, #tpu.memory_space<vmem>>
      tpu.enqueue_dma source(%dma_start3A_862 : memref<4x8x128xf32, #tpu.memory_space<vmem>>) target(%dma_start3A_857 : memref<4x8x128xf32, #tpu.memory_space<hbm>>) target_semaphore(%arg13 : memref<!tpu.dma_semaphore, #tpu.memory_space<semaphore_mem>>)
      %dma_start3A_863 = arith.constant 1 : i32
      %dma_start3A_864 = arith.constant 2 : i32
      %dma_start3A_865 = arith.constant 0 : i32
      %dma_start3A_866 = arith.constant 0 : i32
      %dma_start3A_867 = arith.constant 0 : i32
      %dma_start3A_868 = tpu.memref_slice %arg9[%dma_start3A_863, %dma_start3A_865, %dma_start3A_866, %dma_start3A_867] : memref<2x4x16x129xf32, #tpu.memory_space<vmem>> -> memref<1x4x8x128xf32, #tpu.memory_space<vmem>>
      %dma_start3A_869 = tpu.memref_squeeze %dma_start3A_868 : memref<1x4x8x128xf32, #tpu.memory_space<vmem>> -> memref<4x8x128xf32, #tpu.memory_space<vmem>>
      %dma_start3A_870 = arith.constant 0 : i32
      %dma_start3A_871 = arith.constant 0 : i32
      %dma_start3A_872 = tpu.memref_slice %arg4[%add3A_727, %dma_start3A_864, %mul3A_4, %dma_start3A_870, %dma_start3A_871] : memref<200x4x128x8x128xf32, #tpu.memory_space<hbm>> -> memref<1x1x4x8x128xf32, #tpu.memory_space<hbm>>
      %dma_start3A_873 = tpu.memref_squeeze %dma_start3A_872 : memref<1x1x4x8x128xf32, #tpu.memory_space<hbm>> -> memref<4x8x128xf32, #tpu.memory_space<hbm>>
      %dma_start3A_874 = arith.constant 0 : i32
      %dma_start3A_875 = arith.constant 0 : i32
      %dma_start3A_876 = tpu.memref_slice %arg4[%add3A_727, %dma_start3A_864, %mul3A_4, %dma_start3A_874, %dma_start3A_875] : memref<200x4x128x8x128xf32, #tpu.memory_space<hbm>> -> memref<1x1x4x8x128xf32, #tpu.memory_space<hbm>>
      %dma_start3A_877 = tpu.memref_squeeze %dma_start3A_876 : memref<1x1x4x8x128xf32, #tpu.memory_space<hbm>> -> memref<4x8x128xf32, #tpu.memory_space<hbm>>
      %dma_start3A_878 = arith.constant 0 : i32
      %dma_start3A_879 = arith.constant 0 : i32
      %dma_start3A_880 = arith.constant 0 : i32
      %dma_start3A_881 = tpu.memref_slice %arg9[%dma_start3A_863, %dma_start3A_878, %dma_start3A_879, %dma_start3A_880] : memref<2x4x16x129xf32, #tpu.memory_space<vmem>> -> memref<1x4x8x128xf32, #tpu.memory_space<vmem>>
      %dma_start3A_882 = tpu.memref_squeeze %dma_start3A_881 : memref<1x4x8x128xf32, #tpu.memory_space<vmem>> -> memref<4x8x128xf32, #tpu.memory_space<vmem>>
      tpu.enqueue_dma source(%dma_start3A_882 : memref<4x8x128xf32, #tpu.memory_space<vmem>>) target(%dma_start3A_877 : memref<4x8x128xf32, #tpu.memory_space<hbm>>) target_semaphore(%arg13 : memref<!tpu.dma_semaphore, #tpu.memory_space<semaphore_mem>>)
      %dma_start3A_883 = arith.constant 1 : i32
      %dma_start3A_884 = arith.constant 3 : i32
      %dma_start3A_885 = arith.constant 0 : i32
      %dma_start3A_886 = arith.constant 8 : i32
      %dma_start3A_887 = arith.constant 0 : i32
      %dma_start3A_888 = tpu.memref_slice %arg9[%dma_start3A_883, %dma_start3A_885, %dma_start3A_886, %dma_start3A_887] : memref<2x4x16x129xf32, #tpu.memory_space<vmem>> -> memref<1x4x8x128xf32, #tpu.memory_space<vmem>>
      %dma_start3A_889 = tpu.memref_squeeze %dma_start3A_888 : memref<1x4x8x128xf32, #tpu.memory_space<vmem>> -> memref<4x8x128xf32, #tpu.memory_space<vmem>>
      %dma_start3A_890 = arith.constant 0 : i32
      %dma_start3A_891 = arith.constant 0 : i32
      %dma_start3A_892 = tpu.memref_slice %arg4[%add3A_727, %dma_start3A_884, %mul3A_4, %dma_start3A_890, %dma_start3A_891] : memref<200x4x128x8x128xf32, #tpu.memory_space<hbm>> -> memref<1x1x4x8x128xf32, #tpu.memory_space<hbm>>
      %dma_start3A_893 = tpu.memref_squeeze %dma_start3A_892 : memref<1x1x4x8x128xf32, #tpu.memory_space<hbm>> -> memref<4x8x128xf32, #tpu.memory_space<hbm>>
      %dma_start3A_894 = arith.constant 0 : i32
      %dma_start3A_895 = arith.constant 0 : i32
      %dma_start3A_896 = tpu.memref_slice %arg4[%add3A_727, %dma_start3A_884, %mul3A_4, %dma_start3A_894, %dma_start3A_895] : memref<200x4x128x8x128xf32, #tpu.memory_space<hbm>> -> memref<1x1x4x8x128xf32, #tpu.memory_space<hbm>>
      %dma_start3A_897 = tpu.memref_squeeze %dma_start3A_896 : memref<1x1x4x8x128xf32, #tpu.memory_space<hbm>> -> memref<4x8x128xf32, #tpu.memory_space<hbm>>
      %dma_start3A_898 = arith.constant 0 : i32
      %dma_start3A_899 = arith.constant 8 : i32
      %dma_start3A_900 = arith.constant 0 : i32
      %dma_start3A_901 = tpu.memref_slice %arg9[%dma_start3A_883, %dma_start3A_898, %dma_start3A_899, %dma_start3A_900] : memref<2x4x16x129xf32, #tpu.memory_space<vmem>> -> memref<1x4x8x128xf32, #tpu.memory_space<vmem>>
      %dma_start3A_902 = tpu.memref_squeeze %dma_start3A_901 : memref<1x4x8x128xf32, #tpu.memory_space<vmem>> -> memref<4x8x128xf32, #tpu.memory_space<vmem>>
      tpu.enqueue_dma source(%dma_start3A_902 : memref<4x8x128xf32, #tpu.memory_space<vmem>>) target(%dma_start3A_897 : memref<4x8x128xf32, #tpu.memory_space<hbm>>) target_semaphore(%arg13 : memref<!tpu.dma_semaphore, #tpu.memory_space<semaphore_mem>>)
      %mul3A_903 = arith.constant 2 : i32
      %mul3A_904 = arith.muli %mul3A_903, %scan3A_723 : i32
      %add3A_905 = arith.constant 1 : i32
      %add3A_906 = arith.addi %mul3A_904, %add3A_905 : i32
      %dma_wait3A_907 = arith.constant 0 : i32
      %dma_wait3A_908 = arith.constant 0 : i32
      %dma_wait3A_909 = tpu.memref_slice %arg3[%dma_wait3A_907, %dma_wait3A_908] : memref<1000000x32xf32, #tpu.memory_space<hbm>> -> memref<1000000x32xf32, #tpu.memory_space<hbm>>
      tpu.wait_indirect_dma semaphore(%arg12 : memref<!tpu.dma_semaphore, #tpu.memory_space<semaphore_mem>>) src(%dma_wait3A_909 : memref<1000000x32xf32, #tpu.memory_space<hbm>>) dst(%arg8 : memref<512x32xf32, #tpu.memory_space<vmem>>)
      %sub3A_910 = arith.constant 2 : i32
      %sub3A_911 = arith.subi %add3A_906, %sub3A_910 : i32
      %dma_wait3A_912 = arith.constant 0 : i32
      %dma_wait3A_913 = arith.constant 0 : i32
      %dma_wait3A_914 = arith.constant 0 : i32
      %dma_wait3A_915 = arith.constant 0 : i32
      %dma_wait3A_916 = arith.constant 0 : i32
      %dma_wait3A_917 = tpu.memref_slice %arg10[%dma_wait3A_912, %dma_wait3A_914, %dma_wait3A_915, %dma_wait3A_916] : memref<2x4x16x129xf32, #tpu.memory_space<vmem>> -> memref<1x4x8x128xf32, #tpu.memory_space<vmem>>
      %dma_wait3A_918 = tpu.memref_squeeze %dma_wait3A_917 : memref<1x4x8x128xf32, #tpu.memory_space<vmem>> -> memref<4x8x128xf32, #tpu.memory_space<vmem>>
      %dma_wait3A_919 = arith.constant 0 : i32
      %dma_wait3A_920 = arith.constant 0 : i32
      %dma_wait3A_921 = tpu.memref_slice %arg4[%sub3A_911, %dma_wait3A_913, %mul3A_4, %dma_wait3A_919, %dma_wait3A_920] : memref<200x4x128x8x128xf32, #tpu.memory_space<hbm>> -> memref<1x1x4x8x128xf32, #tpu.memory_space<hbm>>
      %dma_wait3A_922 = tpu.memref_squeeze %dma_wait3A_921 : memref<1x1x4x8x128xf32, #tpu.memory_space<hbm>> -> memref<4x8x128xf32, #tpu.memory_space<hbm>>
      %dma_wait3A_923 = arith.constant 0 : i32
      %dma_wait3A_924 = arith.constant 0 : i32
      %dma_wait3A_925 = tpu.memref_slice %arg4[%sub3A_911, %dma_wait3A_913, %mul3A_4, %dma_wait3A_923, %dma_wait3A_924] : memref<200x4x128x8x128xf32, #tpu.memory_space<hbm>> -> memref<1x1x4x8x128xf32, #tpu.memory_space<hbm>>
      %dma_wait3A_926 = tpu.memref_squeeze %dma_wait3A_925 : memref<1x1x4x8x128xf32, #tpu.memory_space<hbm>> -> memref<4x8x128xf32, #tpu.memory_space<hbm>>
      %dma_wait3A_927 = arith.constant 0 : i32
      %dma_wait3A_928 = arith.constant 0 : i32
      %dma_wait3A_929 = arith.constant 0 : i32
      %dma_wait3A_930 = tpu.memref_slice %arg10[%dma_wait3A_912, %dma_wait3A_927, %dma_wait3A_928, %dma_wait3A_929] : memref<2x4x16x129xf32, #tpu.memory_space<vmem>> -> memref<1x4x8x128xf32, #tpu.memory_space<vmem>>
      %dma_wait3A_931 = tpu.memref_squeeze %dma_wait3A_930 : memref<1x4x8x128xf32, #tpu.memory_space<vmem>> -> memref<4x8x128xf32, #tpu.memory_space<vmem>>
      tpu.wait_dma2 semaphore(%arg14 : memref<!tpu.dma_semaphore, #tpu.memory_space<semaphore_mem>>) src(%dma_wait3A_931 : memref<4x8x128xf32, #tpu.memory_space<vmem>>) dst(%dma_wait3A_926 : memref<4x8x128xf32, #tpu.memory_space<hbm>>)
      %dma_wait3A_932 = arith.constant 0 : i32
      %dma_wait3A_933 = arith.constant 1 : i32
      %dma_wait3A_934 = arith.constant 0 : i32
      %dma_wait3A_935 = arith.constant 8 : i32
      %dma_wait3A_936 = arith.constant 0 : i32
      %dma_wait3A_937 = tpu.memref_slice %arg10[%dma_wait3A_932, %dma_wait3A_934, %dma_wait3A_935, %dma_wait3A_936] : memref<2x4x16x129xf32, #tpu.memory_space<vmem>> -> memref<1x4x8x128xf32, #tpu.memory_space<vmem>>
      %dma_wait3A_938 = tpu.memref_squeeze %dma_wait3A_937 : memref<1x4x8x128xf32, #tpu.memory_space<vmem>> -> memref<4x8x128xf32, #tpu.memory_space<vmem>>
      %dma_wait3A_939 = arith.constant 0 : i32
      %dma_wait3A_940 = arith.constant 0 : i32
      %dma_wait3A_941 = tpu.memref_slice %arg4[%sub3A_911, %dma_wait3A_933, %mul3A_4, %dma_wait3A_939, %dma_wait3A_940] : memref<200x4x128x8x128xf32, #tpu.memory_space<hbm>> -> memref<1x1x4x8x128xf32, #tpu.memory_space<hbm>>
      %dma_wait3A_942 = tpu.memref_squeeze %dma_wait3A_941 : memref<1x1x4x8x128xf32, #tpu.memory_space<hbm>> -> memref<4x8x128xf32, #tpu.memory_space<hbm>>
      %dma_wait3A_943 = arith.constant 0 : i32
      %dma_wait3A_944 = arith.constant 0 : i32
      %dma_wait3A_945 = tpu.memref_slice %arg4[%sub3A_911, %dma_wait3A_933, %mul3A_4, %dma_wait3A_943, %dma_wait3A_944] : memref<200x4x128x8x128xf32, #tpu.memory_space<hbm>> -> memref<1x1x4x8x128xf32, #tpu.memory_space<hbm>>
      %dma_wait3A_946 = tpu.memref_squeeze %dma_wait3A_945 : memref<1x1x4x8x128xf32, #tpu.memory_space<hbm>> -> memref<4x8x128xf32, #tpu.memory_space<hbm>>
      %dma_wait3A_947 = arith.constant 0 : i32
      %dma_wait3A_948 = arith.constant 8 : i32
      %dma_wait3A_949 = arith.constant 0 : i32
      %dma_wait3A_950 = tpu.memref_slice %arg10[%dma_wait3A_932, %dma_wait3A_947, %dma_wait3A_948, %dma_wait3A_949] : memref<2x4x16x129xf32, #tpu.memory_space<vmem>> -> memref<1x4x8x128xf32, #tpu.memory_space<vmem>>
      %dma_wait3A_951 = tpu.memref_squeeze %dma_wait3A_950 : memref<1x4x8x128xf32, #tpu.memory_space<vmem>> -> memref<4x8x128xf32, #tpu.memory_space<vmem>>
      tpu.wait_dma2 semaphore(%arg14 : memref<!tpu.dma_semaphore, #tpu.memory_space<semaphore_mem>>) src(%dma_wait3A_951 : memref<4x8x128xf32, #tpu.memory_space<vmem>>) dst(%dma_wait3A_946 : memref<4x8x128xf32, #tpu.memory_space<hbm>>)
      %dma_wait3A_952 = arith.constant 1 : i32
      %dma_wait3A_953 = arith.constant 2 : i32
      %dma_wait3A_954 = arith.constant 0 : i32
      %dma_wait3A_955 = arith.constant 0 : i32
      %dma_wait3A_956 = arith.constant 0 : i32
      %dma_wait3A_957 = tpu.memref_slice %arg10[%dma_wait3A_952, %dma_wait3A_954, %dma_wait3A_955, %dma_wait3A_956] : memref<2x4x16x129xf32, #tpu.memory_space<vmem>> -> memref<1x4x8x128xf32, #tpu.memory_space<vmem>>
      %dma_wait3A_958 = tpu.memref_squeeze %dma_wait3A_957 : memref<1x4x8x128xf32, #tpu.memory_space<vmem>> -> memref<4x8x128xf32, #tpu.memory_space<vmem>>
      %dma_wait3A_959 = arith.constant 0 : i32
      %dma_wait3A_960 = arith.constant 0 : i32
      %dma_wait3A_961 = tpu.memref_slice %arg4[%sub3A_911, %dma_wait3A_953, %mul3A_4, %dma_wait3A_959, %dma_wait3A_960] : memref<200x4x128x8x128xf32, #tpu.memory_space<hbm>> -> memref<1x1x4x8x128xf32, #tpu.memory_space<hbm>>
      %dma_wait3A_962 = tpu.memref_squeeze %dma_wait3A_961 : memref<1x1x4x8x128xf32, #tpu.memory_space<hbm>> -> memref<4x8x128xf32, #tpu.memory_space<hbm>>
      %dma_wait3A_963 = arith.constant 0 : i32
      %dma_wait3A_964 = arith.constant 0 : i32
      %dma_wait3A_965 = tpu.memref_slice %arg4[%sub3A_911, %dma_wait3A_953, %mul3A_4, %dma_wait3A_963, %dma_wait3A_964] : memref<200x4x128x8x128xf32, #tpu.memory_space<hbm>> -> memref<1x1x4x8x128xf32, #tpu.memory_space<hbm>>
      %dma_wait3A_966 = tpu.memref_squeeze %dma_wait3A_965 : memref<1x1x4x8x128xf32, #tpu.memory_space<hbm>> -> memref<4x8x128xf32, #tpu.memory_space<hbm>>
      %dma_wait3A_967 = arith.constant 0 : i32
      %dma_wait3A_968 = arith.constant 0 : i32
      %dma_wait3A_969 = arith.constant 0 : i32
      %dma_wait3A_970 = tpu.memref_slice %arg10[%dma_wait3A_952, %dma_wait3A_967, %dma_wait3A_968, %dma_wait3A_969] : memref<2x4x16x129xf32, #tpu.memory_space<vmem>> -> memref<1x4x8x128xf32, #tpu.memory_space<vmem>>
      %dma_wait3A_971 = tpu.memref_squeeze %dma_wait3A_970 : memref<1x4x8x128xf32, #tpu.memory_space<vmem>> -> memref<4x8x128xf32, #tpu.memory_space<vmem>>
      tpu.wait_dma2 semaphore(%arg14 : memref<!tpu.dma_semaphore, #tpu.memory_space<semaphore_mem>>) src(%dma_wait3A_971 : memref<4x8x128xf32, #tpu.memory_space<vmem>>) dst(%dma_wait3A_966 : memref<4x8x128xf32, #tpu.memory_space<hbm>>)
      %dma_wait3A_972 = arith.constant 1 : i32
      %dma_wait3A_973 = arith.constant 3 : i32
      %dma_wait3A_974 = arith.constant 0 : i32
      %dma_wait3A_975 = arith.constant 8 : i32
      %dma_wait3A_976 = arith.constant 0 : i32
      %dma_wait3A_977 = tpu.memref_slice %arg10[%dma_wait3A_972, %dma_wait3A_974, %dma_wait3A_975, %dma_wait3A_976] : memref<2x4x16x129xf32, #tpu.memory_space<vmem>> -> memref<1x4x8x128xf32, #tpu.memory_space<vmem>>
      %dma_wait3A_978 = tpu.memref_squeeze %dma_wait3A_977 : memref<1x4x8x128xf32, #tpu.memory_space<vmem>> -> memref<4x8x128xf32, #tpu.memory_space<vmem>>
      %dma_wait3A_979 = arith.constant 0 : i32
      %dma_wait3A_980 = arith.constant 0 : i32
      %dma_wait3A_981 = tpu.memref_slice %arg4[%sub3A_911, %dma_wait3A_973, %mul3A_4, %dma_wait3A_979, %dma_wait3A_980] : memref<200x4x128x8x128xf32, #tpu.memory_space<hbm>> -> memref<1x1x4x8x128xf32, #tpu.memory_space<hbm>>
      %dma_wait3A_982 = tpu.memref_squeeze %dma_wait3A_981 : memref<1x1x4x8x128xf32, #tpu.memory_space<hbm>> -> memref<4x8x128xf32, #tpu.memory_space<hbm>>
      %dma_wait3A_983 = arith.constant 0 : i32
      %dma_wait3A_984 = arith.constant 0 : i32
      %dma_wait3A_985 = tpu.memref_slice %arg4[%sub3A_911, %dma_wait3A_973, %mul3A_4, %dma_wait3A_983, %dma_wait3A_984] : memref<200x4x128x8x128xf32, #tpu.memory_space<hbm>> -> memref<1x1x4x8x128xf32, #tpu.memory_space<hbm>>
      %dma_wait3A_986 = tpu.memref_squeeze %dma_wait3A_985 : memref<1x1x4x8x128xf32, #tpu.memory_space<hbm>> -> memref<4x8x128xf32, #tpu.memory_space<hbm>>
      %dma_wait3A_987 = arith.constant 0 : i32
      %dma_wait3A_988 = arith.constant 8 : i32
      %dma_wait3A_989 = arith.constant 0 : i32
      %dma_wait3A_990 = tpu.memref_slice %arg10[%dma_wait3A_972, %dma_wait3A_987, %dma_wait3A_988, %dma_wait3A_989] : memref<2x4x16x129xf32, #tpu.memory_space<vmem>> -> memref<1x4x8x128xf32, #tpu.memory_space<vmem>>
      %dma_wait3A_991 = tpu.memref_squeeze %dma_wait3A_990 : memref<1x4x8x128xf32, #tpu.memory_space<vmem>> -> memref<4x8x128xf32, #tpu.memory_space<vmem>>
      tpu.wait_dma2 semaphore(%arg14 : memref<!tpu.dma_semaphore, #tpu.memory_space<semaphore_mem>>) src(%dma_wait3A_991 : memref<4x8x128xf32, #tpu.memory_space<vmem>>) dst(%dma_wait3A_986 : memref<4x8x128xf32, #tpu.memory_space<hbm>>)
      %parallel_loop3A_992 = arith.constant 0 : i32
      %parallel_loop3A_993 = arith.constant 512 : i32
      %parallel_loop3A_994 = arith.constant 1 : i32
      scf.for %parallel_loop3A_1083 = %parallel_loop3A_992 to %parallel_loop3A_993 step %parallel_loop3A_994  : i32 {
        %parallel_loop3A_1084 = arith.constant 128 : i32
        %parallel_loop3A_1085 = arith.divsi %parallel_loop3A_1083, %parallel_loop3A_1084 : i32
        %parallel_loop3A_1086 = arith.constant 0 : i32
        %parallel_loop3A_1087 = arith.cmpi sgt, %parallel_loop3A_1083, %parallel_loop3A_1086 : i32
        %parallel_loop3A_1088 = arith.extui %parallel_loop3A_1087 : i1 to i32
        %parallel_loop3A_1089 = arith.constant 0 : i32
        %parallel_loop3A_1090 = arith.cmpi slt, %parallel_loop3A_1083, %parallel_loop3A_1089 : i32
        %parallel_loop3A_1091 = arith.extui %parallel_loop3A_1090 : i1 to i32
        %parallel_loop3A_1092 = arith.subi %parallel_loop3A_1088, %parallel_loop3A_1091 : i32
        %parallel_loop3A_1093 = arith.constant 0 : i32
        %parallel_loop3A_1094 = arith.cmpi sgt, %parallel_loop3A_1084, %parallel_loop3A_1093 : i32
        %parallel_loop3A_1095 = arith.extui %parallel_loop3A_1094 : i1 to i32
        %parallel_loop3A_1096 = arith.constant 0 : i32
        %parallel_loop3A_1097 = arith.cmpi slt, %parallel_loop3A_1084, %parallel_loop3A_1096 : i32
        %parallel_loop3A_1098 = arith.extui %parallel_loop3A_1097 : i1 to i32
        %parallel_loop3A_1099 = arith.subi %parallel_loop3A_1095, %parallel_loop3A_1098 : i32
        %parallel_loop3A_1100 = arith.cmpi ne, %parallel_loop3A_1092, %parallel_loop3A_1099 : i32
        %parallel_loop3A_1101 = arith.remsi %parallel_loop3A_1083, %parallel_loop3A_1084 : i32
        %parallel_loop3A_1102 = arith.constant 0 : i32
        %parallel_loop3A_1103 = arith.cmpi ne, %parallel_loop3A_1101, %parallel_loop3A_1102 : i32
        %parallel_loop3A_1104 = arith.andi %parallel_loop3A_1100, %parallel_loop3A_1103 : i1
        %parallel_loop3A_1105 = arith.constant 1 : i32
        %parallel_loop3A_1106 = arith.subi %parallel_loop3A_1085, %parallel_loop3A_1105 : i32
        %parallel_loop3A_1107 = arith.select %parallel_loop3A_1104, %parallel_loop3A_1106, %parallel_loop3A_1085 : i32
        %parallel_loop3A_1108 = vector.broadcast %parallel_loop3A_1107 : i32 to vector<16xi32>
        %parallel_loop3A_1109 = arith.constant 128 : i32
        %parallel_loop3A_1110 = arith.constant 0 : i32
        %parallel_loop3A_1111 = arith.cmpi eq, %parallel_loop3A_1109, %parallel_loop3A_1110 : i32
        %parallel_loop3A_1112 = arith.constant 1 : i32
        %parallel_loop3A_1113 = arith.select %parallel_loop3A_1111, %parallel_loop3A_1112, %parallel_loop3A_1109 : i32
        %parallel_loop3A_1114 = arith.remsi %parallel_loop3A_1083, %parallel_loop3A_1113 : i32
        %parallel_loop3A_1115 = arith.constant 0 : i32
        %parallel_loop3A_1116 = arith.cmpi ne, %parallel_loop3A_1114, %parallel_loop3A_1115 : i32
        %parallel_loop3A_1117 = arith.constant 0 : i32
        %parallel_loop3A_1118 = arith.cmpi slt, %parallel_loop3A_1114, %parallel_loop3A_1117 : i32
        %parallel_loop3A_1119 = arith.constant 0 : i32
        %parallel_loop3A_1120 = arith.cmpi slt, %parallel_loop3A_1113, %parallel_loop3A_1119 : i32
        %parallel_loop3A_1121 = arith.xori %parallel_loop3A_1118, %parallel_loop3A_1120 : i1
        %parallel_loop3A_1122 = arith.andi %parallel_loop3A_1121, %parallel_loop3A_1116 : i1
        %parallel_loop3A_1123 = arith.addi %parallel_loop3A_1114, %parallel_loop3A_1113 : i32
        %parallel_loop3A_1124 = arith.select %parallel_loop3A_1122, %parallel_loop3A_1123, %parallel_loop3A_1114 : i32
        %parallel_loop3A_1125 = vector.broadcast %parallel_loop3A_1124 : i32 to vector<16xi32>
        %parallel_loop3A_1126 = arith.constant 0 : i32
        %parallel_loop3A_1127 = vector.broadcast %parallel_loop3A_1126 : i32 to vector<16xi32>
        %parallel_loop3A_1128 = arith.index_cast %parallel_loop3A_1083 : i32 to index
        %parallel_loop3A_1129 = arith.constant 0 : index
        %parallel_loop3A_1130 = tpu.vector_load %arg8[%parallel_loop3A_1128, %parallel_loop3A_1129] {strides = array<i32>} : memref<512x32xf32, #tpu.memory_space<vmem>>, vector<16xf32>,
        tpu.vector_store_idx %arg10[%parallel_loop3A_1127, %parallel_loop3A_1108, %iota3A, %parallel_loop3A_1125], %parallel_loop3A_1130 : memref<2x4x16x129xf32, #tpu.memory_space<vmem>>[vector<16xi32>, vector<16xi32>, vector<16xi32>, vector<16xi32>], vector<16xf32>,
        %parallel_loop3A_1131 = arith.constant 1 : i32
        %parallel_loop3A_1132 = vector.broadcast %parallel_loop3A_1131 : i32 to vector<16xi32>
        %parallel_loop3A_1133 = arith.index_cast %parallel_loop3A_1083 : i32 to index
        %parallel_loop3A_1134 = arith.constant 16 : index
        %parallel_loop3A_1135 = tpu.vector_load %arg8[%parallel_loop3A_1133, %parallel_loop3A_1134] {strides = array<i32>} : memref<512x32xf32, #tpu.memory_space<vmem>>, vector<16xf32>,
        tpu.vector_store_idx %arg10[%parallel_loop3A_1132, %parallel_loop3A_1108, %iota3A, %parallel_loop3A_1125], %parallel_loop3A_1135 : memref<2x4x16x129xf32, #tpu.memory_space<vmem>>[vector<16xi32>, vector<16xi32>, vector<16xi32>, vector<16xi32>], vector<16xf32>,
      } {sc.loop_unroll_factor = 8 : i64, sc.parallel_access}
      %add3A_995 = arith.constant 2 : i32
      %add3A_996 = arith.addi %add3A_906, %add3A_995 : i32
      %mul3A_997 = arith.constant 16384 : i32
      %mul3A_998 = arith.muli %add3A_996, %mul3A_997 : i32
      %add3A_999 = arith.addi %mul3A_998, %mul3A_2 : i32
      "tpu.region"() ({
        %run_scoped3A = tpu.sem_alloc : memref<!tpu.dma_semaphore, #tpu.memory_space<semaphore_mem>>
        %dma_start3A_1083 = tpu.memref_slice %arg2[%add3A_999] : memref<3276800xi32, #tpu.memory_space<hbm>> -> memref<512xi32, #tpu.memory_space<hbm>>
        %dma_start3A_1084 = tpu.memref_slice %arg2[%add3A_999] : memref<3276800xi32, #tpu.memory_space<hbm>> -> memref<512xi32, #tpu.memory_space<hbm>>
        tpu.enqueue_dma source(%dma_start3A_1084 : memref<512xi32, #tpu.memory_space<hbm>>) target(%arg6 : memref<512xi32, #tpu.memory_space<vmem>>) target_semaphore(%run_scoped3A : memref<!tpu.dma_semaphore, #tpu.memory_space<semaphore_mem>>)
        %dma_wait3A_1085 = tpu.memref_slice %arg2[%add3A_999] : memref<3276800xi32, #tpu.memory_space<hbm>> -> memref<512xi32, #tpu.memory_space<hbm>>
        %dma_wait3A_1086 = tpu.memref_slice %arg2[%add3A_999] : memref<3276800xi32, #tpu.memory_space<hbm>> -> memref<512xi32, #tpu.memory_space<hbm>>
        tpu.wait_dma2 semaphore(%run_scoped3A : memref<!tpu.dma_semaphore, #tpu.memory_space<semaphore_mem>>) src(%dma_wait3A_1086 : memref<512xi32, #tpu.memory_space<hbm>>) dst(%arg6 : memref<512xi32, #tpu.memory_space<vmem>>)
        tpu.yield
      }) : () -> ()
      %dma_start3A_1000 = arith.constant 0 : i32
      %dma_start3A_1001 = arith.constant 0 : i32
      %dma_start3A_1002 = tpu.memref_slice %arg3[%dma_start3A_1000, %dma_start3A_1001] : memref<1000000x32xf32, #tpu.memory_space<hbm>> -> memref<1000000x32xf32, #tpu.memory_space<hbm>>
      tpu.enqueue_indirect_dma source(%dma_start3A_1002 : memref<1000000x32xf32, #tpu.memory_space<hbm>>) target(%arg8 : memref<512x32xf32, #tpu.memory_space<vmem>>) offsets(%arg6 : memref<512xi32, #tpu.memory_space<vmem>>) semaphore(%arg12 : memref<!tpu.dma_semaphore, #tpu.memory_space<semaphore_mem>>)
      %dma_start3A_1003 = arith.constant 0 : i32
      %dma_start3A_1004 = arith.constant 0 : i32
      %dma_start3A_1005 = arith.constant 0 : i32
      %dma_start3A_1006 = arith.constant 0 : i32
      %dma_start3A_1007 = arith.constant 0 : i32
      %dma_start3A_1008 = tpu.memref_slice %arg10[%dma_start3A_1003, %dma_start3A_1005, %dma_start3A_1006, %dma_start3A_1007] : memref<2x4x16x129xf32, #tpu.memory_space<vmem>> -> memref<1x4x8x128xf32, #tpu.memory_space<vmem>>
      %dma_start3A_1009 = tpu.memref_squeeze %dma_start3A_1008 : memref<1x4x8x128xf32, #tpu.memory_space<vmem>> -> memref<4x8x128xf32, #tpu.memory_space<vmem>>
      %dma_start3A_1010 = arith.constant 0 : i32
      %dma_start3A_1011 = arith.constant 0 : i32
      %dma_start3A_1012 = tpu.memref_slice %arg4[%add3A_906, %dma_start3A_1004, %mul3A_4, %dma_start3A_1010, %dma_start3A_1011] : memref<200x4x128x8x128xf32, #tpu.memory_space<hbm>> -> memref<1x1x4x8x128xf32, #tpu.memory_space<hbm>>
      %dma_start3A_1013 = tpu.memref_squeeze %dma_start3A_1012 : memref<1x1x4x8x128xf32, #tpu.memory_space<hbm>> -> memref<4x8x128xf32, #tpu.memory_space<hbm>>
      %dma_start3A_1014 = arith.constant 0 : i32
      %dma_start3A_1015 = arith.constant 0 : i32
      %dma_start3A_1016 = tpu.memref_slice %arg4[%add3A_906, %dma_start3A_1004, %mul3A_4, %dma_start3A_1014, %dma_start3A_1015] : memref<200x4x128x8x128xf32, #tpu.memory_space<hbm>> -> memref<1x1x4x8x128xf32, #tpu.memory_space<hbm>>
      %dma_start3A_1017 = tpu.memref_squeeze %dma_start3A_1016 : memref<1x1x4x8x128xf32, #tpu.memory_space<hbm>> -> memref<4x8x128xf32, #tpu.memory_space<hbm>>
      %dma_start3A_1018 = arith.constant 0 : i32
      %dma_start3A_1019 = arith.constant 0 : i32
      %dma_start3A_1020 = arith.constant 0 : i32
      %dma_start3A_1021 = tpu.memref_slice %arg10[%dma_start3A_1003, %dma_start3A_1018, %dma_start3A_1019, %dma_start3A_1020] : memref<2x4x16x129xf32, #tpu.memory_space<vmem>> -> memref<1x4x8x128xf32, #tpu.memory_space<vmem>>
      %dma_start3A_1022 = tpu.memref_squeeze %dma_start3A_1021 : memref<1x4x8x128xf32, #tpu.memory_space<vmem>> -> memref<4x8x128xf32, #tpu.memory_space<vmem>>
      tpu.enqueue_dma source(%dma_start3A_1022 : memref<4x8x128xf32, #tpu.memory_space<vmem>>) target(%dma_start3A_1017 : memref<4x8x128xf32, #tpu.memory_space<hbm>>) target_semaphore(%arg14 : memref<!tpu.dma_semaphore, #tpu.memory_space<semaphore_mem>>)
      %dma_start3A_1023 = arith.constant 0 : i32
      %dma_start3A_1024 = arith.constant 1 : i32
      %dma_start3A_1025 = arith.constant 0 : i32
      %dma_start3A_1026 = arith.constant 8 : i32
      %dma_start3A_1027 = arith.constant 0 : i32
      %dma_start3A_1028 = tpu.memref_slice %arg10[%dma_start3A_1023, %dma_start3A_1025, %dma_start3A_1026, %dma_start3A_1027] : memref<2x4x16x129xf32, #tpu.memory_space<vmem>> -> memref<1x4x8x128xf32, #tpu.memory_space<vmem>>
      %dma_start3A_1029 = tpu.memref_squeeze %dma_start3A_1028 : memref<1x4x8x128xf32, #tpu.memory_space<vmem>> -> memref<4x8x128xf32, #tpu.memory_space<vmem>>
      %dma_start3A_1030 = arith.constant 0 : i32
      %dma_start3A_1031 = arith.constant 0 : i32
      %dma_start3A_1032 = tpu.memref_slice %arg4[%add3A_906, %dma_start3A_1024, %mul3A_4, %dma_start3A_1030, %dma_start3A_1031] : memref<200x4x128x8x128xf32, #tpu.memory_space<hbm>> -> memref<1x1x4x8x128xf32, #tpu.memory_space<hbm>>
      %dma_start3A_1033 = tpu.memref_squeeze %dma_start3A_1032 : memref<1x1x4x8x128xf32, #tpu.memory_space<hbm>> -> memref<4x8x128xf32, #tpu.memory_space<hbm>>
      %dma_start3A_1034 = arith.constant 0 : i32
      %dma_start3A_1035 = arith.constant 0 : i32
      %dma_start3A_1036 = tpu.memref_slice %arg4[%add3A_906, %dma_start3A_1024, %mul3A_4, %dma_start3A_1034, %dma_start3A_1035] : memref<200x4x128x8x128xf32, #tpu.memory_space<hbm>> -> memref<1x1x4x8x128xf32, #tpu.memory_space<hbm>>
      %dma_start3A_1037 = tpu.memref_squeeze %dma_start3A_1036 : memref<1x1x4x8x128xf32, #tpu.memory_space<hbm>> -> memref<4x8x128xf32, #tpu.memory_space<hbm>>
      %dma_start3A_1038 = arith.constant 0 : i32
      %dma_start3A_1039 = arith.constant 8 : i32
      %dma_start3A_1040 = arith.constant 0 : i32
      %dma_start3A_1041 = tpu.memref_slice %arg10[%dma_start3A_1023, %dma_start3A_1038, %dma_start3A_1039, %dma_start3A_1040] : memref<2x4x16x129xf32, #tpu.memory_space<vmem>> -> memref<1x4x8x128xf32, #tpu.memory_space<vmem>>
      %dma_start3A_1042 = tpu.memref_squeeze %dma_start3A_1041 : memref<1x4x8x128xf32, #tpu.memory_space<vmem>> -> memref<4x8x128xf32, #tpu.memory_space<vmem>>
      tpu.enqueue_dma source(%dma_start3A_1042 : memref<4x8x128xf32, #tpu.memory_space<vmem>>) target(%dma_start3A_1037 : memref<4x8x128xf32, #tpu.memory_space<hbm>>) target_semaphore(%arg14 : memref<!tpu.dma_semaphore, #tpu.memory_space<semaphore_mem>>)
      %dma_start3A_1043 = arith.constant 1 : i32
      %dma_start3A_1044 = arith.constant 2 : i32
      %dma_start3A_1045 = arith.constant 0 : i32
      %dma_start3A_1046 = arith.constant 0 : i32
      %dma_start3A_1047 = arith.constant 0 : i32
      %dma_start3A_1048 = tpu.memref_slice %arg10[%dma_start3A_1043, %dma_start3A_1045, %dma_start3A_1046, %dma_start3A_1047] : memref<2x4x16x129xf32, #tpu.memory_space<vmem>> -> memref<1x4x8x128xf32, #tpu.memory_space<vmem>>
      %dma_start3A_1049 = tpu.memref_squeeze %dma_start3A_1048 : memref<1x4x8x128xf32, #tpu.memory_space<vmem>> -> memref<4x8x128xf32, #tpu.memory_space<vmem>>
      %dma_start3A_1050 = arith.constant 0 : i32
      %dma_start3A_1051 = arith.constant 0 : i32
      %dma_start3A_1052 = tpu.memref_slice %arg4[%add3A_906, %dma_start3A_1044, %mul3A_4, %dma_start3A_1050, %dma_start3A_1051] : memref<200x4x128x8x128xf32, #tpu.memory_space<hbm>> -> memref<1x1x4x8x128xf32, #tpu.memory_space<hbm>>
      %dma_start3A_1053 = tpu.memref_squeeze %dma_start3A_1052 : memref<1x1x4x8x128xf32, #tpu.memory_space<hbm>> -> memref<4x8x128xf32, #tpu.memory_space<hbm>>
      %dma_start3A_1054 = arith.constant 0 : i32
      %dma_start3A_1055 = arith.constant 0 : i32
      %dma_start3A_1056 = tpu.memref_slice %arg4[%add3A_906, %dma_start3A_1044, %mul3A_4, %dma_start3A_1054, %dma_start3A_1055] : memref<200x4x128x8x128xf32, #tpu.memory_space<hbm>> -> memref<1x1x4x8x128xf32, #tpu.memory_space<hbm>>
      %dma_start3A_1057 = tpu.memref_squeeze %dma_start3A_1056 : memref<1x1x4x8x128xf32, #tpu.memory_space<hbm>> -> memref<4x8x128xf32, #tpu.memory_space<hbm>>
      %dma_start3A_1058 = arith.constant 0 : i32
      %dma_start3A_1059 = arith.constant 0 : i32
      %dma_start3A_1060 = arith.constant 0 : i32
      %dma_start3A_1061 = tpu.memref_slice %arg10[%dma_start3A_1043, %dma_start3A_1058, %dma_start3A_1059, %dma_start3A_1060] : memref<2x4x16x129xf32, #tpu.memory_space<vmem>> -> memref<1x4x8x128xf32, #tpu.memory_space<vmem>>
      %dma_start3A_1062 = tpu.memref_squeeze %dma_start3A_1061 : memref<1x4x8x128xf32, #tpu.memory_space<vmem>> -> memref<4x8x128xf32, #tpu.memory_space<vmem>>
      tpu.enqueue_dma source(%dma_start3A_1062 : memref<4x8x128xf32, #tpu.memory_space<vmem>>) target(%dma_start3A_1057 : memref<4x8x128xf32, #tpu.memory_space<hbm>>) target_semaphore(%arg14 : memref<!tpu.dma_semaphore, #tpu.memory_space<semaphore_mem>>)
      %dma_start3A_1063 = arith.constant 1 : i32
      %dma_start3A_1064 = arith.constant 3 : i32
      %dma_start3A_1065 = arith.constant 0 : i32
      %dma_start3A_1066 = arith.constant 8 : i32
      %dma_start3A_1067 = arith.constant 0 : i32
      %dma_start3A_1068 = tpu.memref_slice %arg10[%dma_start3A_1063, %dma_start3A_1065, %dma_start3A_1066, %dma_start3A_1067] : memref<2x4x16x129xf32, #tpu.memory_space<vmem>> -> memref<1x4x8x128xf32, #tpu.memory_space<vmem>>
      %dma_start3A_1069 = tpu.memref_squeeze %dma_start3A_1068 : memref<1x4x8x128xf32, #tpu.memory_space<vmem>> -> memref<4x8x128xf32, #tpu.memory_space<vmem>>
      %dma_start3A_1070 = arith.constant 0 : i32
      %dma_start3A_1071 = arith.constant 0 : i32
      %dma_start3A_1072 = tpu.memref_slice %arg4[%add3A_906, %dma_start3A_1064, %mul3A_4, %dma_start3A_1070, %dma_start3A_1071] : memref<200x4x128x8x128xf32, #tpu.memory_space<hbm>> -> memref<1x1x4x8x128xf32, #tpu.memory_space<hbm>>
      %dma_start3A_1073 = tpu.memref_squeeze %dma_start3A_1072 : memref<1x1x4x8x128xf32, #tpu.memory_space<hbm>> -> memref<4x8x128xf32, #tpu.memory_space<hbm>>
      %dma_start3A_1074 = arith.constant 0 : i32
      %dma_start3A_1075 = arith.constant 0 : i32
      %dma_start3A_1076 = tpu.memref_slice %arg4[%add3A_906, %dma_start3A_1064, %mul3A_4, %dma_start3A_1074, %dma_start3A_1075] : memref<200x4x128x8x128xf32, #tpu.memory_space<hbm>> -> memref<1x1x4x8x128xf32, #tpu.memory_space<hbm>>
      %dma_start3A_1077 = tpu.memref_squeeze %dma_start3A_1076 : memref<1x1x4x8x128xf32, #tpu.memory_space<hbm>> -> memref<4x8x128xf32, #tpu.memory_space<hbm>>
      %dma_start3A_1078 = arith.constant 0 : i32
      %dma_start3A_1079 = arith.constant 8 : i32
      %dma_start3A_1080 = arith.constant 0 : i32
      %dma_start3A_1081 = tpu.memref_slice %arg10[%dma_start3A_1063, %dma_start3A_1078, %dma_start3A_1079, %dma_start3A_1080] : memref<2x4x16x129xf32, #tpu.memory_space<vmem>> -> memref<1x4x8x128xf32, #tpu.memory_space<vmem>>
      %dma_start3A_1082 = tpu.memref_squeeze %dma_start3A_1081 : memref<1x4x8x128xf32, #tpu.memory_space<vmem>> -> memref<4x8x128xf32, #tpu.memory_space<vmem>>
      tpu.enqueue_dma source(%dma_start3A_1082 : memref<4x8x128xf32, #tpu.memory_space<vmem>>) target(%dma_start3A_1077 : memref<4x8x128xf32, #tpu.memory_space<hbm>>) target_semaphore(%arg14 : memref<!tpu.dma_semaphore, #tpu.memory_space<semaphore_mem>>)
    }
    %scan3A_206 = arith.constant 98 : i32
    %dma_wait3A_207 = arith.constant 0 : i32
    %dma_wait3A_208 = arith.constant 0 : i32
    %dma_wait3A_209 = tpu.memref_slice %arg3[%dma_wait3A_207, %dma_wait3A_208] : memref<1000000x32xf32, #tpu.memory_space<hbm>> -> memref<1000000x32xf32, #tpu.memory_space<hbm>>
    tpu.wait_indirect_dma semaphore(%arg11 : memref<!tpu.dma_semaphore, #tpu.memory_space<semaphore_mem>>) src(%dma_wait3A_209 : memref<1000000x32xf32, #tpu.memory_space<hbm>>) dst(%arg7 : memref<512x32xf32, #tpu.memory_space<vmem>>)
    %dma_wait3A_210 = arith.constant 0 : i32
    %dma_wait3A_211 = arith.constant 196 : i32
    %dma_wait3A_212 = arith.constant 0 : i32
    %dma_wait3A_213 = arith.constant 0 : i32
    %dma_wait3A_214 = arith.constant 0 : i32
    %dma_wait3A_215 = arith.constant 0 : i32
    %dma_wait3A_216 = tpu.memref_slice %arg9[%dma_wait3A_210, %dma_wait3A_213, %dma_wait3A_214, %dma_wait3A_215] : memref<2x4x16x129xf32, #tpu.memory_space<vmem>> -> memref<1x4x8x128xf32, #tpu.memory_space<vmem>>
    %dma_wait3A_217 = tpu.memref_squeeze %dma_wait3A_216 : memref<1x4x8x128xf32, #tpu.memory_space<vmem>> -> memref<4x8x128xf32, #tpu.memory_space<vmem>>
    %dma_wait3A_218 = arith.constant 0 : i32
    %dma_wait3A_219 = arith.constant 0 : i32
    %dma_wait3A_220 = tpu.memref_slice %arg4[%dma_wait3A_211, %dma_wait3A_212, %mul3A_4, %dma_wait3A_218, %dma_wait3A_219] : memref<200x4x128x8x128xf32, #tpu.memory_space<hbm>> -> memref<1x1x4x8x128xf32, #tpu.memory_space<hbm>>
    %dma_wait3A_221 = tpu.memref_squeeze %dma_wait3A_220 : memref<1x1x4x8x128xf32, #tpu.memory_space<hbm>> -> memref<4x8x128xf32, #tpu.memory_space<hbm>>
    %dma_wait3A_222 = arith.constant 0 : i32
    %dma_wait3A_223 = arith.constant 0 : i32
    %dma_wait3A_224 = tpu.memref_slice %arg4[%dma_wait3A_211, %dma_wait3A_212, %mul3A_4, %dma_wait3A_222, %dma_wait3A_223] : memref<200x4x128x8x128xf32, #tpu.memory_space<hbm>> -> memref<1x1x4x8x128xf32, #tpu.memory_space<hbm>>
    %dma_wait3A_225 = tpu.memref_squeeze %dma_wait3A_224 : memref<1x1x4x8x128xf32, #tpu.memory_space<hbm>> -> memref<4x8x128xf32, #tpu.memory_space<hbm>>
    %dma_wait3A_226 = arith.constant 0 : i32
    %dma_wait3A_227 = arith.constant 0 : i32
    %dma_wait3A_228 = arith.constant 0 : i32
    %dma_wait3A_229 = tpu.memref_slice %arg9[%dma_wait3A_210, %dma_wait3A_226, %dma_wait3A_227, %dma_wait3A_228] : memref<2x4x16x129xf32, #tpu.memory_space<vmem>> -> memref<1x4x8x128xf32, #tpu.memory_space<vmem>>
    %dma_wait3A_230 = tpu.memref_squeeze %dma_wait3A_229 : memref<1x4x8x128xf32, #tpu.memory_space<vmem>> -> memref<4x8x128xf32, #tpu.memory_space<vmem>>
    tpu.wait_dma2 semaphore(%arg13 : memref<!tpu.dma_semaphore, #tpu.memory_space<semaphore_mem>>) src(%dma_wait3A_230 : memref<4x8x128xf32, #tpu.memory_space<vmem>>) dst(%dma_wait3A_225 : memref<4x8x128xf32, #tpu.memory_space<hbm>>)
    %dma_wait3A_231 = arith.constant 0 : i32
    %dma_wait3A_232 = arith.constant 196 : i32
    %dma_wait3A_233 = arith.constant 1 : i32
    %dma_wait3A_234 = arith.constant 0 : i32
    %dma_wait3A_235 = arith.constant 8 : i32
    %dma_wait3A_236 = arith.constant 0 : i32
    %dma_wait3A_237 = tpu.memref_slice %arg9[%dma_wait3A_231, %dma_wait3A_234, %dma_wait3A_235, %dma_wait3A_236] : memref<2x4x16x129xf32, #tpu.memory_space<vmem>> -> memref<1x4x8x128xf32, #tpu.memory_space<vmem>>
    %dma_wait3A_238 = tpu.memref_squeeze %dma_wait3A_237 : memref<1x4x8x128xf32, #tpu.memory_space<vmem>> -> memref<4x8x128xf32, #tpu.memory_space<vmem>>
    %dma_wait3A_239 = arith.constant 0 : i32
    %dma_wait3A_240 = arith.constant 0 : i32
    %dma_wait3A_241 = tpu.memref_slice %arg4[%dma_wait3A_232, %dma_wait3A_233, %mul3A_4, %dma_wait3A_239, %dma_wait3A_240] : memref<200x4x128x8x128xf32, #tpu.memory_space<hbm>> -> memref<1x1x4x8x128xf32, #tpu.memory_space<hbm>>
    %dma_wait3A_242 = tpu.memref_squeeze %dma_wait3A_241 : memref<1x1x4x8x128xf32, #tpu.memory_space<hbm>> -> memref<4x8x128xf32, #tpu.memory_space<hbm>>
    %dma_wait3A_243 = arith.constant 0 : i32
    %dma_wait3A_244 = arith.constant 0 : i32
    %dma_wait3A_245 = tpu.memref_slice %arg4[%dma_wait3A_232, %dma_wait3A_233, %mul3A_4, %dma_wait3A_243, %dma_wait3A_244] : memref<200x4x128x8x128xf32, #tpu.memory_space<hbm>> -> memref<1x1x4x8x128xf32, #tpu.memory_space<hbm>>
    %dma_wait3A_246 = tpu.memref_squeeze %dma_wait3A_245 : memref<1x1x4x8x128xf32, #tpu.memory_space<hbm>> -> memref<4x8x128xf32, #tpu.memory_space<hbm>>
    %dma_wait3A_247 = arith.constant 0 : i32
    %dma_wait3A_248 = arith.constant 8 : i32
    %dma_wait3A_249 = arith.constant 0 : i32
    %dma_wait3A_250 = tpu.memref_slice %arg9[%dma_wait3A_231, %dma_wait3A_247, %dma_wait3A_248, %dma_wait3A_249] : memref<2x4x16x129xf32, #tpu.memory_space<vmem>> -> memref<1x4x8x128xf32, #tpu.memory_space<vmem>>
    %dma_wait3A_251 = tpu.memref_squeeze %dma_wait3A_250 : memref<1x4x8x128xf32, #tpu.memory_space<vmem>> -> memref<4x8x128xf32, #tpu.memory_space<vmem>>
    tpu.wait_dma2 semaphore(%arg13 : memref<!tpu.dma_semaphore, #tpu.memory_space<semaphore_mem>>) src(%dma_wait3A_251 : memref<4x8x128xf32, #tpu.memory_space<vmem>>) dst(%dma_wait3A_246 : memref<4x8x128xf32, #tpu.memory_space<hbm>>)
    %dma_wait3A_252 = arith.constant 1 : i32
    %dma_wait3A_253 = arith.constant 196 : i32
    %dma_wait3A_254 = arith.constant 2 : i32
    %dma_wait3A_255 = arith.constant 0 : i32
    %dma_wait3A_256 = arith.constant 0 : i32
    %dma_wait3A_257 = arith.constant 0 : i32
    %dma_wait3A_258 = tpu.memref_slice %arg9[%dma_wait3A_252, %dma_wait3A_255, %dma_wait3A_256, %dma_wait3A_257] : memref<2x4x16x129xf32, #tpu.memory_space<vmem>> -> memref<1x4x8x128xf32, #tpu.memory_space<vmem>>
    %dma_wait3A_259 = tpu.memref_squeeze %dma_wait3A_258 : memref<1x4x8x128xf32, #tpu.memory_space<vmem>> -> memref<4x8x128xf32, #tpu.memory_space<vmem>>
    %dma_wait3A_260 = arith.constant 0 : i32
    %dma_wait3A_261 = arith.constant 0 : i32
    %dma_wait3A_262 = tpu.memref_slice %arg4[%dma_wait3A_253, %dma_wait3A_254, %mul3A_4, %dma_wait3A_260, %dma_wait3A_261] : memref<200x4x128x8x128xf32, #tpu.memory_space<hbm>> -> memref<1x1x4x8x128xf32, #tpu.memory_space<hbm>>
    %dma_wait3A_263 = tpu.memref_squeeze %dma_wait3A_262 : memref<1x1x4x8x128xf32, #tpu.memory_space<hbm>> -> memref<4x8x128xf32, #tpu.memory_space<hbm>>
    %dma_wait3A_264 = arith.constant 0 : i32
    %dma_wait3A_265 = arith.constant 0 : i32
    %dma_wait3A_266 = tpu.memref_slice %arg4[%dma_wait3A_253, %dma_wait3A_254, %mul3A_4, %dma_wait3A_264, %dma_wait3A_265] : memref<200x4x128x8x128xf32, #tpu.memory_space<hbm>> -> memref<1x1x4x8x128xf32, #tpu.memory_space<hbm>>
    %dma_wait3A_267 = tpu.memref_squeeze %dma_wait3A_266 : memref<1x1x4x8x128xf32, #tpu.memory_space<hbm>> -> memref<4x8x128xf32, #tpu.memory_space<hbm>>
    %dma_wait3A_268 = arith.constant 0 : i32
    %dma_wait3A_269 = arith.constant 0 : i32
    %dma_wait3A_270 = arith.constant 0 : i32
    %dma_wait3A_271 = tpu.memref_slice %arg9[%dma_wait3A_252, %dma_wait3A_268, %dma_wait3A_269, %dma_wait3A_270] : memref<2x4x16x129xf32, #tpu.memory_space<vmem>> -> memref<1x4x8x128xf32, #tpu.memory_space<vmem>>
    %dma_wait3A_272 = tpu.memref_squeeze %dma_wait3A_271 : memref<1x4x8x128xf32, #tpu.memory_space<vmem>> -> memref<4x8x128xf32, #tpu.memory_space<vmem>>
    tpu.wait_dma2 semaphore(%arg13 : memref<!tpu.dma_semaphore, #tpu.memory_space<semaphore_mem>>) src(%dma_wait3A_272 : memref<4x8x128xf32, #tpu.memory_space<vmem>>) dst(%dma_wait3A_267 : memref<4x8x128xf32, #tpu.memory_space<hbm>>)
    %dma_wait3A_273 = arith.constant 1 : i32
    %dma_wait3A_274 = arith.constant 196 : i32
    %dma_wait3A_275 = arith.constant 3 : i32
    %dma_wait3A_276 = arith.constant 0 : i32
    %dma_wait3A_277 = arith.constant 8 : i32
    %dma_wait3A_278 = arith.constant 0 : i32
    %dma_wait3A_279 = tpu.memref_slice %arg9[%dma_wait3A_273, %dma_wait3A_276, %dma_wait3A_277, %dma_wait3A_278] : memref<2x4x16x129xf32, #tpu.memory_space<vmem>> -> memref<1x4x8x128xf32, #tpu.memory_space<vmem>>
    %dma_wait3A_280 = tpu.memref_squeeze %dma_wait3A_279 : memref<1x4x8x128xf32, #tpu.memory_space<vmem>> -> memref<4x8x128xf32, #tpu.memory_space<vmem>>
    %dma_wait3A_281 = arith.constant 0 : i32
    %dma_wait3A_282 = arith.constant 0 : i32
    %dma_wait3A_283 = tpu.memref_slice %arg4[%dma_wait3A_274, %dma_wait3A_275, %mul3A_4, %dma_wait3A_281, %dma_wait3A_282] : memref<200x4x128x8x128xf32, #tpu.memory_space<hbm>> -> memref<1x1x4x8x128xf32, #tpu.memory_space<hbm>>
    %dma_wait3A_284 = tpu.memref_squeeze %dma_wait3A_283 : memref<1x1x4x8x128xf32, #tpu.memory_space<hbm>> -> memref<4x8x128xf32, #tpu.memory_space<hbm>>
    %dma_wait3A_285 = arith.constant 0 : i32
    %dma_wait3A_286 = arith.constant 0 : i32
    %dma_wait3A_287 = tpu.memref_slice %arg4[%dma_wait3A_274, %dma_wait3A_275, %mul3A_4, %dma_wait3A_285, %dma_wait3A_286] : memref<200x4x128x8x128xf32, #tpu.memory_space<hbm>> -> memref<1x1x4x8x128xf32, #tpu.memory_space<hbm>>
    %dma_wait3A_288 = tpu.memref_squeeze %dma_wait3A_287 : memref<1x1x4x8x128xf32, #tpu.memory_space<hbm>> -> memref<4x8x128xf32, #tpu.memory_space<hbm>>
    %dma_wait3A_289 = arith.constant 0 : i32
    %dma_wait3A_290 = arith.constant 8 : i32
    %dma_wait3A_291 = arith.constant 0 : i32
    %dma_wait3A_292 = tpu.memref_slice %arg9[%dma_wait3A_273, %dma_wait3A_289, %dma_wait3A_290, %dma_wait3A_291] : memref<2x4x16x129xf32, #tpu.memory_space<vmem>> -> memref<1x4x8x128xf32, #tpu.memory_space<vmem>>
    %dma_wait3A_293 = tpu.memref_squeeze %dma_wait3A_292 : memref<1x4x8x128xf32, #tpu.memory_space<vmem>> -> memref<4x8x128xf32, #tpu.memory_space<vmem>>
    tpu.wait_dma2 semaphore(%arg13 : memref<!tpu.dma_semaphore, #tpu.memory_space<semaphore_mem>>) src(%dma_wait3A_293 : memref<4x8x128xf32, #tpu.memory_space<vmem>>) dst(%dma_wait3A_288 : memref<4x8x128xf32, #tpu.memory_space<hbm>>)
    %parallel_loop3A_294 = arith.constant 0 : i32
    %parallel_loop3A_295 = arith.constant 512 : i32
    %parallel_loop3A_296 = arith.constant 1 : i32
    scf.for %parallel_loop3A_723 = %parallel_loop3A_294 to %parallel_loop3A_295 step %parallel_loop3A_296  : i32 {
      %parallel_loop3A_724 = arith.constant 128 : i32
      %parallel_loop3A_725 = arith.divsi %parallel_loop3A_723, %parallel_loop3A_724 : i32
      %parallel_loop3A_726 = arith.constant 0 : i32
      %parallel_loop3A_727 = arith.cmpi sgt, %parallel_loop3A_723, %parallel_loop3A_726 : i32
      %parallel_loop3A_728 = arith.extui %parallel_loop3A_727 : i1 to i32
      %parallel_loop3A_729 = arith.constant 0 : i32
      %parallel_loop3A_730 = arith.cmpi slt, %parallel_loop3A_723, %parallel_loop3A_729 : i32
      %parallel_loop3A_731 = arith.extui %parallel_loop3A_730 : i1 to i32
      %parallel_loop3A_732 = arith.subi %parallel_loop3A_728, %parallel_loop3A_731 : i32
      %parallel_loop3A_733 = arith.constant 0 : i32
      %parallel_loop3A_734 = arith.cmpi sgt, %parallel_loop3A_724, %parallel_loop3A_733 : i32
      %parallel_loop3A_735 = arith.extui %parallel_loop3A_734 : i1 to i32
      %parallel_loop3A_736 = arith.constant 0 : i32
      %parallel_loop3A_737 = arith.cmpi slt, %parallel_loop3A_724, %parallel_loop3A_736 : i32
      %parallel_loop3A_738 = arith.extui %parallel_loop3A_737 : i1 to i32
      %parallel_loop3A_739 = arith.subi %parallel_loop3A_735, %parallel_loop3A_738 : i32
      %parallel_loop3A_740 = arith.cmpi ne, %parallel_loop3A_732, %parallel_loop3A_739 : i32
      %parallel_loop3A_741 = arith.remsi %parallel_loop3A_723, %parallel_loop3A_724 : i32
      %parallel_loop3A_742 = arith.constant 0 : i32
      %parallel_loop3A_743 = arith.cmpi ne, %parallel_loop3A_741, %parallel_loop3A_742 : i32
      %parallel_loop3A_744 = arith.andi %parallel_loop3A_740, %parallel_loop3A_743 : i1
      %parallel_loop3A_745 = arith.constant 1 : i32
      %parallel_loop3A_746 = arith.subi %parallel_loop3A_725, %parallel_loop3A_745 : i32
      %parallel_loop3A_747 = arith.select %parallel_loop3A_744, %parallel_loop3A_746, %parallel_loop3A_725 : i32
      %parallel_loop3A_748 = vector.broadcast %parallel_loop3A_747 : i32 to vector<16xi32>
      %parallel_loop3A_749 = arith.constant 128 : i32
      %parallel_loop3A_750 = arith.constant 0 : i32
      %parallel_loop3A_751 = arith.cmpi eq, %parallel_loop3A_749, %parallel_loop3A_750 : i32
      %parallel_loop3A_752 = arith.constant 1 : i32
      %parallel_loop3A_753 = arith.select %parallel_loop3A_751, %parallel_loop3A_752, %parallel_loop3A_749 : i32
      %parallel_loop3A_754 = arith.remsi %parallel_loop3A_723, %parallel_loop3A_753 : i32
      %parallel_loop3A_755 = arith.constant 0 : i32
      %parallel_loop3A_756 = arith.cmpi ne, %parallel_loop3A_754, %parallel_loop3A_755 : i32
      %parallel_loop3A_757 = arith.constant 0 : i32
      %parallel_loop3A_758 = arith.cmpi slt, %parallel_loop3A_754, %parallel_loop3A_757 : i32
      %parallel_loop3A_759 = arith.constant 0 : i32
      %parallel_loop3A_760 = arith.cmpi slt, %parallel_loop3A_753, %parallel_loop3A_759 : i32
      %parallel_loop3A_761 = arith.xori %parallel_loop3A_758, %parallel_loop3A_760 : i1
      %parallel_loop3A_762 = arith.andi %parallel_loop3A_761, %parallel_loop3A_756 : i1
      %parallel_loop3A_763 = arith.addi %parallel_loop3A_754, %parallel_loop3A_753 : i32
      %parallel_loop3A_764 = arith.select %parallel_loop3A_762, %parallel_loop3A_763, %parallel_loop3A_754 : i32
      %parallel_loop3A_765 = vector.broadcast %parallel_loop3A_764 : i32 to vector<16xi32>
      %parallel_loop3A_766 = arith.constant 0 : i32
      %parallel_loop3A_767 = vector.broadcast %parallel_loop3A_766 : i32 to vector<16xi32>
      %parallel_loop3A_768 = arith.index_cast %parallel_loop3A_723 : i32 to index
      %parallel_loop3A_769 = arith.constant 0 : index
      %parallel_loop3A_770 = tpu.vector_load %arg7[%parallel_loop3A_768, %parallel_loop3A_769] {strides = array<i32>} : memref<512x32xf32, #tpu.memory_space<vmem>>, vector<16xf32>,
      tpu.vector_store_idx %arg9[%parallel_loop3A_767, %parallel_loop3A_748, %iota3A, %parallel_loop3A_765], %parallel_loop3A_770 : memref<2x4x16x129xf32, #tpu.memory_space<vmem>>[vector<16xi32>, vector<16xi32>, vector<16xi32>, vector<16xi32>], vector<16xf32>,
      %parallel_loop3A_771 = arith.constant 1 : i32
      %parallel_loop3A_772 = vector.broadcast %parallel_loop3A_771 : i32 to vector<16xi32>
      %parallel_loop3A_773 = arith.index_cast %parallel_loop3A_723 : i32 to index
      %parallel_loop3A_774 = arith.constant 16 : index
      %parallel_loop3A_775 = tpu.vector_load %arg7[%parallel_loop3A_773, %parallel_loop3A_774] {strides = array<i32>} : memref<512x32xf32, #tpu.memory_space<vmem>>, vector<16xf32>,
      tpu.vector_store_idx %arg9[%parallel_loop3A_772, %parallel_loop3A_748, %iota3A, %parallel_loop3A_765], %parallel_loop3A_775 : memref<2x4x16x129xf32, #tpu.memory_space<vmem>>[vector<16xi32>, vector<16xi32>, vector<16xi32>, vector<16xi32>], vector<16xf32>,
    } {sc.loop_unroll_factor = 8 : i64, sc.parallel_access}
    %dma_start3A_297 = arith.constant 0 : i32
    %dma_start3A_298 = arith.constant 198 : i32
    %dma_start3A_299 = arith.constant 0 : i32
    %dma_start3A_300 = arith.constant 0 : i32
    %dma_start3A_301 = arith.constant 0 : i32
    %dma_start3A_302 = arith.constant 0 : i32
    %dma_start3A_303 = tpu.memref_slice %arg9[%dma_start3A_297, %dma_start3A_300, %dma_start3A_301, %dma_start3A_302] : memref<2x4x16x129xf32, #tpu.memory_space<vmem>> -> memref<1x4x8x128xf32, #tpu.memory_space<vmem>>
    %dma_start3A_304 = tpu.memref_squeeze %dma_start3A_303 : memref<1x4x8x128xf32, #tpu.memory_space<vmem>> -> memref<4x8x128xf32, #tpu.memory_space<vmem>>
    %dma_start3A_305 = arith.constant 0 : i32
    %dma_start3A_306 = arith.constant 0 : i32
    %dma_start3A_307 = tpu.memref_slice %arg4[%dma_start3A_298, %dma_start3A_299, %mul3A_4, %dma_start3A_305, %dma_start3A_306] : memref<200x4x128x8x128xf32, #tpu.memory_space<hbm>> -> memref<1x1x4x8x128xf32, #tpu.memory_space<hbm>>
    %dma_start3A_308 = tpu.memref_squeeze %dma_start3A_307 : memref<1x1x4x8x128xf32, #tpu.memory_space<hbm>> -> memref<4x8x128xf32, #tpu.memory_space<hbm>>
    %dma_start3A_309 = arith.constant 0 : i32
    %dma_start3A_310 = arith.constant 0 : i32
    %dma_start3A_311 = tpu.memref_slice %arg4[%dma_start3A_298, %dma_start3A_299, %mul3A_4, %dma_start3A_309, %dma_start3A_310] : memref<200x4x128x8x128xf32, #tpu.memory_space<hbm>> -> memref<1x1x4x8x128xf32, #tpu.memory_space<hbm>>
    %dma_start3A_312 = tpu.memref_squeeze %dma_start3A_311 : memref<1x1x4x8x128xf32, #tpu.memory_space<hbm>> -> memref<4x8x128xf32, #tpu.memory_space<hbm>>
    %dma_start3A_313 = arith.constant 0 : i32
    %dma_start3A_314 = arith.constant 0 : i32
    %dma_start3A_315 = arith.constant 0 : i32
    %dma_start3A_316 = tpu.memref_slice %arg9[%dma_start3A_297, %dma_start3A_313, %dma_start3A_314, %dma_start3A_315] : memref<2x4x16x129xf32, #tpu.memory_space<vmem>> -> memref<1x4x8x128xf32, #tpu.memory_space<vmem>>
    %dma_start3A_317 = tpu.memref_squeeze %dma_start3A_316 : memref<1x4x8x128xf32, #tpu.memory_space<vmem>> -> memref<4x8x128xf32, #tpu.memory_space<vmem>>
    tpu.enqueue_dma source(%dma_start3A_317 : memref<4x8x128xf32, #tpu.memory_space<vmem>>) target(%dma_start3A_312 : memref<4x8x128xf32, #tpu.memory_space<hbm>>) target_semaphore(%arg13 : memref<!tpu.dma_semaphore, #tpu.memory_space<semaphore_mem>>)
    %dma_start3A_318 = arith.constant 0 : i32
    %dma_start3A_319 = arith.constant 198 : i32
    %dma_start3A_320 = arith.constant 1 : i32
    %dma_start3A_321 = arith.constant 0 : i32
    %dma_start3A_322 = arith.constant 8 : i32
    %dma_start3A_323 = arith.constant 0 : i32
    %dma_start3A_324 = tpu.memref_slice %arg9[%dma_start3A_318, %dma_start3A_321, %dma_start3A_322, %dma_start3A_323] : memref<2x4x16x129xf32, #tpu.memory_space<vmem>> -> memref<1x4x8x128xf32, #tpu.memory_space<vmem>>
    %dma_start3A_325 = tpu.memref_squeeze %dma_start3A_324 : memref<1x4x8x128xf32, #tpu.memory_space<vmem>> -> memref<4x8x128xf32, #tpu.memory_space<vmem>>
    %dma_start3A_326 = arith.constant 0 : i32
    %dma_start3A_327 = arith.constant 0 : i32
    %dma_start3A_328 = tpu.memref_slice %arg4[%dma_start3A_319, %dma_start3A_320, %mul3A_4, %dma_start3A_326, %dma_start3A_327] : memref<200x4x128x8x128xf32, #tpu.memory_space<hbm>> -> memref<1x1x4x8x128xf32, #tpu.memory_space<hbm>>
    %dma_start3A_329 = tpu.memref_squeeze %dma_start3A_328 : memref<1x1x4x8x128xf32, #tpu.memory_space<hbm>> -> memref<4x8x128xf32, #tpu.memory_space<hbm>>
    %dma_start3A_330 = arith.constant 0 : i32
    %dma_start3A_331 = arith.constant 0 : i32
    %dma_start3A_332 = tpu.memref_slice %arg4[%dma_start3A_319, %dma_start3A_320, %mul3A_4, %dma_start3A_330, %dma_start3A_331] : memref<200x4x128x8x128xf32, #tpu.memory_space<hbm>> -> memref<1x1x4x8x128xf32, #tpu.memory_space<hbm>>
    %dma_start3A_333 = tpu.memref_squeeze %dma_start3A_332 : memref<1x1x4x8x128xf32, #tpu.memory_space<hbm>> -> memref<4x8x128xf32, #tpu.memory_space<hbm>>
    %dma_start3A_334 = arith.constant 0 : i32
    %dma_start3A_335 = arith.constant 8 : i32
    %dma_start3A_336 = arith.constant 0 : i32
    %dma_start3A_337 = tpu.memref_slice %arg9[%dma_start3A_318, %dma_start3A_334, %dma_start3A_335, %dma_start3A_336] : memref<2x4x16x129xf32, #tpu.memory_space<vmem>> -> memref<1x4x8x128xf32, #tpu.memory_space<vmem>>
    %dma_start3A_338 = tpu.memref_squeeze %dma_start3A_337 : memref<1x4x8x128xf32, #tpu.memory_space<vmem>> -> memref<4x8x128xf32, #tpu.memory_space<vmem>>
    tpu.enqueue_dma source(%dma_start3A_338 : memref<4x8x128xf32, #tpu.memory_space<vmem>>) target(%dma_start3A_333 : memref<4x8x128xf32, #tpu.memory_space<hbm>>) target_semaphore(%arg13 : memref<!tpu.dma_semaphore, #tpu.memory_space<semaphore_mem>>)
    %dma_start3A_339 = arith.constant 1 : i32
    %dma_start3A_340 = arith.constant 198 : i32
    %dma_start3A_341 = arith.constant 2 : i32
    %dma_start3A_342 = arith.constant 0 : i32
    %dma_start3A_343 = arith.constant 0 : i32
    %dma_start3A_344 = arith.constant 0 : i32
    %dma_start3A_345 = tpu.memref_slice %arg9[%dma_start3A_339, %dma_start3A_342, %dma_start3A_343, %dma_start3A_344] : memref<2x4x16x129xf32, #tpu.memory_space<vmem>> -> memref<1x4x8x128xf32, #tpu.memory_space<vmem>>
    %dma_start3A_346 = tpu.memref_squeeze %dma_start3A_345 : memref<1x4x8x128xf32, #tpu.memory_space<vmem>> -> memref<4x8x128xf32, #tpu.memory_space<vmem>>
    %dma_start3A_347 = arith.constant 0 : i32
    %dma_start3A_348 = arith.constant 0 : i32
    %dma_start3A_349 = tpu.memref_slice %arg4[%dma_start3A_340, %dma_start3A_341, %mul3A_4, %dma_start3A_347, %dma_start3A_348] : memref<200x4x128x8x128xf32, #tpu.memory_space<hbm>> -> memref<1x1x4x8x128xf32, #tpu.memory_space<hbm>>
    %dma_start3A_350 = tpu.memref_squeeze %dma_start3A_349 : memref<1x1x4x8x128xf32, #tpu.memory_space<hbm>> -> memref<4x8x128xf32, #tpu.memory_space<hbm>>
    %dma_start3A_351 = arith.constant 0 : i32
    %dma_start3A_352 = arith.constant 0 : i32
    %dma_start3A_353 = tpu.memref_slice %arg4[%dma_start3A_340, %dma_start3A_341, %mul3A_4, %dma_start3A_351, %dma_start3A_352] : memref<200x4x128x8x128xf32, #tpu.memory_space<hbm>> -> memref<1x1x4x8x128xf32, #tpu.memory_space<hbm>>
    %dma_start3A_354 = tpu.memref_squeeze %dma_start3A_353 : memref<1x1x4x8x128xf32, #tpu.memory_space<hbm>> -> memref<4x8x128xf32, #tpu.memory_space<hbm>>
    %dma_start3A_355 = arith.constant 0 : i32
    %dma_start3A_356 = arith.constant 0 : i32
    %dma_start3A_357 = arith.constant 0 : i32
    %dma_start3A_358 = tpu.memref_slice %arg9[%dma_start3A_339, %dma_start3A_355, %dma_start3A_356, %dma_start3A_357] : memref<2x4x16x129xf32, #tpu.memory_space<vmem>> -> memref<1x4x8x128xf32, #tpu.memory_space<vmem>>
    %dma_start3A_359 = tpu.memref_squeeze %dma_start3A_358 : memref<1x4x8x128xf32, #tpu.memory_space<vmem>> -> memref<4x8x128xf32, #tpu.memory_space<vmem>>
    tpu.enqueue_dma source(%dma_start3A_359 : memref<4x8x128xf32, #tpu.memory_space<vmem>>) target(%dma_start3A_354 : memref<4x8x128xf32, #tpu.memory_space<hbm>>) target_semaphore(%arg13 : memref<!tpu.dma_semaphore, #tpu.memory_space<semaphore_mem>>)
    %dma_start3A_360 = arith.constant 1 : i32
    %dma_start3A_361 = arith.constant 198 : i32
    %dma_start3A_362 = arith.constant 3 : i32
    %dma_start3A_363 = arith.constant 0 : i32
    %dma_start3A_364 = arith.constant 8 : i32
    %dma_start3A_365 = arith.constant 0 : i32
    %dma_start3A_366 = tpu.memref_slice %arg9[%dma_start3A_360, %dma_start3A_363, %dma_start3A_364, %dma_start3A_365] : memref<2x4x16x129xf32, #tpu.memory_space<vmem>> -> memref<1x4x8x128xf32, #tpu.memory_space<vmem>>
    %dma_start3A_367 = tpu.memref_squeeze %dma_start3A_366 : memref<1x4x8x128xf32, #tpu.memory_space<vmem>> -> memref<4x8x128xf32, #tpu.memory_space<vmem>>
    %dma_start3A_368 = arith.constant 0 : i32
    %dma_start3A_369 = arith.constant 0 : i32
    %dma_start3A_370 = tpu.memref_slice %arg4[%dma_start3A_361, %dma_start3A_362, %mul3A_4, %dma_start3A_368, %dma_start3A_369] : memref<200x4x128x8x128xf32, #tpu.memory_space<hbm>> -> memref<1x1x4x8x128xf32, #tpu.memory_space<hbm>>
    %dma_start3A_371 = tpu.memref_squeeze %dma_start3A_370 : memref<1x1x4x8x128xf32, #tpu.memory_space<hbm>> -> memref<4x8x128xf32, #tpu.memory_space<hbm>>
    %dma_start3A_372 = arith.constant 0 : i32
    %dma_start3A_373 = arith.constant 0 : i32
    %dma_start3A_374 = tpu.memref_slice %arg4[%dma_start3A_361, %dma_start3A_362, %mul3A_4, %dma_start3A_372, %dma_start3A_373] : memref<200x4x128x8x128xf32, #tpu.memory_space<hbm>> -> memref<1x1x4x8x128xf32, #tpu.memory_space<hbm>>
    %dma_start3A_375 = tpu.memref_squeeze %dma_start3A_374 : memref<1x1x4x8x128xf32, #tpu.memory_space<hbm>> -> memref<4x8x128xf32, #tpu.memory_space<hbm>>
    %dma_start3A_376 = arith.constant 0 : i32
    %dma_start3A_377 = arith.constant 8 : i32
    %dma_start3A_378 = arith.constant 0 : i32
    %dma_start3A_379 = tpu.memref_slice %arg9[%dma_start3A_360, %dma_start3A_376, %dma_start3A_377, %dma_start3A_378] : memref<2x4x16x129xf32, #tpu.memory_space<vmem>> -> memref<1x4x8x128xf32, #tpu.memory_space<vmem>>
    %dma_start3A_380 = tpu.memref_squeeze %dma_start3A_379 : memref<1x4x8x128xf32, #tpu.memory_space<vmem>> -> memref<4x8x128xf32, #tpu.memory_space<vmem>>
    tpu.enqueue_dma source(%dma_start3A_380 : memref<4x8x128xf32, #tpu.memory_space<vmem>>) target(%dma_start3A_375 : memref<4x8x128xf32, #tpu.memory_space<hbm>>) target_semaphore(%arg13 : memref<!tpu.dma_semaphore, #tpu.memory_space<semaphore_mem>>)
    %dma_wait3A_381 = arith.constant 0 : i32
    %dma_wait3A_382 = arith.constant 0 : i32
    %dma_wait3A_383 = tpu.memref_slice %arg3[%dma_wait3A_381, %dma_wait3A_382] : memref<1000000x32xf32, #tpu.memory_space<hbm>> -> memref<1000000x32xf32, #tpu.memory_space<hbm>>
    tpu.wait_indirect_dma semaphore(%arg12 : memref<!tpu.dma_semaphore, #tpu.memory_space<semaphore_mem>>) src(%dma_wait3A_383 : memref<1000000x32xf32, #tpu.memory_space<hbm>>) dst(%arg8 : memref<512x32xf32, #tpu.memory_space<vmem>>)
    %dma_wait3A_384 = arith.constant 0 : i32
    %dma_wait3A_385 = arith.constant 197 : i32
    %dma_wait3A_386 = arith.constant 0 : i32
    %dma_wait3A_387 = arith.constant 0 : i32
    %dma_wait3A_388 = arith.constant 0 : i32
    %dma_wait3A_389 = arith.constant 0 : i32
    %dma_wait3A_390 = tpu.memref_slice %arg10[%dma_wait3A_384, %dma_wait3A_387, %dma_wait3A_388, %dma_wait3A_389] : memref<2x4x16x129xf32, #tpu.memory_space<vmem>> -> memref<1x4x8x128xf32, #tpu.memory_space<vmem>>
    %dma_wait3A_391 = tpu.memref_squeeze %dma_wait3A_390 : memref<1x4x8x128xf32, #tpu.memory_space<vmem>> -> memref<4x8x128xf32, #tpu.memory_space<vmem>>
    %dma_wait3A_392 = arith.constant 0 : i32
    %dma_wait3A_393 = arith.constant 0 : i32
    %dma_wait3A_394 = tpu.memref_slice %arg4[%dma_wait3A_385, %dma_wait3A_386, %mul3A_4, %dma_wait3A_392, %dma_wait3A_393] : memref<200x4x128x8x128xf32, #tpu.memory_space<hbm>> -> memref<1x1x4x8x128xf32, #tpu.memory_space<hbm>>
    %dma_wait3A_395 = tpu.memref_squeeze %dma_wait3A_394 : memref<1x1x4x8x128xf32, #tpu.memory_space<hbm>> -> memref<4x8x128xf32, #tpu.memory_space<hbm>>
    %dma_wait3A_396 = arith.constant 0 : i32
    %dma_wait3A_397 = arith.constant 0 : i32
    %dma_wait3A_398 = tpu.memref_slice %arg4[%dma_wait3A_385, %dma_wait3A_386, %mul3A_4, %dma_wait3A_396, %dma_wait3A_397] : memref<200x4x128x8x128xf32, #tpu.memory_space<hbm>> -> memref<1x1x4x8x128xf32, #tpu.memory_space<hbm>>
    %dma_wait3A_399 = tpu.memref_squeeze %dma_wait3A_398 : memref<1x1x4x8x128xf32, #tpu.memory_space<hbm>> -> memref<4x8x128xf32, #tpu.memory_space<hbm>>
    %dma_wait3A_400 = arith.constant 0 : i32
    %dma_wait3A_401 = arith.constant 0 : i32
    %dma_wait3A_402 = arith.constant 0 : i32
    %dma_wait3A_403 = tpu.memref_slice %arg10[%dma_wait3A_384, %dma_wait3A_400, %dma_wait3A_401, %dma_wait3A_402] : memref<2x4x16x129xf32, #tpu.memory_space<vmem>> -> memref<1x4x8x128xf32, #tpu.memory_space<vmem>>
    %dma_wait3A_404 = tpu.memref_squeeze %dma_wait3A_403 : memref<1x4x8x128xf32, #tpu.memory_space<vmem>> -> memref<4x8x128xf32, #tpu.memory_space<vmem>>
    tpu.wait_dma2 semaphore(%arg14 : memref<!tpu.dma_semaphore, #tpu.memory_space<semaphore_mem>>) src(%dma_wait3A_404 : memref<4x8x128xf32, #tpu.memory_space<vmem>>) dst(%dma_wait3A_399 : memref<4x8x128xf32, #tpu.memory_space<hbm>>)
    %dma_wait3A_405 = arith.constant 0 : i32
    %dma_wait3A_406 = arith.constant 197 : i32
    %dma_wait3A_407 = arith.constant 1 : i32
    %dma_wait3A_408 = arith.constant 0 : i32
    %dma_wait3A_409 = arith.constant 8 : i32
    %dma_wait3A_410 = arith.constant 0 : i32
    %dma_wait3A_411 = tpu.memref_slice %arg10[%dma_wait3A_405, %dma_wait3A_408, %dma_wait3A_409, %dma_wait3A_410] : memref<2x4x16x129xf32, #tpu.memory_space<vmem>> -> memref<1x4x8x128xf32, #tpu.memory_space<vmem>>
    %dma_wait3A_412 = tpu.memref_squeeze %dma_wait3A_411 : memref<1x4x8x128xf32, #tpu.memory_space<vmem>> -> memref<4x8x128xf32, #tpu.memory_space<vmem>>
    %dma_wait3A_413 = arith.constant 0 : i32
    %dma_wait3A_414 = arith.constant 0 : i32
    %dma_wait3A_415 = tpu.memref_slice %arg4[%dma_wait3A_406, %dma_wait3A_407, %mul3A_4, %dma_wait3A_413, %dma_wait3A_414] : memref<200x4x128x8x128xf32, #tpu.memory_space<hbm>> -> memref<1x1x4x8x128xf32, #tpu.memory_space<hbm>>
    %dma_wait3A_416 = tpu.memref_squeeze %dma_wait3A_415 : memref<1x1x4x8x128xf32, #tpu.memory_space<hbm>> -> memref<4x8x128xf32, #tpu.memory_space<hbm>>
    %dma_wait3A_417 = arith.constant 0 : i32
    %dma_wait3A_418 = arith.constant 0 : i32
    %dma_wait3A_419 = tpu.memref_slice %arg4[%dma_wait3A_406, %dma_wait3A_407, %mul3A_4, %dma_wait3A_417, %dma_wait3A_418] : memref<200x4x128x8x128xf32, #tpu.memory_space<hbm>> -> memref<1x1x4x8x128xf32, #tpu.memory_space<hbm>>
    %dma_wait3A_420 = tpu.memref_squeeze %dma_wait3A_419 : memref<1x1x4x8x128xf32, #tpu.memory_space<hbm>> -> memref<4x8x128xf32, #tpu.memory_space<hbm>>
    %dma_wait3A_421 = arith.constant 0 : i32
    %dma_wait3A_422 = arith.constant 8 : i32
    %dma_wait3A_423 = arith.constant 0 : i32
    %dma_wait3A_424 = tpu.memref_slice %arg10[%dma_wait3A_405, %dma_wait3A_421, %dma_wait3A_422, %dma_wait3A_423] : memref<2x4x16x129xf32, #tpu.memory_space<vmem>> -> memref<1x4x8x128xf32, #tpu.memory_space<vmem>>
    %dma_wait3A_425 = tpu.memref_squeeze %dma_wait3A_424 : memref<1x4x8x128xf32, #tpu.memory_space<vmem>> -> memref<4x8x128xf32, #tpu.memory_space<vmem>>
    tpu.wait_dma2 semaphore(%arg14 : memref<!tpu.dma_semaphore, #tpu.memory_space<semaphore_mem>>) src(%dma_wait3A_425 : memref<4x8x128xf32, #tpu.memory_space<vmem>>) dst(%dma_wait3A_420 : memref<4x8x128xf32, #tpu.memory_space<hbm>>)
    %dma_wait3A_426 = arith.constant 1 : i32
    %dma_wait3A_427 = arith.constant 197 : i32
    %dma_wait3A_428 = arith.constant 2 : i32
    %dma_wait3A_429 = arith.constant 0 : i32
    %dma_wait3A_430 = arith.constant 0 : i32
    %dma_wait3A_431 = arith.constant 0 : i32
    %dma_wait3A_432 = tpu.memref_slice %arg10[%dma_wait3A_426, %dma_wait3A_429, %dma_wait3A_430, %dma_wait3A_431] : memref<2x4x16x129xf32, #tpu.memory_space<vmem>> -> memref<1x4x8x128xf32, #tpu.memory_space<vmem>>
    %dma_wait3A_433 = tpu.memref_squeeze %dma_wait3A_432 : memref<1x4x8x128xf32, #tpu.memory_space<vmem>> -> memref<4x8x128xf32, #tpu.memory_space<vmem>>
    %dma_wait3A_434 = arith.constant 0 : i32
    %dma_wait3A_435 = arith.constant 0 : i32
    %dma_wait3A_436 = tpu.memref_slice %arg4[%dma_wait3A_427, %dma_wait3A_428, %mul3A_4, %dma_wait3A_434, %dma_wait3A_435] : memref<200x4x128x8x128xf32, #tpu.memory_space<hbm>> -> memref<1x1x4x8x128xf32, #tpu.memory_space<hbm>>
    %dma_wait3A_437 = tpu.memref_squeeze %dma_wait3A_436 : memref<1x1x4x8x128xf32, #tpu.memory_space<hbm>> -> memref<4x8x128xf32, #tpu.memory_space<hbm>>
    %dma_wait3A_438 = arith.constant 0 : i32
    %dma_wait3A_439 = arith.constant 0 : i32
    %dma_wait3A_440 = tpu.memref_slice %arg4[%dma_wait3A_427, %dma_wait3A_428, %mul3A_4, %dma_wait3A_438, %dma_wait3A_439] : memref<200x4x128x8x128xf32, #tpu.memory_space<hbm>> -> memref<1x1x4x8x128xf32, #tpu.memory_space<hbm>>
    %dma_wait3A_441 = tpu.memref_squeeze %dma_wait3A_440 : memref<1x1x4x8x128xf32, #tpu.memory_space<hbm>> -> memref<4x8x128xf32, #tpu.memory_space<hbm>>
    %dma_wait3A_442 = arith.constant 0 : i32
    %dma_wait3A_443 = arith.constant 0 : i32
    %dma_wait3A_444 = arith.constant 0 : i32
    %dma_wait3A_445 = tpu.memref_slice %arg10[%dma_wait3A_426, %dma_wait3A_442, %dma_wait3A_443, %dma_wait3A_444] : memref<2x4x16x129xf32, #tpu.memory_space<vmem>> -> memref<1x4x8x128xf32, #tpu.memory_space<vmem>>
    %dma_wait3A_446 = tpu.memref_squeeze %dma_wait3A_445 : memref<1x4x8x128xf32, #tpu.memory_space<vmem>> -> memref<4x8x128xf32, #tpu.memory_space<vmem>>
    tpu.wait_dma2 semaphore(%arg14 : memref<!tpu.dma_semaphore, #tpu.memory_space<semaphore_mem>>) src(%dma_wait3A_446 : memref<4x8x128xf32, #tpu.memory_space<vmem>>) dst(%dma_wait3A_441 : memref<4x8x128xf32, #tpu.memory_space<hbm>>)
    %dma_wait3A_447 = arith.constant 1 : i32
    %dma_wait3A_448 = arith.constant 197 : i32
    %dma_wait3A_449 = arith.constant 3 : i32
    %dma_wait3A_450 = arith.constant 0 : i32
    %dma_wait3A_451 = arith.constant 8 : i32
    %dma_wait3A_452 = arith.constant 0 : i32
    %dma_wait3A_453 = tpu.memref_slice %arg10[%dma_wait3A_447, %dma_wait3A_450, %dma_wait3A_451, %dma_wait3A_452] : memref<2x4x16x129xf32, #tpu.memory_space<vmem>> -> memref<1x4x8x128xf32, #tpu.memory_space<vmem>>
    %dma_wait3A_454 = tpu.memref_squeeze %dma_wait3A_453 : memref<1x4x8x128xf32, #tpu.memory_space<vmem>> -> memref<4x8x128xf32, #tpu.memory_space<vmem>>
    %dma_wait3A_455 = arith.constant 0 : i32
    %dma_wait3A_456 = arith.constant 0 : i32
    %dma_wait3A_457 = tpu.memref_slice %arg4[%dma_wait3A_448, %dma_wait3A_449, %mul3A_4, %dma_wait3A_455, %dma_wait3A_456] : memref<200x4x128x8x128xf32, #tpu.memory_space<hbm>> -> memref<1x1x4x8x128xf32, #tpu.memory_space<hbm>>
    %dma_wait3A_458 = tpu.memref_squeeze %dma_wait3A_457 : memref<1x1x4x8x128xf32, #tpu.memory_space<hbm>> -> memref<4x8x128xf32, #tpu.memory_space<hbm>>
    %dma_wait3A_459 = arith.constant 0 : i32
    %dma_wait3A_460 = arith.constant 0 : i32
    %dma_wait3A_461 = tpu.memref_slice %arg4[%dma_wait3A_448, %dma_wait3A_449, %mul3A_4, %dma_wait3A_459, %dma_wait3A_460] : memref<200x4x128x8x128xf32, #tpu.memory_space<hbm>> -> memref<1x1x4x8x128xf32, #tpu.memory_space<hbm>>
    %dma_wait3A_462 = tpu.memref_squeeze %dma_wait3A_461 : memref<1x1x4x8x128xf32, #tpu.memory_space<hbm>> -> memref<4x8x128xf32, #tpu.memory_space<hbm>>
    %dma_wait3A_463 = arith.constant 0 : i32
    %dma_wait3A_464 = arith.constant 8 : i32
    %dma_wait3A_465 = arith.constant 0 : i32
    %dma_wait3A_466 = tpu.memref_slice %arg10[%dma_wait3A_447, %dma_wait3A_463, %dma_wait3A_464, %dma_wait3A_465] : memref<2x4x16x129xf32, #tpu.memory_space<vmem>> -> memref<1x4x8x128xf32, #tpu.memory_space<vmem>>
    %dma_wait3A_467 = tpu.memref_squeeze %dma_wait3A_466 : memref<1x4x8x128xf32, #tpu.memory_space<vmem>> -> memref<4x8x128xf32, #tpu.memory_space<vmem>>
    tpu.wait_dma2 semaphore(%arg14 : memref<!tpu.dma_semaphore, #tpu.memory_space<semaphore_mem>>) src(%dma_wait3A_467 : memref<4x8x128xf32, #tpu.memory_space<vmem>>) dst(%dma_wait3A_462 : memref<4x8x128xf32, #tpu.memory_space<hbm>>)
    %parallel_loop3A_468 = arith.constant 0 : i32
    %parallel_loop3A_469 = arith.constant 512 : i32
    %parallel_loop3A_470 = arith.constant 1 : i32
    scf.for %parallel_loop3A_723 = %parallel_loop3A_468 to %parallel_loop3A_469 step %parallel_loop3A_470  : i32 {
      %parallel_loop3A_724 = arith.constant 128 : i32
      %parallel_loop3A_725 = arith.divsi %parallel_loop3A_723, %parallel_loop3A_724 : i32
      %parallel_loop3A_726 = arith.constant 0 : i32
      %parallel_loop3A_727 = arith.cmpi sgt, %parallel_loop3A_723, %parallel_loop3A_726 : i32
      %parallel_loop3A_728 = arith.extui %parallel_loop3A_727 : i1 to i32
      %parallel_loop3A_729 = arith.constant 0 : i32
      %parallel_loop3A_730 = arith.cmpi slt, %parallel_loop3A_723, %parallel_loop3A_729 : i32
      %parallel_loop3A_731 = arith.extui %parallel_loop3A_730 : i1 to i32
      %parallel_loop3A_732 = arith.subi %parallel_loop3A_728, %parallel_loop3A_731 : i32
      %parallel_loop3A_733 = arith.constant 0 : i32
      %parallel_loop3A_734 = arith.cmpi sgt, %parallel_loop3A_724, %parallel_loop3A_733 : i32
      %parallel_loop3A_735 = arith.extui %parallel_loop3A_734 : i1 to i32
      %parallel_loop3A_736 = arith.constant 0 : i32
      %parallel_loop3A_737 = arith.cmpi slt, %parallel_loop3A_724, %parallel_loop3A_736 : i32
      %parallel_loop3A_738 = arith.extui %parallel_loop3A_737 : i1 to i32
      %parallel_loop3A_739 = arith.subi %parallel_loop3A_735, %parallel_loop3A_738 : i32
      %parallel_loop3A_740 = arith.cmpi ne, %parallel_loop3A_732, %parallel_loop3A_739 : i32
      %parallel_loop3A_741 = arith.remsi %parallel_loop3A_723, %parallel_loop3A_724 : i32
      %parallel_loop3A_742 = arith.constant 0 : i32
      %parallel_loop3A_743 = arith.cmpi ne, %parallel_loop3A_741, %parallel_loop3A_742 : i32
      %parallel_loop3A_744 = arith.andi %parallel_loop3A_740, %parallel_loop3A_743 : i1
      %parallel_loop3A_745 = arith.constant 1 : i32
      %parallel_loop3A_746 = arith.subi %parallel_loop3A_725, %parallel_loop3A_745 : i32
      %parallel_loop3A_747 = arith.select %parallel_loop3A_744, %parallel_loop3A_746, %parallel_loop3A_725 : i32
      %parallel_loop3A_748 = vector.broadcast %parallel_loop3A_747 : i32 to vector<16xi32>
      %parallel_loop3A_749 = arith.constant 128 : i32
      %parallel_loop3A_750 = arith.constant 0 : i32
      %parallel_loop3A_751 = arith.cmpi eq, %parallel_loop3A_749, %parallel_loop3A_750 : i32
      %parallel_loop3A_752 = arith.constant 1 : i32
      %parallel_loop3A_753 = arith.select %parallel_loop3A_751, %parallel_loop3A_752, %parallel_loop3A_749 : i32
      %parallel_loop3A_754 = arith.remsi %parallel_loop3A_723, %parallel_loop3A_753 : i32
      %parallel_loop3A_755 = arith.constant 0 : i32
      %parallel_loop3A_756 = arith.cmpi ne, %parallel_loop3A_754, %parallel_loop3A_755 : i32
      %parallel_loop3A_757 = arith.constant 0 : i32
      %parallel_loop3A_758 = arith.cmpi slt, %parallel_loop3A_754, %parallel_loop3A_757 : i32
      %parallel_loop3A_759 = arith.constant 0 : i32
      %parallel_loop3A_760 = arith.cmpi slt, %parallel_loop3A_753, %parallel_loop3A_759 : i32
      %parallel_loop3A_761 = arith.xori %parallel_loop3A_758, %parallel_loop3A_760 : i1
      %parallel_loop3A_762 = arith.andi %parallel_loop3A_761, %parallel_loop3A_756 : i1
      %parallel_loop3A_763 = arith.addi %parallel_loop3A_754, %parallel_loop3A_753 : i32
      %parallel_loop3A_764 = arith.select %parallel_loop3A_762, %parallel_loop3A_763, %parallel_loop3A_754 : i32
      %parallel_loop3A_765 = vector.broadcast %parallel_loop3A_764 : i32 to vector<16xi32>
      %parallel_loop3A_766 = arith.constant 0 : i32
      %parallel_loop3A_767 = vector.broadcast %parallel_loop3A_766 : i32 to vector<16xi32>
      %parallel_loop3A_768 = arith.index_cast %parallel_loop3A_723 : i32 to index
      %parallel_loop3A_769 = arith.constant 0 : index
      %parallel_loop3A_770 = tpu.vector_load %arg8[%parallel_loop3A_768, %parallel_loop3A_769] {strides = array<i32>} : memref<512x32xf32, #tpu.memory_space<vmem>>, vector<16xf32>,
      tpu.vector_store_idx %arg10[%parallel_loop3A_767, %parallel_loop3A_748, %iota3A, %parallel_loop3A_765], %parallel_loop3A_770 : memref<2x4x16x129xf32, #tpu.memory_space<vmem>>[vector<16xi32>, vector<16xi32>, vector<16xi32>, vector<16xi32>], vector<16xf32>,
      %parallel_loop3A_771 = arith.constant 1 : i32
      %parallel_loop3A_772 = vector.broadcast %parallel_loop3A_771 : i32 to vector<16xi32>
      %parallel_loop3A_773 = arith.index_cast %parallel_loop3A_723 : i32 to index
      %parallel_loop3A_774 = arith.constant 16 : index
      %parallel_loop3A_775 = tpu.vector_load %arg8[%parallel_loop3A_773, %parallel_loop3A_774] {strides = array<i32>} : memref<512x32xf32, #tpu.memory_space<vmem>>, vector<16xf32>,
      tpu.vector_store_idx %arg10[%parallel_loop3A_772, %parallel_loop3A_748, %iota3A, %parallel_loop3A_765], %parallel_loop3A_775 : memref<2x4x16x129xf32, #tpu.memory_space<vmem>>[vector<16xi32>, vector<16xi32>, vector<16xi32>, vector<16xi32>], vector<16xf32>,
    } {sc.loop_unroll_factor = 8 : i64, sc.parallel_access}
    %dma_start3A_471 = arith.constant 0 : i32
    %dma_start3A_472 = arith.constant 199 : i32
    %dma_start3A_473 = arith.constant 0 : i32
    %dma_start3A_474 = arith.constant 0 : i32
    %dma_start3A_475 = arith.constant 0 : i32
    %dma_start3A_476 = arith.constant 0 : i32
    %dma_start3A_477 = tpu.memref_slice %arg10[%dma_start3A_471, %dma_start3A_474, %dma_start3A_475, %dma_start3A_476] : memref<2x4x16x129xf32, #tpu.memory_space<vmem>> -> memref<1x4x8x128xf32, #tpu.memory_space<vmem>>
    %dma_start3A_478 = tpu.memref_squeeze %dma_start3A_477 : memref<1x4x8x128xf32, #tpu.memory_space<vmem>> -> memref<4x8x128xf32, #tpu.memory_space<vmem>>
    %dma_start3A_479 = arith.constant 0 : i32
    %dma_start3A_480 = arith.constant 0 : i32
    %dma_start3A_481 = tpu.memref_slice %arg4[%dma_start3A_472, %dma_start3A_473, %mul3A_4, %dma_start3A_479, %dma_start3A_480] : memref<200x4x128x8x128xf32, #tpu.memory_space<hbm>> -> memref<1x1x4x8x128xf32, #tpu.memory_space<hbm>>
    %dma_start3A_482 = tpu.memref_squeeze %dma_start3A_481 : memref<1x1x4x8x128xf32, #tpu.memory_space<hbm>> -> memref<4x8x128xf32, #tpu.memory_space<hbm>>
    %dma_start3A_483 = arith.constant 0 : i32
    %dma_start3A_484 = arith.constant 0 : i32
    %dma_start3A_485 = tpu.memref_slice %arg4[%dma_start3A_472, %dma_start3A_473, %mul3A_4, %dma_start3A_483, %dma_start3A_484] : memref<200x4x128x8x128xf32, #tpu.memory_space<hbm>> -> memref<1x1x4x8x128xf32, #tpu.memory_space<hbm>>
    %dma_start3A_486 = tpu.memref_squeeze %dma_start3A_485 : memref<1x1x4x8x128xf32, #tpu.memory_space<hbm>> -> memref<4x8x128xf32, #tpu.memory_space<hbm>>
    %dma_start3A_487 = arith.constant 0 : i32
    %dma_start3A_488 = arith.constant 0 : i32
    %dma_start3A_489 = arith.constant 0 : i32
    %dma_start3A_490 = tpu.memref_slice %arg10[%dma_start3A_471, %dma_start3A_487, %dma_start3A_488, %dma_start3A_489] : memref<2x4x16x129xf32, #tpu.memory_space<vmem>> -> memref<1x4x8x128xf32, #tpu.memory_space<vmem>>
    %dma_start3A_491 = tpu.memref_squeeze %dma_start3A_490 : memref<1x4x8x128xf32, #tpu.memory_space<vmem>> -> memref<4x8x128xf32, #tpu.memory_space<vmem>>
    tpu.enqueue_dma source(%dma_start3A_491 : memref<4x8x128xf32, #tpu.memory_space<vmem>>) target(%dma_start3A_486 : memref<4x8x128xf32, #tpu.memory_space<hbm>>) target_semaphore(%arg14 : memref<!tpu.dma_semaphore, #tpu.memory_space<semaphore_mem>>)
    %dma_start3A_492 = arith.constant 0 : i32
    %dma_start3A_493 = arith.constant 199 : i32
    %dma_start3A_494 = arith.constant 1 : i32
    %dma_start3A_495 = arith.constant 0 : i32
    %dma_start3A_496 = arith.constant 8 : i32
    %dma_start3A_497 = arith.constant 0 : i32
    %dma_start3A_498 = tpu.memref_slice %arg10[%dma_start3A_492, %dma_start3A_495, %dma_start3A_496, %dma_start3A_497] : memref<2x4x16x129xf32, #tpu.memory_space<vmem>> -> memref<1x4x8x128xf32, #tpu.memory_space<vmem>>
    %dma_start3A_499 = tpu.memref_squeeze %dma_start3A_498 : memref<1x4x8x128xf32, #tpu.memory_space<vmem>> -> memref<4x8x128xf32, #tpu.memory_space<vmem>>
    %dma_start3A_500 = arith.constant 0 : i32
    %dma_start3A_501 = arith.constant 0 : i32
    %dma_start3A_502 = tpu.memref_slice %arg4[%dma_start3A_493, %dma_start3A_494, %mul3A_4, %dma_start3A_500, %dma_start3A_501] : memref<200x4x128x8x128xf32, #tpu.memory_space<hbm>> -> memref<1x1x4x8x128xf32, #tpu.memory_space<hbm>>
    %dma_start3A_503 = tpu.memref_squeeze %dma_start3A_502 : memref<1x1x4x8x128xf32, #tpu.memory_space<hbm>> -> memref<4x8x128xf32, #tpu.memory_space<hbm>>
    %dma_start3A_504 = arith.constant 0 : i32
    %dma_start3A_505 = arith.constant 0 : i32
    %dma_start3A_506 = tpu.memref_slice %arg4[%dma_start3A_493, %dma_start3A_494, %mul3A_4, %dma_start3A_504, %dma_start3A_505] : memref<200x4x128x8x128xf32, #tpu.memory_space<hbm>> -> memref<1x1x4x8x128xf32, #tpu.memory_space<hbm>>
    %dma_start3A_507 = tpu.memref_squeeze %dma_start3A_506 : memref<1x1x4x8x128xf32, #tpu.memory_space<hbm>> -> memref<4x8x128xf32, #tpu.memory_space<hbm>>
    %dma_start3A_508 = arith.constant 0 : i32
    %dma_start3A_509 = arith.constant 8 : i32
    %dma_start3A_510 = arith.constant 0 : i32
    %dma_start3A_511 = tpu.memref_slice %arg10[%dma_start3A_492, %dma_start3A_508, %dma_start3A_509, %dma_start3A_510] : memref<2x4x16x129xf32, #tpu.memory_space<vmem>> -> memref<1x4x8x128xf32, #tpu.memory_space<vmem>>
    %dma_start3A_512 = tpu.memref_squeeze %dma_start3A_511 : memref<1x4x8x128xf32, #tpu.memory_space<vmem>> -> memref<4x8x128xf32, #tpu.memory_space<vmem>>
    tpu.enqueue_dma source(%dma_start3A_512 : memref<4x8x128xf32, #tpu.memory_space<vmem>>) target(%dma_start3A_507 : memref<4x8x128xf32, #tpu.memory_space<hbm>>) target_semaphore(%arg14 : memref<!tpu.dma_semaphore, #tpu.memory_space<semaphore_mem>>)
    %dma_start3A_513 = arith.constant 1 : i32
    %dma_start3A_514 = arith.constant 199 : i32
    %dma_start3A_515 = arith.constant 2 : i32
    %dma_start3A_516 = arith.constant 0 : i32
    %dma_start3A_517 = arith.constant 0 : i32
    %dma_start3A_518 = arith.constant 0 : i32
    %dma_start3A_519 = tpu.memref_slice %arg10[%dma_start3A_513, %dma_start3A_516, %dma_start3A_517, %dma_start3A_518] : memref<2x4x16x129xf32, #tpu.memory_space<vmem>> -> memref<1x4x8x128xf32, #tpu.memory_space<vmem>>
    %dma_start3A_520 = tpu.memref_squeeze %dma_start3A_519 : memref<1x4x8x128xf32, #tpu.memory_space<vmem>> -> memref<4x8x128xf32, #tpu.memory_space<vmem>>
    %dma_start3A_521 = arith.constant 0 : i32
    %dma_start3A_522 = arith.constant 0 : i32
    %dma_start3A_523 = tpu.memref_slice %arg4[%dma_start3A_514, %dma_start3A_515, %mul3A_4, %dma_start3A_521, %dma_start3A_522] : memref<200x4x128x8x128xf32, #tpu.memory_space<hbm>> -> memref<1x1x4x8x128xf32, #tpu.memory_space<hbm>>
    %dma_start3A_524 = tpu.memref_squeeze %dma_start3A_523 : memref<1x1x4x8x128xf32, #tpu.memory_space<hbm>> -> memref<4x8x128xf32, #tpu.memory_space<hbm>>
    %dma_start3A_525 = arith.constant 0 : i32
    %dma_start3A_526 = arith.constant 0 : i32
    %dma_start3A_527 = tpu.memref_slice %arg4[%dma_start3A_514, %dma_start3A_515, %mul3A_4, %dma_start3A_525, %dma_start3A_526] : memref<200x4x128x8x128xf32, #tpu.memory_space<hbm>> -> memref<1x1x4x8x128xf32, #tpu.memory_space<hbm>>
    %dma_start3A_528 = tpu.memref_squeeze %dma_start3A_527 : memref<1x1x4x8x128xf32, #tpu.memory_space<hbm>> -> memref<4x8x128xf32, #tpu.memory_space<hbm>>
    %dma_start3A_529 = arith.constant 0 : i32
    %dma_start3A_530 = arith.constant 0 : i32
    %dma_start3A_531 = arith.constant 0 : i32
    %dma_start3A_532 = tpu.memref_slice %arg10[%dma_start3A_513, %dma_start3A_529, %dma_start3A_530, %dma_start3A_531] : memref<2x4x16x129xf32, #tpu.memory_space<vmem>> -> memref<1x4x8x128xf32, #tpu.memory_space<vmem>>
    %dma_start3A_533 = tpu.memref_squeeze %dma_start3A_532 : memref<1x4x8x128xf32, #tpu.memory_space<vmem>> -> memref<4x8x128xf32, #tpu.memory_space<vmem>>
    tpu.enqueue_dma source(%dma_start3A_533 : memref<4x8x128xf32, #tpu.memory_space<vmem>>) target(%dma_start3A_528 : memref<4x8x128xf32, #tpu.memory_space<hbm>>) target_semaphore(%arg14 : memref<!tpu.dma_semaphore, #tpu.memory_space<semaphore_mem>>)
    %dma_start3A_534 = arith.constant 1 : i32
    %dma_start3A_535 = arith.constant 199 : i32
    %dma_start3A_536 = arith.constant 3 : i32
    %dma_start3A_537 = arith.constant 0 : i32
    %dma_start3A_538 = arith.constant 8 : i32
    %dma_start3A_539 = arith.constant 0 : i32
    %dma_start3A_540 = tpu.memref_slice %arg10[%dma_start3A_534, %dma_start3A_537, %dma_start3A_538, %dma_start3A_539] : memref<2x4x16x129xf32, #tpu.memory_space<vmem>> -> memref<1x4x8x128xf32, #tpu.memory_space<vmem>>
    %dma_start3A_541 = tpu.memref_squeeze %dma_start3A_540 : memref<1x4x8x128xf32, #tpu.memory_space<vmem>> -> memref<4x8x128xf32, #tpu.memory_space<vmem>>
    %dma_start3A_542 = arith.constant 0 : i32
    %dma_start3A_543 = arith.constant 0 : i32
    %dma_start3A_544 = tpu.memref_slice %arg4[%dma_start3A_535, %dma_start3A_536, %mul3A_4, %dma_start3A_542, %dma_start3A_543] : memref<200x4x128x8x128xf32, #tpu.memory_space<hbm>> -> memref<1x1x4x8x128xf32, #tpu.memory_space<hbm>>
    %dma_start3A_545 = tpu.memref_squeeze %dma_start3A_544 : memref<1x1x4x8x128xf32, #tpu.memory_space<hbm>> -> memref<4x8x128xf32, #tpu.memory_space<hbm>>
    %dma_start3A_546 = arith.constant 0 : i32
    %dma_start3A_547 = arith.constant 0 : i32
    %dma_start3A_548 = tpu.memref_slice %arg4[%dma_start3A_535, %dma_start3A_536, %mul3A_4, %dma_start3A_546, %dma_start3A_547] : memref<200x4x128x8x128xf32, #tpu.memory_space<hbm>> -> memref<1x1x4x8x128xf32, #tpu.memory_space<hbm>>
    %dma_start3A_549 = tpu.memref_squeeze %dma_start3A_548 : memref<1x1x4x8x128xf32, #tpu.memory_space<hbm>> -> memref<4x8x128xf32, #tpu.memory_space<hbm>>
    %dma_start3A_550 = arith.constant 0 : i32
    %dma_start3A_551 = arith.constant 8 : i32
    %dma_start3A_552 = arith.constant 0 : i32
    %dma_start3A_553 = tpu.memref_slice %arg10[%dma_start3A_534, %dma_start3A_550, %dma_start3A_551, %dma_start3A_552] : memref<2x4x16x129xf32, #tpu.memory_space<vmem>> -> memref<1x4x8x128xf32, #tpu.memory_space<vmem>>
    %dma_start3A_554 = tpu.memref_squeeze %dma_start3A_553 : memref<1x4x8x128xf32, #tpu.memory_space<vmem>> -> memref<4x8x128xf32, #tpu.memory_space<vmem>>
    tpu.enqueue_dma source(%dma_start3A_554 : memref<4x8x128xf32, #tpu.memory_space<vmem>>) target(%dma_start3A_549 : memref<4x8x128xf32, #tpu.memory_space<hbm>>) target_semaphore(%arg14 : memref<!tpu.dma_semaphore, #tpu.memory_space<semaphore_mem>>)
    %dma_wait3A_555 = arith.constant 0 : i32
    %dma_wait3A_556 = arith.constant 198 : i32
    %dma_wait3A_557 = arith.constant 0 : i32
    %dma_wait3A_558 = arith.constant 0 : i32
    %dma_wait3A_559 = arith.constant 0 : i32
    %dma_wait3A_560 = arith.constant 0 : i32
    %dma_wait3A_561 = tpu.memref_slice %arg9[%dma_wait3A_555, %dma_wait3A_558, %dma_wait3A_559, %dma_wait3A_560] : memref<2x4x16x129xf32, #tpu.memory_space<vmem>> -> memref<1x4x8x128xf32, #tpu.memory_space<vmem>>
    %dma_wait3A_562 = tpu.memref_squeeze %dma_wait3A_561 : memref<1x4x8x128xf32, #tpu.memory_space<vmem>> -> memref<4x8x128xf32, #tpu.memory_space<vmem>>
    %dma_wait3A_563 = arith.constant 0 : i32
    %dma_wait3A_564 = arith.constant 0 : i32
    %dma_wait3A_565 = tpu.memref_slice %arg4[%dma_wait3A_556, %dma_wait3A_557, %mul3A_4, %dma_wait3A_563, %dma_wait3A_564] : memref<200x4x128x8x128xf32, #tpu.memory_space<hbm>> -> memref<1x1x4x8x128xf32, #tpu.memory_space<hbm>>
    %dma_wait3A_566 = tpu.memref_squeeze %dma_wait3A_565 : memref<1x1x4x8x128xf32, #tpu.memory_space<hbm>> -> memref<4x8x128xf32, #tpu.memory_space<hbm>>
    %dma_wait3A_567 = arith.constant 0 : i32
    %dma_wait3A_568 = arith.constant 0 : i32
    %dma_wait3A_569 = tpu.memref_slice %arg4[%dma_wait3A_556, %dma_wait3A_557, %mul3A_4, %dma_wait3A_567, %dma_wait3A_568] : memref<200x4x128x8x128xf32, #tpu.memory_space<hbm>> -> memref<1x1x4x8x128xf32, #tpu.memory_space<hbm>>
    %dma_wait3A_570 = tpu.memref_squeeze %dma_wait3A_569 : memref<1x1x4x8x128xf32, #tpu.memory_space<hbm>> -> memref<4x8x128xf32, #tpu.memory_space<hbm>>
    %dma_wait3A_571 = arith.constant 0 : i32
    %dma_wait3A_572 = arith.constant 0 : i32
    %dma_wait3A_573 = arith.constant 0 : i32
    %dma_wait3A_574 = tpu.memref_slice %arg9[%dma_wait3A_555, %dma_wait3A_571, %dma_wait3A_572, %dma_wait3A_573] : memref<2x4x16x129xf32, #tpu.memory_space<vmem>> -> memref<1x4x8x128xf32, #tpu.memory_space<vmem>>
    %dma_wait3A_575 = tpu.memref_squeeze %dma_wait3A_574 : memref<1x4x8x128xf32, #tpu.memory_space<vmem>> -> memref<4x8x128xf32, #tpu.memory_space<vmem>>
    tpu.wait_dma2 semaphore(%arg13 : memref<!tpu.dma_semaphore, #tpu.memory_space<semaphore_mem>>) src(%dma_wait3A_575 : memref<4x8x128xf32, #tpu.memory_space<vmem>>) dst(%dma_wait3A_570 : memref<4x8x128xf32, #tpu.memory_space<hbm>>)
    %dma_wait3A_576 = arith.constant 0 : i32
    %dma_wait3A_577 = arith.constant 198 : i32
    %dma_wait3A_578 = arith.constant 1 : i32
    %dma_wait3A_579 = arith.constant 0 : i32
    %dma_wait3A_580 = arith.constant 8 : i32
    %dma_wait3A_581 = arith.constant 0 : i32
    %dma_wait3A_582 = tpu.memref_slice %arg9[%dma_wait3A_576, %dma_wait3A_579, %dma_wait3A_580, %dma_wait3A_581] : memref<2x4x16x129xf32, #tpu.memory_space<vmem>> -> memref<1x4x8x128xf32, #tpu.memory_space<vmem>>
    %dma_wait3A_583 = tpu.memref_squeeze %dma_wait3A_582 : memref<1x4x8x128xf32, #tpu.memory_space<vmem>> -> memref<4x8x128xf32, #tpu.memory_space<vmem>>
    %dma_wait3A_584 = arith.constant 0 : i32
    %dma_wait3A_585 = arith.constant 0 : i32
    %dma_wait3A_586 = tpu.memref_slice %arg4[%dma_wait3A_577, %dma_wait3A_578, %mul3A_4, %dma_wait3A_584, %dma_wait3A_585] : memref<200x4x128x8x128xf32, #tpu.memory_space<hbm>> -> memref<1x1x4x8x128xf32, #tpu.memory_space<hbm>>
    %dma_wait3A_587 = tpu.memref_squeeze %dma_wait3A_586 : memref<1x1x4x8x128xf32, #tpu.memory_space<hbm>> -> memref<4x8x128xf32, #tpu.memory_space<hbm>>
    %dma_wait3A_588 = arith.constant 0 : i32
    %dma_wait3A_589 = arith.constant 0 : i32
    %dma_wait3A_590 = tpu.memref_slice %arg4[%dma_wait3A_577, %dma_wait3A_578, %mul3A_4, %dma_wait3A_588, %dma_wait3A_589] : memref<200x4x128x8x128xf32, #tpu.memory_space<hbm>> -> memref<1x1x4x8x128xf32, #tpu.memory_space<hbm>>
    %dma_wait3A_591 = tpu.memref_squeeze %dma_wait3A_590 : memref<1x1x4x8x128xf32, #tpu.memory_space<hbm>> -> memref<4x8x128xf32, #tpu.memory_space<hbm>>
    %dma_wait3A_592 = arith.constant 0 : i32
    %dma_wait3A_593 = arith.constant 8 : i32
    %dma_wait3A_594 = arith.constant 0 : i32
    %dma_wait3A_595 = tpu.memref_slice %arg9[%dma_wait3A_576, %dma_wait3A_592, %dma_wait3A_593, %dma_wait3A_594] : memref<2x4x16x129xf32, #tpu.memory_space<vmem>> -> memref<1x4x8x128xf32, #tpu.memory_space<vmem>>
    %dma_wait3A_596 = tpu.memref_squeeze %dma_wait3A_595 : memref<1x4x8x128xf32, #tpu.memory_space<vmem>> -> memref<4x8x128xf32, #tpu.memory_space<vmem>>
    tpu.wait_dma2 semaphore(%arg13 : memref<!tpu.dma_semaphore, #tpu.memory_space<semaphore_mem>>) src(%dma_wait3A_596 : memref<4x8x128xf32, #tpu.memory_space<vmem>>) dst(%dma_wait3A_591 : memref<4x8x128xf32, #tpu.memory_space<hbm>>)
    %dma_wait3A_597 = arith.constant 1 : i32
    %dma_wait3A_598 = arith.constant 198 : i32
    %dma_wait3A_599 = arith.constant 2 : i32
    %dma_wait3A_600 = arith.constant 0 : i32
    %dma_wait3A_601 = arith.constant 0 : i32
    %dma_wait3A_602 = arith.constant 0 : i32
    %dma_wait3A_603 = tpu.memref_slice %arg9[%dma_wait3A_597, %dma_wait3A_600, %dma_wait3A_601, %dma_wait3A_602] : memref<2x4x16x129xf32, #tpu.memory_space<vmem>> -> memref<1x4x8x128xf32, #tpu.memory_space<vmem>>
    %dma_wait3A_604 = tpu.memref_squeeze %dma_wait3A_603 : memref<1x4x8x128xf32, #tpu.memory_space<vmem>> -> memref<4x8x128xf32, #tpu.memory_space<vmem>>
    %dma_wait3A_605 = arith.constant 0 : i32
    %dma_wait3A_606 = arith.constant 0 : i32
    %dma_wait3A_607 = tpu.memref_slice %arg4[%dma_wait3A_598, %dma_wait3A_599, %mul3A_4, %dma_wait3A_605, %dma_wait3A_606] : memref<200x4x128x8x128xf32, #tpu.memory_space<hbm>> -> memref<1x1x4x8x128xf32, #tpu.memory_space<hbm>>
    %dma_wait3A_608 = tpu.memref_squeeze %dma_wait3A_607 : memref<1x1x4x8x128xf32, #tpu.memory_space<hbm>> -> memref<4x8x128xf32, #tpu.memory_space<hbm>>
    %dma_wait3A_609 = arith.constant 0 : i32
    %dma_wait3A_610 = arith.constant 0 : i32
    %dma_wait3A_611 = tpu.memref_slice %arg4[%dma_wait3A_598, %dma_wait3A_599, %mul3A_4, %dma_wait3A_609, %dma_wait3A_610] : memref<200x4x128x8x128xf32, #tpu.memory_space<hbm>> -> memref<1x1x4x8x128xf32, #tpu.memory_space<hbm>>
    %dma_wait3A_612 = tpu.memref_squeeze %dma_wait3A_611 : memref<1x1x4x8x128xf32, #tpu.memory_space<hbm>> -> memref<4x8x128xf32, #tpu.memory_space<hbm>>
    %dma_wait3A_613 = arith.constant 0 : i32
    %dma_wait3A_614 = arith.constant 0 : i32
    %dma_wait3A_615 = arith.constant 0 : i32
    %dma_wait3A_616 = tpu.memref_slice %arg9[%dma_wait3A_597, %dma_wait3A_613, %dma_wait3A_614, %dma_wait3A_615] : memref<2x4x16x129xf32, #tpu.memory_space<vmem>> -> memref<1x4x8x128xf32, #tpu.memory_space<vmem>>
    %dma_wait3A_617 = tpu.memref_squeeze %dma_wait3A_616 : memref<1x4x8x128xf32, #tpu.memory_space<vmem>> -> memref<4x8x128xf32, #tpu.memory_space<vmem>>
    tpu.wait_dma2 semaphore(%arg13 : memref<!tpu.dma_semaphore, #tpu.memory_space<semaphore_mem>>) src(%dma_wait3A_617 : memref<4x8x128xf32, #tpu.memory_space<vmem>>) dst(%dma_wait3A_612 : memref<4x8x128xf32, #tpu.memory_space<hbm>>)
    %dma_wait3A_618 = arith.constant 1 : i32
    %dma_wait3A_619 = arith.constant 198 : i32
    %dma_wait3A_620 = arith.constant 3 : i32
    %dma_wait3A_621 = arith.constant 0 : i32
    %dma_wait3A_622 = arith.constant 8 : i32
    %dma_wait3A_623 = arith.constant 0 : i32
    %dma_wait3A_624 = tpu.memref_slice %arg9[%dma_wait3A_618, %dma_wait3A_621, %dma_wait3A_622, %dma_wait3A_623] : memref<2x4x16x129xf32, #tpu.memory_space<vmem>> -> memref<1x4x8x128xf32, #tpu.memory_space<vmem>>
    %dma_wait3A_625 = tpu.memref_squeeze %dma_wait3A_624 : memref<1x4x8x128xf32, #tpu.memory_space<vmem>> -> memref<4x8x128xf32, #tpu.memory_space<vmem>>
    %dma_wait3A_626 = arith.constant 0 : i32
    %dma_wait3A_627 = arith.constant 0 : i32
    %dma_wait3A_628 = tpu.memref_slice %arg4[%dma_wait3A_619, %dma_wait3A_620, %mul3A_4, %dma_wait3A_626, %dma_wait3A_627] : memref<200x4x128x8x128xf32, #tpu.memory_space<hbm>> -> memref<1x1x4x8x128xf32, #tpu.memory_space<hbm>>
    %dma_wait3A_629 = tpu.memref_squeeze %dma_wait3A_628 : memref<1x1x4x8x128xf32, #tpu.memory_space<hbm>> -> memref<4x8x128xf32, #tpu.memory_space<hbm>>
    %dma_wait3A_630 = arith.constant 0 : i32
    %dma_wait3A_631 = arith.constant 0 : i32
    %dma_wait3A_632 = tpu.memref_slice %arg4[%dma_wait3A_619, %dma_wait3A_620, %mul3A_4, %dma_wait3A_630, %dma_wait3A_631] : memref<200x4x128x8x128xf32, #tpu.memory_space<hbm>> -> memref<1x1x4x8x128xf32, #tpu.memory_space<hbm>>
    %dma_wait3A_633 = tpu.memref_squeeze %dma_wait3A_632 : memref<1x1x4x8x128xf32, #tpu.memory_space<hbm>> -> memref<4x8x128xf32, #tpu.memory_space<hbm>>
    %dma_wait3A_634 = arith.constant 0 : i32
    %dma_wait3A_635 = arith.constant 8 : i32
    %dma_wait3A_636 = arith.constant 0 : i32
    %dma_wait3A_637 = tpu.memref_slice %arg9[%dma_wait3A_618, %dma_wait3A_634, %dma_wait3A_635, %dma_wait3A_636] : memref<2x4x16x129xf32, #tpu.memory_space<vmem>> -> memref<1x4x8x128xf32, #tpu.memory_space<vmem>>
    %dma_wait3A_638 = tpu.memref_squeeze %dma_wait3A_637 : memref<1x4x8x128xf32, #tpu.memory_space<vmem>> -> memref<4x8x128xf32, #tpu.memory_space<vmem>>
    tpu.wait_dma2 semaphore(%arg13 : memref<!tpu.dma_semaphore, #tpu.memory_space<semaphore_mem>>) src(%dma_wait3A_638 : memref<4x8x128xf32, #tpu.memory_space<vmem>>) dst(%dma_wait3A_633 : memref<4x8x128xf32, #tpu.memory_space<hbm>>)
    %dma_wait3A_639 = arith.constant 0 : i32
    %dma_wait3A_640 = arith.constant 199 : i32
    %dma_wait3A_641 = arith.constant 0 : i32
    %dma_wait3A_642 = arith.constant 0 : i32
    %dma_wait3A_643 = arith.constant 0 : i32
    %dma_wait3A_644 = arith.constant 0 : i32
    %dma_wait3A_645 = tpu.memref_slice %arg10[%dma_wait3A_639, %dma_wait3A_642, %dma_wait3A_643, %dma_wait3A_644] : memref<2x4x16x129xf32, #tpu.memory_space<vmem>> -> memref<1x4x8x128xf32, #tpu.memory_space<vmem>>
    %dma_wait3A_646 = tpu.memref_squeeze %dma_wait3A_645 : memref<1x4x8x128xf32, #tpu.memory_space<vmem>> -> memref<4x8x128xf32, #tpu.memory_space<vmem>>
    %dma_wait3A_647 = arith.constant 0 : i32
    %dma_wait3A_648 = arith.constant 0 : i32
    %dma_wait3A_649 = tpu.memref_slice %arg4[%dma_wait3A_640, %dma_wait3A_641, %mul3A_4, %dma_wait3A_647, %dma_wait3A_648] : memref<200x4x128x8x128xf32, #tpu.memory_space<hbm>> -> memref<1x1x4x8x128xf32, #tpu.memory_space<hbm>>
    %dma_wait3A_650 = tpu.memref_squeeze %dma_wait3A_649 : memref<1x1x4x8x128xf32, #tpu.memory_space<hbm>> -> memref<4x8x128xf32, #tpu.memory_space<hbm>>
    %dma_wait3A_651 = arith.constant 0 : i32
    %dma_wait3A_652 = arith.constant 0 : i32
    %dma_wait3A_653 = tpu.memref_slice %arg4[%dma_wait3A_640, %dma_wait3A_641, %mul3A_4, %dma_wait3A_651, %dma_wait3A_652] : memref<200x4x128x8x128xf32, #tpu.memory_space<hbm>> -> memref<1x1x4x8x128xf32, #tpu.memory_space<hbm>>
    %dma_wait3A_654 = tpu.memref_squeeze %dma_wait3A_653 : memref<1x1x4x8x128xf32, #tpu.memory_space<hbm>> -> memref<4x8x128xf32, #tpu.memory_space<hbm>>
    %dma_wait3A_655 = arith.constant 0 : i32
    %dma_wait3A_656 = arith.constant 0 : i32
    %dma_wait3A_657 = arith.constant 0 : i32
    %dma_wait3A_658 = tpu.memref_slice %arg10[%dma_wait3A_639, %dma_wait3A_655, %dma_wait3A_656, %dma_wait3A_657] : memref<2x4x16x129xf32, #tpu.memory_space<vmem>> -> memref<1x4x8x128xf32, #tpu.memory_space<vmem>>
    %dma_wait3A_659 = tpu.memref_squeeze %dma_wait3A_658 : memref<1x4x8x128xf32, #tpu.memory_space<vmem>> -> memref<4x8x128xf32, #tpu.memory_space<vmem>>
    tpu.wait_dma2 semaphore(%arg14 : memref<!tpu.dma_semaphore, #tpu.memory_space<semaphore_mem>>) src(%dma_wait3A_659 : memref<4x8x128xf32, #tpu.memory_space<vmem>>) dst(%dma_wait3A_654 : memref<4x8x128xf32, #tpu.memory_space<hbm>>)
    %dma_wait3A_660 = arith.constant 0 : i32
    %dma_wait3A_661 = arith.constant 199 : i32
    %dma_wait3A_662 = arith.constant 1 : i32
    %dma_wait3A_663 = arith.constant 0 : i32
    %dma_wait3A_664 = arith.constant 8 : i32
    %dma_wait3A_665 = arith.constant 0 : i32
    %dma_wait3A_666 = tpu.memref_slice %arg10[%dma_wait3A_660, %dma_wait3A_663, %dma_wait3A_664, %dma_wait3A_665] : memref<2x4x16x129xf32, #tpu.memory_space<vmem>> -> memref<1x4x8x128xf32, #tpu.memory_space<vmem>>
    %dma_wait3A_667 = tpu.memref_squeeze %dma_wait3A_666 : memref<1x4x8x128xf32, #tpu.memory_space<vmem>> -> memref<4x8x128xf32, #tpu.memory_space<vmem>>
    %dma_wait3A_668 = arith.constant 0 : i32
    %dma_wait3A_669 = arith.constant 0 : i32
    %dma_wait3A_670 = tpu.memref_slice %arg4[%dma_wait3A_661, %dma_wait3A_662, %mul3A_4, %dma_wait3A_668, %dma_wait3A_669] : memref<200x4x128x8x128xf32, #tpu.memory_space<hbm>> -> memref<1x1x4x8x128xf32, #tpu.memory_space<hbm>>
    %dma_wait3A_671 = tpu.memref_squeeze %dma_wait3A_670 : memref<1x1x4x8x128xf32, #tpu.memory_space<hbm>> -> memref<4x8x128xf32, #tpu.memory_space<hbm>>
    %dma_wait3A_672 = arith.constant 0 : i32
    %dma_wait3A_673 = arith.constant 0 : i32
    %dma_wait3A_674 = tpu.memref_slice %arg4[%dma_wait3A_661, %dma_wait3A_662, %mul3A_4, %dma_wait3A_672, %dma_wait3A_673] : memref<200x4x128x8x128xf32, #tpu.memory_space<hbm>> -> memref<1x1x4x8x128xf32, #tpu.memory_space<hbm>>
    %dma_wait3A_675 = tpu.memref_squeeze %dma_wait3A_674 : memref<1x1x4x8x128xf32, #tpu.memory_space<hbm>> -> memref<4x8x128xf32, #tpu.memory_space<hbm>>
    %dma_wait3A_676 = arith.constant 0 : i32
    %dma_wait3A_677 = arith.constant 8 : i32
    %dma_wait3A_678 = arith.constant 0 : i32
    %dma_wait3A_679 = tpu.memref_slice %arg10[%dma_wait3A_660, %dma_wait3A_676, %dma_wait3A_677, %dma_wait3A_678] : memref<2x4x16x129xf32, #tpu.memory_space<vmem>> -> memref<1x4x8x128xf32, #tpu.memory_space<vmem>>
    %dma_wait3A_680 = tpu.memref_squeeze %dma_wait3A_679 : memref<1x4x8x128xf32, #tpu.memory_space<vmem>> -> memref<4x8x128xf32, #tpu.memory_space<vmem>>
    tpu.wait_dma2 semaphore(%arg14 : memref<!tpu.dma_semaphore, #tpu.memory_space<semaphore_mem>>) src(%dma_wait3A_680 : memref<4x8x128xf32, #tpu.memory_space<vmem>>) dst(%dma_wait3A_675 : memref<4x8x128xf32, #tpu.memory_space<hbm>>)
    %dma_wait3A_681 = arith.constant 1 : i32
    %dma_wait3A_682 = arith.constant 199 : i32
    %dma_wait3A_683 = arith.constant 2 : i32
    %dma_wait3A_684 = arith.constant 0 : i32
    %dma_wait3A_685 = arith.constant 0 : i32
    %dma_wait3A_686 = arith.constant 0 : i32
    %dma_wait3A_687 = tpu.memref_slice %arg10[%dma_wait3A_681, %dma_wait3A_684, %dma_wait3A_685, %dma_wait3A_686] : memref<2x4x16x129xf32, #tpu.memory_space<vmem>> -> memref<1x4x8x128xf32, #tpu.memory_space<vmem>>
    %dma_wait3A_688 = tpu.memref_squeeze %dma_wait3A_687 : memref<1x4x8x128xf32, #tpu.memory_space<vmem>> -> memref<4x8x128xf32, #tpu.memory_space<vmem>>
    %dma_wait3A_689 = arith.constant 0 : i32
    %dma_wait3A_690 = arith.constant 0 : i32
    %dma_wait3A_691 = tpu.memref_slice %arg4[%dma_wait3A_682, %dma_wait3A_683, %mul3A_4, %dma_wait3A_689, %dma_wait3A_690] : memref<200x4x128x8x128xf32, #tpu.memory_space<hbm>> -> memref<1x1x4x8x128xf32, #tpu.memory_space<hbm>>
    %dma_wait3A_692 = tpu.memref_squeeze %dma_wait3A_691 : memref<1x1x4x8x128xf32, #tpu.memory_space<hbm>> -> memref<4x8x128xf32, #tpu.memory_space<hbm>>
    %dma_wait3A_693 = arith.constant 0 : i32
    %dma_wait3A_694 = arith.constant 0 : i32
    %dma_wait3A_695 = tpu.memref_slice %arg4[%dma_wait3A_682, %dma_wait3A_683, %mul3A_4, %dma_wait3A_693, %dma_wait3A_694] : memref<200x4x128x8x128xf32, #tpu.memory_space<hbm>> -> memref<1x1x4x8x128xf32, #tpu.memory_space<hbm>>
    %dma_wait3A_696 = tpu.memref_squeeze %dma_wait3A_695 : memref<1x1x4x8x128xf32, #tpu.memory_space<hbm>> -> memref<4x8x128xf32, #tpu.memory_space<hbm>>
    %dma_wait3A_697 = arith.constant 0 : i32
    %dma_wait3A_698 = arith.constant 0 : i32
    %dma_wait3A_699 = arith.constant 0 : i32
    %dma_wait3A_700 = tpu.memref_slice %arg10[%dma_wait3A_681, %dma_wait3A_697, %dma_wait3A_698, %dma_wait3A_699] : memref<2x4x16x129xf32, #tpu.memory_space<vmem>> -> memref<1x4x8x128xf32, #tpu.memory_space<vmem>>
    %dma_wait3A_701 = tpu.memref_squeeze %dma_wait3A_700 : memref<1x4x8x128xf32, #tpu.memory_space<vmem>> -> memref<4x8x128xf32, #tpu.memory_space<vmem>>
    tpu.wait_dma2 semaphore(%arg14 : memref<!tpu.dma_semaphore, #tpu.memory_space<semaphore_mem>>) src(%dma_wait3A_701 : memref<4x8x128xf32, #tpu.memory_space<vmem>>) dst(%dma_wait3A_696 : memref<4x8x128xf32, #tpu.memory_space<hbm>>)
    %dma_wait3A_702 = arith.constant 1 : i32
    %dma_wait3A_703 = arith.constant 199 : i32
    %dma_wait3A_704 = arith.constant 3 : i32
    %dma_wait3A_705 = arith.constant 0 : i32
    %dma_wait3A_706 = arith.constant 8 : i32
    %dma_wait3A_707 = arith.constant 0 : i32
    %dma_wait3A_708 = tpu.memref_slice %arg10[%dma_wait3A_702, %dma_wait3A_705, %dma_wait3A_706, %dma_wait3A_707] : memref<2x4x16x129xf32, #tpu.memory_space<vmem>> -> memref<1x4x8x128xf32, #tpu.memory_space<vmem>>
    %dma_wait3A_709 = tpu.memref_squeeze %dma_wait3A_708 : memref<1x4x8x128xf32, #tpu.memory_space<vmem>> -> memref<4x8x128xf32, #tpu.memory_space<vmem>>
    %dma_wait3A_710 = arith.constant 0 : i32
    %dma_wait3A_711 = arith.constant 0 : i32
    %dma_wait3A_712 = tpu.memref_slice %arg4[%dma_wait3A_703, %dma_wait3A_704, %mul3A_4, %dma_wait3A_710, %dma_wait3A_711] : memref<200x4x128x8x128xf32, #tpu.memory_space<hbm>> -> memref<1x1x4x8x128xf32, #tpu.memory_space<hbm>>
    %dma_wait3A_713 = tpu.memref_squeeze %dma_wait3A_712 : memref<1x1x4x8x128xf32, #tpu.memory_space<hbm>> -> memref<4x8x128xf32, #tpu.memory_space<hbm>>
    %dma_wait3A_714 = arith.constant 0 : i32
    %dma_wait3A_715 = arith.constant 0 : i32
    %dma_wait3A_716 = tpu.memref_slice %arg4[%dma_wait3A_703, %dma_wait3A_704, %mul3A_4, %dma_wait3A_714, %dma_wait3A_715] : memref<200x4x128x8x128xf32, #tpu.memory_space<hbm>> -> memref<1x1x4x8x128xf32, #tpu.memory_space<hbm>>
    %dma_wait3A_717 = tpu.memref_squeeze %dma_wait3A_716 : memref<1x1x4x8x128xf32, #tpu.memory_space<hbm>> -> memref<4x8x128xf32, #tpu.memory_space<hbm>>
    %dma_wait3A_718 = arith.constant 0 : i32
    %dma_wait3A_719 = arith.constant 8 : i32
    %dma_wait3A_720 = arith.constant 0 : i32
    %dma_wait3A_721 = tpu.memref_slice %arg10[%dma_wait3A_702, %dma_wait3A_718, %dma_wait3A_719, %dma_wait3A_720] : memref<2x4x16x129xf32, #tpu.memory_space<vmem>> -> memref<1x4x8x128xf32, #tpu.memory_space<vmem>>
    %dma_wait3A_722 = tpu.memref_squeeze %dma_wait3A_721 : memref<1x4x8x128xf32, #tpu.memory_space<vmem>> -> memref<4x8x128xf32, #tpu.memory_space<vmem>>
    tpu.wait_dma2 semaphore(%arg14 : memref<!tpu.dma_semaphore, #tpu.memory_space<semaphore_mem>>) src(%dma_wait3A_722 : memref<4x8x128xf32, #tpu.memory_space<vmem>>) dst(%dma_wait3A_717 : memref<4x8x128xf32, #tpu.memory_space<hbm>>)
    return
  }
}

</mosaic_0001>

<sc_bundles>
// kernel: kernel.3.cloned.1.call-start
scs
__scs_entry_jumppad:
0x0: {  	(pc) =	sbr.rel $0x88, $3  }
0x1: {  	(tag) =	ssettag $0x0;
	lr =	simm.s32 $0x1  }
0x2: {  	[smem:$0x3F9F] =	sst lr;
	_ =	strace $0xD0000000  }
0x3: {  	_ = 	snop  }
0x4: {  	_ = 	snop  }
0x5: {  	_ = 	snop  }
0x6: {  	_ = 	snop  }
0x7: {  	_ = 	snop  }
__scs_overlays_trampoline_lowered:
0x8: {  	[smem:$0x3FAE] =	sst s0  }
0x9: {  	[smem:$0x3FAF] =	sst s1  }
0xa: {  	[smem:$0x3FB0] =	sst s2  }
0xb: {  	[smem:$0x3FB1] =	sst s3  }
0xc: {  	[smem:$0x3FB2] =	sst s4  }
0xd: {  	[smem:$0x3FB3] =	sst s5  }
0xe: {  	[smem:$0x3FB4] =	sst s6  }
0xf: {  	[smem:$0x3FB5] =	sst s7  }
0x10: {  	[smem:$0x3FB6] =	sst s8  }
0x11: {  	[smem:$0x3FB7] =	sst s9;
	s0 =	simm.s32 @!p0 $0x0  }
0x12: {  	s1 =	sld [smem:$0x3F9D];
	s0 =	simm.s32 @p0 $0x1  }
0x13: {  	[smem:$0x3FB8] =	sst s0;
	s0 =	simm.s32 @!p1 $0x0  }
0x14: {  	s2 =	sld [smem:$0x3F9C];
	s0 =	simm.s32 @p1 $0x1  }
0x15: {  	[smem:$0x3FB9] =	sst s0;
	s0 =	simm.s32 @!p2 $0x0  }
0x16: {  	s3 =	sld [smem:$0x3FDB];
	s0 =	simm.s32 @p2 $0x1  }
0x17: {  	s4 =	simm.s32 $0x1BF5;
	[smem:$0x3FBB] =	sst s0  }
0x18: {  	s0 =	sld [smem:$0x3F9E];
	_ =	swait.ge [sflag:s4], $0x0  }
0x19: {  	s7 =	sld [smem:$0x3F9F]  }
0x1a: {  	s8 =	sadd.s32 $0xFFFFE003, lr  }
0x1b: {  	s9 =	sadd.s32 $0xFFFFFEF7, lr;
	s5 =	simm.s32 $0xFFFFFFFF;
	p2 =	slt.u32 s8, $0xFFFFF086  }
0x1c: {  	p1 =	slt.u32 s9, $0xF7A;
	s5 =	simm.s32 @!p2 $0x0  }
0x1d: {  	s5 =	simm.s32 @p1 $0x1;
	p0 =	seq.s32 s7, s2  }
0x1e: {  	s7 =	smul.u32 @!p0 $0xF7A, s2;
	p2 =	seq.s32 @!p0 s5, $0x0  }
0x1f: {  	s9 =	smul.u32 $0xF7A, s1;
	s8 =	simm.s32 @!p0 $0x1BF5;
	p2 =	por !p2, p0  }
0x20: {  	[sflag:s8] =	ssyncset.s32 @!p0 $0xFFFFF086;
	s6 =	sadd.s32 @!p0 s3, s7;
	s7 =	simm.s32 @!p0 $0x108  }
0x21: {  	s3 =	sadd.s32 s3, s9;
	s6 =	sadd.s32 @!p0 $0x88, s6;
	s7 =	simm.s32 @p2 $0x1082  }
0x22: {  	[simem:s7], [sflag:s8] =	dma.local @!p0 [hbm:s6], $0xF7A  }
0x23: {  	s9 =	sor.u32 $0xD0000000, s2;
	s6 =	simm.s32 $0x108;
	_ =	swait.ge @!p0 [sflag:s8], $0x0  }
0x24: {  	s3 =	sadd.s32 $0x88, s3;
	s6 =	simm.s32 @!p1 $0x1082;
	[sflag:s4] =	ssyncset.s32 $0xFFFFF086  }
0x25: {  	[simem:s6], [sflag:s4] =	dma.local [hbm:s3], $0xF7A  }
0x26: {  	[smem:$0x3F9F] =	sst s1;
	(tag) =	ssettag s2;
	_ =	strace s9  }
0x27: {  	s1 =	sld [smem:$0x3FAF]  }
0x28: {  	s2 =	sld [smem:$0x3FB0]  }
0x29: {  	s4 =	sld [smem:$0x3FB2]  }
0x2a: {  	p0 =	seq.s32 s5, $0x0;
	s5 =	sld [smem:$0x3FB3]  }
0x2b: {  	s6 =	sld [smem:$0x3FB4]  }
0x2c: {  	s7 =	sld [smem:$0x3FB5]  }
0x2d: {  	s3 =	simm.s32 $0x108;
	s8 =	sld [smem:$0x3FB6]  }
0x2e: {  	s3 =	simm.s32 @!p0 $0x1082;
	s9 =	sld [smem:$0x3FB7]  }
0x2f: {  	lr =	sadd.s32 s0, s3;
	s0 =	sld [smem:$0x3FAE]  }
0x30: {  	s3 =	sld [smem:$0x3FB1]  }
0x31: {  	[smem:$0x3FBA] =	sst s10  }
0x32: {  	s10 =	sld [smem:$0x3FB8];
	_ =	sdelay $0x3  }
0x33: {  	p0 =	seq.s32 s10, $0x1;
	s10 =	sld [smem:$0x3FBA];
	_ =	sdelay $0x3  }
0x34: {  	[smem:$0x3FBA] =	sst s10  }
0x35: {  	s10 =	sld [smem:$0x3FB9];
	_ =	sdelay $0x3  }
0x36: {  	p1 =	seq.s32 s10, $0x1;
	s10 =	sld [smem:$0x3FBA];
	_ =	sdelay $0x3  }
0x37: {  	[smem:$0x3FBA] =	sst s10  }
0x38: {  	s10 =	sld [smem:$0x3FBB]  }
0x39: {  	_ = 	snop;
	(pc) =	sbr.ind lr, $3  }
0x3a: {  	_ = 	snop  }
0x3b: {  	_ = 	snop  }
0x3c: {  	p2 =	seq.s32 s10, $0x1;
	s10 =	sld [smem:$0x3FBA]  }
0x3d: {  	_ =	shalt  }
0x3e: {  	_ =	shalt  }
0x3f: {  	_ =	shalt  }
0x40: {  	_ =	shalt  }
0x41: {  	_ =	shalt  }
0x42: {  	_ =	shalt  }
0x43: {  	_ =	shalt  }
0x44: {  	_ =	shalt  }
0x45: {  	_ =	shalt  }
0x46: {  	_ =	shalt  }
0x47: {  	_ =	shalt  }
0x48: {  	_ =	shalt  }
0x49: {  	_ =	shalt  }
0x4a: {  	_ =	shalt  }
0x4b: {  	_ =	shalt  }
0x4c: {  	_ =	shalt  }
0x4d: {  	_ =	shalt  }
0x4e: {  	_ =	shalt  }
0x4f: {  	_ =	shalt  }
0x50: {  	_ =	shalt  }
0x51: {  	_ =	shalt  }
0x52: {  	_ =	shalt  }
0x53: {  	_ =	shalt  }
0x54: {  	_ =	shalt  }
0x55: {  	_ =	shalt  }
0x56: {  	_ =	shalt  }
0x57: {  	_ =	shalt  }
0x58: {  	_ =	shalt  }
0x59: {  	_ =	shalt  }
0x5a: {  	_ =	shalt  }
0x5b: {  	_ =	shalt  }
0x5c: {  	_ =	shalt  }
0x5d: {  	_ =	shalt  }
0x5e: {  	_ =	shalt  }
0x5f: {  	_ =	shalt  }
0x60: {  	_ =	shalt  }
0x61: {  	_ =	shalt  }
0x62: {  	_ =	shalt  }
0x63: {  	_ =	shalt  }
0x64: {  	_ =	shalt  }
0x65: {  	_ =	shalt  }
0x66: {  	_ =	shalt  }
0x67: {  	_ =	shalt  }
0x68: {  	_ =	shalt  }
0x69: {  	_ =	shalt  }
0x6a: {  	_ =	shalt  }
0x6b: {  	_ =	shalt  }
0x6c: {  	_ =	shalt  }
0x6d: {  	_ =	shalt  }
0x6e: {  	_ =	shalt  }
0x6f: {  	_ =	shalt  }
0x70: {  	_ =	shalt  }
0x71: {  	_ =	shalt  }
0x72: {  	_ =	shalt  }
0x73: {  	_ =	shalt  }
0x74: {  	_ =	shalt  }
0x75: {  	_ =	shalt  }
0x76: {  	_ =	shalt  }
0x77: {  	_ =	shalt  }
0x78: {  	_ =	shalt  }
0x79: {  	_ =	shalt  }
0x7a: {  	_ =	shalt  }
0x7b: {  	_ =	shalt  }
0x7c: {  	_ =	shalt  }
0x7d: {  	_ =	shalt  }
0x7e: {  	_ =	shalt  }
0x7f: {  	_ =	shalt  }
0x80: {  	_ =	shalt  }
0x81: {  	_ =	shalt  }
0x82: {  	_ =	shalt  }
0x83: {  	_ =	shalt  }
0x84: {  	_ =	shalt  }
0x85: {  	_ =	shalt  }
0x86: {  	_ =	shalt  }
0x87: {  	_ =	shalt  }
.Lfunc_end0:
.L_simem_size_0:
called_computation_lowered:
.L_overlay_start_0:
0x88: {  	s2 =	sld [smem:$0x3FD9]  }
0x89: {  	s3 =	sld [smem:$0x3FFE];
	_ =	sdelay $0x1  }
0x8a: {  	s1 =	srdreg.scid  }
0x8b: {  	s0 =	sand.u32 $0x1, s1  }
0x8c: {  	s17 =	sshll.u32 s0, $0xA;
	s2 =	sadd.s32 s3, s2  }
0x8d: {  	s2 =	sadd.s32 s2, s17  }
0x8e: {  	[smem:$0x3FC6] =	sst s2  }
0x8f: {  	_ = 	snop  }
0x90: {  	s2 =	sld [smem:$0x3FD0];
	(tm) =	ssettm $0x1  }
0x91: {  	s18 =	sld [smem:$0x3FFB];
	_ =	sdelay $0x3  }
0x92: {  	_ =	strace s18  }
0x93: {  	s3 =	sld [smem:$0x3FFC];
	_ =	sdelay $0x3  }
0x94: {  	_ =	strace s3  }
0x95: {  	s3 =	sld [smem:$0x3FFD];
	_ =	sdelay $0x3  }
0x96: {  	_ =	strace s3  }
0x97: {  	_ =	strace $0x8FFFFFFF  }
0x98: {  	s19 =	sld [smem:$0x3FDB];
	_ =	sdelay $0x1  }
0x99: {  	s4 =	simm.s32 $_scs_section_size  }
0x9a: {  	s5 =	simm.s32 $_size__tile_overlayer_lowered;
	s6 =	simm.s32 $_tile_overlayer_lowered  }
0x9b: {  	s22 =	simm.s32 $0x1BFF;
	s21 =	sshll.u32 s6, $0x1;
	s3 =	sadd.s32 s4, s19  }
0x9c: {  	s7 =	simm.s32 $0x0;
	s20 =	sshll.u32 s5, $0x1;
	s5 =	sadd.s32 s21, s3  }
0x9d: {  	[timem:s7], [sflag:s22] =	dma.local [hbm:s5], s20  }
0x9e: {  	_ =	swait.ge [sflag:s22], s20  }
0x9f: {  	s4 =	ssub.s32 $0x0, s20;
	[sflag:s22] =	ssyncset.done $0x0  }
0xa0: {  	[sflag:s22] =	ssyncadd.s32 s4;
	_ =	sdelay $0x1  }
0xa1: {  	s23 =	simm.s32 $0x1B8B  }
0xa2: {  	_ =	swait.ge [sflag:s23], $0x1  }
0xa3: {  	[sflag:s23] =	ssyncset.done $0x0  }
0xa4: {  	s25 =	simm.s32 $0x1B8E;
	s24 =	sld [smem:$0x3FFE];
	[sflag:s23] =	ssyncadd.s32 $0xFFFFFFFF  }
0xa5: {  	s26 =	simm.s32 $execute0_lowered;
	[smem:$0x3FD2] =	sst s25  }
0xa6: {  	s5 =	sshll.u32 s26, $0x1;
	_ =	strace $0x80000046;
	[dreg:$0x1] =	wrdreg $0xFFFFFFFF  }
0xa7: {  	s28 =	simm.s32 $_size_execute0_lowered;
	s3 =	sadd.s32 s3, s5;
	[dreg:$0x0] =	wrdreg $0x0  }
0xa8: {  	s5 =	sshll.u32 s28, $0x1;
	[dreg:$0x2] =	wrdreg s3  }
0xa9: {  	[dreg:$0x3] =	wrdreg s5  }
0xaa: {  	[dreg:$0x4] =	wrdreg $0xC0  }
0xab: {  	_ =	task [dreg:s7], $0x5FFFF  }
0xac: {  	[dreg:$0x1] =	wrdreg $0xFFFFFFFF  }
0xad: {  	[dreg:$0x0] =	wrdreg $0x60  }
0xae: {  	[dreg:$0x2] =	wrdreg s24  }
0xaf: {  	[dreg:$0x3] =	wrdreg s2  }
0xb0: {  	[dreg:$0x4] =	wrdreg $0x9  }
0xb1: {  	_ =	task.clear_ibuf [dreg:s7], $0x5FFFF;
	_ =	strace $0x90000046  }
0xb2: {  	s29 =	simm.s32 $0x9;
	_ =	strace $0x80000048  }
0xb3: {  	_ =	swait.ge [sflag:s29], $0x1  }
0xb4: {  	[sflag:s29] =	ssyncadd.s32 $0xFFFFFFFF  }
0xb5: {  	_ =	strace $0x90000048  }
0xb6: {  	_ =	sfence  }
0xb7: {  	s30 =	sld [smem:$0x0];
	_ =	sdelay $0x2  }
0xb8: {  	s31 =	sshll.u32 s1, $0xD;
	s1 =	sshrl.u32 s1, $0x2  }
0xb9: {  	s3 =	sand.u32 $0x4000, s31;
	s1 =	sadd.s32 s1, s30  }
0xba: {  	s0 =	sor.u32 s3, s0;
	s1 =	sshll.u32 s1, $0x11  }
0xbb: {  	s0 =	sor.u32 s1, s0  }
0xbc: {  	s0 =	sadd.s32 $0x8F2B, s0  }
0xbd: {  	[sflag:s0] =	ssyncadd.remote.s32 $0x1  }
0xbe: {  	_ =	sfence.sel $0xFFFF  }
0xbf: {  	[dreg:$0x0] =	wrdreg $0xFFFFFFFF;
	(pc) =	sbr.abs _section_cstart, $3  }
0xc0: {  	[dreg:$0x1] =	wrdreg $0xFFFFFFFF  }
0xc1: {  	_ =	task.clear_ibuf [dreg:s7], $0x2FFFF;
	_ =	strace $0x9FFFFFFF  }
0xc2: {  	(tm) =	ssettm $0x7FFFFFFF  }
0xc3: {  	_ =	shalt  }
tec
execute0_lowered:
.L_overlay_start_1:
0x0: {  	(tag) =	ssettag $0x1  }
0x1: {  	s0 =	rddreg [dreg:$0x0]  }
0x2: {  	s7 =	rddreg [dreg:$0x1]  }
0x3: {  	s3 =	simm.s32 $0x0;
	s1 =	srdreg.scid;
	s2 =	stileid.u32  }
0x4: {  	[smem:$0x7FF] =	sst s3;
	s1 =	sand.u32 $0x1, s1;
	s2 =	sshll.u32 s2, $0x1  }
0x5: {  	s4 =	sadd.s32 $0x600, s0;
	s6 =	ssub.s32 $0x2, s1;
	s1 =	sor.u32 s1, s2  }
0x6: {  	s5 =	sadd.s32 $0xF42A00, s0;
	s12 =	sadd.s32 $0xC000, s7;
	s2 =	sshll.u32 s1, $0x6  }
0x7: {  	_ =	strace $0x80000047;
	s30 =	sshrl.u32 s6, $0x1;
	s31 =	sadd.s32 s4, s2  }
0x8: {  	s11 =	ssub.s32 s6, s30;
	s2 =	sadd.s32 $0x800, s31;
	[dreg:$0x3] =	wrdreg s31  }
0x9: {  	s6 =	sshll.u32 s1, $0x9;
	s0 =	sadd.s32 $0x1000, s31;
	[dreg:$0x4] =	wrdreg s2  }
0xa: {  	s8 =	sadd.s32 $0x4000, s7;
	s10 =	sadd.s32 s6, s12;
	[dreg:$0x5] =	wrdreg s0  }
0xb: {  	s14 =	sadd.s32 $0x14000, s7;
	s1 =	sadd.s32 $0x1800, s31;
	[dreg:$0x8] =	wrdreg s10  }
0xc: {  	s9 =	sadd.s32 $0x8000, s7;
	s15 =	sadd.s32 s6, s14;
	[dreg:$0x9] =	wrdreg s1  }
0xd: {  	s16 =	sadd.s32 $0x18000, s7;
	s19 =	smax.u32 s11, $0x1;
	[dreg:$0xb] =	wrdreg s15  }
0xe: {  	s18 =	sadd.s32 $0x1C000, s7;
	s20 =	sor.u32 $0x8000, s6;
	[dreg:$0xe] =	wrdreg s19  }
0xf: {  	s17 =	smov.u32 s14;
	s21 =	sor.u32 $0xC000, s6;
	[dreg:$0x10] =	wrdreg s20  }
0x10: {  	s25 =	smov.u32 s16;
	s13 =	sadd.s32 s7, s6;
	[dreg:$0x11] =	wrdreg s21  }
0x11: {  	s14 =	simm.s32 $0x1;
	s2 =	sadd.s32 s6, s8;
	[dreg:$0xd] =	wrdreg s13  }
0x12: {  	s0 =	smov.u32 s8;
	s8 =	sadd.s32 s6, s9;
	[dreg:$0x6] =	wrdreg s2  }
0x13: {  	s11 =	simm.s32 $0x8400;
	s22 =	sadd.s32 $0xC60000, s13;
	[dreg:$0x7] =	wrdreg s8  }
0x14: {  	s10 =	smov.u32 s18;
	s23 =	sadd.s32 $0xC64000, s13;
	[dreg:$0x12] =	wrdreg s22  }
0x15: {  	s24 =	sadd.s32 $0xC68000, s13;
	s26 =	sadd.s32 $0xC6C000, s13;
	[dreg:$0x13] =	wrdreg s23  }
0x16: {  	s28 =	sadd.s32 $0xC70000, s13;
	s29 =	sadd.s32 $0xC74000, s13;
	[dreg:$0x14] =	wrdreg s24  }
0x17: {  	s30 =	sadd.s32 $0xC78000, s13;
	s31 =	sadd.s32 $0xC7C000, s13;
	[dreg:$0x15] =	wrdreg s26  }
0x18: {  	s15 =	simm.s32 $0x2;
	s13 =	simm.s32 $0x4;
	[dreg:$0x16] =	wrdreg s28  }
0x19: {  	s19 =	simm.s32 $0x0;
	s2 =	smov.u32 s9;
	[dreg:$0x17] =	wrdreg s29  }
0x1a: {  	s8 =	smov.u32 s12;
	s12 =	sadd.s32 $0x10000, s7;
	[dreg:$0x18] =	wrdreg s30  }
0x1b: {  	v0 =	vlaneseq.u32;
	[dreg:$0x19] =	wrdreg s31;
	s7 =	simm.s32 $0x5;
	s1 =	sadd.s32 s6, s12  }
0x1c: {  	v0 =	vmul.u32 $0x88, v0;
	s9 =	smov.u32 s12;
	[dreg:$0xa] =	wrdreg s1;
	s1 =	sadd.s32 s6, s16  }
0x1d: {  	v1 =	vimm.s32 $0x0;
	vm0 =	vcmask $0x300;
	s12 =	simm.s32 $0xC800;
	[dreg:$0xc] =	wrdreg s1;
	s1 =	sadd.s32 s6, s18  }
0x1e: {  	v1 =	vsel vm0, $0x3, v1;
	v2 =	vadd.s32 $0x2200, v0;
	s16 =	simm.s32 $0x3;
	[dreg:$0xf] =	wrdreg s1;
	s1 =	simm.s32 $0x200  }
.LBB2_1:
0x1f: {  	[dreg:$0x1a] =	wrdreg s19  }
0x20: {  	s18 =	rddreg [dreg:$0x3];
	s24 =	simm.s32 $0x400  }
0x21: {  	[tilespmem:s3], [sflag:$0x5] =	stream.linear.gather [hbm4b:s18+s3], $0x200, $0x38;
	[tilespmem:$0x10C00] =	vst v63  }
0x22: {  	s29 =	simm.s32 $0x0;
	s21 =	simm.s32 $0x1;
	_ =	swait.ge [sflag:s7], $0x200  }
0x23: {  	s22 =	simm.s32 $0x7;
	s30 =	simm.s32 $0x4;
	[sflag:s7] =	ssyncset.done $0x0  }
0x24: {  	s18 =	simm.s32 $0x0;
	s31 =	sand.u32 $0x78, s21;
	[sflag:s7] =	ssyncadd.s32 $0xFFFFFE00  }
0x25: {  	[tilespmem:s24], [sflag:$0x1] =	stream.indirect.gather [hbm4b:s5+s1], $0x20, s3, s1, $0xb8;
	[tilespmem:$0x10C00] =	vst v63  }
0x26: {  	s22 =	sand.u32 $0x78, s22;
	s19 =	sand.u32 $0x78, s30;
	s26 =	rddreg [dreg:$0x4]  }
0x27: {  	v3 =	vmov s29;
	[tilespmem:s1], [sflag:$0x5] =	stream.linear.gather [hbm4b:s26+s3], $0x200, $0x38;
	[tilespmem:$0x10C00] =	vst v63  }
0x28: {  	s29 =	simm.s32 $0x2;
	s20 =	sand.u32 $0x78, s18;
	v3 =	vmul.u32 $0x880, v3;
	v5 =	vmov s22;
	v6 =	vmov s31;
	_ =	swait.ge [sflag:s7], $0x200  }
0x29: {  	v7 =	vmov s19;
	s30 =	sand.u32 $0x78, s29;
	v4 =	vmov s20;
	v6 =	vshrl.u32 v6, $0x3;
	[sflag:s7] =	ssyncset.done $0x0  }
0x2a: {  	s28 =	simm.s32 $0x4400;
	v5 =	vshrl.u32 v5, $0x3;
	v11 =	vmov s30;
	v4 =	vshrl.u32 v4, $0x3;
	[sflag:s7] =	ssyncadd.s32 $0xFFFFFE00  }
0x2b: {  	v3 =	vbroadcast v3, $0x0;
	v6 =	vshll.u32 v6, v1;
	v5 =	vshll.u32 v5, v1;
	[tilespmem:s28], [sflag:$0x2] =	stream.indirect.gather [hbm4b:s5+s1], $0x20, s1, s1, $0xb8;
	[tilespmem:$0x10C00] =	vst v63  }
0x2c: {  	s23 =	simm.s32 $0x6;
	v11 =	vshrl.u32 v11, $0x3;
	v4 =	vshll.u32 v4, v1;
	v19 =	vbroadcast v6, $0x0;
	_ =	swait.ge [sflag:s14], $0x4000  }
0x2d: {  	v6 =	vshrl.u32 v7, $0x3;
	v4 =	vbroadcast v4, $0x0;
	v10 =	vadd.s32 v0, v3;
	s26 =	sand.u32 $0x78, s23;
	[sflag:s14] =	ssyncset.done $0x0  }
0x2e: {  	s19 =	simm.s32 $0x480;
	v3 =	vadd.s32 v2, v3;
	v7 =	vadd.s32 v10, v19;
	v9 =	vmov s26;
	[sflag:s14] =	ssyncadd.s32 $0xFFFFC000  }
0x2f: {  	v16 =	vadd.s32 v4, v3;
	v13 =	vadd.s32 v4, v10;
	v9 =	vshrl.u32 v9, $0x3;
	v12 =	vld [tilespmem:s19+$0xFFFFFF80]  }
0x30: {  	s24 =	simm.s32 $0x3;
	v4 =	vshll.u32 v6, v1;
	v15 =	vor.u32 $0x1, v7;
	v6 =	vshll.u32 v9, v1  }
0x31: {  	s31 =	simm.s32 $0x5;
	v7 =	vbroadcast v5, $0x0;
	v5 =	vshll.u32 v11, v1;
	s28 =	sand.u32 $0x78, s24;
	v6 =	vbroadcast v6, $0x0  }
0x32: {  	s20 =	sand.u32 $0x78, s31;
	v17 =	vbroadcast v4, $0x0;
	v25 =	vbroadcast v5, $0x0;
	v8 =	vmov s28;
	v14 =	vld [tilespmem:s19+$0xFFFFFFA0]  }
0x33: {  	v9 =	vmov s20;
	v8 =	vshrl.u32 v8, $0x3;
	v11 =	vadd.s32 v10, v6;
	v4 =	vld [tilespmem:s19+$0xFFFFFFC0]  }
0x34: {  	v9 =	vshrl.u32 v9, $0x3;
	v11 =	vor.u32 $0x6, v11;
	v8 =	vshll.u32 v8, v1;
	v18 =	vld [tilespmem:s19+$0x40];
	[tilespmem:v13+s11+$0x0] =	vst.idx.msk $0xffff, v12  }
0x35: {  	v22 =	vadd.s32 v3, v17;
	v23 =	vbroadcast v8, $0x0;
	v12 =	vadd.s32 v10, v17;
	v20 =	vld [tilespmem:s19+$0xFFFFFF90]  }
0x36: {  	v9 =	vshll.u32 v9, v1;
	v24 =	vld [tilespmem:s19+$0x0];
	v8 =	vadd.s32 v3, v6;
	v21 =	vor.u32 $0x4, v12  }
0x37: {  	v5 =	vor.u32 $0x6, v8;
	v8 =	vadd.s32 v10, v7;
	[tilespmem:v15+s11+$0x0] =	vst.idx.msk $0xffff, v14;
	v14 =	vadd.s32 v10, v23;
	v15 =	vld [tilespmem:s19+$0x60]  }
0x38: {  	v17 =	vor.u32 $0x7, v8;
	v8 =	vadd.s32 v10, v25;
	v13 =	vld [tilespmem:s19+$0xFFFFFFE0];
	v12 =	vbroadcast v9, $0x0  }
0x39: {  	[tilespmem:v11+s11+$0x0] =	vst.idx.msk $0xffff, v18;
	v18 =	vadd.s32 v3, v25;
	v6 =	vld [tilespmem:s19+$0xFFFFFFB0];
	v14 =	vor.u32 $0x3, v14;
	v11 =	vor.u32 $0x2, v8  }
0x3a: {  	v8 =	vor.u32 $0x4, v22;
	v9 =	vadd.s32 v3, v12;
	v12 =	vadd.s32 v10, v12;
	v10 =	vld [tilespmem:s19+$0x50];
	[tilespmem:v16+s11+$0x0] =	vst.idx.msk $0xffff, v20  }
0x3b: {  	s20 =	simm.s32 $0x580;
	v12 =	vor.u32 $0x5, v12;
	v16 =	vld [tilespmem:s19+$0x20];
	v20 =	vadd.s32 v3, v19;
	v19 =	vadd.s32 v3, v23;
	[tilespmem:v21+s11+$0x0] =	vst.idx.msk $0xffff, v24  }
.LBB2_2:
0x3c: {  	s21 =	sadd.s32 $0x9, s18  }
0x3d: {  	s22 =	sadd.s32 $0xF, s18;
	v20 =	vor.u32 $0x1, v20;
	v21 =	vld [tilespmem:s19+$0x10];
	v3 =	vadd.s32 v3, v7;
	s23 =	smov.u32 s18;
	s18 =	sadd.s32 $0x8, s18  }
0x3e: {  	v7 =	vor.u32 $0x2, v18;
	v18 =	vor.u32 $0x3, v19;
	s26 =	sshrl.u32 s18, $0x7;
	s28 =	sand.u32 $0x78, s18;
	s24 =	sadd.s32 $0xC, s23;
	[tilespmem:v17+s11+$0x0] =	vst.idx.msk $0xffff, v15;
	v15 =	vor.u32 $0x7, v3  }
0x3f: {  	v9 =	vor.u32 $0x5, v9;
	s21 =	sand.u32 $0x78, s21;
	s22 =	sand.u32 $0x78, s22;
	v3 =	vmov s26;
	v17 =	vmov s28;
	s26 =	sadd.s32 $0xE, s23;
	[tilespmem:v14+s11+$0x0] =	vst.idx.msk $0xffff, v13  }
0x40: {  	s24 =	sand.u32 $0x78, s24;
	s28 =	sadd.s32 $0xD, s23;
	v14 =	vmov s22;
	v13 =	vshrl.u32 v17, $0x3;
	v3 =	vmul.u32 $0x880, v3;
	s26 =	sand.u32 $0x78, s26;
	[tilespmem:v12+s11+$0x0] =	vst.idx.msk $0xffff, v16;
	v12 =	vld [tilespmem:s19+$0x70]  }
0x41: {  	s22 =	sadd.s32 $0xB, s23;
	v16 =	vmov s21;
	s21 =	sadd.s32 $0xA, s23;
	v17 =	vmov s24;
	s23 =	sand.u32 $0x78, s28;
	v13 =	vshll.u32 v13, v1;
	[tilespmem:v11+s11+$0x0] =	vst.idx.msk $0xffff, v4;
	v4 =	vld [tilespmem:s19+$0x30]  }
0x42: {  	p0 =	slt.u32 s18, $0x1F8;
	s22 =	sand.u32 $0x78, s22;
	s21 =	sand.u32 $0x78, s21;
	v3 =	vbroadcast v3, $0x0;
	v11 =	vbroadcast v13, $0x0;
	v13 =	vshrl.u32 v16, $0x3;
	[tilespmem:v20+s11+$0x0] =	vst.idx.msk $0xffff, v6;
	v6 =	vld [tilespmem:s19+$0xFFFFFFD0]  }
0x43: {  	v14 =	vshrl.u32 v14, $0x3;
	v19 =	vmov s26;
	v16 =	vmov s22;
	v20 =	vld [tilespmem:s19+$0xFFFFFFF0];
	[tilespmem:v5+s11+$0x0] =	vst.idx.msk $0xffff, v10;
	s19 =	smov.u32 s20  }
0x44: {  	v5 =	vshrl.u32 v19, $0x3;
	v10 =	vadd.s32 v0, v3;
	v3 =	vadd.s32 v2, v3;
	[tilespmem:v8+s11+$0x0] =	vst.idx.msk $0xffff, v21  }
0x45: {  	v14 =	vshll.u32 v14, v1;
	v8 =	vshll.u32 v13, v1;
	v13 =	vmov s21;
	[tilespmem:v15+s11+$0x0] =	vst.idx.msk $0xffff, v12  }
0x46: {  	v19 =	vadd.s32 v11, v3;
	v21 =	vbroadcast v8, $0x0;
	v8 =	vshrl.u32 v17, $0x3;
	[tilespmem:v9+s11+$0x0] =	vst.idx.msk $0xffff, v4  }
0x47: {  	v5 =	vshll.u32 v5, v1;
	v11 =	vadd.s32 v11, v10;
	v4 =	vshll.u32 v8, v1;
	v9 =	vld [tilespmem:s20+$0xFFFFFF80]  }
0x48: {  	v12 =	vshrl.u32 v16, $0x3;
	v15 =	vmov s23;
	v8 =	vadd.s32 v10, v21;
	[tilespmem:v18+s11+$0x0] =	vst.idx.msk $0xffff, v20  }
0x49: {  	v5 =	vbroadcast v5, $0x0;
	v15 =	vshrl.u32 v15, $0x3;
	v8 =	vor.u32 $0x1, v8;
	v16 =	vld [tilespmem:s20+$0xFFFFFFA0];
	[tilespmem:v7+s11+$0x0] =	vst.idx.msk $0xffff, v6  }
0x4a: {  	v6 =	vshrl.u32 v13, $0x3;
	v13 =	vbroadcast v4, $0x0;
	v7 =	vbroadcast v14, $0x0  }
0x4b: {  	v14 =	vshll.u32 v15, v1;
	v15 =	vadd.s32 v10, v5;
	v6 =	vshll.u32 v6, v1;
	v4 =	vld [tilespmem:s20+$0xFFFFFFC0]  }
0x4c: {  	v20 =	vor.u32 $0x6, v15;
	[tilespmem:v11+s11+$0x0] =	vst.idx.msk $0xffff, v9;
	v9 =	vshll.u32 v12, v1;
	v11 =	vadd.s32 v10, v13;
	v18 =	vld [tilespmem:s20+$0x40]  }
0x4d: {  	v24 =	vadd.s32 v3, v13;
	v22 =	vld [tilespmem:s20+$0xFFFFFF90];
	v23 =	vor.u32 $0x4, v11;
	v11 =	vbroadcast v14, $0x0  }
0x4e: {  	v5 =	vadd.s32 v3, v5;
	v25 =	vbroadcast v9, $0x0;
	[tilespmem:v8+s11+$0x0] =	vst.idx.msk $0xffff, v16;
	v8 =	vbroadcast v6, $0x0;
	v26 =	vld [tilespmem:s20+$0x0]  }
.Ltmp0:
0x4f: {  	v5 =	vor.u32 $0x6, v5;
	v12 =	vadd.s32 v10, v7;
	v6 =	vld [tilespmem:s20+$0xFFFFFFB0];
	v9 =	vadd.s32 v3, v11;
	(pc) =	sbr.rel @p0 .LBB2_2-.Ltmp0, $4  }
0x50: {  	v17 =	vor.u32 $0x7, v12;
	v14 =	vadd.s32 v10, v25;
	v11 =	vadd.s32 v10, v11;
	v15 =	vld [tilespmem:s20+$0x60]  }
0x51: {  	v10 =	vadd.s32 v10, v8;
	v14 =	vor.u32 $0x3, v14;
	v12 =	vor.u32 $0x5, v11;
	v13 =	vld [tilespmem:s20+$0xFFFFFFE0];
	[tilespmem:v20+s11+$0x0] =	vst.idx.msk $0xffff, v18  }
0x52: {  	v11 =	vor.u32 $0x2, v10;
	v18 =	vadd.s32 v3, v8;
	v8 =	vor.u32 $0x4, v24;
	[tilespmem:v19+s11+$0x0] =	vst.idx.msk $0xffff, v22;
	v16 =	vld [tilespmem:s20+$0x20]  }
0x53: {  	v20 =	vadd.s32 v3, v21;
	v19 =	vadd.s32 v3, v25;
	s20 =	sadd.s32 $0x100, s20;
	[tilespmem:v23+s11+$0x0] =	vst.idx.msk $0xffff, v26;
	v10 =	vld [tilespmem:s19+$0x50]  }
0x54: {  	_ =	sdelay $0x3  }
0x55: {  	v20 =	vor.u32 $0x1, v20;
	[tilespmem:v11+s11+$0x0] =	vst.idx.msk $0xffff, v4  }
0x56: {  	v3 =	vadd.s32 v3, v7;
	[tilespmem:v17+s11+$0x0] =	vst.idx.msk $0xffff, v15;
	v15 =	vld [tilespmem:s19+$0x10]  }
0x57: {  	v3 =	vor.u32 $0x7, v3;
	[tilespmem:v14+s11+$0x0] =	vst.idx.msk $0xffff, v13;
	v7 =	vld [tilespmem:s19+$0x70]  }
0x58: {  	v13 =	vld [tilespmem:s19+$0xFFFFFFD0];
	[tilespmem:v12+s11+$0x0] =	vst.idx.msk $0xffff, v16;
	v12 =	vor.u32 $0x2, v18  }
0x59: {  	v9 =	vor.u32 $0x5, v9;
	v4 =	vld [tilespmem:s19+$0x30];
	[tilespmem:v5+s11+$0x0] =	vst.idx.msk $0xffff, v10  }
0x5a: {  	v11 =	vor.u32 $0x3, v19;
	[tilespmem:v20+s11+$0x0] =	vst.idx.msk $0xffff, v6;
	v6 =	vld [tilespmem:s19+$0xFFFFFFF0]  }
0x5b: {  	[tilespmem:v8+s11+$0x0] =	vst.idx.msk $0xffff, v15  }
0x5c: {  	[tilespmem:v3+s11+$0x0] =	vst.idx.msk $0xffff, v7  }
0x5d: {  	[tilespmem:v12+s11+$0x0] =	vst.idx.msk $0xffff, v13  }
0x5e: {  	[tilespmem:v9+s11+$0x0] =	vst.idx.msk $0xffff, v4  }
0x5f: {  	[tilespmem:v11+s11+$0x0] =	vst.idx.msk $0xffff, v6  }
0x60: {  	s18 =	rddreg [dreg:$0x5]  }
0x61: {  	[tilespmem:s3], [sflag:$0x5] =	stream.linear.gather [hbm4b:s18+s3], $0x200, $0x38;
	[tilespmem:$0x10C00] =	vst v63  }
0x62: {  	_ =	swait.ge [sflag:s7], $0x200  }
0x63: {  	[sflag:s7] =	ssyncset.done $0x0  }
0x64: {  	s28 =	simm.s32 $0x400;
	[sflag:s7] =	ssyncadd.s32 $0xFFFFFE00  }
0x65: {  	[tilespmem:s28], [sflag:$0x1] =	stream.indirect.gather [hbm4b:s5+s1], $0x20, s3, s1, $0xb8;
	[tilespmem:$0x10C00] =	vst v63  }
0x66: {  	s19 =	rddreg [dreg:$0xd]  }
0x67: {  	[hbm4b:s19+s3] =	stream.linear.scatter [tilespmem:s11], [sflag:$0x3], $0x80, $0x38;
	[tilespmem:$0x10C00] =	vst v63  }
0x68: {  	s20 =	simm.s32 $0x8488;
	s29 =	sadd.s32 $0x10, s19  }
0x69: {  	[hbm4b:s29+s3] =	stream.linear.scatter [tilespmem:s20], [sflag:$0x3], $0x80, $0x38;
	[tilespmem:$0x10C00] =	vst v63  }
0x6a: {  	s31 =	simm.s32 $0x8510;
	s30 =	sadd.s32 $0x20, s19  }
0x6b: {  	[hbm4b:s30+s3] =	stream.linear.scatter [tilespmem:s31], [sflag:$0x3], $0x80, $0x38;
	[tilespmem:$0x10C00] =	vst v63  }
0x6c: {  	s21 =	simm.s32 $0x8598;
	s20 =	sadd.s32 $0x30, s19  }
0x6d: {  	[hbm4b:s20+s3] =	stream.linear.scatter [tilespmem:s21], [sflag:$0x3], $0x80, $0x38;
	[tilespmem:$0x10C00] =	vst v63  }
0x6e: {  	s23 =	simm.s32 $0x8620;
	s22 =	sadd.s32 $0x40, s19  }
0x6f: {  	[hbm4b:s22+s3] =	stream.linear.scatter [tilespmem:s23], [sflag:$0x3], $0x80, $0x38;
	[tilespmem:$0x10C00] =	vst v63  }
0x70: {  	s26 =	simm.s32 $0x86A8;
	s24 =	sadd.s32 $0x50, s19  }
0x71: {  	[hbm4b:s24+s3] =	stream.linear.scatter [tilespmem:s26], [sflag:$0x3], $0x80, $0x38;
	[tilespmem:$0x10C00] =	vst v63  }
0x72: {  	s28 =	sadd.s32 $0x60, s19;
	s29 =	simm.s32 $0x8730  }
0x73: {  	[hbm4b:s28+s3] =	stream.linear.scatter [tilespmem:s29], [sflag:$0x3], $0x80, $0x38;
	[tilespmem:$0x10C00] =	vst v63  }
0x74: {  	s30 =	sadd.s32 $0x70, s19;
	s31 =	simm.s32 $0x87B8  }
0x75: {  	[hbm4b:s30+s3] =	stream.linear.scatter [tilespmem:s31], [sflag:$0x3], $0x80, $0x38;
	[tilespmem:$0x10C00] =	vst v63  }
0x76: {  	s20 =	sadd.s32 $0x80, s19;
	s21 =	simm.s32 $0x8C80  }
0x77: {  	[hbm4b:s20+s3] =	stream.linear.scatter [tilespmem:s21], [sflag:$0x3], $0x80, $0x38;
	[tilespmem:$0x10C00] =	vst v63  }
0x78: {  	s22 =	sadd.s32 $0x90, s19;
	s23 =	simm.s32 $0x8D08  }
0x79: {  	[hbm4b:s22+s3] =	stream.linear.scatter [tilespmem:s23], [sflag:$0x3], $0x80, $0x38;
	[tilespmem:$0x10C00] =	vst v63  }
0x7a: {  	s24 =	sadd.s32 $0xA0, s19;
	s26 =	simm.s32 $0x8D90  }
0x7b: {  	[hbm4b:s24+s3] =	stream.linear.scatter [tilespmem:s26], [sflag:$0x3], $0x80, $0x38;
	[tilespmem:$0x10C00] =	vst v63  }
0x7c: {  	s28 =	sadd.s32 $0xB0, s19;
	s29 =	simm.s32 $0x8E18  }
0x7d: {  	[hbm4b:s28+s3] =	stream.linear.scatter [tilespmem:s29], [sflag:$0x3], $0x80, $0x38;
	[tilespmem:$0x10C00] =	vst v63  }
0x7e: {  	s30 =	sadd.s32 $0xC0, s19;
	s31 =	simm.s32 $0x8EA0  }
0x7f: {  	[hbm4b:s30+s3] =	stream.linear.scatter [tilespmem:s31], [sflag:$0x3], $0x80, $0x38;
	[tilespmem:$0x10C00] =	vst v63  }
0x80: {  	s20 =	sadd.s32 $0xD0, s19;
	s21 =	simm.s32 $0x8F28  }
0x81: {  	[hbm4b:s20+s3] =	stream.linear.scatter [tilespmem:s21], [sflag:$0x3], $0x80, $0x38;
	[tilespmem:$0x10C00] =	vst v63  }
0x82: {  	s22 =	sadd.s32 $0xE0, s19;
	s23 =	simm.s32 $0x8FB0  }
0x83: {  	[hbm4b:s22+s3] =	stream.linear.scatter [tilespmem:s23], [sflag:$0x3], $0x80, $0x38;
	[tilespmem:$0x10C00] =	vst v63  }
0x84: {  	s24 =	sadd.s32 $0xF0, s19;
	s26 =	simm.s32 $0x9038  }
0x85: {  	[hbm4b:s24+s3] =	stream.linear.scatter [tilespmem:s26], [sflag:$0x3], $0x80, $0x38;
	[tilespmem:$0x10C00] =	vst v63  }
0x86: {  	s28 =	sadd.s32 $0x100, s19;
	s29 =	simm.s32 $0x9500  }
0x87: {  	[hbm4b:s28+s3] =	stream.linear.scatter [tilespmem:s29], [sflag:$0x3], $0x80, $0x38;
	[tilespmem:$0x10C00] =	vst v63  }
0x88: {  	s30 =	sadd.s32 $0x110, s19;
	s31 =	simm.s32 $0x9588  }
0x89: {  	[hbm4b:s30+s3] =	stream.linear.scatter [tilespmem:s31], [sflag:$0x3], $0x80, $0x38;
	[tilespmem:$0x10C00] =	vst v63  }
0x8a: {  	s20 =	sadd.s32 $0x120, s19;
	s21 =	simm.s32 $0x9610  }
0x8b: {  	[hbm4b:s20+s3] =	stream.linear.scatter [tilespmem:s21], [sflag:$0x3], $0x80, $0x38;
	[tilespmem:$0x10C00] =	vst v63  }
0x8c: {  	s22 =	sadd.s32 $0x130, s19;
	s23 =	simm.s32 $0x9698  }
0x8d: {  	[hbm4b:s22+s3] =	stream.linear.scatter [tilespmem:s23], [sflag:$0x3], $0x80, $0x38;
	[tilespmem:$0x10C00] =	vst v63  }
0x8e: {  	s24 =	sadd.s32 $0x140, s19;
	s26 =	simm.s32 $0x9720  }
0x8f: {  	[hbm4b:s24+s3] =	stream.linear.scatter [tilespmem:s26], [sflag:$0x3], $0x80, $0x38;
	[tilespmem:$0x10C00] =	vst v63  }
0x90: {  	s28 =	sadd.s32 $0x150, s19;
	s29 =	simm.s32 $0x97A8  }
0x91: {  	[hbm4b:s28+s3] =	stream.linear.scatter [tilespmem:s29], [sflag:$0x3], $0x80, $0x38;
	[tilespmem:$0x10C00] =	vst v63  }
0x92: {  	s30 =	sadd.s32 $0x160, s19;
	s31 =	simm.s32 $0x9830  }
0x93: {  	[hbm4b:s30+s3] =	stream.linear.scatter [tilespmem:s31], [sflag:$0x3], $0x80, $0x38;
	[tilespmem:$0x10C00] =	vst v63  }
0x94: {  	s20 =	sadd.s32 $0x170, s19;
	s21 =	simm.s32 $0x98B8  }
0x95: {  	[hbm4b:s20+s3] =	stream.linear.scatter [tilespmem:s21], [sflag:$0x3], $0x80, $0x38;
	[tilespmem:$0x10C00] =	vst v63  }
0x96: {  	s22 =	sadd.s32 $0x180, s19;
	s23 =	simm.s32 $0x9D80  }
0x97: {  	[hbm4b:s22+s3] =	stream.linear.scatter [tilespmem:s23], [sflag:$0x3], $0x80, $0x38;
	[tilespmem:$0x10C00] =	vst v63  }
0x98: {  	s24 =	sadd.s32 $0x190, s19;
	s26 =	simm.s32 $0x9E08  }
0x99: {  	[hbm4b:s24+s3] =	stream.linear.scatter [tilespmem:s26], [sflag:$0x3], $0x80, $0x38;
	[tilespmem:$0x10C00] =	vst v63  }
0x9a: {  	s28 =	sadd.s32 $0x1A0, s19;
	s29 =	simm.s32 $0x9E90  }
0x9b: {  	[hbm4b:s28+s3] =	stream.linear.scatter [tilespmem:s29], [sflag:$0x3], $0x80, $0x38;
	[tilespmem:$0x10C00] =	vst v63  }
0x9c: {  	s30 =	sadd.s32 $0x1B0, s19;
	s31 =	simm.s32 $0x9F18  }
0x9d: {  	[hbm4b:s30+s3] =	stream.linear.scatter [tilespmem:s31], [sflag:$0x3], $0x80, $0x38;
	[tilespmem:$0x10C00] =	vst v63  }
0x9e: {  	s21 =	sadd.s32 $0x1C0, s19;
	s22 =	simm.s32 $0x9FA0  }
0x9f: {  	[hbm4b:s21+s3] =	stream.linear.scatter [tilespmem:s22], [sflag:$0x3], $0x80, $0x38;
	[tilespmem:$0x10C00] =	vst v63  }
0xa0: {  	s23 =	sadd.s32 $0x1D0, s19;
	s24 =	simm.s32 $0xA028  }
0xa1: {  	[hbm4b:s23+s3] =	stream.linear.scatter [tilespmem:s24], [sflag:$0x3], $0x80, $0x38;
	[tilespmem:$0x10C00] =	vst v63  }
0xa2: {  	s26 =	sadd.s32 $0x1E0, s19;
	s28 =	simm.s32 $0xA0B0  }
0xa3: {  	[hbm4b:s26+s3] =	stream.linear.scatter [tilespmem:s28], [sflag:$0x3], $0x80, $0x38;
	[tilespmem:$0x10C00] =	vst v63  }
0xa4: {  	s29 =	sadd.s32 $0x1F0, s19;
	s30 =	simm.s32 $0xA138  }
0xa5: {  	[hbm4b:s29+s3] =	stream.linear.scatter [tilespmem:s30], [sflag:$0x3], $0x80, $0x38;
	[tilespmem:$0x10C00] =	vst v63  }
0xa6: {  	s19 =	rddreg [dreg:$0x6];
	s31 =	simm.s32 $0x8840  }
0xa7: {  	[hbm4b:s19+s3] =	stream.linear.scatter [tilespmem:s31], [sflag:$0x3], $0x80, $0x38;
	[tilespmem:$0x10C00] =	vst v63  }
0xa8: {  	s20 =	sadd.s32 $0x10, s19;
	s21 =	simm.s32 $0x88C8  }
0xa9: {  	[hbm4b:s20+s3] =	stream.linear.scatter [tilespmem:s21], [sflag:$0x3], $0x80, $0x38;
	[tilespmem:$0x10C00] =	vst v63  }
0xaa: {  	s22 =	sadd.s32 $0x20, s19;
	s23 =	simm.s32 $0x8950  }
0xab: {  	[hbm4b:s22+s3] =	stream.linear.scatter [tilespmem:s23], [sflag:$0x3], $0x80, $0x38;
	[tilespmem:$0x10C00] =	vst v63  }
0xac: {  	s24 =	sadd.s32 $0x30, s19;
	s26 =	simm.s32 $0x89D8  }
0xad: {  	[hbm4b:s24+s3] =	stream.linear.scatter [tilespmem:s26], [sflag:$0x3], $0x80, $0x38;
	[tilespmem:$0x10C00] =	vst v63  }
0xae: {  	s28 =	sadd.s32 $0x40, s19;
	s29 =	simm.s32 $0x8A60  }
0xaf: {  	[hbm4b:s28+s3] =	stream.linear.scatter [tilespmem:s29], [sflag:$0x3], $0x80, $0x38;
	[tilespmem:$0x10C00] =	vst v63  }
0xb0: {  	s30 =	sadd.s32 $0x50, s19;
	s31 =	simm.s32 $0x8AE8  }
0xb1: {  	[hbm4b:s30+s3] =	stream.linear.scatter [tilespmem:s31], [sflag:$0x3], $0x80, $0x38;
	[tilespmem:$0x10C00] =	vst v63  }
0xb2: {  	s20 =	sadd.s32 $0x60, s19;
	s21 =	simm.s32 $0x8B70  }
0xb3: {  	[hbm4b:s20+s3] =	stream.linear.scatter [tilespmem:s21], [sflag:$0x3], $0x80, $0x38;
	[tilespmem:$0x10C00] =	vst v63  }
0xb4: {  	s22 =	sadd.s32 $0x70, s19;
	s23 =	simm.s32 $0x8BF8  }
0xb5: {  	[hbm4b:s22+s3] =	stream.linear.scatter [tilespmem:s23], [sflag:$0x3], $0x80, $0x38;
	[tilespmem:$0x10C00] =	vst v63  }
0xb6: {  	s24 =	sadd.s32 $0x80, s19;
	s26 =	simm.s32 $0x90C0  }
0xb7: {  	[hbm4b:s24+s3] =	stream.linear.scatter [tilespmem:s26], [sflag:$0x3], $0x80, $0x38;
	[tilespmem:$0x10C00] =	vst v63  }
0xb8: {  	s28 =	sadd.s32 $0x90, s19;
	s29 =	simm.s32 $0x9148  }
0xb9: {  	[hbm4b:s28+s3] =	stream.linear.scatter [tilespmem:s29], [sflag:$0x3], $0x80, $0x38;
	[tilespmem:$0x10C00] =	vst v63  }
0xba: {  	s30 =	sadd.s32 $0xA0, s19;
	s31 =	simm.s32 $0x91D0  }
0xbb: {  	[hbm4b:s30+s3] =	stream.linear.scatter [tilespmem:s31], [sflag:$0x3], $0x80, $0x38;
	[tilespmem:$0x10C00] =	vst v63  }
0xbc: {  	s20 =	sadd.s32 $0xB0, s19;
	s21 =	simm.s32 $0x9258  }
0xbd: {  	[hbm4b:s20+s3] =	stream.linear.scatter [tilespmem:s21], [sflag:$0x3], $0x80, $0x38;
	[tilespmem:$0x10C00] =	vst v63  }
0xbe: {  	s22 =	sadd.s32 $0xC0, s19;
	s23 =	simm.s32 $0x92E0  }
0xbf: {  	[hbm4b:s22+s3] =	stream.linear.scatter [tilespmem:s23], [sflag:$0x3], $0x80, $0x38;
	[tilespmem:$0x10C00] =	vst v63  }
0xc0: {  	s24 =	sadd.s32 $0xD0, s19;
	s26 =	simm.s32 $0x9368  }
0xc1: {  	[hbm4b:s24+s3] =	stream.linear.scatter [tilespmem:s26], [sflag:$0x3], $0x80, $0x38;
	[tilespmem:$0x10C00] =	vst v63  }
0xc2: {  	s28 =	sadd.s32 $0xE0, s19;
	s29 =	simm.s32 $0x93F0  }
0xc3: {  	[hbm4b:s28+s3] =	stream.linear.scatter [tilespmem:s29], [sflag:$0x3], $0x80, $0x38;
	[tilespmem:$0x10C00] =	vst v63  }
0xc4: {  	s30 =	sadd.s32 $0xF0, s19;
	s31 =	simm.s32 $0x9478  }
0xc5: {  	[hbm4b:s30+s3] =	stream.linear.scatter [tilespmem:s31], [sflag:$0x3], $0x80, $0x38;
	[tilespmem:$0x10C00] =	vst v63  }
0xc6: {  	s20 =	sadd.s32 $0x100, s19;
	s21 =	simm.s32 $0x9940  }
0xc7: {  	[hbm4b:s20+s3] =	stream.linear.scatter [tilespmem:s21], [sflag:$0x3], $0x80, $0x38;
	[tilespmem:$0x10C00] =	vst v63  }
0xc8: {  	s22 =	sadd.s32 $0x110, s19;
	s23 =	simm.s32 $0x99C8  }
0xc9: {  	[hbm4b:s22+s3] =	stream.linear.scatter [tilespmem:s23], [sflag:$0x3], $0x80, $0x38;
	[tilespmem:$0x10C00] =	vst v63  }
0xca: {  	s24 =	sadd.s32 $0x120, s19;
	s26 =	simm.s32 $0x9A50  }
0xcb: {  	[hbm4b:s24+s3] =	stream.linear.scatter [tilespmem:s26], [sflag:$0x3], $0x80, $0x38;
	[tilespmem:$0x10C00] =	vst v63  }
0xcc: {  	s28 =	sadd.s32 $0x130, s19;
	s29 =	simm.s32 $0x9AD8  }
0xcd: {  	[hbm4b:s28+s3] =	stream.linear.scatter [tilespmem:s29], [sflag:$0x3], $0x80, $0x38;
	[tilespmem:$0x10C00] =	vst v63  }
0xce: {  	s30 =	sadd.s32 $0x140, s19;
	s31 =	simm.s32 $0x9B60  }
0xcf: {  	[hbm4b:s30+s3] =	stream.linear.scatter [tilespmem:s31], [sflag:$0x3], $0x80, $0x38;
	[tilespmem:$0x10C00] =	vst v63  }
0xd0: {  	s20 =	sadd.s32 $0x150, s19;
	s21 =	simm.s32 $0x9BE8  }
0xd1: {  	[hbm4b:s20+s3] =	stream.linear.scatter [tilespmem:s21], [sflag:$0x3], $0x80, $0x38;
	[tilespmem:$0x10C00] =	vst v63  }
0xd2: {  	s22 =	sadd.s32 $0x160, s19;
	s23 =	simm.s32 $0x9C70  }
0xd3: {  	[hbm4b:s22+s3] =	stream.linear.scatter [tilespmem:s23], [sflag:$0x3], $0x80, $0x38;
	[tilespmem:$0x10C00] =	vst v63  }
0xd4: {  	s24 =	sadd.s32 $0x170, s19;
	s26 =	simm.s32 $0x9CF8  }
0xd5: {  	[hbm4b:s24+s3] =	stream.linear.scatter [tilespmem:s26], [sflag:$0x3], $0x80, $0x38;
	[tilespmem:$0x10C00] =	vst v63  }
0xd6: {  	s28 =	sadd.s32 $0x180, s19;
	s29 =	simm.s32 $0xA1C0  }
0xd7: {  	[hbm4b:s28+s3] =	stream.linear.scatter [tilespmem:s29], [sflag:$0x3], $0x80, $0x38;
	[tilespmem:$0x10C00] =	vst v63  }
0xd8: {  	s30 =	sadd.s32 $0x190, s19;
	s31 =	simm.s32 $0xA248  }
0xd9: {  	[hbm4b:s30+s3] =	stream.linear.scatter [tilespmem:s31], [sflag:$0x3], $0x80, $0x38;
	[tilespmem:$0x10C00] =	vst v63  }
0xda: {  	s20 =	sadd.s32 $0x1A0, s19;
	s21 =	simm.s32 $0xA2D0  }
0xdb: {  	[hbm4b:s20+s3] =	stream.linear.scatter [tilespmem:s21], [sflag:$0x3], $0x80, $0x38;
	[tilespmem:$0x10C00] =	vst v63  }
0xdc: {  	s22 =	sadd.s32 $0x1B0, s19;
	s23 =	simm.s32 $0xA358  }
0xdd: {  	[hbm4b:s22+s3] =	stream.linear.scatter [tilespmem:s23], [sflag:$0x3], $0x80, $0x38;
	[tilespmem:$0x10C00] =	vst v63  }
0xde: {  	s24 =	sadd.s32 $0x1C0, s19;
	s26 =	simm.s32 $0xA3E0  }
0xdf: {  	[hbm4b:s24+s3] =	stream.linear.scatter [tilespmem:s26], [sflag:$0x3], $0x80, $0x38;
	[tilespmem:$0x10C00] =	vst v63  }
0xe0: {  	s28 =	sadd.s32 $0x1D0, s19;
	s29 =	simm.s32 $0xA468  }
0xe1: {  	[hbm4b:s28+s3] =	stream.linear.scatter [tilespmem:s29], [sflag:$0x3], $0x80, $0x38;
	[tilespmem:$0x10C00] =	vst v63  }
0xe2: {  	s30 =	sadd.s32 $0x1E0, s19;
	s31 =	simm.s32 $0xA4F0  }
0xe3: {  	[hbm4b:s30+s3] =	stream.linear.scatter [tilespmem:s31], [sflag:$0x3], $0x80, $0x38;
	[tilespmem:$0x10C00] =	vst v63  }
0xe4: {  	s19 =	sadd.s32 $0x1F0, s19;
	s20 =	simm.s32 $0xA578  }
0xe5: {  	[hbm4b:s19+s3] =	stream.linear.scatter [tilespmem:s20], [sflag:$0x3], $0x80, $0x38;
	[tilespmem:$0x10C00] =	vst v63  }
0xe6: {  	s21 =	simm.s32 $0xA600;
	s19 =	rddreg [dreg:$0x7]  }
0xe7: {  	[hbm4b:s19+s3] =	stream.linear.scatter [tilespmem:s21], [sflag:$0x3], $0x80, $0x38;
	[tilespmem:$0x10C00] =	vst v63  }
0xe8: {  	s23 =	simm.s32 $0xA688;
	s22 =	sadd.s32 $0x10, s19  }
0xe9: {  	[hbm4b:s22+s3] =	stream.linear.scatter [tilespmem:s23], [sflag:$0x3], $0x80, $0x38;
	[tilespmem:$0x10C00] =	vst v63  }
0xea: {  	s26 =	simm.s32 $0xA710;
	s24 =	sadd.s32 $0x20, s19  }
0xeb: {  	[hbm4b:s24+s3] =	stream.linear.scatter [tilespmem:s26], [sflag:$0x3], $0x80, $0x38;
	[tilespmem:$0x10C00] =	vst v63  }
0xec: {  	s29 =	simm.s32 $0xA798;
	s28 =	sadd.s32 $0x30, s19  }
0xed: {  	[hbm4b:s28+s3] =	stream.linear.scatter [tilespmem:s29], [sflag:$0x3], $0x80, $0x38;
	[tilespmem:$0x10C00] =	vst v63  }
0xee: {  	s31 =	simm.s32 $0xA820;
	s30 =	sadd.s32 $0x40, s19  }
0xef: {  	[hbm4b:s30+s3] =	stream.linear.scatter [tilespmem:s31], [sflag:$0x3], $0x80, $0x38;
	[tilespmem:$0x10C00] =	vst v63  }
0xf0: {  	s20 =	sadd.s32 $0x50, s19;
	s21 =	simm.s32 $0xA8A8  }
0xf1: {  	[hbm4b:s20+s3] =	stream.linear.scatter [tilespmem:s21], [sflag:$0x3], $0x80, $0x38;
	[tilespmem:$0x10C00] =	vst v63  }
0xf2: {  	s22 =	sadd.s32 $0x60, s19;
	s23 =	simm.s32 $0xA930  }
0xf3: {  	[hbm4b:s22+s3] =	stream.linear.scatter [tilespmem:s23], [sflag:$0x3], $0x80, $0x38;
	[tilespmem:$0x10C00] =	vst v63  }
0xf4: {  	s24 =	sadd.s32 $0x70, s19;
	s26 =	simm.s32 $0xA9B8  }
0xf5: {  	[hbm4b:s24+s3] =	stream.linear.scatter [tilespmem:s26], [sflag:$0x3], $0x80, $0x38;
	[tilespmem:$0x10C00] =	vst v63  }
0xf6: {  	s28 =	sadd.s32 $0x80, s19;
	s29 =	simm.s32 $0xAE80  }
0xf7: {  	[hbm4b:s28+s3] =	stream.linear.scatter [tilespmem:s29], [sflag:$0x3], $0x80, $0x38;
	[tilespmem:$0x10C00] =	vst v63  }
0xf8: {  	s30 =	sadd.s32 $0x90, s19;
	s31 =	simm.s32 $0xAF08  }
0xf9: {  	[hbm4b:s30+s3] =	stream.linear.scatter [tilespmem:s31], [sflag:$0x3], $0x80, $0x38;
	[tilespmem:$0x10C00] =	vst v63  }
0xfa: {  	s20 =	sadd.s32 $0xA0, s19;
	s21 =	simm.s32 $0xAF90  }
0xfb: {  	[hbm4b:s20+s3] =	stream.linear.scatter [tilespmem:s21], [sflag:$0x3], $0x80, $0x38;
	[tilespmem:$0x10C00] =	vst v63  }
0xfc: {  	s22 =	sadd.s32 $0xB0, s19;
	s23 =	simm.s32 $0xB018  }
0xfd: {  	[hbm4b:s22+s3] =	stream.linear.scatter [tilespmem:s23], [sflag:$0x3], $0x80, $0x38;
	[tilespmem:$0x10C00] =	vst v63  }
0xfe: {  	s24 =	sadd.s32 $0xC0, s19;
	s26 =	simm.s32 $0xB0A0  }
0xff: {  	[hbm4b:s24+s3] =	stream.linear.scatter [tilespmem:s26], [sflag:$0x3], $0x80, $0x38;
	[tilespmem:$0x10C00] =	vst v63  }
0x100: {  	s28 =	sadd.s32 $0xD0, s19;
	s29 =	simm.s32 $0xB128  }
0x101: {  	[hbm4b:s28+s3] =	stream.linear.scatter [tilespmem:s29], [sflag:$0x3], $0x80, $0x38;
	[tilespmem:$0x10C00] =	vst v63  }
0x102: {  	s30 =	sadd.s32 $0xE0, s19;
	s31 =	simm.s32 $0xB1B0  }
0x103: {  	[hbm4b:s30+s3] =	stream.linear.scatter [tilespmem:s31], [sflag:$0x3], $0x80, $0x38;
	[tilespmem:$0x10C00] =	vst v63  }
0x104: {  	s20 =	sadd.s32 $0xF0, s19;
	s21 =	simm.s32 $0xB238  }
0x105: {  	[hbm4b:s20+s3] =	stream.linear.scatter [tilespmem:s21], [sflag:$0x3], $0x80, $0x38;
	[tilespmem:$0x10C00] =	vst v63  }
0x106: {  	s22 =	sadd.s32 $0x100, s19;
	s23 =	simm.s32 $0xB700  }
0x107: {  	[hbm4b:s22+s3] =	stream.linear.scatter [tilespmem:s23], [sflag:$0x3], $0x80, $0x38;
	[tilespmem:$0x10C00] =	vst v63  }
0x108: {  	s24 =	sadd.s32 $0x110, s19;
	s26 =	simm.s32 $0xB788  }
0x109: {  	[hbm4b:s24+s3] =	stream.linear.scatter [tilespmem:s26], [sflag:$0x3], $0x80, $0x38;
	[tilespmem:$0x10C00] =	vst v63  }
0x10a: {  	s28 =	sadd.s32 $0x120, s19;
	s29 =	simm.s32 $0xB810  }
0x10b: {  	[hbm4b:s28+s3] =	stream.linear.scatter [tilespmem:s29], [sflag:$0x3], $0x80, $0x38;
	[tilespmem:$0x10C00] =	vst v63  }
0x10c: {  	s30 =	sadd.s32 $0x130, s19;
	s31 =	simm.s32 $0xB898  }
0x10d: {  	[hbm4b:s30+s3] =	stream.linear.scatter [tilespmem:s31], [sflag:$0x3], $0x80, $0x38;
	[tilespmem:$0x10C00] =	vst v63  }
0x10e: {  	s20 =	sadd.s32 $0x140, s19;
	s21 =	simm.s32 $0xB920  }
0x10f: {  	[hbm4b:s20+s3] =	stream.linear.scatter [tilespmem:s21], [sflag:$0x3], $0x80, $0x38;
	[tilespmem:$0x10C00] =	vst v63  }
0x110: {  	s22 =	sadd.s32 $0x150, s19;
	s23 =	simm.s32 $0xB9A8  }
0x111: {  	[hbm4b:s22+s3] =	stream.linear.scatter [tilespmem:s23], [sflag:$0x3], $0x80, $0x38;
	[tilespmem:$0x10C00] =	vst v63  }
0x112: {  	s24 =	sadd.s32 $0x160, s19;
	s26 =	simm.s32 $0xBA30  }
0x113: {  	[hbm4b:s24+s3] =	stream.linear.scatter [tilespmem:s26], [sflag:$0x3], $0x80, $0x38;
	[tilespmem:$0x10C00] =	vst v63  }
0x114: {  	s28 =	sadd.s32 $0x170, s19;
	s29 =	simm.s32 $0xBAB8  }
0x115: {  	[hbm4b:s28+s3] =	stream.linear.scatter [tilespmem:s29], [sflag:$0x3], $0x80, $0x38;
	[tilespmem:$0x10C00] =	vst v63  }
0x116: {  	s30 =	sadd.s32 $0x180, s19;
	s31 =	simm.s32 $0xBF80  }
0x117: {  	[hbm4b:s30+s3] =	stream.linear.scatter [tilespmem:s31], [sflag:$0x3], $0x80, $0x38;
	[tilespmem:$0x10C00] =	vst v63  }
0x118: {  	s20 =	sadd.s32 $0x190, s19;
	s21 =	simm.s32 $0xC008  }
0x119: {  	[hbm4b:s20+s3] =	stream.linear.scatter [tilespmem:s21], [sflag:$0x3], $0x80, $0x38;
	[tilespmem:$0x10C00] =	vst v63  }
0x11a: {  	s22 =	sadd.s32 $0x1A0, s19;
	s23 =	simm.s32 $0xC090  }
0x11b: {  	[hbm4b:s22+s3] =	stream.linear.scatter [tilespmem:s23], [sflag:$0x3], $0x80, $0x38;
	[tilespmem:$0x10C00] =	vst v63  }
0x11c: {  	s24 =	sadd.s32 $0x1B0, s19;
	s26 =	simm.s32 $0xC118  }
0x11d: {  	[hbm4b:s24+s3] =	stream.linear.scatter [tilespmem:s26], [sflag:$0x3], $0x80, $0x38;
	[tilespmem:$0x10C00] =	vst v63  }
0x11e: {  	s28 =	sadd.s32 $0x1C0, s19;
	s29 =	simm.s32 $0xC1A0  }
0x11f: {  	[hbm4b:s28+s3] =	stream.linear.scatter [tilespmem:s29], [sflag:$0x3], $0x80, $0x38;
	[tilespmem:$0x10C00] =	vst v63  }
0x120: {  	s30 =	sadd.s32 $0x1D0, s19;
	s31 =	simm.s32 $0xC228  }
0x121: {  	[hbm4b:s30+s3] =	stream.linear.scatter [tilespmem:s31], [sflag:$0x3], $0x80, $0x38;
	[tilespmem:$0x10C00] =	vst v63  }
0x122: {  	s21 =	sadd.s32 $0x1E0, s19;
	s22 =	simm.s32 $0xC2B0  }
0x123: {  	[hbm4b:s21+s3] =	stream.linear.scatter [tilespmem:s22], [sflag:$0x3], $0x80, $0x38;
	[tilespmem:$0x10C00] =	vst v63  }
0x124: {  	s23 =	sadd.s32 $0x1F0, s19;
	s24 =	simm.s32 $0xC338  }
0x125: {  	[hbm4b:s23+s3] =	stream.linear.scatter [tilespmem:s24], [sflag:$0x3], $0x80, $0x38;
	[tilespmem:$0x10C00] =	vst v63  }
0x126: {  	s19 =	rddreg [dreg:$0x8];
	s26 =	simm.s32 $0xAA40  }
0x127: {  	[hbm4b:s19+s3] =	stream.linear.scatter [tilespmem:s26], [sflag:$0x3], $0x80, $0x38;
	[tilespmem:$0x10C00] =	vst v63  }
0x128: {  	s28 =	sadd.s32 $0x10, s19;
	s29 =	simm.s32 $0xAAC8  }
0x129: {  	[hbm4b:s28+s3] =	stream.linear.scatter [tilespmem:s29], [sflag:$0x3], $0x80, $0x38;
	[tilespmem:$0x10C00] =	vst v63  }
0x12a: {  	s30 =	sadd.s32 $0x20, s19;
	s31 =	simm.s32 $0xAB50  }
0x12b: {  	[hbm4b:s30+s3] =	stream.linear.scatter [tilespmem:s31], [sflag:$0x3], $0x80, $0x38;
	[tilespmem:$0x10C00] =	vst v63  }
0x12c: {  	s20 =	sadd.s32 $0x30, s19;
	s21 =	simm.s32 $0xABD8  }
0x12d: {  	[hbm4b:s20+s3] =	stream.linear.scatter [tilespmem:s21], [sflag:$0x3], $0x80, $0x38;
	[tilespmem:$0x10C00] =	vst v63  }
0x12e: {  	s22 =	sadd.s32 $0x40, s19;
	s23 =	simm.s32 $0xAC60  }
0x12f: {  	[hbm4b:s22+s3] =	stream.linear.scatter [tilespmem:s23], [sflag:$0x3], $0x80, $0x38;
	[tilespmem:$0x10C00] =	vst v63  }
0x130: {  	s24 =	sadd.s32 $0x50, s19;
	s26 =	simm.s32 $0xACE8  }
0x131: {  	[hbm4b:s24+s3] =	stream.linear.scatter [tilespmem:s26], [sflag:$0x3], $0x80, $0x38;
	[tilespmem:$0x10C00] =	vst v63  }
0x132: {  	s28 =	sadd.s32 $0x60, s19;
	s29 =	simm.s32 $0xAD70  }
0x133: {  	[hbm4b:s28+s3] =	stream.linear.scatter [tilespmem:s29], [sflag:$0x3], $0x80, $0x38;
	[tilespmem:$0x10C00] =	vst v63  }
0x134: {  	s30 =	sadd.s32 $0x70, s19;
	s31 =	simm.s32 $0xADF8  }
0x135: {  	[hbm4b:s30+s3] =	stream.linear.scatter [tilespmem:s31], [sflag:$0x3], $0x80, $0x38;
	[tilespmem:$0x10C00] =	vst v63  }
0x136: {  	s20 =	sadd.s32 $0x80, s19;
	s21 =	simm.s32 $0xB2C0  }
0x137: {  	[hbm4b:s20+s3] =	stream.linear.scatter [tilespmem:s21], [sflag:$0x3], $0x80, $0x38;
	[tilespmem:$0x10C00] =	vst v63  }
0x138: {  	s22 =	sadd.s32 $0x90, s19;
	s23 =	simm.s32 $0xB348  }
0x139: {  	[hbm4b:s22+s3] =	stream.linear.scatter [tilespmem:s23], [sflag:$0x3], $0x80, $0x38;
	[tilespmem:$0x10C00] =	vst v63  }
0x13a: {  	s24 =	sadd.s32 $0xA0, s19;
	s26 =	simm.s32 $0xB3D0  }
0x13b: {  	[hbm4b:s24+s3] =	stream.linear.scatter [tilespmem:s26], [sflag:$0x3], $0x80, $0x38;
	[tilespmem:$0x10C00] =	vst v63  }
0x13c: {  	s28 =	sadd.s32 $0xB0, s19;
	s29 =	simm.s32 $0xB458  }
0x13d: {  	[hbm4b:s28+s3] =	stream.linear.scatter [tilespmem:s29], [sflag:$0x3], $0x80, $0x38;
	[tilespmem:$0x10C00] =	vst v63  }
0x13e: {  	s30 =	sadd.s32 $0xC0, s19;
	s31 =	simm.s32 $0xB4E0  }
0x13f: {  	[hbm4b:s30+s3] =	stream.linear.scatter [tilespmem:s31], [sflag:$0x3], $0x80, $0x38;
	[tilespmem:$0x10C00] =	vst v63  }
0x140: {  	s20 =	sadd.s32 $0xD0, s19;
	s21 =	simm.s32 $0xB568  }
0x141: {  	[hbm4b:s20+s3] =	stream.linear.scatter [tilespmem:s21], [sflag:$0x3], $0x80, $0x38;
	[tilespmem:$0x10C00] =	vst v63  }
0x142: {  	s22 =	sadd.s32 $0xE0, s19;
	s23 =	simm.s32 $0xB5F0  }
0x143: {  	[hbm4b:s22+s3] =	stream.linear.scatter [tilespmem:s23], [sflag:$0x3], $0x80, $0x38;
	[tilespmem:$0x10C00] =	vst v63  }
0x144: {  	s24 =	sadd.s32 $0xF0, s19;
	s26 =	simm.s32 $0xB678  }
0x145: {  	[hbm4b:s24+s3] =	stream.linear.scatter [tilespmem:s26], [sflag:$0x3], $0x80, $0x38;
	[tilespmem:$0x10C00] =	vst v63  }
0x146: {  	s28 =	sadd.s32 $0x100, s19;
	s29 =	simm.s32 $0xBB40  }
0x147: {  	[hbm4b:s28+s3] =	stream.linear.scatter [tilespmem:s29], [sflag:$0x3], $0x80, $0x38;
	[tilespmem:$0x10C00] =	vst v63  }
0x148: {  	s30 =	sadd.s32 $0x110, s19;
	s31 =	simm.s32 $0xBBC8  }
0x149: {  	[hbm4b:s30+s3] =	stream.linear.scatter [tilespmem:s31], [sflag:$0x3], $0x80, $0x38;
	[tilespmem:$0x10C00] =	vst v63  }
0x14a: {  	s20 =	sadd.s32 $0x120, s19;
	s21 =	simm.s32 $0xBC50  }
0x14b: {  	[hbm4b:s20+s3] =	stream.linear.scatter [tilespmem:s21], [sflag:$0x3], $0x80, $0x38;
	[tilespmem:$0x10C00] =	vst v63  }
0x14c: {  	s22 =	sadd.s32 $0x130, s19;
	s23 =	simm.s32 $0xBCD8  }
0x14d: {  	[hbm4b:s22+s3] =	stream.linear.scatter [tilespmem:s23], [sflag:$0x3], $0x80, $0x38;
	[tilespmem:$0x10C00] =	vst v63  }
0x14e: {  	s24 =	sadd.s32 $0x140, s19;
	s26 =	simm.s32 $0xBD60  }
0x14f: {  	[hbm4b:s24+s3] =	stream.linear.scatter [tilespmem:s26], [sflag:$0x3], $0x80, $0x38;
	[tilespmem:$0x10C00] =	vst v63  }
0x150: {  	s28 =	sadd.s32 $0x150, s19;
	s29 =	simm.s32 $0xBDE8  }
0x151: {  	[hbm4b:s28+s3] =	stream.linear.scatter [tilespmem:s29], [sflag:$0x3], $0x80, $0x38;
	[tilespmem:$0x10C00] =	vst v63  }
0x152: {  	s30 =	sadd.s32 $0x160, s19;
	s31 =	simm.s32 $0xBE70  }
0x153: {  	[hbm4b:s30+s3] =	stream.linear.scatter [tilespmem:s31], [sflag:$0x3], $0x80, $0x38;
	[tilespmem:$0x10C00] =	vst v63  }
0x154: {  	s18 =	simm.s32 $0x0;
	s20 =	sadd.s32 $0x170, s19;
	s21 =	simm.s32 $0xBEF8  }
0x155: {  	[hbm4b:s20+s3] =	stream.linear.scatter [tilespmem:s21], [sflag:$0x3], $0x80, $0x38;
	[tilespmem:$0x10C00] =	vst v63  }
0x156: {  	s22 =	sadd.s32 $0x180, s19;
	s23 =	simm.s32 $0xC3C0;
	s24 =	sadd.s32 $0x190, s19  }
0x157: {  	[hbm4b:s22+s3] =	stream.linear.scatter [tilespmem:s23], [sflag:$0x3], $0x80, $0x38;
	[tilespmem:$0x10C00] =	vst v63  }
0x158: {  	s26 =	simm.s32 $0xC448;
	s28 =	sadd.s32 $0x1A0, s19;
	s29 =	simm.s32 $0xC4D0  }
0x159: {  	[hbm4b:s24+s3] =	stream.linear.scatter [tilespmem:s26], [sflag:$0x3], $0x80, $0x38;
	[tilespmem:$0x10C00] =	vst v63  }
0x15a: {  	s30 =	sadd.s32 $0x1B0, s19;
	s31 =	simm.s32 $0xC558;
	s21 =	sadd.s32 $0x1C0, s19  }
0x15b: {  	[hbm4b:s28+s3] =	stream.linear.scatter [tilespmem:s29], [sflag:$0x3], $0x80, $0x38;
	[tilespmem:$0x10C00] =	vst v63  }
0x15c: {  	s22 =	simm.s32 $0xC5E0;
	s23 =	sadd.s32 $0x1D0, s19;
	s24 =	simm.s32 $0xC668  }
0x15d: {  	[hbm4b:s30+s3] =	stream.linear.scatter [tilespmem:s31], [sflag:$0x3], $0x80, $0x38;
	[tilespmem:$0x10C00] =	vst v63  }
0x15e: {  	s26 =	sadd.s32 $0x1E0, s19;
	s28 =	simm.s32 $0xC6F0;
	s31 =	simm.s32 $0x1  }
0x15f: {  	[hbm4b:s21+s3] =	stream.linear.scatter [tilespmem:s22], [sflag:$0x3], $0x80, $0x38;
	[tilespmem:$0x10C00] =	vst v63  }
0x160: {  	s29 =	sadd.s32 $0x1F0, s19;
	s30 =	simm.s32 $0xC778;
	s19 =	sand.u32 $0x78, s31  }
0x161: {  	[hbm4b:s23+s3] =	stream.linear.scatter [tilespmem:s24], [sflag:$0x3], $0x80, $0x38;
	[tilespmem:$0x10C00] =	vst v63  }
0x162: {  	s21 =	simm.s32 $0x0;
	s22 =	sand.u32 $0x78, s18;
	v6 =	vmov s19;
	s23 =	simm.s32 $0x7  }
0x163: {  	v3 =	vmov s21;
	v4 =	vmov s22;
	v6 =	vshrl.u32 v6, $0x3;
	[hbm4b:s26+s3] =	stream.linear.scatter [tilespmem:s28], [sflag:$0x3], $0x80, $0x38;
	[tilespmem:$0x10C00] =	vst v63  }
0x164: {  	s24 =	simm.s32 $0x4;
	v3 =	vmul.u32 $0x880, v3;
	v4 =	vshrl.u32 v4, $0x3;
	v6 =	vshll.u32 v6, v1;
	s20 =	sand.u32 $0x78, s23;
	s26 =	simm.s32 $0x3  }
0x165: {  	s21 =	sand.u32 $0x78, s24;
	v4 =	vshll.u32 v4, v1;
	v19 =	vbroadcast v6, $0x0;
	v5 =	vmov s20;
	s28 =	simm.s32 $0x6;
	s20 =	sand.u32 $0x78, s26  }
0x166: {  	v7 =	vmov s21;
	v3 =	vbroadcast v3, $0x0;
	v4 =	vbroadcast v4, $0x0;
	[hbm4b:s29+s3] =	stream.linear.scatter [tilespmem:s30], [sflag:$0x3], $0x80, $0x38;
	[tilespmem:$0x10C00] =	vst v63  }
0x167: {  	s19 =	sand.u32 $0x78, s28;
	v5 =	vshrl.u32 v5, $0x3;
	v6 =	vshrl.u32 v7, $0x3;
	v8 =	vmov s20;
	_ =	swait.ge [sflag:s15], $0x4000  }
0x168: {  	v9 =	vmov s19;
	v10 =	vadd.s32 v0, v3;
	v3 =	vadd.s32 v2, v3;
	[sflag:s15] =	ssyncset.done $0x0  }
0x169: {  	s29 =	simm.s32 $0x2;
	s19 =	simm.s32 $0x4480;
	v5 =	vshll.u32 v5, v1;
	v9 =	vshrl.u32 v9, $0x3;
	v16 =	vadd.s32 v4, v3;
	[sflag:s15] =	ssyncadd.s32 $0xFFFFC000  }
0x16a: {  	s31 =	simm.s32 $0x5;
	s30 =	sand.u32 $0x78, s29;
	v13 =	vadd.s32 v4, v10;
	v4 =	vshll.u32 v6, v1;
	v7 =	vadd.s32 v10, v19;
	v12 =	vld [tilespmem:s19+$0xFFFFFF80]  }
0x16b: {  	s20 =	sand.u32 $0x78, s31;
	v8 =	vshrl.u32 v8, $0x3;
	v11 =	vmov s30;
	v6 =	vshll.u32 v9, v1  }
0x16c: {  	v9 =	vmov s20;
	v15 =	vor.u32 $0x1, v7;
	v6 =	vbroadcast v6, $0x0  }
0x16d: {  	v17 =	vbroadcast v4, $0x0;
	v7 =	vbroadcast v5, $0x0;
	v11 =	vshrl.u32 v11, $0x3;
	v14 =	vld [tilespmem:s19+$0xFFFFFFA0]  }
0x16e: {  	v8 =	vshll.u32 v8, v1;
	v4 =	vld [tilespmem:s19+$0xFFFFFFC0];
	v5 =	vshll.u32 v11, v1;
	v11 =	vadd.s32 v10, v6  }
0x16f: {  	v9 =	vshrl.u32 v9, $0x3;
	v23 =	vbroadcast v8, $0x0;
	v18 =	vld [tilespmem:s19+$0x40];
	v11 =	vor.u32 $0x6, v11;
	[tilespmem:v13+s12+$0x0] =	vst.idx.msk $0xffff, v12  }
0x170: {  	v9 =	vshll.u32 v9, v1;
	v22 =	vadd.s32 v3, v17;
	v12 =	vadd.s32 v10, v17;
	v20 =	vld [tilespmem:s19+$0xFFFFFF90]  }
0x171: {  	v24 =	vld [tilespmem:s19+$0x0];
	v8 =	vadd.s32 v3, v6;
	v25 =	vbroadcast v5, $0x0;
	v21 =	vor.u32 $0x4, v12  }
0x172: {  	v5 =	vor.u32 $0x6, v8;
	v8 =	vadd.s32 v10, v7;
	[tilespmem:v15+s12+$0x0] =	vst.idx.msk $0xffff, v14;
	v14 =	vadd.s32 v10, v23;
	v15 =	vld [tilespmem:s19+$0x60]  }
0x173: {  	v17 =	vor.u32 $0x7, v8;
	v8 =	vadd.s32 v10, v25;
	v13 =	vld [tilespmem:s19+$0xFFFFFFE0];
	v12 =	vbroadcast v9, $0x0  }
0x174: {  	v6 =	vld [tilespmem:s19+$0xFFFFFFB0];
	v14 =	vor.u32 $0x3, v14;
	[tilespmem:v11+s12+$0x0] =	vst.idx.msk $0xffff, v18;
	v11 =	vor.u32 $0x2, v8;
	v18 =	vadd.s32 v3, v25  }
0x175: {  	v8 =	vor.u32 $0x4, v22;
	v9 =	vadd.s32 v3, v12;
	v12 =	vadd.s32 v10, v12;
	v10 =	vld [tilespmem:s19+$0x50];
	[tilespmem:v16+s12+$0x0] =	vst.idx.msk $0xffff, v20  }
0x176: {  	s20 =	simm.s32 $0x4580;
	v12 =	vor.u32 $0x5, v12;
	v16 =	vld [tilespmem:s19+$0x20];
	v20 =	vadd.s32 v3, v19;
	v19 =	vadd.s32 v3, v23;
	[tilespmem:v21+s12+$0x0] =	vst.idx.msk $0xffff, v24  }
.LBB2_4:
0x177: {  	s21 =	sadd.s32 $0x9, s18  }
0x178: {  	s22 =	sadd.s32 $0xF, s18;
	v20 =	vor.u32 $0x1, v20;
	v21 =	vld [tilespmem:s19+$0x10];
	v3 =	vadd.s32 v3, v7;
	s23 =	smov.u32 s18;
	s18 =	sadd.s32 $0x8, s18  }
0x179: {  	v7 =	vor.u32 $0x2, v18;
	v18 =	vor.u32 $0x3, v19;
	s24 =	sshrl.u32 s18, $0x7;
	s26 =	sand.u32 $0x78, s18;
	s28 =	sadd.s32 $0xC, s23;
	[tilespmem:v17+s12+$0x0] =	vst.idx.msk $0xffff, v15;
	v15 =	vor.u32 $0x7, v3  }
0x17a: {  	v9 =	vor.u32 $0x5, v9;
	s21 =	sand.u32 $0x78, s21;
	s22 =	sand.u32 $0x78, s22;
	v3 =	vmov s24;
	v17 =	vmov s26;
	s24 =	sadd.s32 $0xE, s23;
	[tilespmem:v14+s12+$0x0] =	vst.idx.msk $0xffff, v13  }
0x17b: {  	s26 =	sand.u32 $0x78, s28;
	s28 =	sadd.s32 $0xD, s23;
	v14 =	vmov s22;
	v13 =	vshrl.u32 v17, $0x3;
	v3 =	vmul.u32 $0x880, v3;
	s24 =	sand.u32 $0x78, s24;
	[tilespmem:v12+s12+$0x0] =	vst.idx.msk $0xffff, v16;
	v12 =	vld [tilespmem:s19+$0x70]  }
0x17c: {  	s22 =	sadd.s32 $0xB, s23;
	v16 =	vmov s21;
	s21 =	sadd.s32 $0xA, s23;
	v17 =	vmov s26;
	s23 =	sand.u32 $0x78, s28;
	v13 =	vshll.u32 v13, v1;
	[tilespmem:v11+s12+$0x0] =	vst.idx.msk $0xffff, v4;
	v4 =	vld [tilespmem:s19+$0x30]  }
0x17d: {  	p0 =	slt.u32 s18, $0x1F8;
	s22 =	sand.u32 $0x78, s22;
	s21 =	sand.u32 $0x78, s21;
	v3 =	vbroadcast v3, $0x0;
	v11 =	vbroadcast v13, $0x0;
	v13 =	vshrl.u32 v16, $0x3;
	[tilespmem:v20+s12+$0x0] =	vst.idx.msk $0xffff, v6;
	v6 =	vld [tilespmem:s19+$0xFFFFFFD0]  }
0x17e: {  	v14 =	vshrl.u32 v14, $0x3;
	v19 =	vmov s24;
	v16 =	vmov s22;
	v20 =	vld [tilespmem:s19+$0xFFFFFFF0];
	[tilespmem:v5+s12+$0x0] =	vst.idx.msk $0xffff, v10;
	s19 =	smov.u32 s20  }
0x17f: {  	v5 =	vshrl.u32 v19, $0x3;
	v10 =	vadd.s32 v0, v3;
	v3 =	vadd.s32 v2, v3;
	[tilespmem:v8+s12+$0x0] =	vst.idx.msk $0xffff, v21  }
0x180: {  	v14 =	vshll.u32 v14, v1;
	v8 =	vshll.u32 v13, v1;
	v13 =	vmov s21;
	[tilespmem:v15+s12+$0x0] =	vst.idx.msk $0xffff, v12  }
0x181: {  	v19 =	vadd.s32 v11, v3;
	v21 =	vbroadcast v8, $0x0;
	v8 =	vshrl.u32 v17, $0x3;
	[tilespmem:v9+s12+$0x0] =	vst.idx.msk $0xffff, v4  }
0x182: {  	v5 =	vshll.u32 v5, v1;
	v11 =	vadd.s32 v11, v10;
	v4 =	vshll.u32 v8, v1;
	v9 =	vld [tilespmem:s20+$0xFFFFFF80]  }
0x183: {  	v12 =	vshrl.u32 v16, $0x3;
	v15 =	vmov s23;
	v8 =	vadd.s32 v10, v21;
	[tilespmem:v18+s12+$0x0] =	vst.idx.msk $0xffff, v20  }
0x184: {  	v5 =	vbroadcast v5, $0x0;
	v15 =	vshrl.u32 v15, $0x3;
	v8 =	vor.u32 $0x1, v8;
	v16 =	vld [tilespmem:s20+$0xFFFFFFA0];
	[tilespmem:v7+s12+$0x0] =	vst.idx.msk $0xffff, v6  }
0x185: {  	v6 =	vshrl.u32 v13, $0x3;
	v13 =	vbroadcast v4, $0x0;
	v7 =	vbroadcast v14, $0x0  }
0x186: {  	v14 =	vshll.u32 v15, v1;
	v15 =	vadd.s32 v10, v5;
	v6 =	vshll.u32 v6, v1;
	v4 =	vld [tilespmem:s20+$0xFFFFFFC0]  }
0x187: {  	v20 =	vor.u32 $0x6, v15;
	[tilespmem:v11+s12+$0x0] =	vst.idx.msk $0xffff, v9;
	v9 =	vshll.u32 v12, v1;
	v11 =	vadd.s32 v10, v13;
	v18 =	vld [tilespmem:s20+$0x40]  }
0x188: {  	v24 =	vadd.s32 v3, v13;
	v22 =	vld [tilespmem:s20+$0xFFFFFF90];
	v23 =	vor.u32 $0x4, v11;
	v11 =	vbroadcast v14, $0x0  }
0x189: {  	v5 =	vadd.s32 v3, v5;
	v25 =	vbroadcast v9, $0x0;
	[tilespmem:v8+s12+$0x0] =	vst.idx.msk $0xffff, v16;
	v8 =	vbroadcast v6, $0x0;
	v26 =	vld [tilespmem:s20+$0x0]  }
.Ltmp1:
0x18a: {  	v5 =	vor.u32 $0x6, v5;
	v12 =	vadd.s32 v10, v7;
	v6 =	vld [tilespmem:s20+$0xFFFFFFB0];
	v9 =	vadd.s32 v3, v11;
	(pc) =	sbr.rel @p0 .LBB2_4-.Ltmp1, $4  }
0x18b: {  	v17 =	vor.u32 $0x7, v12;
	v14 =	vadd.s32 v10, v25;
	v11 =	vadd.s32 v10, v11;
	v15 =	vld [tilespmem:s20+$0x60]  }
0x18c: {  	v10 =	vadd.s32 v10, v8;
	v14 =	vor.u32 $0x3, v14;
	v12 =	vor.u32 $0x5, v11;
	v13 =	vld [tilespmem:s20+$0xFFFFFFE0];
	[tilespmem:v20+s12+$0x0] =	vst.idx.msk $0xffff, v18  }
0x18d: {  	v11 =	vor.u32 $0x2, v10;
	v18 =	vadd.s32 v3, v8;
	v8 =	vor.u32 $0x4, v24;
	[tilespmem:v19+s12+$0x0] =	vst.idx.msk $0xffff, v22;
	v16 =	vld [tilespmem:s20+$0x20]  }
0x18e: {  	v20 =	vadd.s32 v3, v21;
	v19 =	vadd.s32 v3, v25;
	s20 =	sadd.s32 $0x100, s20;
	[tilespmem:v23+s12+$0x0] =	vst.idx.msk $0xffff, v26;
	v10 =	vld [tilespmem:s19+$0x50]  }
0x18f: {  	_ =	sdelay $0x3  }
0x190: {  	v20 =	vor.u32 $0x1, v20;
	[tilespmem:v11+s12+$0x0] =	vst.idx.msk $0xffff, v4  }
0x191: {  	v57 =	vld [tilespmem:s19+$0x10];
	[tilespmem:v17+s12+$0x0] =	vst.idx.msk $0xffff, v15  }
0x192: {  	v3 =	vadd.s32 v3, v7;
	v62 =	vor.u32 $0x2, v18;
	v63 =	vld [tilespmem:s19+$0xFFFFFFD0];
	[tilespmem:v14+s12+$0x0] =	vst.idx.msk $0xffff, v13  }
0x193: {  	v3 =	vor.u32 $0x7, v3;
	v58 =	vld [tilespmem:s19+$0x70];
	[tilespmem:v12+s12+$0x0] =	vst.idx.msk $0xffff, v16  }
0x194: {  	v60 =	vor.u32 $0x3, v19;
	v61 =	vld [tilespmem:s19+$0xFFFFFFF0];
	[tilespmem:v5+s12+$0x0] =	vst.idx.msk $0xffff, v10  }
0x195: {  	v9 =	vor.u32 $0x5, v9;
	v59 =	vld [tilespmem:s19+$0x30];
	[tilespmem:v20+s12+$0x0] =	vst.idx.msk $0xffff, v6  }
0x196: {  	[tilespmem:v8+s12+$0x0] =	vst.idx.msk $0xffff, v57  }
0x197: {  	[tilespmem:v62+s12+$0x0] =	vst.idx.msk $0xffff, v63  }
0x198: {  	[tilespmem:v3+s12+$0x0] =	vst.idx.msk $0xffff, v58  }
0x199: {  	[tilespmem:v60+s12+$0x0] =	vst.idx.msk $0xffff, v61  }
0x19a: {  	[tilespmem:v9+s12+$0x0] =	vst.idx.msk $0xffff, v59  }
0x19b: {  	s18 =	rddreg [dreg:$0x9]  }
0x19c: {  	[tilespmem:s1], [sflag:$0x5] =	stream.linear.gather [hbm4b:s18+s3], $0x200, $0x38;
	[tilespmem:$0x10C00] =	vst v63  }
0x19d: {  	_ =	swait.ge [sflag:s7], $0x200  }
0x19e: {  	[sflag:s7] =	ssyncset.done $0x0  }
0x19f: {  	s28 =	simm.s32 $0x4400;
	[sflag:s7] =	ssyncadd.s32 $0xFFFFFE00  }
0x1a0: {  	[tilespmem:s28], [sflag:$0x2] =	stream.indirect.gather [hbm4b:s5+s1], $0x20, s1, s1, $0xb8;
	[tilespmem:$0x10C00] =	vst v63  }
0x1a1: {  	s19 =	rddreg [dreg:$0xa]  }
0x1a2: {  	[hbm4b:s19+s3] =	stream.linear.scatter [tilespmem:s12], [sflag:$0x4], $0x80, $0x38;
	[tilespmem:$0x10C00] =	vst v63  }
0x1a3: {  	s20 =	simm.s32 $0xC888;
	s29 =	sadd.s32 $0x10, s19  }
0x1a4: {  	[hbm4b:s29+s3] =	stream.linear.scatter [tilespmem:s20], [sflag:$0x4], $0x80, $0x38;
	[tilespmem:$0x10C00] =	vst v63  }
0x1a5: {  	s31 =	simm.s32 $0xC910;
	s30 =	sadd.s32 $0x20, s19  }
0x1a6: {  	[hbm4b:s30+s3] =	stream.linear.scatter [tilespmem:s31], [sflag:$0x4], $0x80, $0x38;
	[tilespmem:$0x10C00] =	vst v63  }
0x1a7: {  	s21 =	simm.s32 $0xC998;
	s20 =	sadd.s32 $0x30, s19  }
0x1a8: {  	[hbm4b:s20+s3] =	stream.linear.scatter [tilespmem:s21], [sflag:$0x4], $0x80, $0x38;
	[tilespmem:$0x10C00] =	vst v63  }
0x1a9: {  	s23 =	simm.s32 $0xCA20;
	s22 =	sadd.s32 $0x40, s19  }
0x1aa: {  	[hbm4b:s22+s3] =	stream.linear.scatter [tilespmem:s23], [sflag:$0x4], $0x80, $0x38;
	[tilespmem:$0x10C00] =	vst v63  }
0x1ab: {  	s26 =	simm.s32 $0xCAA8;
	s24 =	sadd.s32 $0x50, s19  }
0x1ac: {  	[hbm4b:s24+s3] =	stream.linear.scatter [tilespmem:s26], [sflag:$0x4], $0x80, $0x38;
	[tilespmem:$0x10C00] =	vst v63  }
0x1ad: {  	s28 =	sadd.s32 $0x60, s19;
	s29 =	simm.s32 $0xCB30  }
0x1ae: {  	[hbm4b:s28+s3] =	stream.linear.scatter [tilespmem:s29], [sflag:$0x4], $0x80, $0x38;
	[tilespmem:$0x10C00] =	vst v63  }
0x1af: {  	s30 =	sadd.s32 $0x70, s19;
	s31 =	simm.s32 $0xCBB8  }
0x1b0: {  	[hbm4b:s30+s3] =	stream.linear.scatter [tilespmem:s31], [sflag:$0x4], $0x80, $0x38;
	[tilespmem:$0x10C00] =	vst v63  }
0x1b1: {  	s20 =	sadd.s32 $0x80, s19;
	s21 =	simm.s32 $0xD080  }
0x1b2: {  	[hbm4b:s20+s3] =	stream.linear.scatter [tilespmem:s21], [sflag:$0x4], $0x80, $0x38;
	[tilespmem:$0x10C00] =	vst v63  }
0x1b3: {  	s22 =	sadd.s32 $0x90, s19;
	s23 =	simm.s32 $0xD108  }
0x1b4: {  	[hbm4b:s22+s3] =	stream.linear.scatter [tilespmem:s23], [sflag:$0x4], $0x80, $0x38;
	[tilespmem:$0x10C00] =	vst v63  }
0x1b5: {  	s24 =	sadd.s32 $0xA0, s19;
	s26 =	simm.s32 $0xD190  }
0x1b6: {  	[hbm4b:s24+s3] =	stream.linear.scatter [tilespmem:s26], [sflag:$0x4], $0x80, $0x38;
	[tilespmem:$0x10C00] =	vst v63  }
0x1b7: {  	s28 =	sadd.s32 $0xB0, s19;
	s29 =	simm.s32 $0xD218  }
0x1b8: {  	[hbm4b:s28+s3] =	stream.linear.scatter [tilespmem:s29], [sflag:$0x4], $0x80, $0x38;
	[tilespmem:$0x10C00] =	vst v63  }
0x1b9: {  	s30 =	sadd.s32 $0xC0, s19;
	s31 =	simm.s32 $0xD2A0  }
0x1ba: {  	[hbm4b:s30+s3] =	stream.linear.scatter [tilespmem:s31], [sflag:$0x4], $0x80, $0x38;
	[tilespmem:$0x10C00] =	vst v63  }
0x1bb: {  	s20 =	sadd.s32 $0xD0, s19;
	s21 =	simm.s32 $0xD328  }
0x1bc: {  	[hbm4b:s20+s3] =	stream.linear.scatter [tilespmem:s21], [sflag:$0x4], $0x80, $0x38;
	[tilespmem:$0x10C00] =	vst v63  }
0x1bd: {  	s22 =	sadd.s32 $0xE0, s19;
	s23 =	simm.s32 $0xD3B0  }
0x1be: {  	[hbm4b:s22+s3] =	stream.linear.scatter [tilespmem:s23], [sflag:$0x4], $0x80, $0x38;
	[tilespmem:$0x10C00] =	vst v63  }
0x1bf: {  	s24 =	sadd.s32 $0xF0, s19;
	s26 =	simm.s32 $0xD438  }
0x1c0: {  	[hbm4b:s24+s3] =	stream.linear.scatter [tilespmem:s26], [sflag:$0x4], $0x80, $0x38;
	[tilespmem:$0x10C00] =	vst v63  }
0x1c1: {  	s28 =	sadd.s32 $0x100, s19;
	s29 =	simm.s32 $0xD900  }
0x1c2: {  	[hbm4b:s28+s3] =	stream.linear.scatter [tilespmem:s29], [sflag:$0x4], $0x80, $0x38;
	[tilespmem:$0x10C00] =	vst v63  }
0x1c3: {  	s30 =	sadd.s32 $0x110, s19;
	s31 =	simm.s32 $0xD988  }
0x1c4: {  	[hbm4b:s30+s3] =	stream.linear.scatter [tilespmem:s31], [sflag:$0x4], $0x80, $0x38;
	[tilespmem:$0x10C00] =	vst v63  }
0x1c5: {  	s20 =	sadd.s32 $0x120, s19;
	s21 =	simm.s32 $0xDA10  }
0x1c6: {  	[hbm4b:s20+s3] =	stream.linear.scatter [tilespmem:s21], [sflag:$0x4], $0x80, $0x38;
	[tilespmem:$0x10C00] =	vst v63  }
0x1c7: {  	s22 =	sadd.s32 $0x130, s19;
	s23 =	simm.s32 $0xDA98  }
0x1c8: {  	[hbm4b:s22+s3] =	stream.linear.scatter [tilespmem:s23], [sflag:$0x4], $0x80, $0x38;
	[tilespmem:$0x10C00] =	vst v63  }
0x1c9: {  	s24 =	sadd.s32 $0x140, s19;
	s26 =	simm.s32 $0xDB20  }
0x1ca: {  	[hbm4b:s24+s3] =	stream.linear.scatter [tilespmem:s26], [sflag:$0x4], $0x80, $0x38;
	[tilespmem:$0x10C00] =	vst v63  }
0x1cb: {  	s28 =	sadd.s32 $0x150, s19;
	s29 =	simm.s32 $0xDBA8  }
0x1cc: {  	[hbm4b:s28+s3] =	stream.linear.scatter [tilespmem:s29], [sflag:$0x4], $0x80, $0x38;
	[tilespmem:$0x10C00] =	vst v63  }
0x1cd: {  	s30 =	sadd.s32 $0x160, s19;
	s31 =	simm.s32 $0xDC30  }
0x1ce: {  	[hbm4b:s30+s3] =	stream.linear.scatter [tilespmem:s31], [sflag:$0x4], $0x80, $0x38;
	[tilespmem:$0x10C00] =	vst v63  }
0x1cf: {  	s20 =	sadd.s32 $0x170, s19;
	s21 =	simm.s32 $0xDCB8  }
0x1d0: {  	[hbm4b:s20+s3] =	stream.linear.scatter [tilespmem:s21], [sflag:$0x4], $0x80, $0x38;
	[tilespmem:$0x10C00] =	vst v63  }
0x1d1: {  	s22 =	sadd.s32 $0x180, s19;
	s23 =	simm.s32 $0xE180  }
0x1d2: {  	[hbm4b:s22+s3] =	stream.linear.scatter [tilespmem:s23], [sflag:$0x4], $0x80, $0x38;
	[tilespmem:$0x10C00] =	vst v63  }
0x1d3: {  	s24 =	sadd.s32 $0x190, s19;
	s26 =	simm.s32 $0xE208  }
0x1d4: {  	[hbm4b:s24+s3] =	stream.linear.scatter [tilespmem:s26], [sflag:$0x4], $0x80, $0x38;
	[tilespmem:$0x10C00] =	vst v63  }
0x1d5: {  	s28 =	sadd.s32 $0x1A0, s19;
	s29 =	simm.s32 $0xE290  }
0x1d6: {  	[hbm4b:s28+s3] =	stream.linear.scatter [tilespmem:s29], [sflag:$0x4], $0x80, $0x38;
	[tilespmem:$0x10C00] =	vst v63  }
0x1d7: {  	s30 =	sadd.s32 $0x1B0, s19;
	s31 =	simm.s32 $0xE318  }
0x1d8: {  	[hbm4b:s30+s3] =	stream.linear.scatter [tilespmem:s31], [sflag:$0x4], $0x80, $0x38;
	[tilespmem:$0x10C00] =	vst v63  }
0x1d9: {  	s21 =	sadd.s32 $0x1C0, s19;
	s22 =	simm.s32 $0xE3A0  }
0x1da: {  	[hbm4b:s21+s3] =	stream.linear.scatter [tilespmem:s22], [sflag:$0x4], $0x80, $0x38;
	[tilespmem:$0x10C00] =	vst v63  }
0x1db: {  	s23 =	sadd.s32 $0x1D0, s19;
	s24 =	simm.s32 $0xE428  }
0x1dc: {  	[hbm4b:s23+s3] =	stream.linear.scatter [tilespmem:s24], [sflag:$0x4], $0x80, $0x38;
	[tilespmem:$0x10C00] =	vst v63  }
0x1dd: {  	s26 =	sadd.s32 $0x1E0, s19;
	s28 =	simm.s32 $0xE4B0  }
0x1de: {  	[hbm4b:s26+s3] =	stream.linear.scatter [tilespmem:s28], [sflag:$0x4], $0x80, $0x38;
	[tilespmem:$0x10C00] =	vst v63  }
0x1df: {  	s29 =	sadd.s32 $0x1F0, s19;
	s30 =	simm.s32 $0xE538  }
0x1e0: {  	[hbm4b:s29+s3] =	stream.linear.scatter [tilespmem:s30], [sflag:$0x4], $0x80, $0x38;
	[tilespmem:$0x10C00] =	vst v63  }
0x1e1: {  	s19 =	rddreg [dreg:$0xb];
	s31 =	simm.s32 $0xCC40  }
0x1e2: {  	[hbm4b:s19+s3] =	stream.linear.scatter [tilespmem:s31], [sflag:$0x4], $0x80, $0x38;
	[tilespmem:$0x10C00] =	vst v63  }
0x1e3: {  	s20 =	sadd.s32 $0x10, s19;
	s21 =	simm.s32 $0xCCC8  }
0x1e4: {  	[hbm4b:s20+s3] =	stream.linear.scatter [tilespmem:s21], [sflag:$0x4], $0x80, $0x38;
	[tilespmem:$0x10C00] =	vst v63  }
0x1e5: {  	s22 =	sadd.s32 $0x20, s19;
	s23 =	simm.s32 $0xCD50  }
0x1e6: {  	[hbm4b:s22+s3] =	stream.linear.scatter [tilespmem:s23], [sflag:$0x4], $0x80, $0x38;
	[tilespmem:$0x10C00] =	vst v63  }
0x1e7: {  	s24 =	sadd.s32 $0x30, s19;
	s26 =	simm.s32 $0xCDD8  }
0x1e8: {  	[hbm4b:s24+s3] =	stream.linear.scatter [tilespmem:s26], [sflag:$0x4], $0x80, $0x38;
	[tilespmem:$0x10C00] =	vst v63  }
0x1e9: {  	s28 =	sadd.s32 $0x40, s19;
	s29 =	simm.s32 $0xCE60  }
0x1ea: {  	[hbm4b:s28+s3] =	stream.linear.scatter [tilespmem:s29], [sflag:$0x4], $0x80, $0x38;
	[tilespmem:$0x10C00] =	vst v63  }
0x1eb: {  	s30 =	sadd.s32 $0x50, s19;
	s31 =	simm.s32 $0xCEE8  }
0x1ec: {  	[hbm4b:s30+s3] =	stream.linear.scatter [tilespmem:s31], [sflag:$0x4], $0x80, $0x38;
	[tilespmem:$0x10C00] =	vst v63  }
0x1ed: {  	s20 =	sadd.s32 $0x60, s19;
	s21 =	simm.s32 $0xCF70  }
0x1ee: {  	[hbm4b:s20+s3] =	stream.linear.scatter [tilespmem:s21], [sflag:$0x4], $0x80, $0x38;
	[tilespmem:$0x10C00] =	vst v63  }
0x1ef: {  	s22 =	sadd.s32 $0x70, s19;
	s23 =	simm.s32 $0xCFF8  }
0x1f0: {  	[hbm4b:s22+s3] =	stream.linear.scatter [tilespmem:s23], [sflag:$0x4], $0x80, $0x38;
	[tilespmem:$0x10C00] =	vst v63  }
0x1f1: {  	s24 =	sadd.s32 $0x80, s19;
	s26 =	simm.s32 $0xD4C0  }
0x1f2: {  	[hbm4b:s24+s3] =	stream.linear.scatter [tilespmem:s26], [sflag:$0x4], $0x80, $0x38;
	[tilespmem:$0x10C00] =	vst v63  }
0x1f3: {  	s28 =	sadd.s32 $0x90, s19;
	s29 =	simm.s32 $0xD548  }
0x1f4: {  	[hbm4b:s28+s3] =	stream.linear.scatter [tilespmem:s29], [sflag:$0x4], $0x80, $0x38;
	[tilespmem:$0x10C00] =	vst v63  }
0x1f5: {  	s30 =	sadd.s32 $0xA0, s19;
	s31 =	simm.s32 $0xD5D0  }
0x1f6: {  	[hbm4b:s30+s3] =	stream.linear.scatter [tilespmem:s31], [sflag:$0x4], $0x80, $0x38;
	[tilespmem:$0x10C00] =	vst v63  }
0x1f7: {  	s20 =	sadd.s32 $0xB0, s19;
	s21 =	simm.s32 $0xD658  }
0x1f8: {  	[hbm4b:s20+s3] =	stream.linear.scatter [tilespmem:s21], [sflag:$0x4], $0x80, $0x38;
	[tilespmem:$0x10C00] =	vst v63  }
0x1f9: {  	s22 =	sadd.s32 $0xC0, s19;
	s23 =	simm.s32 $0xD6E0  }
0x1fa: {  	[hbm4b:s22+s3] =	stream.linear.scatter [tilespmem:s23], [sflag:$0x4], $0x80, $0x38;
	[tilespmem:$0x10C00] =	vst v63  }
0x1fb: {  	s24 =	sadd.s32 $0xD0, s19;
	s26 =	simm.s32 $0xD768  }
0x1fc: {  	[hbm4b:s24+s3] =	stream.linear.scatter [tilespmem:s26], [sflag:$0x4], $0x80, $0x38;
	[tilespmem:$0x10C00] =	vst v63  }
0x1fd: {  	s28 =	sadd.s32 $0xE0, s19;
	s29 =	simm.s32 $0xD7F0  }
0x1fe: {  	[hbm4b:s28+s3] =	stream.linear.scatter [tilespmem:s29], [sflag:$0x4], $0x80, $0x38;
	[tilespmem:$0x10C00] =	vst v63  }
0x1ff: {  	s30 =	sadd.s32 $0xF0, s19;
	s31 =	simm.s32 $0xD878  }
0x200: {  	[hbm4b:s30+s3] =	stream.linear.scatter [tilespmem:s31], [sflag:$0x4], $0x80, $0x38;
	[tilespmem:$0x10C00] =	vst v63  }
0x201: {  	s20 =	sadd.s32 $0x100, s19;
	s21 =	simm.s32 $0xDD40  }
0x202: {  	[hbm4b:s20+s3] =	stream.linear.scatter [tilespmem:s21], [sflag:$0x4], $0x80, $0x38;
	[tilespmem:$0x10C00] =	vst v63  }
0x203: {  	s22 =	sadd.s32 $0x110, s19;
	s23 =	simm.s32 $0xDDC8  }
0x204: {  	[hbm4b:s22+s3] =	stream.linear.scatter [tilespmem:s23], [sflag:$0x4], $0x80, $0x38;
	[tilespmem:$0x10C00] =	vst v63  }
0x205: {  	s24 =	sadd.s32 $0x120, s19;
	s26 =	simm.s32 $0xDE50  }
0x206: {  	[hbm4b:s24+s3] =	stream.linear.scatter [tilespmem:s26], [sflag:$0x4], $0x80, $0x38;
	[tilespmem:$0x10C00] =	vst v63  }
0x207: {  	s28 =	sadd.s32 $0x130, s19;
	s29 =	simm.s32 $0xDED8  }
0x208: {  	[hbm4b:s28+s3] =	stream.linear.scatter [tilespmem:s29], [sflag:$0x4], $0x80, $0x38;
	[tilespmem:$0x10C00] =	vst v63  }
0x209: {  	s30 =	sadd.s32 $0x140, s19;
	s31 =	simm.s32 $0xDF60  }
0x20a: {  	[hbm4b:s30+s3] =	stream.linear.scatter [tilespmem:s31], [sflag:$0x4], $0x80, $0x38;
	[tilespmem:$0x10C00] =	vst v63  }
0x20b: {  	s20 =	sadd.s32 $0x150, s19;
	s21 =	simm.s32 $0xDFE8  }
0x20c: {  	[hbm4b:s20+s3] =	stream.linear.scatter [tilespmem:s21], [sflag:$0x4], $0x80, $0x38;
	[tilespmem:$0x10C00] =	vst v63  }
0x20d: {  	s22 =	sadd.s32 $0x160, s19;
	s23 =	simm.s32 $0xE070  }
0x20e: {  	[hbm4b:s22+s3] =	stream.linear.scatter [tilespmem:s23], [sflag:$0x4], $0x80, $0x38;
	[tilespmem:$0x10C00] =	vst v63  }
0x20f: {  	s24 =	sadd.s32 $0x170, s19;
	s26 =	simm.s32 $0xE0F8  }
0x210: {  	[hbm4b:s24+s3] =	stream.linear.scatter [tilespmem:s26], [sflag:$0x4], $0x80, $0x38;
	[tilespmem:$0x10C00] =	vst v63  }
0x211: {  	s28 =	sadd.s32 $0x180, s19;
	s29 =	simm.s32 $0xE5C0  }
0x212: {  	[hbm4b:s28+s3] =	stream.linear.scatter [tilespmem:s29], [sflag:$0x4], $0x80, $0x38;
	[tilespmem:$0x10C00] =	vst v63  }
0x213: {  	s30 =	sadd.s32 $0x190, s19;
	s31 =	simm.s32 $0xE648  }
0x214: {  	[hbm4b:s30+s3] =	stream.linear.scatter [tilespmem:s31], [sflag:$0x4], $0x80, $0x38;
	[tilespmem:$0x10C00] =	vst v63  }
0x215: {  	s20 =	sadd.s32 $0x1A0, s19;
	s21 =	simm.s32 $0xE6D0  }
0x216: {  	[hbm4b:s20+s3] =	stream.linear.scatter [tilespmem:s21], [sflag:$0x4], $0x80, $0x38;
	[tilespmem:$0x10C00] =	vst v63  }
0x217: {  	s22 =	sadd.s32 $0x1B0, s19;
	s23 =	simm.s32 $0xE758  }
0x218: {  	[hbm4b:s22+s3] =	stream.linear.scatter [tilespmem:s23], [sflag:$0x4], $0x80, $0x38;
	[tilespmem:$0x10C00] =	vst v63  }
0x219: {  	s24 =	sadd.s32 $0x1C0, s19;
	s26 =	simm.s32 $0xE7E0  }
0x21a: {  	[hbm4b:s24+s3] =	stream.linear.scatter [tilespmem:s26], [sflag:$0x4], $0x80, $0x38;
	[tilespmem:$0x10C00] =	vst v63  }
0x21b: {  	s28 =	sadd.s32 $0x1D0, s19;
	s29 =	simm.s32 $0xE868  }
0x21c: {  	[hbm4b:s28+s3] =	stream.linear.scatter [tilespmem:s29], [sflag:$0x4], $0x80, $0x38;
	[tilespmem:$0x10C00] =	vst v63  }
0x21d: {  	s30 =	sadd.s32 $0x1E0, s19;
	s31 =	simm.s32 $0xE8F0  }
0x21e: {  	[hbm4b:s30+s3] =	stream.linear.scatter [tilespmem:s31], [sflag:$0x4], $0x80, $0x38;
	[tilespmem:$0x10C00] =	vst v63  }
0x21f: {  	s21 =	sadd.s32 $0x1F0, s19;
	s22 =	simm.s32 $0xE978  }
0x220: {  	[hbm4b:s21+s3] =	stream.linear.scatter [tilespmem:s22], [sflag:$0x4], $0x80, $0x38;
	[tilespmem:$0x10C00] =	vst v63  }
0x221: {  	s19 =	rddreg [dreg:$0xc];
	s23 =	simm.s32 $0xEA00  }
0x222: {  	[hbm4b:s19+s3] =	stream.linear.scatter [tilespmem:s23], [sflag:$0x4], $0x80, $0x38;
	[tilespmem:$0x10C00] =	vst v63  }
0x223: {  	s24 =	sadd.s32 $0x10, s19;
	s26 =	simm.s32 $0xEA88  }
0x224: {  	[hbm4b:s24+s3] =	stream.linear.scatter [tilespmem:s26], [sflag:$0x4], $0x80, $0x38;
	[tilespmem:$0x10C00] =	vst v63  }
0x225: {  	s28 =	sadd.s32 $0x20, s19;
	s29 =	simm.s32 $0xEB10  }
0x226: {  	[hbm4b:s28+s3] =	stream.linear.scatter [tilespmem:s29], [sflag:$0x4], $0x80, $0x38;
	[tilespmem:$0x10C00] =	vst v63  }
0x227: {  	s30 =	sadd.s32 $0x30, s19;
	s31 =	simm.s32 $0xEB98  }
0x228: {  	[hbm4b:s30+s3] =	stream.linear.scatter [tilespmem:s31], [sflag:$0x4], $0x80, $0x38;
	[tilespmem:$0x10C00] =	vst v63  }
0x229: {  	s20 =	sadd.s32 $0x40, s19;
	s21 =	simm.s32 $0xEC20  }
0x22a: {  	[hbm4b:s20+s3] =	stream.linear.scatter [tilespmem:s21], [sflag:$0x4], $0x80, $0x38;
	[tilespmem:$0x10C00] =	vst v63  }
0x22b: {  	s22 =	sadd.s32 $0x50, s19;
	s23 =	simm.s32 $0xECA8  }
0x22c: {  	[hbm4b:s22+s3] =	stream.linear.scatter [tilespmem:s23], [sflag:$0x4], $0x80, $0x38;
	[tilespmem:$0x10C00] =	vst v63  }
0x22d: {  	s24 =	sadd.s32 $0x60, s19;
	s26 =	simm.s32 $0xED30  }
0x22e: {  	[hbm4b:s24+s3] =	stream.linear.scatter [tilespmem:s26], [sflag:$0x4], $0x80, $0x38;
	[tilespmem:$0x10C00] =	vst v63  }
0x22f: {  	s28 =	sadd.s32 $0x70, s19;
	s29 =	simm.s32 $0xEDB8  }
0x230: {  	[hbm4b:s28+s3] =	stream.linear.scatter [tilespmem:s29], [sflag:$0x4], $0x80, $0x38;
	[tilespmem:$0x10C00] =	vst v63  }
0x231: {  	s30 =	sadd.s32 $0x80, s19;
	s31 =	simm.s32 $0xF280  }
0x232: {  	[hbm4b:s30+s3] =	stream.linear.scatter [tilespmem:s31], [sflag:$0x4], $0x80, $0x38;
	[tilespmem:$0x10C00] =	vst v63  }
0x233: {  	s20 =	sadd.s32 $0x90, s19;
	s21 =	simm.s32 $0xF308  }
0x234: {  	[hbm4b:s20+s3] =	stream.linear.scatter [tilespmem:s21], [sflag:$0x4], $0x80, $0x38;
	[tilespmem:$0x10C00] =	vst v63  }
0x235: {  	s22 =	sadd.s32 $0xA0, s19;
	s23 =	simm.s32 $0xF390  }
0x236: {  	[hbm4b:s22+s3] =	stream.linear.scatter [tilespmem:s23], [sflag:$0x4], $0x80, $0x38;
	[tilespmem:$0x10C00] =	vst v63  }
0x237: {  	s24 =	sadd.s32 $0xB0, s19;
	s26 =	simm.s32 $0xF418  }
0x238: {  	[hbm4b:s24+s3] =	stream.linear.scatter [tilespmem:s26], [sflag:$0x4], $0x80, $0x38;
	[tilespmem:$0x10C00] =	vst v63  }
0x239: {  	s28 =	sadd.s32 $0xC0, s19;
	s29 =	simm.s32 $0xF4A0  }
0x23a: {  	[hbm4b:s28+s3] =	stream.linear.scatter [tilespmem:s29], [sflag:$0x4], $0x80, $0x38;
	[tilespmem:$0x10C00] =	vst v63  }
0x23b: {  	s30 =	sadd.s32 $0xD0, s19;
	s31 =	simm.s32 $0xF528  }
0x23c: {  	[hbm4b:s30+s3] =	stream.linear.scatter [tilespmem:s31], [sflag:$0x4], $0x80, $0x38;
	[tilespmem:$0x10C00] =	vst v63  }
0x23d: {  	s20 =	sadd.s32 $0xE0, s19;
	s21 =	simm.s32 $0xF5B0  }
0x23e: {  	[hbm4b:s20+s3] =	stream.linear.scatter [tilespmem:s21], [sflag:$0x4], $0x80, $0x38;
	[tilespmem:$0x10C00] =	vst v63  }
0x23f: {  	s22 =	sadd.s32 $0xF0, s19;
	s23 =	simm.s32 $0xF638  }
0x240: {  	[hbm4b:s22+s3] =	stream.linear.scatter [tilespmem:s23], [sflag:$0x4], $0x80, $0x38;
	[tilespmem:$0x10C00] =	vst v63  }
0x241: {  	s24 =	sadd.s32 $0x100, s19;
	s26 =	simm.s32 $0xFB00  }
0x242: {  	[hbm4b:s24+s3] =	stream.linear.scatter [tilespmem:s26], [sflag:$0x4], $0x80, $0x38;
	[tilespmem:$0x10C00] =	vst v63  }
0x243: {  	s28 =	sadd.s32 $0x110, s19;
	s29 =	simm.s32 $0xFB88  }
0x244: {  	[hbm4b:s28+s3] =	stream.linear.scatter [tilespmem:s29], [sflag:$0x4], $0x80, $0x38;
	[tilespmem:$0x10C00] =	vst v63  }
0x245: {  	s30 =	sadd.s32 $0x120, s19;
	s31 =	simm.s32 $0xFC10  }
0x246: {  	[hbm4b:s30+s3] =	stream.linear.scatter [tilespmem:s31], [sflag:$0x4], $0x80, $0x38;
	[tilespmem:$0x10C00] =	vst v63  }
0x247: {  	s20 =	sadd.s32 $0x130, s19;
	s21 =	simm.s32 $0xFC98  }
0x248: {  	[hbm4b:s20+s3] =	stream.linear.scatter [tilespmem:s21], [sflag:$0x4], $0x80, $0x38;
	[tilespmem:$0x10C00] =	vst v63  }
0x249: {  	s22 =	sadd.s32 $0x140, s19;
	s23 =	simm.s32 $0xFD20  }
0x24a: {  	[hbm4b:s22+s3] =	stream.linear.scatter [tilespmem:s23], [sflag:$0x4], $0x80, $0x38;
	[tilespmem:$0x10C00] =	vst v63  }
0x24b: {  	s24 =	sadd.s32 $0x150, s19;
	s26 =	simm.s32 $0xFDA8  }
0x24c: {  	[hbm4b:s24+s3] =	stream.linear.scatter [tilespmem:s26], [sflag:$0x4], $0x80, $0x38;
	[tilespmem:$0x10C00] =	vst v63  }
0x24d: {  	s28 =	sadd.s32 $0x160, s19;
	s29 =	simm.s32 $0xFE30  }
0x24e: {  	[hbm4b:s28+s3] =	stream.linear.scatter [tilespmem:s29], [sflag:$0x4], $0x80, $0x38;
	[tilespmem:$0x10C00] =	vst v63  }
0x24f: {  	s30 =	sadd.s32 $0x170, s19;
	s31 =	simm.s32 $0xFEB8  }
0x250: {  	[hbm4b:s30+s3] =	stream.linear.scatter [tilespmem:s31], [sflag:$0x4], $0x80, $0x38;
	[tilespmem:$0x10C00] =	vst v63  }
0x251: {  	s20 =	sadd.s32 $0x180, s19;
	s21 =	simm.s32 $0x10380  }
0x252: {  	[hbm4b:s20+s3] =	stream.linear.scatter [tilespmem:s21], [sflag:$0x4], $0x80, $0x38;
	[tilespmem:$0x10C00] =	vst v63  }
0x253: {  	s22 =	sadd.s32 $0x190, s19;
	s23 =	simm.s32 $0x10408  }
0x254: {  	[hbm4b:s22+s3] =	stream.linear.scatter [tilespmem:s23], [sflag:$0x4], $0x80, $0x38;
	[tilespmem:$0x10C00] =	vst v63  }
0x255: {  	s24 =	sadd.s32 $0x1A0, s19;
	s26 =	simm.s32 $0x10490  }
0x256: {  	[hbm4b:s24+s3] =	stream.linear.scatter [tilespmem:s26], [sflag:$0x4], $0x80, $0x38;
	[tilespmem:$0x10C00] =	vst v63  }
0x257: {  	s28 =	sadd.s32 $0x1B0, s19;
	s29 =	simm.s32 $0x10518  }
0x258: {  	[hbm4b:s28+s3] =	stream.linear.scatter [tilespmem:s29], [sflag:$0x4], $0x80, $0x38;
	[tilespmem:$0x10C00] =	vst v63  }
0x259: {  	s30 =	sadd.s32 $0x1C0, s19;
	s31 =	simm.s32 $0x105A0  }
0x25a: {  	[hbm4b:s30+s3] =	stream.linear.scatter [tilespmem:s31], [sflag:$0x4], $0x80, $0x38;
	[tilespmem:$0x10C00] =	vst v63  }
0x25b: {  	s21 =	sadd.s32 $0x1D0, s19;
	s22 =	simm.s32 $0x10628  }
0x25c: {  	[hbm4b:s21+s3] =	stream.linear.scatter [tilespmem:s22], [sflag:$0x4], $0x80, $0x38;
	[tilespmem:$0x10C00] =	vst v63  }
0x25d: {  	s23 =	sadd.s32 $0x1E0, s19;
	s24 =	simm.s32 $0x106B0  }
0x25e: {  	[hbm4b:s23+s3] =	stream.linear.scatter [tilespmem:s24], [sflag:$0x4], $0x80, $0x38;
	[tilespmem:$0x10C00] =	vst v63  }
0x25f: {  	s26 =	sadd.s32 $0x1F0, s19;
	s28 =	simm.s32 $0x10738  }
0x260: {  	[hbm4b:s26+s3] =	stream.linear.scatter [tilespmem:s28], [sflag:$0x4], $0x80, $0x38;
	[tilespmem:$0x10C00] =	vst v63  }
0x261: {  	s19 =	rddreg [dreg:$0xf];
	s29 =	simm.s32 $0xEE40  }
0x262: {  	[hbm4b:s19+s3] =	stream.linear.scatter [tilespmem:s29], [sflag:$0x4], $0x80, $0x38;
	[tilespmem:$0x10C00] =	vst v63  }
0x263: {  	s30 =	sadd.s32 $0x10, s19;
	s31 =	simm.s32 $0xEEC8  }
0x264: {  	[hbm4b:s30+s3] =	stream.linear.scatter [tilespmem:s31], [sflag:$0x4], $0x80, $0x38;
	[tilespmem:$0x10C00] =	vst v63  }
0x265: {  	s20 =	sadd.s32 $0x20, s19;
	s21 =	simm.s32 $0xEF50  }
0x266: {  	[hbm4b:s20+s3] =	stream.linear.scatter [tilespmem:s21], [sflag:$0x4], $0x80, $0x38;
	[tilespmem:$0x10C00] =	vst v63  }
0x267: {  	s22 =	sadd.s32 $0x30, s19;
	s23 =	simm.s32 $0xEFD8  }
0x268: {  	[hbm4b:s22+s3] =	stream.linear.scatter [tilespmem:s23], [sflag:$0x4], $0x80, $0x38;
	[tilespmem:$0x10C00] =	vst v63  }
0x269: {  	s24 =	sadd.s32 $0x40, s19;
	s26 =	simm.s32 $0xF060  }
0x26a: {  	[hbm4b:s24+s3] =	stream.linear.scatter [tilespmem:s26], [sflag:$0x4], $0x80, $0x38;
	[tilespmem:$0x10C00] =	vst v63  }
0x26b: {  	s28 =	sadd.s32 $0x50, s19;
	s29 =	simm.s32 $0xF0E8  }
0x26c: {  	[hbm4b:s28+s3] =	stream.linear.scatter [tilespmem:s29], [sflag:$0x4], $0x80, $0x38;
	[tilespmem:$0x10C00] =	vst v63  }
0x26d: {  	s30 =	sadd.s32 $0x60, s19;
	s31 =	simm.s32 $0xF170  }
0x26e: {  	[hbm4b:s30+s3] =	stream.linear.scatter [tilespmem:s31], [sflag:$0x4], $0x80, $0x38;
	[tilespmem:$0x10C00] =	vst v63  }
0x26f: {  	s20 =	sadd.s32 $0x70, s19;
	s21 =	simm.s32 $0xF1F8  }
0x270: {  	[hbm4b:s20+s3] =	stream.linear.scatter [tilespmem:s21], [sflag:$0x4], $0x80, $0x38;
	[tilespmem:$0x10C00] =	vst v63  }
0x271: {  	s22 =	sadd.s32 $0x80, s19;
	s23 =	simm.s32 $0xF6C0  }
0x272: {  	[hbm4b:s22+s3] =	stream.linear.scatter [tilespmem:s23], [sflag:$0x4], $0x80, $0x38;
	[tilespmem:$0x10C00] =	vst v63  }
0x273: {  	s24 =	sadd.s32 $0x90, s19;
	s26 =	simm.s32 $0xF748  }
0x274: {  	[hbm4b:s24+s3] =	stream.linear.scatter [tilespmem:s26], [sflag:$0x4], $0x80, $0x38;
	[tilespmem:$0x10C00] =	vst v63  }
0x275: {  	s28 =	sadd.s32 $0xA0, s19;
	s29 =	simm.s32 $0xF7D0  }
0x276: {  	[hbm4b:s28+s3] =	stream.linear.scatter [tilespmem:s29], [sflag:$0x4], $0x80, $0x38;
	[tilespmem:$0x10C00] =	vst v63  }
0x277: {  	s30 =	sadd.s32 $0xB0, s19;
	s31 =	simm.s32 $0xF858  }
0x278: {  	[hbm4b:s30+s3] =	stream.linear.scatter [tilespmem:s31], [sflag:$0x4], $0x80, $0x38;
	[tilespmem:$0x10C00] =	vst v63  }
0x279: {  	s20 =	sadd.s32 $0xC0, s19;
	s21 =	simm.s32 $0xF8E0  }
0x27a: {  	[hbm4b:s20+s3] =	stream.linear.scatter [tilespmem:s21], [sflag:$0x4], $0x80, $0x38;
	[tilespmem:$0x10C00] =	vst v63  }
0x27b: {  	s22 =	sadd.s32 $0xD0, s19;
	s23 =	simm.s32 $0xF968  }
0x27c: {  	[hbm4b:s22+s3] =	stream.linear.scatter [tilespmem:s23], [sflag:$0x4], $0x80, $0x38;
	[tilespmem:$0x10C00] =	vst v63  }
0x27d: {  	s24 =	sadd.s32 $0xE0, s19;
	s26 =	simm.s32 $0xF9F0  }
0x27e: {  	[hbm4b:s24+s3] =	stream.linear.scatter [tilespmem:s26], [sflag:$0x4], $0x80, $0x38;
	[tilespmem:$0x10C00] =	vst v63  }
0x27f: {  	s28 =	sadd.s32 $0xF0, s19;
	s29 =	simm.s32 $0xFA78  }
0x280: {  	[hbm4b:s28+s3] =	stream.linear.scatter [tilespmem:s29], [sflag:$0x4], $0x80, $0x38;
	[tilespmem:$0x10C00] =	vst v63  }
0x281: {  	s30 =	sadd.s32 $0x100, s19;
	s31 =	simm.s32 $0xFF40  }
0x282: {  	[hbm4b:s30+s3] =	stream.linear.scatter [tilespmem:s31], [sflag:$0x4], $0x80, $0x38;
	[tilespmem:$0x10C00] =	vst v63  }
0x283: {  	s20 =	sadd.s32 $0x110, s19;
	s21 =	simm.s32 $0xFFC8  }
0x284: {  	[hbm4b:s20+s3] =	stream.linear.scatter [tilespmem:s21], [sflag:$0x4], $0x80, $0x38;
	[tilespmem:$0x10C00] =	vst v63  }
0x285: {  	s22 =	sadd.s32 $0x120, s19;
	s23 =	simm.s32 $0x10050  }
0x286: {  	[hbm4b:s22+s3] =	stream.linear.scatter [tilespmem:s23], [sflag:$0x4], $0x80, $0x38;
	[tilespmem:$0x10C00] =	vst v63  }
0x287: {  	s24 =	sadd.s32 $0x130, s19;
	s26 =	simm.s32 $0x100D8  }
0x288: {  	[hbm4b:s24+s3] =	stream.linear.scatter [tilespmem:s26], [sflag:$0x4], $0x80, $0x38;
	[tilespmem:$0x10C00] =	vst v63  }
0x289: {  	s28 =	sadd.s32 $0x140, s19;
	s29 =	simm.s32 $0x10160  }
0x28a: {  	[hbm4b:s28+s3] =	stream.linear.scatter [tilespmem:s29], [sflag:$0x4], $0x80, $0x38;
	[tilespmem:$0x10C00] =	vst v63  }
0x28b: {  	s30 =	sadd.s32 $0x150, s19;
	s31 =	simm.s32 $0x101E8  }
0x28c: {  	[hbm4b:s30+s3] =	stream.linear.scatter [tilespmem:s31], [sflag:$0x4], $0x80, $0x38;
	[tilespmem:$0x10C00] =	vst v63  }
0x28d: {  	s20 =	sadd.s32 $0x160, s19;
	s21 =	simm.s32 $0x10270  }
0x28e: {  	[hbm4b:s20+s3] =	stream.linear.scatter [tilespmem:s21], [sflag:$0x4], $0x80, $0x38;
	[tilespmem:$0x10C00] =	vst v63  }
0x28f: {  	s22 =	sadd.s32 $0x170, s19;
	s23 =	simm.s32 $0x102F8  }
0x290: {  	[hbm4b:s22+s3] =	stream.linear.scatter [tilespmem:s23], [sflag:$0x4], $0x80, $0x38;
	[tilespmem:$0x10C00] =	vst v63  }
0x291: {  	s24 =	sadd.s32 $0x180, s19;
	s26 =	simm.s32 $0x107C0  }
0x292: {  	[hbm4b:s24+s3] =	stream.linear.scatter [tilespmem:s26], [sflag:$0x4], $0x80, $0x38;
	[tilespmem:$0x10C00] =	vst v63  }
0x293: {  	s28 =	sadd.s32 $0x190, s19;
	s29 =	simm.s32 $0x10848  }
0x294: {  	[hbm4b:s28+s3] =	stream.linear.scatter [tilespmem:s29], [sflag:$0x4], $0x80, $0x38;
	[tilespmem:$0x10C00] =	vst v63  }
0x295: {  	s30 =	sadd.s32 $0x1A0, s19;
	s31 =	simm.s32 $0x108D0  }
0x296: {  	[hbm4b:s30+s3] =	stream.linear.scatter [tilespmem:s31], [sflag:$0x4], $0x80, $0x38;
	[tilespmem:$0x10C00] =	vst v63  }
0x297: {  	s20 =	sadd.s32 $0x1B0, s19;
	s21 =	simm.s32 $0x10958  }
0x298: {  	[hbm4b:s20+s3] =	stream.linear.scatter [tilespmem:s21], [sflag:$0x4], $0x80, $0x38;
	[tilespmem:$0x10C00] =	vst v63  }
0x299: {  	s22 =	sadd.s32 $0x1C0, s19;
	s23 =	simm.s32 $0x109E0  }
0x29a: {  	[hbm4b:s22+s3] =	stream.linear.scatter [tilespmem:s23], [sflag:$0x4], $0x80, $0x38;
	[tilespmem:$0x10C00] =	vst v63  }
0x29b: {  	s24 =	sadd.s32 $0x1D0, s19;
	s26 =	simm.s32 $0x10A68  }
0x29c: {  	[hbm4b:s24+s3] =	stream.linear.scatter [tilespmem:s26], [sflag:$0x4], $0x80, $0x38;
	[tilespmem:$0x10C00] =	vst v63  }
0x29d: {  	s28 =	sadd.s32 $0x1E0, s19;
	s29 =	simm.s32 $0x10AF0  }
0x29e: {  	[hbm4b:s28+s3] =	stream.linear.scatter [tilespmem:s29], [sflag:$0x4], $0x80, $0x38;
	[tilespmem:$0x10C00] =	vst v63  }
0x29f: {  	s30 =	sadd.s32 $0x1F0, s19;
	s31 =	simm.s32 $0x10B78;
	s20 =	simm.s32 $0x1  }
0x2a0: {  	[hbm4b:s30+s3] =	stream.linear.scatter [tilespmem:s31], [sflag:$0x4], $0x80, $0x38;
	[tilespmem:$0x10C00] =	vst v63  }
.LBB2_6:
0x2a1: {  	_ =	swait.ge [sflag:s14], $0x4000  }
0x2a2: {  	[sflag:s14] =	ssyncset.done $0x0  }
0x2a3: {  	[sflag:s14] =	ssyncadd.s32 $0xFFFFC000  }
0x2a4: {  	s18 =	simm.s32 $0x0;
	s19 =	simm.s32 $0x0;
	_ =	swait.ge [sflag:s16], $0x1000  }
0x2a5: {  	s22 =	simm.s32 $0x1;
	s23 =	simm.s32 $0x7;
	[sflag:s16] =	ssyncset.done $0x0  }
0x2a6: {  	s28 =	simm.s32 $0x4;
	s31 =	simm.s32 $0x6;
	[sflag:s16] =	ssyncadd.s32 $0xFFFFF000  }
0x2a7: {  	s24 =	simm.s32 $0x3;
	s21 =	sand.u32 $0x78, s18;
	_ =	swait.ge [sflag:s16], $0x1000  }
0x2a8: {  	v3 =	vmov s19;
	s29 =	sand.u32 $0x78, s22;
	s30 =	sand.u32 $0x78, s23;
	[sflag:s16] =	ssyncset.done $0x0  }
0x2a9: {  	s19 =	sand.u32 $0x78, s28;
	s28 =	sand.u32 $0x78, s24;
	v4 =	vmov s21;
	v3 =	vmul.u32 $0x880, v3;
	v5 =	vmov s30;
	[sflag:s16] =	ssyncadd.s32 $0xFFFFF000  }
0x2aa: {  	s26 =	sand.u32 $0x78, s31;
	v6 =	vmov s29;
	v7 =	vmov s19;
	v8 =	vmov s28;
	_ =	swait.ge [sflag:s16], $0x1000  }
0x2ab: {  	v9 =	vmov s26;
	v4 =	vshrl.u32 v4, $0x3;
	v6 =	vshrl.u32 v6, $0x3;
	[sflag:s16] =	ssyncset.done $0x0  }
0x2ac: {  	s29 =	simm.s32 $0x2;
	v5 =	vshrl.u32 v5, $0x3;
	v9 =	vshrl.u32 v9, $0x3;
	v8 =	vshrl.u32 v8, $0x3;
	[sflag:s16] =	ssyncadd.s32 $0xFFFFF000  }
0x2ad: {  	s30 =	sand.u32 $0x78, s29;
	v4 =	vshll.u32 v4, v1;
	v3 =	vbroadcast v3, $0x0;
	v6 =	vshll.u32 v6, v1;
	_ =	swait.ge [sflag:s16], $0x1000  }
0x2ae: {  	v11 =	vmov s30;
	v5 =	vshll.u32 v5, v1;
	v4 =	vbroadcast v4, $0x0;
	[sflag:s16] =	ssyncset.done $0x0  }
0x2af: {  	s19 =	simm.s32 $0x480;
	v8 =	vshll.u32 v8, v1;
	v19 =	vbroadcast v6, $0x0;
	v10 =	vadd.s32 v0, v3;
	[sflag:s16] =	ssyncadd.s32 $0xFFFFF000  }
0x2b0: {  	v6 =	vshrl.u32 v7, $0x3;
	v3 =	vadd.s32 v2, v3;
	v13 =	vadd.s32 v4, v10;
	v12 =	vld [tilespmem:s19+$0xFFFFFF80]  }
0x2b1: {  	s31 =	simm.s32 $0x5;
	v16 =	vadd.s32 v4, v3;
	v4 =	vshll.u32 v6, v1;
	v6 =	vshll.u32 v9, v1  }
0x2b2: {  	s21 =	sand.u32 $0x78, s31;
	v11 =	vshrl.u32 v11, $0x3;
	v7 =	vadd.s32 v10, v19;
	v6 =	vbroadcast v6, $0x0  }
0x2b3: {  	v9 =	vmov s21;
	v15 =	vor.u32 $0x1, v7;
	v17 =	vbroadcast v4, $0x0;
	v14 =	vld [tilespmem:s19+$0xFFFFFFA0]  }
0x2b4: {  	v7 =	vbroadcast v5, $0x0;
	v5 =	vshll.u32 v11, v1;
	v11 =	vadd.s32 v10, v6;
	v4 =	vld [tilespmem:s19+$0xFFFFFFC0]  }
0x2b5: {  	v23 =	vbroadcast v8, $0x0;
	v9 =	vshrl.u32 v9, $0x3;
	v11 =	vor.u32 $0x6, v11;
	v18 =	vld [tilespmem:s19+$0x40];
	[tilespmem:v13+s11+$0x0] =	vst.idx.msk $0xffff, v12  }
0x2b6: {  	v9 =	vshll.u32 v9, v1;
	v25 =	vbroadcast v5, $0x0;
	v12 =	vadd.s32 v10, v17;
	v20 =	vld [tilespmem:s19+$0xFFFFFF90]  }
0x2b7: {  	v22 =	vadd.s32 v3, v17;
	v8 =	vadd.s32 v3, v6;
	v24 =	vld [tilespmem:s19+$0x0];
	v21 =	vor.u32 $0x4, v12  }
0x2b8: {  	v5 =	vor.u32 $0x6, v8;
	v8 =	vadd.s32 v10, v7;
	[tilespmem:v15+s11+$0x0] =	vst.idx.msk $0xffff, v14;
	v14 =	vadd.s32 v10, v23;
	v15 =	vld [tilespmem:s19+$0x60]  }
0x2b9: {  	v17 =	vor.u32 $0x7, v8;
	v8 =	vadd.s32 v10, v25;
	v13 =	vld [tilespmem:s19+$0xFFFFFFE0];
	v12 =	vbroadcast v9, $0x0  }
0x2ba: {  	[tilespmem:v11+s11+$0x0] =	vst.idx.msk $0xffff, v18;
	v18 =	vadd.s32 v3, v25;
	v6 =	vld [tilespmem:s19+$0xFFFFFFB0];
	v14 =	vor.u32 $0x3, v14;
	v11 =	vor.u32 $0x2, v8  }
0x2bb: {  	v8 =	vor.u32 $0x4, v22;
	v9 =	vadd.s32 v3, v12;
	v12 =	vadd.s32 v10, v12;
	v10 =	vld [tilespmem:s19+$0x50];
	[tilespmem:v16+s11+$0x0] =	vst.idx.msk $0xffff, v20  }
0x2bc: {  	s21 =	simm.s32 $0x580;
	v12 =	vor.u32 $0x5, v12;
	v16 =	vld [tilespmem:s19+$0x20];
	v20 =	vadd.s32 v3, v19;
	v19 =	vadd.s32 v3, v23;
	[tilespmem:v21+s11+$0x0] =	vst.idx.msk $0xffff, v24  }
.LBB2_7:
0x2bd: {  	s22 =	sadd.s32 $0x9, s18  }
0x2be: {  	s23 =	sadd.s32 $0xF, s18;
	v20 =	vor.u32 $0x1, v20;
	v21 =	vld [tilespmem:s19+$0x10];
	v3 =	vadd.s32 v3, v7;
	s24 =	smov.u32 s18;
	s18 =	sadd.s32 $0x8, s18  }
0x2bf: {  	v7 =	vor.u32 $0x2, v18;
	v18 =	vor.u32 $0x3, v19;
	s26 =	sshrl.u32 s18, $0x7;
	s28 =	sand.u32 $0x78, s18;
	s29 =	sadd.s32 $0xC, s24;
	[tilespmem:v17+s11+$0x0] =	vst.idx.msk $0xffff, v15;
	v15 =	vor.u32 $0x7, v3  }
0x2c0: {  	v9 =	vor.u32 $0x5, v9;
	s22 =	sand.u32 $0x78, s22;
	s23 =	sand.u32 $0x78, s23;
	v3 =	vmov s26;
	v17 =	vmov s28;
	s26 =	sadd.s32 $0xE, s24;
	[tilespmem:v14+s11+$0x0] =	vst.idx.msk $0xffff, v13  }
0x2c1: {  	s28 =	sand.u32 $0x78, s29;
	s29 =	sadd.s32 $0xD, s24;
	v14 =	vmov s23;
	v13 =	vshrl.u32 v17, $0x3;
	v3 =	vmul.u32 $0x880, v3;
	s26 =	sand.u32 $0x78, s26;
	[tilespmem:v12+s11+$0x0] =	vst.idx.msk $0xffff, v16;
	v12 =	vld [tilespmem:s19+$0x70]  }
0x2c2: {  	s23 =	sadd.s32 $0xB, s24;
	v16 =	vmov s22;
	s22 =	sadd.s32 $0xA, s24;
	v17 =	vmov s28;
	s24 =	sand.u32 $0x78, s29;
	v13 =	vshll.u32 v13, v1;
	[tilespmem:v11+s11+$0x0] =	vst.idx.msk $0xffff, v4;
	v4 =	vld [tilespmem:s19+$0x30]  }
0x2c3: {  	p0 =	slt.u32 s18, $0x1F8;
	s23 =	sand.u32 $0x78, s23;
	s22 =	sand.u32 $0x78, s22;
	v3 =	vbroadcast v3, $0x0;
	v11 =	vbroadcast v13, $0x0;
	v13 =	vshrl.u32 v16, $0x3;
	[tilespmem:v20+s11+$0x0] =	vst.idx.msk $0xffff, v6;
	v6 =	vld [tilespmem:s19+$0xFFFFFFD0]  }
0x2c4: {  	v14 =	vshrl.u32 v14, $0x3;
	v19 =	vmov s26;
	v16 =	vmov s23;
	v20 =	vld [tilespmem:s19+$0xFFFFFFF0];
	[tilespmem:v5+s11+$0x0] =	vst.idx.msk $0xffff, v10;
	s19 =	smov.u32 s21  }
0x2c5: {  	v5 =	vshrl.u32 v19, $0x3;
	v10 =	vadd.s32 v0, v3;
	v3 =	vadd.s32 v2, v3;
	[tilespmem:v8+s11+$0x0] =	vst.idx.msk $0xffff, v21  }
0x2c6: {  	v14 =	vshll.u32 v14, v1;
	v8 =	vshll.u32 v13, v1;
	v13 =	vmov s22;
	[tilespmem:v15+s11+$0x0] =	vst.idx.msk $0xffff, v12  }
0x2c7: {  	v19 =	vadd.s32 v11, v3;
	v21 =	vbroadcast v8, $0x0;
	v8 =	vshrl.u32 v17, $0x3;
	[tilespmem:v9+s11+$0x0] =	vst.idx.msk $0xffff, v4  }
0x2c8: {  	v5 =	vshll.u32 v5, v1;
	v11 =	vadd.s32 v11, v10;
	v4 =	vshll.u32 v8, v1;
	v9 =	vld [tilespmem:s21+$0xFFFFFF80]  }
0x2c9: {  	v12 =	vshrl.u32 v16, $0x3;
	v15 =	vmov s24;
	v8 =	vadd.s32 v10, v21;
	[tilespmem:v18+s11+$0x0] =	vst.idx.msk $0xffff, v20  }
0x2ca: {  	v5 =	vbroadcast v5, $0x0;
	v15 =	vshrl.u32 v15, $0x3;
	v8 =	vor.u32 $0x1, v8;
	v16 =	vld [tilespmem:s21+$0xFFFFFFA0];
	[tilespmem:v7+s11+$0x0] =	vst.idx.msk $0xffff, v6  }
0x2cb: {  	v6 =	vshrl.u32 v13, $0x3;
	v13 =	vbroadcast v4, $0x0;
	v7 =	vbroadcast v14, $0x0  }
0x2cc: {  	v14 =	vshll.u32 v15, v1;
	v15 =	vadd.s32 v10, v5;
	v6 =	vshll.u32 v6, v1;
	v4 =	vld [tilespmem:s21+$0xFFFFFFC0]  }
0x2cd: {  	v20 =	vor.u32 $0x6, v15;
	[tilespmem:v11+s11+$0x0] =	vst.idx.msk $0xffff, v9;
	v9 =	vshll.u32 v12, v1;
	v11 =	vadd.s32 v10, v13;
	v18 =	vld [tilespmem:s21+$0x40]  }
0x2ce: {  	v24 =	vadd.s32 v3, v13;
	v22 =	vld [tilespmem:s21+$0xFFFFFF90];
	v23 =	vor.u32 $0x4, v11;
	v11 =	vbroadcast v14, $0x0  }
0x2cf: {  	v5 =	vadd.s32 v3, v5;
	v25 =	vbroadcast v9, $0x0;
	[tilespmem:v8+s11+$0x0] =	vst.idx.msk $0xffff, v16;
	v8 =	vbroadcast v6, $0x0;
	v26 =	vld [tilespmem:s21+$0x0]  }
.Ltmp2:
0x2d0: {  	v5 =	vor.u32 $0x6, v5;
	v12 =	vadd.s32 v10, v7;
	v6 =	vld [tilespmem:s21+$0xFFFFFFB0];
	v9 =	vadd.s32 v3, v11;
	(pc) =	sbr.rel @p0 .LBB2_7-.Ltmp2, $4  }
0x2d1: {  	v17 =	vor.u32 $0x7, v12;
	v14 =	vadd.s32 v10, v25;
	v11 =	vadd.s32 v10, v11;
	v15 =	vld [tilespmem:s21+$0x60]  }
0x2d2: {  	v10 =	vadd.s32 v10, v8;
	v14 =	vor.u32 $0x3, v14;
	v12 =	vor.u32 $0x5, v11;
	v13 =	vld [tilespmem:s21+$0xFFFFFFE0];
	[tilespmem:v20+s11+$0x0] =	vst.idx.msk $0xffff, v18  }
0x2d3: {  	v11 =	vor.u32 $0x2, v10;
	v18 =	vadd.s32 v3, v8;
	v8 =	vor.u32 $0x4, v24;
	[tilespmem:v19+s11+$0x0] =	vst.idx.msk $0xffff, v22;
	v16 =	vld [tilespmem:s21+$0x20]  }
0x2d4: {  	v20 =	vadd.s32 v3, v21;
	v19 =	vadd.s32 v3, v25;
	s21 =	sadd.s32 $0x100, s21;
	[tilespmem:v23+s11+$0x0] =	vst.idx.msk $0xffff, v26;
	v10 =	vld [tilespmem:s19+$0x50]  }
0x2d5: {  	_ =	sdelay $0x3  }
0x2d6: {  	v20 =	vor.u32 $0x1, v20;
	[tilespmem:v11+s11+$0x0] =	vst.idx.msk $0xffff, v4  }
0x2d7: {  	v3 =	vadd.s32 v3, v7;
	[tilespmem:v17+s11+$0x0] =	vst.idx.msk $0xffff, v15;
	v15 =	vld [tilespmem:s19+$0x10]  }
0x2d8: {  	v3 =	vor.u32 $0x7, v3;
	v7 =	vld [tilespmem:s19+$0x70];
	[tilespmem:v12+s11+$0x0] =	vst.idx.msk $0xffff, v16  }
0x2d9: {  	v9 =	vor.u32 $0x5, v9;
	[tilespmem:v14+s11+$0x0] =	vst.idx.msk $0xffff, v13;
	v4 =	vld [tilespmem:s19+$0x30]  }
0x2da: {  	[tilespmem:v5+s11+$0x0] =	vst.idx.msk $0xffff, v10  }
0x2db: {  	[tilespmem:v20+s11+$0x0] =	vst.idx.msk $0xffff, v6  }
0x2dc: {  	v11 =	vor.u32 $0x3, v19;
	v6 =	vld [tilespmem:s19+$0xFFFFFFF0];
	[tilespmem:v8+s11+$0x0] =	vst.idx.msk $0xffff, v15  }
0x2dd: {  	v13 =	vld [tilespmem:s19+$0xFFFFFFD0];
	v12 =	vor.u32 $0x2, v18;
	[tilespmem:v3+s11+$0x0] =	vst.idx.msk $0xffff, v7  }
0x2de: {  	[tilespmem:v9+s11+$0x0] =	vst.idx.msk $0xffff, v4  }
0x2df: {  	s18 =	sshll.u32 s20, $0xF;
	s23 =	rddreg [dreg:$0x10]  }
0x2e0: {  	s19 =	sadd.s32 s23, s18  }
0x2e1: {  	[tilespmem:v11+s11+$0x0] =	vst.idx.msk $0xffff, v6;
	s19 =	sshrl.u32 s19, $0x3  }
0x2e2: {  	[tilespmem:v12+s11+$0x0] =	vst.idx.msk $0xffff, v13;
	s19 =	sadd.s32 s4, s19  }
0x2e3: {  	[tilespmem:s3], [sflag:$0x5] =	stream.linear.gather [hbm4b:s19+s3], $0x200, $0x38;
	[tilespmem:$0x10C00] =	vst v63  }
0x2e4: {  	_ =	swait.ge [sflag:s7], $0x200  }
0x2e5: {  	[sflag:s7] =	ssyncset.done $0x0  }
0x2e6: {  	s24 =	sshll.u32 s20, $0x11;
	s21 =	simm.s32 $0x400;
	[sflag:s7] =	ssyncadd.s32 $0xFFFFFE00  }
0x2e7: {  	[tilespmem:s21], [sflag:$0x1] =	stream.indirect.gather [hbm4b:s5+s1], $0x20, s3, s1, $0xb8;
	[tilespmem:$0x10C00] =	vst v63  }
0x2e8: {  	s21 =	sor.u32 s6, s24;
	s26 =	rddreg [dreg:$0x1]  }
0x2e9: {  	s19 =	sadd.s32 s26, s21  }
0x2ea: {  	[hbm4b:s19+s3] =	stream.linear.scatter [tilespmem:s11], [sflag:$0x3], $0x80, $0x38;
	[tilespmem:$0x10C00] =	vst v63  }
0x2eb: {  	s23 =	simm.s32 $0x8488;
	s22 =	sadd.s32 $0x10, s19  }
0x2ec: {  	[hbm4b:s22+s3] =	stream.linear.scatter [tilespmem:s23], [sflag:$0x3], $0x80, $0x38;
	[tilespmem:$0x10C00] =	vst v63  }
0x2ed: {  	s29 =	simm.s32 $0x8510;
	s28 =	sadd.s32 $0x20, s19  }
0x2ee: {  	[hbm4b:s28+s3] =	stream.linear.scatter [tilespmem:s29], [sflag:$0x3], $0x80, $0x38;
	[tilespmem:$0x10C00] =	vst v63  }
0x2ef: {  	s31 =	simm.s32 $0x8598;
	s30 =	sadd.s32 $0x30, s19  }
0x2f0: {  	[hbm4b:s30+s3] =	stream.linear.scatter [tilespmem:s31], [sflag:$0x3], $0x80, $0x38;
	[tilespmem:$0x10C00] =	vst v63  }
0x2f1: {  	s26 =	simm.s32 $0x8620;
	s24 =	sadd.s32 $0x40, s19  }
0x2f2: {  	[hbm4b:s24+s3] =	stream.linear.scatter [tilespmem:s26], [sflag:$0x3], $0x80, $0x38;
	[tilespmem:$0x10C00] =	vst v63  }
0x2f3: {  	s28 =	sadd.s32 $0x50, s19;
	s29 =	simm.s32 $0x86A8  }
0x2f4: {  	[hbm4b:s28+s3] =	stream.linear.scatter [tilespmem:s29], [sflag:$0x3], $0x80, $0x38;
	[tilespmem:$0x10C00] =	vst v63  }
0x2f5: {  	s30 =	sadd.s32 $0x60, s19;
	s31 =	simm.s32 $0x8730  }
0x2f6: {  	[hbm4b:s30+s3] =	stream.linear.scatter [tilespmem:s31], [sflag:$0x3], $0x80, $0x38;
	[tilespmem:$0x10C00] =	vst v63  }
0x2f7: {  	s24 =	sadd.s32 $0x70, s19;
	s26 =	simm.s32 $0x87B8  }
0x2f8: {  	[hbm4b:s24+s3] =	stream.linear.scatter [tilespmem:s26], [sflag:$0x3], $0x80, $0x38;
	[tilespmem:$0x10C00] =	vst v63  }
0x2f9: {  	s28 =	sadd.s32 $0x80, s19;
	s29 =	simm.s32 $0x8C80  }
0x2fa: {  	[hbm4b:s28+s3] =	stream.linear.scatter [tilespmem:s29], [sflag:$0x3], $0x80, $0x38;
	[tilespmem:$0x10C00] =	vst v63  }
0x2fb: {  	s30 =	sadd.s32 $0x90, s19;
	s31 =	simm.s32 $0x8D08  }
0x2fc: {  	[hbm4b:s30+s3] =	stream.linear.scatter [tilespmem:s31], [sflag:$0x3], $0x80, $0x38;
	[tilespmem:$0x10C00] =	vst v63  }
0x2fd: {  	s24 =	sadd.s32 $0xA0, s19;
	s26 =	simm.s32 $0x8D90  }
0x2fe: {  	[hbm4b:s24+s3] =	stream.linear.scatter [tilespmem:s26], [sflag:$0x3], $0x80, $0x38;
	[tilespmem:$0x10C00] =	vst v63  }
0x2ff: {  	s28 =	sadd.s32 $0xB0, s19;
	s29 =	simm.s32 $0x8E18  }
0x300: {  	[hbm4b:s28+s3] =	stream.linear.scatter [tilespmem:s29], [sflag:$0x3], $0x80, $0x38;
	[tilespmem:$0x10C00] =	vst v63  }
0x301: {  	s30 =	sadd.s32 $0xC0, s19;
	s31 =	simm.s32 $0x8EA0  }
0x302: {  	[hbm4b:s30+s3] =	stream.linear.scatter [tilespmem:s31], [sflag:$0x3], $0x80, $0x38;
	[tilespmem:$0x10C00] =	vst v63  }
0x303: {  	s24 =	sadd.s32 $0xD0, s19;
	s26 =	simm.s32 $0x8F28  }
0x304: {  	[hbm4b:s24+s3] =	stream.linear.scatter [tilespmem:s26], [sflag:$0x3], $0x80, $0x38;
	[tilespmem:$0x10C00] =	vst v63  }
0x305: {  	s28 =	sadd.s32 $0xE0, s19;
	s29 =	simm.s32 $0x8FB0  }
0x306: {  	[hbm4b:s28+s3] =	stream.linear.scatter [tilespmem:s29], [sflag:$0x3], $0x80, $0x38;
	[tilespmem:$0x10C00] =	vst v63  }
0x307: {  	s30 =	sadd.s32 $0xF0, s19;
	s31 =	simm.s32 $0x9038  }
0x308: {  	[hbm4b:s30+s3] =	stream.linear.scatter [tilespmem:s31], [sflag:$0x3], $0x80, $0x38;
	[tilespmem:$0x10C00] =	vst v63  }
0x309: {  	s24 =	sadd.s32 $0x100, s19;
	s26 =	simm.s32 $0x9500  }
0x30a: {  	[hbm4b:s24+s3] =	stream.linear.scatter [tilespmem:s26], [sflag:$0x3], $0x80, $0x38;
	[tilespmem:$0x10C00] =	vst v63  }
0x30b: {  	s28 =	sadd.s32 $0x110, s19;
	s29 =	simm.s32 $0x9588  }
0x30c: {  	[hbm4b:s28+s3] =	stream.linear.scatter [tilespmem:s29], [sflag:$0x3], $0x80, $0x38;
	[tilespmem:$0x10C00] =	vst v63  }
0x30d: {  	s30 =	sadd.s32 $0x120, s19;
	s31 =	simm.s32 $0x9610  }
0x30e: {  	[hbm4b:s30+s3] =	stream.linear.scatter [tilespmem:s31], [sflag:$0x3], $0x80, $0x38;
	[tilespmem:$0x10C00] =	vst v63  }
0x30f: {  	s24 =	sadd.s32 $0x130, s19;
	s26 =	simm.s32 $0x9698  }
0x310: {  	[hbm4b:s24+s3] =	stream.linear.scatter [tilespmem:s26], [sflag:$0x3], $0x80, $0x38;
	[tilespmem:$0x10C00] =	vst v63  }
0x311: {  	s28 =	sadd.s32 $0x140, s19;
	s29 =	simm.s32 $0x9720  }
0x312: {  	[hbm4b:s28+s3] =	stream.linear.scatter [tilespmem:s29], [sflag:$0x3], $0x80, $0x38;
	[tilespmem:$0x10C00] =	vst v63  }
0x313: {  	s30 =	sadd.s32 $0x150, s19;
	s31 =	simm.s32 $0x97A8  }
0x314: {  	[hbm4b:s30+s3] =	stream.linear.scatter [tilespmem:s31], [sflag:$0x3], $0x80, $0x38;
	[tilespmem:$0x10C00] =	vst v63  }
0x315: {  	s24 =	sadd.s32 $0x160, s19;
	s26 =	simm.s32 $0x9830  }
0x316: {  	[hbm4b:s24+s3] =	stream.linear.scatter [tilespmem:s26], [sflag:$0x3], $0x80, $0x38;
	[tilespmem:$0x10C00] =	vst v63  }
0x317: {  	s28 =	sadd.s32 $0x170, s19;
	s29 =	simm.s32 $0x98B8  }
0x318: {  	[hbm4b:s28+s3] =	stream.linear.scatter [tilespmem:s29], [sflag:$0x3], $0x80, $0x38;
	[tilespmem:$0x10C00] =	vst v63  }
0x319: {  	s30 =	sadd.s32 $0x180, s19;
	s31 =	simm.s32 $0x9D80  }
0x31a: {  	[hbm4b:s30+s3] =	stream.linear.scatter [tilespmem:s31], [sflag:$0x3], $0x80, $0x38;
	[tilespmem:$0x10C00] =	vst v63  }
0x31b: {  	s24 =	sadd.s32 $0x190, s19;
	s26 =	simm.s32 $0x9E08  }
0x31c: {  	[hbm4b:s24+s3] =	stream.linear.scatter [tilespmem:s26], [sflag:$0x3], $0x80, $0x38;
	[tilespmem:$0x10C00] =	vst v63  }
0x31d: {  	s28 =	sadd.s32 $0x1A0, s19;
	s29 =	simm.s32 $0x9E90  }
0x31e: {  	[hbm4b:s28+s3] =	stream.linear.scatter [tilespmem:s29], [sflag:$0x3], $0x80, $0x38;
	[tilespmem:$0x10C00] =	vst v63  }
0x31f: {  	s30 =	sadd.s32 $0x1B0, s19;
	s31 =	simm.s32 $0x9F18  }
0x320: {  	[hbm4b:s30+s3] =	stream.linear.scatter [tilespmem:s31], [sflag:$0x3], $0x80, $0x38;
	[tilespmem:$0x10C00] =	vst v63  }
0x321: {  	s23 =	sadd.s32 $0x1C0, s19;
	s24 =	simm.s32 $0x9FA0  }
0x322: {  	[hbm4b:s23+s3] =	stream.linear.scatter [tilespmem:s24], [sflag:$0x3], $0x80, $0x38;
	[tilespmem:$0x10C00] =	vst v63  }
0x323: {  	s26 =	sadd.s32 $0x1D0, s19;
	s28 =	simm.s32 $0xA028  }
0x324: {  	[hbm4b:s26+s3] =	stream.linear.scatter [tilespmem:s28], [sflag:$0x3], $0x80, $0x38;
	[tilespmem:$0x10C00] =	vst v63  }
0x325: {  	s29 =	sadd.s32 $0x1E0, s19;
	s30 =	simm.s32 $0xA0B0  }
0x326: {  	[hbm4b:s29+s3] =	stream.linear.scatter [tilespmem:s30], [sflag:$0x3], $0x80, $0x38;
	[tilespmem:$0x10C00] =	vst v63  }
0x327: {  	s19 =	sadd.s32 $0x1F0, s19;
	s31 =	simm.s32 $0xA138  }
0x328: {  	[hbm4b:s19+s3] =	stream.linear.scatter [tilespmem:s31], [sflag:$0x3], $0x80, $0x38;
	[tilespmem:$0x10C00] =	vst v63  }
0x329: {  	s23 =	simm.s32 $0x8840;
	s19 =	sadd.s32 s21, s0  }
0x32a: {  	[hbm4b:s19+s3] =	stream.linear.scatter [tilespmem:s23], [sflag:$0x3], $0x80, $0x38;
	[tilespmem:$0x10C00] =	vst v63  }
0x32b: {  	s26 =	simm.s32 $0x88C8;
	s24 =	sadd.s32 $0x10, s19  }
0x32c: {  	[hbm4b:s24+s3] =	stream.linear.scatter [tilespmem:s26], [sflag:$0x3], $0x80, $0x38;
	[tilespmem:$0x10C00] =	vst v63  }
0x32d: {  	s29 =	simm.s32 $0x8950;
	s28 =	sadd.s32 $0x20, s19  }
0x32e: {  	[hbm4b:s28+s3] =	stream.linear.scatter [tilespmem:s29], [sflag:$0x3], $0x80, $0x38;
	[tilespmem:$0x10C00] =	vst v63  }
0x32f: {  	s31 =	simm.s32 $0x89D8;
	s30 =	sadd.s32 $0x30, s19  }
0x330: {  	[hbm4b:s30+s3] =	stream.linear.scatter [tilespmem:s31], [sflag:$0x3], $0x80, $0x38;
	[tilespmem:$0x10C00] =	vst v63  }
0x331: {  	s24 =	sadd.s32 $0x40, s19;
	s26 =	simm.s32 $0x8A60  }
0x332: {  	[hbm4b:s24+s3] =	stream.linear.scatter [tilespmem:s26], [sflag:$0x3], $0x80, $0x38;
	[tilespmem:$0x10C00] =	vst v63  }
0x333: {  	s28 =	sadd.s32 $0x50, s19;
	s29 =	simm.s32 $0x8AE8  }
0x334: {  	[hbm4b:s28+s3] =	stream.linear.scatter [tilespmem:s29], [sflag:$0x3], $0x80, $0x38;
	[tilespmem:$0x10C00] =	vst v63  }
0x335: {  	s30 =	sadd.s32 $0x60, s19;
	s31 =	simm.s32 $0x8B70  }
0x336: {  	[hbm4b:s30+s3] =	stream.linear.scatter [tilespmem:s31], [sflag:$0x3], $0x80, $0x38;
	[tilespmem:$0x10C00] =	vst v63  }
0x337: {  	s24 =	sadd.s32 $0x70, s19;
	s26 =	simm.s32 $0x8BF8  }
0x338: {  	[hbm4b:s24+s3] =	stream.linear.scatter [tilespmem:s26], [sflag:$0x3], $0x80, $0x38;
	[tilespmem:$0x10C00] =	vst v63  }
0x339: {  	s28 =	sadd.s32 $0x80, s19;
	s29 =	simm.s32 $0x90C0  }
0x33a: {  	[hbm4b:s28+s3] =	stream.linear.scatter [tilespmem:s29], [sflag:$0x3], $0x80, $0x38;
	[tilespmem:$0x10C00] =	vst v63  }
0x33b: {  	s30 =	sadd.s32 $0x90, s19;
	s31 =	simm.s32 $0x9148  }
0x33c: {  	[hbm4b:s30+s3] =	stream.linear.scatter [tilespmem:s31], [sflag:$0x3], $0x80, $0x38;
	[tilespmem:$0x10C00] =	vst v63  }
0x33d: {  	s24 =	sadd.s32 $0xA0, s19;
	s26 =	simm.s32 $0x91D0  }
0x33e: {  	[hbm4b:s24+s3] =	stream.linear.scatter [tilespmem:s26], [sflag:$0x3], $0x80, $0x38;
	[tilespmem:$0x10C00] =	vst v63  }
0x33f: {  	s28 =	sadd.s32 $0xB0, s19;
	s29 =	simm.s32 $0x9258  }
0x340: {  	[hbm4b:s28+s3] =	stream.linear.scatter [tilespmem:s29], [sflag:$0x3], $0x80, $0x38;
	[tilespmem:$0x10C00] =	vst v63  }
0x341: {  	s30 =	sadd.s32 $0xC0, s19;
	s31 =	simm.s32 $0x92E0  }
0x342: {  	[hbm4b:s30+s3] =	stream.linear.scatter [tilespmem:s31], [sflag:$0x3], $0x80, $0x38;
	[tilespmem:$0x10C00] =	vst v63  }
0x343: {  	s24 =	sadd.s32 $0xD0, s19;
	s26 =	simm.s32 $0x9368  }
0x344: {  	[hbm4b:s24+s3] =	stream.linear.scatter [tilespmem:s26], [sflag:$0x3], $0x80, $0x38;
	[tilespmem:$0x10C00] =	vst v63  }
0x345: {  	s28 =	sadd.s32 $0xE0, s19;
	s29 =	simm.s32 $0x93F0  }
0x346: {  	[hbm4b:s28+s3] =	stream.linear.scatter [tilespmem:s29], [sflag:$0x3], $0x80, $0x38;
	[tilespmem:$0x10C00] =	vst v63  }
0x347: {  	s30 =	sadd.s32 $0xF0, s19;
	s31 =	simm.s32 $0x9478  }
0x348: {  	[hbm4b:s30+s3] =	stream.linear.scatter [tilespmem:s31], [sflag:$0x3], $0x80, $0x38;
	[tilespmem:$0x10C00] =	vst v63  }
0x349: {  	s24 =	sadd.s32 $0x100, s19;
	s26 =	simm.s32 $0x9940  }
0x34a: {  	[hbm4b:s24+s3] =	stream.linear.scatter [tilespmem:s26], [sflag:$0x3], $0x80, $0x38;
	[tilespmem:$0x10C00] =	vst v63  }
0x34b: {  	s28 =	sadd.s32 $0x110, s19;
	s29 =	simm.s32 $0x99C8  }
0x34c: {  	[hbm4b:s28+s3] =	stream.linear.scatter [tilespmem:s29], [sflag:$0x3], $0x80, $0x38;
	[tilespmem:$0x10C00] =	vst v63  }
0x34d: {  	s30 =	sadd.s32 $0x120, s19;
	s31 =	simm.s32 $0x9A50  }
0x34e: {  	[hbm4b:s30+s3] =	stream.linear.scatter [tilespmem:s31], [sflag:$0x3], $0x80, $0x38;
	[tilespmem:$0x10C00] =	vst v63  }
0x34f: {  	s24 =	sadd.s32 $0x130, s19;
	s26 =	simm.s32 $0x9AD8  }
0x350: {  	[hbm4b:s24+s3] =	stream.linear.scatter [tilespmem:s26], [sflag:$0x3], $0x80, $0x38;
	[tilespmem:$0x10C00] =	vst v63  }
0x351: {  	s28 =	sadd.s32 $0x140, s19;
	s29 =	simm.s32 $0x9B60  }
0x352: {  	[hbm4b:s28+s3] =	stream.linear.scatter [tilespmem:s29], [sflag:$0x3], $0x80, $0x38;
	[tilespmem:$0x10C00] =	vst v63  }
0x353: {  	s30 =	sadd.s32 $0x150, s19;
	s31 =	simm.s32 $0x9BE8  }
0x354: {  	[hbm4b:s30+s3] =	stream.linear.scatter [tilespmem:s31], [sflag:$0x3], $0x80, $0x38;
	[tilespmem:$0x10C00] =	vst v63  }
0x355: {  	s24 =	sadd.s32 $0x160, s19;
	s26 =	simm.s32 $0x9C70  }
0x356: {  	[hbm4b:s24+s3] =	stream.linear.scatter [tilespmem:s26], [sflag:$0x3], $0x80, $0x38;
	[tilespmem:$0x10C00] =	vst v63  }
0x357: {  	s28 =	sadd.s32 $0x170, s19;
	s29 =	simm.s32 $0x9CF8  }
0x358: {  	[hbm4b:s28+s3] =	stream.linear.scatter [tilespmem:s29], [sflag:$0x3], $0x80, $0x38;
	[tilespmem:$0x10C00] =	vst v63  }
0x359: {  	s30 =	sadd.s32 $0x180, s19;
	s31 =	simm.s32 $0xA1C0  }
0x35a: {  	[hbm4b:s30+s3] =	stream.linear.scatter [tilespmem:s31], [sflag:$0x3], $0x80, $0x38;
	[tilespmem:$0x10C00] =	vst v63  }
0x35b: {  	s24 =	sadd.s32 $0x190, s19;
	s26 =	simm.s32 $0xA248  }
0x35c: {  	[hbm4b:s24+s3] =	stream.linear.scatter [tilespmem:s26], [sflag:$0x3], $0x80, $0x38;
	[tilespmem:$0x10C00] =	vst v63  }
0x35d: {  	s28 =	sadd.s32 $0x1A0, s19;
	s29 =	simm.s32 $0xA2D0  }
0x35e: {  	[hbm4b:s28+s3] =	stream.linear.scatter [tilespmem:s29], [sflag:$0x3], $0x80, $0x38;
	[tilespmem:$0x10C00] =	vst v63  }
0x35f: {  	s30 =	sadd.s32 $0x1B0, s19;
	s31 =	simm.s32 $0xA358  }
0x360: {  	[hbm4b:s30+s3] =	stream.linear.scatter [tilespmem:s31], [sflag:$0x3], $0x80, $0x38;
	[tilespmem:$0x10C00] =	vst v63  }
0x361: {  	s23 =	sadd.s32 $0x1C0, s19;
	s24 =	simm.s32 $0xA3E0  }
0x362: {  	[hbm4b:s23+s3] =	stream.linear.scatter [tilespmem:s24], [sflag:$0x3], $0x80, $0x38;
	[tilespmem:$0x10C00] =	vst v63  }
0x363: {  	s26 =	sadd.s32 $0x1D0, s19;
	s28 =	simm.s32 $0xA468  }
0x364: {  	[hbm4b:s26+s3] =	stream.linear.scatter [tilespmem:s28], [sflag:$0x3], $0x80, $0x38;
	[tilespmem:$0x10C00] =	vst v63  }
0x365: {  	s29 =	sadd.s32 $0x1E0, s19;
	s30 =	simm.s32 $0xA4F0  }
0x366: {  	[hbm4b:s29+s3] =	stream.linear.scatter [tilespmem:s30], [sflag:$0x3], $0x80, $0x38;
	[tilespmem:$0x10C00] =	vst v63  }
0x367: {  	s19 =	sadd.s32 $0x1F0, s19;
	s31 =	simm.s32 $0xA578  }
0x368: {  	[hbm4b:s19+s3] =	stream.linear.scatter [tilespmem:s31], [sflag:$0x3], $0x80, $0x38;
	[tilespmem:$0x10C00] =	vst v63  }
0x369: {  	s23 =	simm.s32 $0xA600;
	s19 =	sadd.s32 s21, s2  }
0x36a: {  	[hbm4b:s19+s3] =	stream.linear.scatter [tilespmem:s23], [sflag:$0x3], $0x80, $0x38;
	[tilespmem:$0x10C00] =	vst v63  }
0x36b: {  	s26 =	simm.s32 $0xA688;
	s24 =	sadd.s32 $0x10, s19  }
0x36c: {  	[hbm4b:s24+s3] =	stream.linear.scatter [tilespmem:s26], [sflag:$0x3], $0x80, $0x38;
	[tilespmem:$0x10C00] =	vst v63  }
0x36d: {  	s29 =	simm.s32 $0xA710;
	s28 =	sadd.s32 $0x20, s19  }
0x36e: {  	[hbm4b:s28+s3] =	stream.linear.scatter [tilespmem:s29], [sflag:$0x3], $0x80, $0x38;
	[tilespmem:$0x10C00] =	vst v63  }
0x36f: {  	s31 =	simm.s32 $0xA798;
	s30 =	sadd.s32 $0x30, s19  }
0x370: {  	[hbm4b:s30+s3] =	stream.linear.scatter [tilespmem:s31], [sflag:$0x3], $0x80, $0x38;
	[tilespmem:$0x10C00] =	vst v63  }
0x371: {  	s24 =	sadd.s32 $0x40, s19;
	s26 =	simm.s32 $0xA820  }
0x372: {  	[hbm4b:s24+s3] =	stream.linear.scatter [tilespmem:s26], [sflag:$0x3], $0x80, $0x38;
	[tilespmem:$0x10C00] =	vst v63  }
0x373: {  	s28 =	sadd.s32 $0x50, s19;
	s29 =	simm.s32 $0xA8A8  }
0x374: {  	[hbm4b:s28+s3] =	stream.linear.scatter [tilespmem:s29], [sflag:$0x3], $0x80, $0x38;
	[tilespmem:$0x10C00] =	vst v63  }
0x375: {  	s30 =	sadd.s32 $0x60, s19;
	s31 =	simm.s32 $0xA930  }
0x376: {  	[hbm4b:s30+s3] =	stream.linear.scatter [tilespmem:s31], [sflag:$0x3], $0x80, $0x38;
	[tilespmem:$0x10C00] =	vst v63  }
0x377: {  	s24 =	sadd.s32 $0x70, s19;
	s26 =	simm.s32 $0xA9B8  }
0x378: {  	[hbm4b:s24+s3] =	stream.linear.scatter [tilespmem:s26], [sflag:$0x3], $0x80, $0x38;
	[tilespmem:$0x10C00] =	vst v63  }
0x379: {  	s28 =	sadd.s32 $0x80, s19;
	s29 =	simm.s32 $0xAE80  }
0x37a: {  	[hbm4b:s28+s3] =	stream.linear.scatter [tilespmem:s29], [sflag:$0x3], $0x80, $0x38;
	[tilespmem:$0x10C00] =	vst v63  }
0x37b: {  	s30 =	sadd.s32 $0x90, s19;
	s31 =	simm.s32 $0xAF08  }
0x37c: {  	[hbm4b:s30+s3] =	stream.linear.scatter [tilespmem:s31], [sflag:$0x3], $0x80, $0x38;
	[tilespmem:$0x10C00] =	vst v63  }
0x37d: {  	s24 =	sadd.s32 $0xA0, s19;
	s26 =	simm.s32 $0xAF90  }
0x37e: {  	[hbm4b:s24+s3] =	stream.linear.scatter [tilespmem:s26], [sflag:$0x3], $0x80, $0x38;
	[tilespmem:$0x10C00] =	vst v63  }
0x37f: {  	s28 =	sadd.s32 $0xB0, s19;
	s29 =	simm.s32 $0xB018  }
0x380: {  	[hbm4b:s28+s3] =	stream.linear.scatter [tilespmem:s29], [sflag:$0x3], $0x80, $0x38;
	[tilespmem:$0x10C00] =	vst v63  }
0x381: {  	s30 =	sadd.s32 $0xC0, s19;
	s31 =	simm.s32 $0xB0A0  }
0x382: {  	[hbm4b:s30+s3] =	stream.linear.scatter [tilespmem:s31], [sflag:$0x3], $0x80, $0x38;
	[tilespmem:$0x10C00] =	vst v63  }
0x383: {  	s24 =	sadd.s32 $0xD0, s19;
	s26 =	simm.s32 $0xB128  }
0x384: {  	[hbm4b:s24+s3] =	stream.linear.scatter [tilespmem:s26], [sflag:$0x3], $0x80, $0x38;
	[tilespmem:$0x10C00] =	vst v63  }
0x385: {  	s28 =	sadd.s32 $0xE0, s19;
	s29 =	simm.s32 $0xB1B0  }
0x386: {  	[hbm4b:s28+s3] =	stream.linear.scatter [tilespmem:s29], [sflag:$0x3], $0x80, $0x38;
	[tilespmem:$0x10C00] =	vst v63  }
0x387: {  	s30 =	sadd.s32 $0xF0, s19;
	s31 =	simm.s32 $0xB238  }
0x388: {  	[hbm4b:s30+s3] =	stream.linear.scatter [tilespmem:s31], [sflag:$0x3], $0x80, $0x38;
	[tilespmem:$0x10C00] =	vst v63  }
0x389: {  	s24 =	sadd.s32 $0x100, s19;
	s26 =	simm.s32 $0xB700  }
0x38a: {  	[hbm4b:s24+s3] =	stream.linear.scatter [tilespmem:s26], [sflag:$0x3], $0x80, $0x38;
	[tilespmem:$0x10C00] =	vst v63  }
0x38b: {  	s28 =	sadd.s32 $0x110, s19;
	s29 =	simm.s32 $0xB788  }
0x38c: {  	[hbm4b:s28+s3] =	stream.linear.scatter [tilespmem:s29], [sflag:$0x3], $0x80, $0x38;
	[tilespmem:$0x10C00] =	vst v63  }
0x38d: {  	s30 =	sadd.s32 $0x120, s19;
	s31 =	simm.s32 $0xB810  }
0x38e: {  	[hbm4b:s30+s3] =	stream.linear.scatter [tilespmem:s31], [sflag:$0x3], $0x80, $0x38;
	[tilespmem:$0x10C00] =	vst v63  }
0x38f: {  	s24 =	sadd.s32 $0x130, s19;
	s26 =	simm.s32 $0xB898  }
0x390: {  	[hbm4b:s24+s3] =	stream.linear.scatter [tilespmem:s26], [sflag:$0x3], $0x80, $0x38;
	[tilespmem:$0x10C00] =	vst v63  }
0x391: {  	s28 =	sadd.s32 $0x140, s19;
	s29 =	simm.s32 $0xB920  }
0x392: {  	[hbm4b:s28+s3] =	stream.linear.scatter [tilespmem:s29], [sflag:$0x3], $0x80, $0x38;
	[tilespmem:$0x10C00] =	vst v63  }
0x393: {  	s30 =	sadd.s32 $0x150, s19;
	s31 =	simm.s32 $0xB9A8  }
0x394: {  	[hbm4b:s30+s3] =	stream.linear.scatter [tilespmem:s31], [sflag:$0x3], $0x80, $0x38;
	[tilespmem:$0x10C00] =	vst v63  }
0x395: {  	s24 =	sadd.s32 $0x160, s19;
	s26 =	simm.s32 $0xBA30  }
0x396: {  	[hbm4b:s24+s3] =	stream.linear.scatter [tilespmem:s26], [sflag:$0x3], $0x80, $0x38;
	[tilespmem:$0x10C00] =	vst v63  }
0x397: {  	s28 =	sadd.s32 $0x170, s19;
	s29 =	simm.s32 $0xBAB8  }
0x398: {  	[hbm4b:s28+s3] =	stream.linear.scatter [tilespmem:s29], [sflag:$0x3], $0x80, $0x38;
	[tilespmem:$0x10C00] =	vst v63  }
0x399: {  	s30 =	sadd.s32 $0x180, s19;
	s31 =	simm.s32 $0xBF80  }
0x39a: {  	[hbm4b:s30+s3] =	stream.linear.scatter [tilespmem:s31], [sflag:$0x3], $0x80, $0x38;
	[tilespmem:$0x10C00] =	vst v63  }
0x39b: {  	s24 =	sadd.s32 $0x190, s19;
	s26 =	simm.s32 $0xC008  }
0x39c: {  	[hbm4b:s24+s3] =	stream.linear.scatter [tilespmem:s26], [sflag:$0x3], $0x80, $0x38;
	[tilespmem:$0x10C00] =	vst v63  }
0x39d: {  	s28 =	sadd.s32 $0x1A0, s19;
	s29 =	simm.s32 $0xC090  }
0x39e: {  	[hbm4b:s28+s3] =	stream.linear.scatter [tilespmem:s29], [sflag:$0x3], $0x80, $0x38;
	[tilespmem:$0x10C00] =	vst v63  }
0x39f: {  	s30 =	sadd.s32 $0x1B0, s19;
	s31 =	simm.s32 $0xC118  }
0x3a0: {  	[hbm4b:s30+s3] =	stream.linear.scatter [tilespmem:s31], [sflag:$0x3], $0x80, $0x38;
	[tilespmem:$0x10C00] =	vst v63  }
0x3a1: {  	s24 =	sadd.s32 $0x1C0, s19;
	s26 =	simm.s32 $0xC1A0  }
0x3a2: {  	[hbm4b:s24+s3] =	stream.linear.scatter [tilespmem:s26], [sflag:$0x3], $0x80, $0x38;
	[tilespmem:$0x10C00] =	vst v63  }
0x3a3: {  	s28 =	sadd.s32 $0x1D0, s19;
	s29 =	simm.s32 $0xC228  }
0x3a4: {  	[hbm4b:s28+s3] =	stream.linear.scatter [tilespmem:s29], [sflag:$0x3], $0x80, $0x38;
	[tilespmem:$0x10C00] =	vst v63  }
0x3a5: {  	s30 =	sadd.s32 $0x1E0, s19;
	s31 =	simm.s32 $0xC2B0  }
0x3a6: {  	[hbm4b:s30+s3] =	stream.linear.scatter [tilespmem:s31], [sflag:$0x3], $0x80, $0x38;
	[tilespmem:$0x10C00] =	vst v63  }
0x3a7: {  	s19 =	sadd.s32 $0x1F0, s19;
	s24 =	simm.s32 $0xC338  }
0x3a8: {  	[hbm4b:s19+s3] =	stream.linear.scatter [tilespmem:s24], [sflag:$0x3], $0x80, $0x38;
	[tilespmem:$0x10C00] =	vst v63  }
0x3a9: {  	s26 =	simm.s32 $0xAA40;
	s19 =	sadd.s32 s21, s8  }
0x3aa: {  	[hbm4b:s19+s3] =	stream.linear.scatter [tilespmem:s26], [sflag:$0x3], $0x80, $0x38;
	[tilespmem:$0x10C00] =	vst v63  }
0x3ab: {  	s29 =	simm.s32 $0xAAC8;
	s28 =	sadd.s32 $0x10, s19  }
0x3ac: {  	[hbm4b:s28+s3] =	stream.linear.scatter [tilespmem:s29], [sflag:$0x3], $0x80, $0x38;
	[tilespmem:$0x10C00] =	vst v63  }
0x3ad: {  	s31 =	simm.s32 $0xAB50;
	s30 =	sadd.s32 $0x20, s19  }
0x3ae: {  	[hbm4b:s30+s3] =	stream.linear.scatter [tilespmem:s31], [sflag:$0x3], $0x80, $0x38;
	[tilespmem:$0x10C00] =	vst v63  }
0x3af: {  	s24 =	sadd.s32 $0x30, s19;
	s26 =	simm.s32 $0xABD8  }
0x3b0: {  	[hbm4b:s24+s3] =	stream.linear.scatter [tilespmem:s26], [sflag:$0x3], $0x80, $0x38;
	[tilespmem:$0x10C00] =	vst v63  }
0x3b1: {  	s28 =	sadd.s32 $0x40, s19;
	s29 =	simm.s32 $0xAC60  }
0x3b2: {  	[hbm4b:s28+s3] =	stream.linear.scatter [tilespmem:s29], [sflag:$0x3], $0x80, $0x38;
	[tilespmem:$0x10C00] =	vst v63  }
0x3b3: {  	s30 =	sadd.s32 $0x50, s19;
	s31 =	simm.s32 $0xACE8  }
0x3b4: {  	[hbm4b:s30+s3] =	stream.linear.scatter [tilespmem:s31], [sflag:$0x3], $0x80, $0x38;
	[tilespmem:$0x10C00] =	vst v63  }
0x3b5: {  	s24 =	sadd.s32 $0x60, s19;
	s26 =	simm.s32 $0xAD70  }
0x3b6: {  	[hbm4b:s24+s3] =	stream.linear.scatter [tilespmem:s26], [sflag:$0x3], $0x80, $0x38;
	[tilespmem:$0x10C00] =	vst v63  }
0x3b7: {  	s28 =	sadd.s32 $0x70, s19;
	s29 =	simm.s32 $0xADF8  }
0x3b8: {  	[hbm4b:s28+s3] =	stream.linear.scatter [tilespmem:s29], [sflag:$0x3], $0x80, $0x38;
	[tilespmem:$0x10C00] =	vst v63  }
0x3b9: {  	s30 =	sadd.s32 $0x80, s19;
	s31 =	simm.s32 $0xB2C0  }
0x3ba: {  	[hbm4b:s30+s3] =	stream.linear.scatter [tilespmem:s31], [sflag:$0x3], $0x80, $0x38;
	[tilespmem:$0x10C00] =	vst v63  }
0x3bb: {  	s24 =	sadd.s32 $0x90, s19;
	s26 =	simm.s32 $0xB348  }
0x3bc: {  	[hbm4b:s24+s3] =	stream.linear.scatter [tilespmem:s26], [sflag:$0x3], $0x80, $0x38;
	[tilespmem:$0x10C00] =	vst v63  }
0x3bd: {  	s28 =	sadd.s32 $0xA0, s19;
	s29 =	simm.s32 $0xB3D0  }
0x3be: {  	[hbm4b:s28+s3] =	stream.linear.scatter [tilespmem:s29], [sflag:$0x3], $0x80, $0x38;
	[tilespmem:$0x10C00] =	vst v63  }
0x3bf: {  	s30 =	sadd.s32 $0xB0, s19;
	s31 =	simm.s32 $0xB458  }
0x3c0: {  	[hbm4b:s30+s3] =	stream.linear.scatter [tilespmem:s31], [sflag:$0x3], $0x80, $0x38;
	[tilespmem:$0x10C00] =	vst v63  }
0x3c1: {  	s24 =	sadd.s32 $0xC0, s19;
	s26 =	simm.s32 $0xB4E0  }
0x3c2: {  	[hbm4b:s24+s3] =	stream.linear.scatter [tilespmem:s26], [sflag:$0x3], $0x80, $0x38;
	[tilespmem:$0x10C00] =	vst v63  }
0x3c3: {  	s28 =	sadd.s32 $0xD0, s19;
	s29 =	simm.s32 $0xB568  }
0x3c4: {  	[hbm4b:s28+s3] =	stream.linear.scatter [tilespmem:s29], [sflag:$0x3], $0x80, $0x38;
	[tilespmem:$0x10C00] =	vst v63  }
0x3c5: {  	s30 =	sadd.s32 $0xE0, s19;
	s31 =	simm.s32 $0xB5F0  }
0x3c6: {  	[hbm4b:s30+s3] =	stream.linear.scatter [tilespmem:s31], [sflag:$0x3], $0x80, $0x38;
	[tilespmem:$0x10C00] =	vst v63  }
0x3c7: {  	s24 =	sadd.s32 $0xF0, s19;
	s26 =	simm.s32 $0xB678  }
0x3c8: {  	[hbm4b:s24+s3] =	stream.linear.scatter [tilespmem:s26], [sflag:$0x3], $0x80, $0x38;
	[tilespmem:$0x10C00] =	vst v63  }
0x3c9: {  	s28 =	sadd.s32 $0x100, s19;
	s29 =	simm.s32 $0xBB40  }
0x3ca: {  	[hbm4b:s28+s3] =	stream.linear.scatter [tilespmem:s29], [sflag:$0x3], $0x80, $0x38;
	[tilespmem:$0x10C00] =	vst v63  }
0x3cb: {  	s30 =	sadd.s32 $0x110, s19;
	s31 =	simm.s32 $0xBBC8  }
0x3cc: {  	[hbm4b:s30+s3] =	stream.linear.scatter [tilespmem:s31], [sflag:$0x3], $0x80, $0x38;
	[tilespmem:$0x10C00] =	vst v63  }
0x3cd: {  	s24 =	sadd.s32 $0x120, s19;
	s26 =	simm.s32 $0xBC50  }
0x3ce: {  	[hbm4b:s24+s3] =	stream.linear.scatter [tilespmem:s26], [sflag:$0x3], $0x80, $0x38;
	[tilespmem:$0x10C00] =	vst v63  }
0x3cf: {  	s28 =	sadd.s32 $0x130, s19;
	s29 =	simm.s32 $0xBCD8  }
0x3d0: {  	[hbm4b:s28+s3] =	stream.linear.scatter [tilespmem:s29], [sflag:$0x3], $0x80, $0x38;
	[tilespmem:$0x10C00] =	vst v63  }
0x3d1: {  	s30 =	sadd.s32 $0x140, s19;
	s31 =	simm.s32 $0xBD60  }
0x3d2: {  	[hbm4b:s30+s3] =	stream.linear.scatter [tilespmem:s31], [sflag:$0x3], $0x80, $0x38;
	[tilespmem:$0x10C00] =	vst v63  }
0x3d3: {  	s24 =	sadd.s32 $0x150, s19;
	s26 =	simm.s32 $0xBDE8  }
0x3d4: {  	[hbm4b:s24+s3] =	stream.linear.scatter [tilespmem:s26], [sflag:$0x3], $0x80, $0x38;
	[tilespmem:$0x10C00] =	vst v63  }
0x3d5: {  	s28 =	sadd.s32 $0x160, s19;
	s29 =	simm.s32 $0xBE70  }
0x3d6: {  	[hbm4b:s28+s3] =	stream.linear.scatter [tilespmem:s29], [sflag:$0x3], $0x80, $0x38;
	[tilespmem:$0x10C00] =	vst v63  }
0x3d7: {  	s30 =	sadd.s32 $0x170, s19;
	s31 =	simm.s32 $0xBEF8  }
0x3d8: {  	[hbm4b:s30+s3] =	stream.linear.scatter [tilespmem:s31], [sflag:$0x3], $0x80, $0x38;
	[tilespmem:$0x10C00] =	vst v63  }
0x3d9: {  	s24 =	sadd.s32 $0x180, s19;
	s26 =	simm.s32 $0xC3C0  }
0x3da: {  	[hbm4b:s24+s3] =	stream.linear.scatter [tilespmem:s26], [sflag:$0x3], $0x80, $0x38;
	[tilespmem:$0x10C00] =	vst v63  }
0x3db: {  	s28 =	sadd.s32 $0x190, s19;
	s29 =	simm.s32 $0xC448  }
0x3dc: {  	[hbm4b:s28+s3] =	stream.linear.scatter [tilespmem:s29], [sflag:$0x3], $0x80, $0x38;
	[tilespmem:$0x10C00] =	vst v63  }
0x3dd: {  	s30 =	sadd.s32 $0x1A0, s19;
	s31 =	simm.s32 $0xC4D0  }
0x3de: {  	[hbm4b:s30+s3] =	stream.linear.scatter [tilespmem:s31], [sflag:$0x3], $0x80, $0x38;
	[tilespmem:$0x10C00] =	vst v63  }
0x3df: {  	s24 =	sadd.s32 $0x1B0, s19;
	s26 =	simm.s32 $0xC558  }
0x3e0: {  	[hbm4b:s24+s3] =	stream.linear.scatter [tilespmem:s26], [sflag:$0x3], $0x80, $0x38;
	[tilespmem:$0x10C00] =	vst v63  }
0x3e1: {  	s28 =	sadd.s32 $0x1C0, s19;
	s29 =	simm.s32 $0xC5E0  }
0x3e2: {  	[hbm4b:s28+s3] =	stream.linear.scatter [tilespmem:s29], [sflag:$0x3], $0x80, $0x38;
	[tilespmem:$0x10C00] =	vst v63  }
0x3e3: {  	s30 =	sadd.s32 $0x1D0, s19;
	s31 =	simm.s32 $0xC668  }
0x3e4: {  	[hbm4b:s30+s3] =	stream.linear.scatter [tilespmem:s31], [sflag:$0x3], $0x80, $0x38;
	[tilespmem:$0x10C00] =	vst v63  }
0x3e5: {  	s24 =	sadd.s32 $0x1E0, s19;
	s26 =	simm.s32 $0xC6F0  }
0x3e6: {  	[hbm4b:s24+s3] =	stream.linear.scatter [tilespmem:s26], [sflag:$0x3], $0x80, $0x38;
	[tilespmem:$0x10C00] =	vst v63  }
0x3e7: {  	s19 =	sadd.s32 $0x1F0, s19;
	s28 =	simm.s32 $0xC778  }
0x3e8: {  	[hbm4b:s19+s3] =	stream.linear.scatter [tilespmem:s28], [sflag:$0x3], $0x80, $0x38;
	[tilespmem:$0x10C00] =	vst v63  }
0x3e9: {  	_ =	swait.ge [sflag:s15], $0x4000  }
0x3ea: {  	[sflag:s15] =	ssyncset.done $0x0  }
0x3eb: {  	[sflag:s15] =	ssyncadd.s32 $0xFFFFC000  }
0x3ec: {  	_ =	swait.ge [sflag:s13], $0x1000  }
0x3ed: {  	s29 =	simm.s32 $0x1;
	[sflag:s13] =	ssyncset.done $0x0  }
0x3ee: {  	s22 =	sand.u32 $0x78, s29;
	[sflag:s13] =	ssyncadd.s32 $0xFFFFF000  }
0x3ef: {  	s29 =	simm.s32 $0x2;
	s30 =	simm.s32 $0x7;
	v6 =	vmov s22;
	_ =	swait.ge [sflag:s13], $0x1000  }
0x3f0: {  	s23 =	sand.u32 $0x78, s30;
	v6 =	vshrl.u32 v6, $0x3;
	s30 =	sand.u32 $0x78, s29;
	[sflag:s13] =	ssyncset.done $0x0  }
0x3f1: {  	s24 =	simm.s32 $0x0;
	v5 =	vmov s23;
	v6 =	vshll.u32 v6, v1;
	s19 =	simm.s32 $0x0;
	[sflag:s13] =	ssyncadd.s32 $0xFFFFF000  }
0x3f2: {  	s31 =	simm.s32 $0x4;
	v11 =	vmov s30;
	v3 =	vmov s24;
	v5 =	vshrl.u32 v5, $0x3;
	s26 =	sand.u32 $0x78, s19;
	_ =	swait.ge [sflag:s13], $0x1000  }
0x3f3: {  	s24 =	sand.u32 $0x78, s31;
	v19 =	vbroadcast v6, $0x0;
	v3 =	vmul.u32 $0x880, v3;
	v4 =	vmov s26;
	[sflag:s13] =	ssyncset.done $0x0  }
0x3f4: {  	v11 =	vshrl.u32 v11, $0x3;
	v7 =	vmov s24;
	s28 =	simm.s32 $0x6;
	v4 =	vshrl.u32 v4, $0x3;
	[sflag:s13] =	ssyncadd.s32 $0xFFFFF000  }
0x3f5: {  	v5 =	vshll.u32 v5, v1;
	s22 =	sand.u32 $0x78, s28;
	s26 =	simm.s32 $0x3;
	v3 =	vbroadcast v3, $0x0;
	v4 =	vshll.u32 v4, v1;
	_ =	swait.ge [sflag:s13], $0x1000  }
0x3f6: {  	v6 =	vshrl.u32 v7, $0x3;
	v9 =	vmov s22;
	s23 =	sand.u32 $0x78, s26;
	v4 =	vbroadcast v4, $0x0;
	[sflag:s13] =	ssyncset.done $0x0  }
0x3f7: {  	v9 =	vshrl.u32 v9, $0x3;
	v8 =	vmov s23;
	v10 =	vadd.s32 v0, v3;
	s23 =	simm.s32 $0x4480;
	[sflag:s13] =	ssyncadd.s32 $0xFFFFF000  }
0x3f8: {  	v3 =	vadd.s32 v2, v3;
	v7 =	vadd.s32 v10, v19;
	v13 =	vadd.s32 v4, v10;
	v12 =	vld [tilespmem:s23+$0xFFFFFF80]  }
0x3f9: {  	v16 =	vadd.s32 v4, v3;
	v4 =	vshll.u32 v6, v1;
	v6 =	vshll.u32 v9, v1  }
0x3fa: {  	s31 =	simm.s32 $0x5;
	v8 =	vshrl.u32 v8, $0x3;
	v15 =	vor.u32 $0x1, v7;
	v6 =	vbroadcast v6, $0x0  }
0x3fb: {  	s22 =	sand.u32 $0x78, s31;
	v7 =	vbroadcast v5, $0x0;
	v5 =	vshll.u32 v11, v1;
	v8 =	vshll.u32 v8, v1;
	v14 =	vld [tilespmem:s23+$0xFFFFFFA0]  }
0x3fc: {  	v9 =	vmov s22;
	v17 =	vbroadcast v4, $0x0;
	v11 =	vadd.s32 v10, v6;
	v4 =	vld [tilespmem:s23+$0xFFFFFFC0]  }
0x3fd: {  	v23 =	vbroadcast v8, $0x0;
	v9 =	vshrl.u32 v9, $0x3;
	v11 =	vor.u32 $0x6, v11;
	v18 =	vld [tilespmem:s23+$0x40];
	[tilespmem:v13+s12+$0x0] =	vst.idx.msk $0xffff, v12  }
0x3fe: {  	v25 =	vbroadcast v5, $0x0;
	v9 =	vshll.u32 v9, v1;
	v12 =	vadd.s32 v10, v17;
	v20 =	vld [tilespmem:s23+$0xFFFFFF90]  }
0x3ff: {  	v22 =	vadd.s32 v3, v17;
	v8 =	vadd.s32 v3, v6;
	v24 =	vld [tilespmem:s23+$0x0];
	v21 =	vor.u32 $0x4, v12  }
0x400: {  	v5 =	vor.u32 $0x6, v8;
	v8 =	vadd.s32 v10, v7;
	[tilespmem:v15+s12+$0x0] =	vst.idx.msk $0xffff, v14;
	v14 =	vadd.s32 v10, v23;
	v15 =	vld [tilespmem:s23+$0x60]  }
0x401: {  	v17 =	vor.u32 $0x7, v8;
	v8 =	vadd.s32 v10, v25;
	v13 =	vld [tilespmem:s23+$0xFFFFFFE0];
	v12 =	vbroadcast v9, $0x0  }
0x402: {  	[tilespmem:v11+s12+$0x0] =	vst.idx.msk $0xffff, v18;
	v18 =	vadd.s32 v3, v25;
	v6 =	vld [tilespmem:s23+$0xFFFFFFB0];
	v14 =	vor.u32 $0x3, v14;
	v11 =	vor.u32 $0x2, v8  }
0x403: {  	v8 =	vor.u32 $0x4, v22;
	v9 =	vadd.s32 v3, v12;
	v12 =	vadd.s32 v10, v12;
	v10 =	vld [tilespmem:s23+$0x50];
	[tilespmem:v16+s12+$0x0] =	vst.idx.msk $0xffff, v20  }
0x404: {  	s22 =	simm.s32 $0x4580;
	v12 =	vor.u32 $0x5, v12;
	v16 =	vld [tilespmem:s23+$0x20];
	v20 =	vadd.s32 v3, v19;
	v19 =	vadd.s32 v3, v23;
	[tilespmem:v21+s12+$0x0] =	vst.idx.msk $0xffff, v24  }
.LBB2_9:
0x405: {  	s24 =	sadd.s32 $0x9, s19  }
0x406: {  	s26 =	sadd.s32 $0xF, s19;
	v20 =	vor.u32 $0x1, v20;
	v21 =	vld [tilespmem:s23+$0x10];
	v3 =	vadd.s32 v3, v7;
	s28 =	smov.u32 s19;
	s19 =	sadd.s32 $0x8, s19  }
0x407: {  	v7 =	vor.u32 $0x2, v18;
	v18 =	vor.u32 $0x3, v19;
	s29 =	sshrl.u32 s19, $0x7;
	s30 =	sand.u32 $0x78, s19;
	s31 =	sadd.s32 $0xC, s28;
	[tilespmem:v17+s12+$0x0] =	vst.idx.msk $0xffff, v15;
	v15 =	vor.u32 $0x7, v3  }
0x408: {  	v9 =	vor.u32 $0x5, v9;
	s24 =	sand.u32 $0x78, s24;
	s26 =	sand.u32 $0x78, s26;
	v3 =	vmov s29;
	v17 =	vmov s30;
	s29 =	sadd.s32 $0xE, s28;
	[tilespmem:v14+s12+$0x0] =	vst.idx.msk $0xffff, v13  }
0x409: {  	s30 =	sand.u32 $0x78, s31;
	s31 =	sadd.s32 $0xD, s28;
	v14 =	vmov s26;
	v13 =	vshrl.u32 v17, $0x3;
	v3 =	vmul.u32 $0x880, v3;
	s29 =	sand.u32 $0x78, s29;
	[tilespmem:v12+s12+$0x0] =	vst.idx.msk $0xffff, v16;
	v12 =	vld [tilespmem:s23+$0x70]  }
0x40a: {  	s26 =	sadd.s32 $0xB, s28;
	v16 =	vmov s24;
	s24 =	sadd.s32 $0xA, s28;
	v17 =	vmov s30;
	s28 =	sand.u32 $0x78, s31;
	v13 =	vshll.u32 v13, v1;
	[tilespmem:v11+s12+$0x0] =	vst.idx.msk $0xffff, v4;
	v4 =	vld [tilespmem:s23+$0x30]  }
0x40b: {  	p0 =	slt.u32 s19, $0x1F8;
	s26 =	sand.u32 $0x78, s26;
	s24 =	sand.u32 $0x78, s24;
	v3 =	vbroadcast v3, $0x0;
	v11 =	vbroadcast v13, $0x0;
	v13 =	vshrl.u32 v16, $0x3;
	[tilespmem:v20+s12+$0x0] =	vst.idx.msk $0xffff, v6;
	v6 =	vld [tilespmem:s23+$0xFFFFFFD0]  }
0x40c: {  	v14 =	vshrl.u32 v14, $0x3;
	v19 =	vmov s29;
	v16 =	vmov s26;
	v20 =	vld [tilespmem:s23+$0xFFFFFFF0];
	[tilespmem:v5+s12+$0x0] =	vst.idx.msk $0xffff, v10;
	s23 =	smov.u32 s22  }
0x40d: {  	v5 =	vshrl.u32 v19, $0x3;
	v10 =	vadd.s32 v0, v3;
	v3 =	vadd.s32 v2, v3;
	[tilespmem:v8+s12+$0x0] =	vst.idx.msk $0xffff, v21  }
0x40e: {  	v14 =	vshll.u32 v14, v1;
	v8 =	vshll.u32 v13, v1;
	v13 =	vmov s24;
	[tilespmem:v15+s12+$0x0] =	vst.idx.msk $0xffff, v12  }
0x40f: {  	v19 =	vadd.s32 v11, v3;
	v21 =	vbroadcast v8, $0x0;
	v8 =	vshrl.u32 v17, $0x3;
	[tilespmem:v9+s12+$0x0] =	vst.idx.msk $0xffff, v4  }
0x410: {  	v5 =	vshll.u32 v5, v1;
	v11 =	vadd.s32 v11, v10;
	v4 =	vshll.u32 v8, v1;
	v9 =	vld [tilespmem:s22+$0xFFFFFF80]  }
0x411: {  	v12 =	vshrl.u32 v16, $0x3;
	v15 =	vmov s28;
	v8 =	vadd.s32 v10, v21;
	[tilespmem:v18+s12+$0x0] =	vst.idx.msk $0xffff, v20  }
0x412: {  	v5 =	vbroadcast v5, $0x0;
	v15 =	vshrl.u32 v15, $0x3;
	v8 =	vor.u32 $0x1, v8;
	v16 =	vld [tilespmem:s22+$0xFFFFFFA0];
	[tilespmem:v7+s12+$0x0] =	vst.idx.msk $0xffff, v6  }
0x413: {  	v6 =	vshrl.u32 v13, $0x3;
	v13 =	vbroadcast v4, $0x0;
	v7 =	vbroadcast v14, $0x0  }
0x414: {  	v14 =	vshll.u32 v15, v1;
	v15 =	vadd.s32 v10, v5;
	v6 =	vshll.u32 v6, v1;
	v4 =	vld [tilespmem:s22+$0xFFFFFFC0]  }
0x415: {  	v20 =	vor.u32 $0x6, v15;
	[tilespmem:v11+s12+$0x0] =	vst.idx.msk $0xffff, v9;
	v9 =	vshll.u32 v12, v1;
	v11 =	vadd.s32 v10, v13;
	v18 =	vld [tilespmem:s22+$0x40]  }
0x416: {  	v24 =	vadd.s32 v3, v13;
	v22 =	vld [tilespmem:s22+$0xFFFFFF90];
	v23 =	vor.u32 $0x4, v11;
	v11 =	vbroadcast v14, $0x0  }
0x417: {  	v5 =	vadd.s32 v3, v5;
	v25 =	vbroadcast v9, $0x0;
	[tilespmem:v8+s12+$0x0] =	vst.idx.msk $0xffff, v16;
	v8 =	vbroadcast v6, $0x0;
	v26 =	vld [tilespmem:s22+$0x0]  }
.Ltmp3:
0x418: {  	v5 =	vor.u32 $0x6, v5;
	v12 =	vadd.s32 v10, v7;
	v6 =	vld [tilespmem:s22+$0xFFFFFFB0];
	v9 =	vadd.s32 v3, v11;
	(pc) =	sbr.rel @p0 .LBB2_9-.Ltmp3, $4  }
0x419: {  	v17 =	vor.u32 $0x7, v12;
	v14 =	vadd.s32 v10, v25;
	v11 =	vadd.s32 v10, v11;
	v15 =	vld [tilespmem:s22+$0x60]  }
0x41a: {  	v10 =	vadd.s32 v10, v8;
	v14 =	vor.u32 $0x3, v14;
	v12 =	vor.u32 $0x5, v11;
	v13 =	vld [tilespmem:s22+$0xFFFFFFE0];
	[tilespmem:v20+s12+$0x0] =	vst.idx.msk $0xffff, v18  }
0x41b: {  	v11 =	vor.u32 $0x2, v10;
	v18 =	vadd.s32 v3, v8;
	v8 =	vor.u32 $0x4, v24;
	[tilespmem:v19+s12+$0x0] =	vst.idx.msk $0xffff, v22;
	v16 =	vld [tilespmem:s22+$0x20]  }
0x41c: {  	v20 =	vadd.s32 v3, v21;
	v19 =	vadd.s32 v3, v25;
	s22 =	sadd.s32 $0x100, s22;
	[tilespmem:v23+s12+$0x0] =	vst.idx.msk $0xffff, v26;
	v10 =	vld [tilespmem:s23+$0x50]  }
0x41d: {  	_ =	sdelay $0x3  }
0x41e: {  	v20 =	vor.u32 $0x1, v20;
	[tilespmem:v11+s12+$0x0] =	vst.idx.msk $0xffff, v4  }
0x41f: {  	v57 =	vld [tilespmem:s23+$0x10];
	v3 =	vadd.s32 v3, v7;
	[tilespmem:v17+s12+$0x0] =	vst.idx.msk $0xffff, v15  }
0x420: {  	v3 =	vor.u32 $0x7, v3;
	v58 =	vld [tilespmem:s23+$0x70];
	[tilespmem:v12+s12+$0x0] =	vst.idx.msk $0xffff, v16  }
0x421: {  	v9 =	vor.u32 $0x5, v9;
	[tilespmem:v14+s12+$0x0] =	vst.idx.msk $0xffff, v13;
	v59 =	vld [tilespmem:s23+$0x30]  }
0x422: {  	[tilespmem:v5+s12+$0x0] =	vst.idx.msk $0xffff, v10  }
0x423: {  	[tilespmem:v20+s12+$0x0] =	vst.idx.msk $0xffff, v6  }
0x424: {  	v60 =	vor.u32 $0x3, v19;
	v61 =	vld [tilespmem:s23+$0xFFFFFFF0];
	[tilespmem:v8+s12+$0x0] =	vst.idx.msk $0xffff, v57  }
0x425: {  	v62 =	vor.u32 $0x2, v18;
	v63 =	vld [tilespmem:s23+$0xFFFFFFD0];
	[tilespmem:v3+s12+$0x0] =	vst.idx.msk $0xffff, v58  }
0x426: {  	[tilespmem:v9+s12+$0x0] =	vst.idx.msk $0xffff, v59  }
0x427: {  	s19 =	rddreg [dreg:$0x11]  }
0x428: {  	s18 =	sadd.s32 s19, s18  }
0x429: {  	[tilespmem:v60+s12+$0x0] =	vst.idx.msk $0xffff, v61;
	s18 =	sshrl.u32 s18, $0x3  }
0x42a: {  	[tilespmem:v62+s12+$0x0] =	vst.idx.msk $0xffff, v63;
	s18 =	sadd.s32 s4, s18  }
0x42b: {  	[tilespmem:s1], [sflag:$0x5] =	stream.linear.gather [hbm4b:s18+s3], $0x200, $0x38;
	[tilespmem:$0x10C00] =	vst v63  }
0x42c: {  	_ =	swait.ge [sflag:s7], $0x200  }
0x42d: {  	[sflag:s7] =	ssyncset.done $0x0  }
0x42e: {  	s24 =	simm.s32 $0x4400;
	[sflag:s7] =	ssyncadd.s32 $0xFFFFFE00  }
0x42f: {  	[tilespmem:s24], [sflag:$0x2] =	stream.indirect.gather [hbm4b:s5+s1], $0x20, s1, s1, $0xb8;
	[tilespmem:$0x10C00] =	vst v63  }
0x430: {  	s18 =	sadd.s32 s21, s9  }
0x431: {  	[hbm4b:s18+s3] =	stream.linear.scatter [tilespmem:s12], [sflag:$0x4], $0x80, $0x38;
	[tilespmem:$0x10C00] =	vst v63  }
0x432: {  	s22 =	simm.s32 $0xC888;
	s26 =	sadd.s32 $0x10, s18  }
0x433: {  	[hbm4b:s26+s3] =	stream.linear.scatter [tilespmem:s22], [sflag:$0x4], $0x80, $0x38;
	[tilespmem:$0x10C00] =	vst v63  }
0x434: {  	s29 =	simm.s32 $0xC910;
	s28 =	sadd.s32 $0x20, s18  }
0x435: {  	[hbm4b:s28+s3] =	stream.linear.scatter [tilespmem:s29], [sflag:$0x4], $0x80, $0x38;
	[tilespmem:$0x10C00] =	vst v63  }
0x436: {  	s31 =	simm.s32 $0xC998;
	s30 =	sadd.s32 $0x30, s18  }
0x437: {  	[hbm4b:s30+s3] =	stream.linear.scatter [tilespmem:s31], [sflag:$0x4], $0x80, $0x38;
	[tilespmem:$0x10C00] =	vst v63  }
0x438: {  	s23 =	simm.s32 $0xCA20;
	s22 =	sadd.s32 $0x40, s18  }
0x439: {  	[hbm4b:s22+s3] =	stream.linear.scatter [tilespmem:s23], [sflag:$0x4], $0x80, $0x38;
	[tilespmem:$0x10C00] =	vst v63  }
0x43a: {  	s24 =	sadd.s32 $0x50, s18;
	s26 =	simm.s32 $0xCAA8  }
0x43b: {  	[hbm4b:s24+s3] =	stream.linear.scatter [tilespmem:s26], [sflag:$0x4], $0x80, $0x38;
	[tilespmem:$0x10C00] =	vst v63  }
0x43c: {  	s28 =	sadd.s32 $0x60, s18;
	s29 =	simm.s32 $0xCB30  }
0x43d: {  	[hbm4b:s28+s3] =	stream.linear.scatter [tilespmem:s29], [sflag:$0x4], $0x80, $0x38;
	[tilespmem:$0x10C00] =	vst v63  }
0x43e: {  	s30 =	sadd.s32 $0x70, s18;
	s31 =	simm.s32 $0xCBB8  }
0x43f: {  	[hbm4b:s30+s3] =	stream.linear.scatter [tilespmem:s31], [sflag:$0x4], $0x80, $0x38;
	[tilespmem:$0x10C00] =	vst v63  }
0x440: {  	s22 =	sadd.s32 $0x80, s18;
	s23 =	simm.s32 $0xD080  }
0x441: {  	[hbm4b:s22+s3] =	stream.linear.scatter [tilespmem:s23], [sflag:$0x4], $0x80, $0x38;
	[tilespmem:$0x10C00] =	vst v63  }
0x442: {  	s24 =	sadd.s32 $0x90, s18;
	s26 =	simm.s32 $0xD108  }
0x443: {  	[hbm4b:s24+s3] =	stream.linear.scatter [tilespmem:s26], [sflag:$0x4], $0x80, $0x38;
	[tilespmem:$0x10C00] =	vst v63  }
0x444: {  	s28 =	sadd.s32 $0xA0, s18;
	s29 =	simm.s32 $0xD190  }
0x445: {  	[hbm4b:s28+s3] =	stream.linear.scatter [tilespmem:s29], [sflag:$0x4], $0x80, $0x38;
	[tilespmem:$0x10C00] =	vst v63  }
0x446: {  	s30 =	sadd.s32 $0xB0, s18;
	s31 =	simm.s32 $0xD218  }
0x447: {  	[hbm4b:s30+s3] =	stream.linear.scatter [tilespmem:s31], [sflag:$0x4], $0x80, $0x38;
	[tilespmem:$0x10C00] =	vst v63  }
0x448: {  	s22 =	sadd.s32 $0xC0, s18;
	s23 =	simm.s32 $0xD2A0  }
0x449: {  	[hbm4b:s22+s3] =	stream.linear.scatter [tilespmem:s23], [sflag:$0x4], $0x80, $0x38;
	[tilespmem:$0x10C00] =	vst v63  }
0x44a: {  	s24 =	sadd.s32 $0xD0, s18;
	s26 =	simm.s32 $0xD328  }
0x44b: {  	[hbm4b:s24+s3] =	stream.linear.scatter [tilespmem:s26], [sflag:$0x4], $0x80, $0x38;
	[tilespmem:$0x10C00] =	vst v63  }
0x44c: {  	s28 =	sadd.s32 $0xE0, s18;
	s29 =	simm.s32 $0xD3B0  }
0x44d: {  	[hbm4b:s28+s3] =	stream.linear.scatter [tilespmem:s29], [sflag:$0x4], $0x80, $0x38;
	[tilespmem:$0x10C00] =	vst v63  }
0x44e: {  	s30 =	sadd.s32 $0xF0, s18;
	s31 =	simm.s32 $0xD438  }
0x44f: {  	[hbm4b:s30+s3] =	stream.linear.scatter [tilespmem:s31], [sflag:$0x4], $0x80, $0x38;
	[tilespmem:$0x10C00] =	vst v63  }
0x450: {  	s22 =	sadd.s32 $0x100, s18;
	s23 =	simm.s32 $0xD900  }
0x451: {  	[hbm4b:s22+s3] =	stream.linear.scatter [tilespmem:s23], [sflag:$0x4], $0x80, $0x38;
	[tilespmem:$0x10C00] =	vst v63  }
0x452: {  	s24 =	sadd.s32 $0x110, s18;
	s26 =	simm.s32 $0xD988  }
0x453: {  	[hbm4b:s24+s3] =	stream.linear.scatter [tilespmem:s26], [sflag:$0x4], $0x80, $0x38;
	[tilespmem:$0x10C00] =	vst v63  }
0x454: {  	s28 =	sadd.s32 $0x120, s18;
	s29 =	simm.s32 $0xDA10  }
0x455: {  	[hbm4b:s28+s3] =	stream.linear.scatter [tilespmem:s29], [sflag:$0x4], $0x80, $0x38;
	[tilespmem:$0x10C00] =	vst v63  }
0x456: {  	s30 =	sadd.s32 $0x130, s18;
	s31 =	simm.s32 $0xDA98  }
0x457: {  	[hbm4b:s30+s3] =	stream.linear.scatter [tilespmem:s31], [sflag:$0x4], $0x80, $0x38;
	[tilespmem:$0x10C00] =	vst v63  }
0x458: {  	s22 =	sadd.s32 $0x140, s18;
	s23 =	simm.s32 $0xDB20  }
0x459: {  	[hbm4b:s22+s3] =	stream.linear.scatter [tilespmem:s23], [sflag:$0x4], $0x80, $0x38;
	[tilespmem:$0x10C00] =	vst v63  }
0x45a: {  	s24 =	sadd.s32 $0x150, s18;
	s26 =	simm.s32 $0xDBA8  }
0x45b: {  	[hbm4b:s24+s3] =	stream.linear.scatter [tilespmem:s26], [sflag:$0x4], $0x80, $0x38;
	[tilespmem:$0x10C00] =	vst v63  }
0x45c: {  	s28 =	sadd.s32 $0x160, s18;
	s29 =	simm.s32 $0xDC30  }
0x45d: {  	[hbm4b:s28+s3] =	stream.linear.scatter [tilespmem:s29], [sflag:$0x4], $0x80, $0x38;
	[tilespmem:$0x10C00] =	vst v63  }
0x45e: {  	s30 =	sadd.s32 $0x170, s18;
	s31 =	simm.s32 $0xDCB8  }
0x45f: {  	[hbm4b:s30+s3] =	stream.linear.scatter [tilespmem:s31], [sflag:$0x4], $0x80, $0x38;
	[tilespmem:$0x10C00] =	vst v63  }
0x460: {  	s22 =	sadd.s32 $0x180, s18;
	s23 =	simm.s32 $0xE180  }
0x461: {  	[hbm4b:s22+s3] =	stream.linear.scatter [tilespmem:s23], [sflag:$0x4], $0x80, $0x38;
	[tilespmem:$0x10C00] =	vst v63  }
0x462: {  	s24 =	sadd.s32 $0x190, s18;
	s26 =	simm.s32 $0xE208  }
0x463: {  	[hbm4b:s24+s3] =	stream.linear.scatter [tilespmem:s26], [sflag:$0x4], $0x80, $0x38;
	[tilespmem:$0x10C00] =	vst v63  }
0x464: {  	s28 =	sadd.s32 $0x1A0, s18;
	s29 =	simm.s32 $0xE290  }
0x465: {  	[hbm4b:s28+s3] =	stream.linear.scatter [tilespmem:s29], [sflag:$0x4], $0x80, $0x38;
	[tilespmem:$0x10C00] =	vst v63  }
0x466: {  	s30 =	sadd.s32 $0x1B0, s18;
	s31 =	simm.s32 $0xE318  }
0x467: {  	[hbm4b:s30+s3] =	stream.linear.scatter [tilespmem:s31], [sflag:$0x4], $0x80, $0x38;
	[tilespmem:$0x10C00] =	vst v63  }
0x468: {  	s22 =	sadd.s32 $0x1C0, s18;
	s23 =	simm.s32 $0xE3A0  }
0x469: {  	[hbm4b:s22+s3] =	stream.linear.scatter [tilespmem:s23], [sflag:$0x4], $0x80, $0x38;
	[tilespmem:$0x10C00] =	vst v63  }
0x46a: {  	s24 =	sadd.s32 $0x1D0, s18;
	s26 =	simm.s32 $0xE428  }
0x46b: {  	[hbm4b:s24+s3] =	stream.linear.scatter [tilespmem:s26], [sflag:$0x4], $0x80, $0x38;
	[tilespmem:$0x10C00] =	vst v63  }
0x46c: {  	s28 =	sadd.s32 $0x1E0, s18;
	s29 =	simm.s32 $0xE4B0  }
0x46d: {  	[hbm4b:s28+s3] =	stream.linear.scatter [tilespmem:s29], [sflag:$0x4], $0x80, $0x38;
	[tilespmem:$0x10C00] =	vst v63  }
0x46e: {  	s18 =	sadd.s32 $0x1F0, s18;
	s30 =	simm.s32 $0xE538  }
0x46f: {  	[hbm4b:s18+s3] =	stream.linear.scatter [tilespmem:s30], [sflag:$0x4], $0x80, $0x38;
	[tilespmem:$0x10C00] =	vst v63  }
0x470: {  	s31 =	simm.s32 $0xCC40;
	s18 =	sadd.s32 s21, s17  }
0x471: {  	[hbm4b:s18+s3] =	stream.linear.scatter [tilespmem:s31], [sflag:$0x4], $0x80, $0x38;
	[tilespmem:$0x10C00] =	vst v63  }
0x472: {  	s23 =	simm.s32 $0xCCC8;
	s22 =	sadd.s32 $0x10, s18  }
0x473: {  	[hbm4b:s22+s3] =	stream.linear.scatter [tilespmem:s23], [sflag:$0x4], $0x80, $0x38;
	[tilespmem:$0x10C00] =	vst v63  }
0x474: {  	s26 =	simm.s32 $0xCD50;
	s24 =	sadd.s32 $0x20, s18  }
0x475: {  	[hbm4b:s24+s3] =	stream.linear.scatter [tilespmem:s26], [sflag:$0x4], $0x80, $0x38;
	[tilespmem:$0x10C00] =	vst v63  }
0x476: {  	s29 =	simm.s32 $0xCDD8;
	s28 =	sadd.s32 $0x30, s18  }
0x477: {  	[hbm4b:s28+s3] =	stream.linear.scatter [tilespmem:s29], [sflag:$0x4], $0x80, $0x38;
	[tilespmem:$0x10C00] =	vst v63  }
0x478: {  	s30 =	sadd.s32 $0x40, s18;
	s31 =	simm.s32 $0xCE60  }
0x479: {  	[hbm4b:s30+s3] =	stream.linear.scatter [tilespmem:s31], [sflag:$0x4], $0x80, $0x38;
	[tilespmem:$0x10C00] =	vst v63  }
0x47a: {  	s22 =	sadd.s32 $0x50, s18;
	s23 =	simm.s32 $0xCEE8  }
0x47b: {  	[hbm4b:s22+s3] =	stream.linear.scatter [tilespmem:s23], [sflag:$0x4], $0x80, $0x38;
	[tilespmem:$0x10C00] =	vst v63  }
0x47c: {  	s24 =	sadd.s32 $0x60, s18;
	s26 =	simm.s32 $0xCF70  }
0x47d: {  	[hbm4b:s24+s3] =	stream.linear.scatter [tilespmem:s26], [sflag:$0x4], $0x80, $0x38;
	[tilespmem:$0x10C00] =	vst v63  }
0x47e: {  	s28 =	sadd.s32 $0x70, s18;
	s29 =	simm.s32 $0xCFF8  }
0x47f: {  	[hbm4b:s28+s3] =	stream.linear.scatter [tilespmem:s29], [sflag:$0x4], $0x80, $0x38;
	[tilespmem:$0x10C00] =	vst v63  }
0x480: {  	s30 =	sadd.s32 $0x80, s18;
	s31 =	simm.s32 $0xD4C0  }
0x481: {  	[hbm4b:s30+s3] =	stream.linear.scatter [tilespmem:s31], [sflag:$0x4], $0x80, $0x38;
	[tilespmem:$0x10C00] =	vst v63  }
0x482: {  	s22 =	sadd.s32 $0x90, s18;
	s23 =	simm.s32 $0xD548  }
0x483: {  	[hbm4b:s22+s3] =	stream.linear.scatter [tilespmem:s23], [sflag:$0x4], $0x80, $0x38;
	[tilespmem:$0x10C00] =	vst v63  }
0x484: {  	s24 =	sadd.s32 $0xA0, s18;
	s26 =	simm.s32 $0xD5D0  }
0x485: {  	[hbm4b:s24+s3] =	stream.linear.scatter [tilespmem:s26], [sflag:$0x4], $0x80, $0x38;
	[tilespmem:$0x10C00] =	vst v63  }
0x486: {  	s28 =	sadd.s32 $0xB0, s18;
	s29 =	simm.s32 $0xD658  }
0x487: {  	[hbm4b:s28+s3] =	stream.linear.scatter [tilespmem:s29], [sflag:$0x4], $0x80, $0x38;
	[tilespmem:$0x10C00] =	vst v63  }
0x488: {  	s30 =	sadd.s32 $0xC0, s18;
	s31 =	simm.s32 $0xD6E0  }
0x489: {  	[hbm4b:s30+s3] =	stream.linear.scatter [tilespmem:s31], [sflag:$0x4], $0x80, $0x38;
	[tilespmem:$0x10C00] =	vst v63  }
0x48a: {  	s22 =	sadd.s32 $0xD0, s18;
	s23 =	simm.s32 $0xD768  }
0x48b: {  	[hbm4b:s22+s3] =	stream.linear.scatter [tilespmem:s23], [sflag:$0x4], $0x80, $0x38;
	[tilespmem:$0x10C00] =	vst v63  }
0x48c: {  	s24 =	sadd.s32 $0xE0, s18;
	s26 =	simm.s32 $0xD7F0  }
0x48d: {  	[hbm4b:s24+s3] =	stream.linear.scatter [tilespmem:s26], [sflag:$0x4], $0x80, $0x38;
	[tilespmem:$0x10C00] =	vst v63  }
0x48e: {  	s28 =	sadd.s32 $0xF0, s18;
	s29 =	simm.s32 $0xD878  }
0x48f: {  	[hbm4b:s28+s3] =	stream.linear.scatter [tilespmem:s29], [sflag:$0x4], $0x80, $0x38;
	[tilespmem:$0x10C00] =	vst v63  }
0x490: {  	s30 =	sadd.s32 $0x100, s18;
	s31 =	simm.s32 $0xDD40  }
0x491: {  	[hbm4b:s30+s3] =	stream.linear.scatter [tilespmem:s31], [sflag:$0x4], $0x80, $0x38;
	[tilespmem:$0x10C00] =	vst v63  }
0x492: {  	s22 =	sadd.s32 $0x110, s18;
	s23 =	simm.s32 $0xDDC8  }
0x493: {  	[hbm4b:s22+s3] =	stream.linear.scatter [tilespmem:s23], [sflag:$0x4], $0x80, $0x38;
	[tilespmem:$0x10C00] =	vst v63  }
0x494: {  	s24 =	sadd.s32 $0x120, s18;
	s26 =	simm.s32 $0xDE50  }
0x495: {  	[hbm4b:s24+s3] =	stream.linear.scatter [tilespmem:s26], [sflag:$0x4], $0x80, $0x38;
	[tilespmem:$0x10C00] =	vst v63  }
0x496: {  	s28 =	sadd.s32 $0x130, s18;
	s29 =	simm.s32 $0xDED8  }
0x497: {  	[hbm4b:s28+s3] =	stream.linear.scatter [tilespmem:s29], [sflag:$0x4], $0x80, $0x38;
	[tilespmem:$0x10C00] =	vst v63  }
0x498: {  	s30 =	sadd.s32 $0x140, s18;
	s31 =	simm.s32 $0xDF60  }
0x499: {  	[hbm4b:s30+s3] =	stream.linear.scatter [tilespmem:s31], [sflag:$0x4], $0x80, $0x38;
	[tilespmem:$0x10C00] =	vst v63  }
0x49a: {  	s22 =	sadd.s32 $0x150, s18;
	s23 =	simm.s32 $0xDFE8  }
0x49b: {  	[hbm4b:s22+s3] =	stream.linear.scatter [tilespmem:s23], [sflag:$0x4], $0x80, $0x38;
	[tilespmem:$0x10C00] =	vst v63  }
0x49c: {  	s24 =	sadd.s32 $0x160, s18;
	s26 =	simm.s32 $0xE070  }
0x49d: {  	[hbm4b:s24+s3] =	stream.linear.scatter [tilespmem:s26], [sflag:$0x4], $0x80, $0x38;
	[tilespmem:$0x10C00] =	vst v63  }
0x49e: {  	s28 =	sadd.s32 $0x170, s18;
	s29 =	simm.s32 $0xE0F8  }
0x49f: {  	[hbm4b:s28+s3] =	stream.linear.scatter [tilespmem:s29], [sflag:$0x4], $0x80, $0x38;
	[tilespmem:$0x10C00] =	vst v63  }
0x4a0: {  	s30 =	sadd.s32 $0x180, s18;
	s31 =	simm.s32 $0xE5C0  }
0x4a1: {  	[hbm4b:s30+s3] =	stream.linear.scatter [tilespmem:s31], [sflag:$0x4], $0x80, $0x38;
	[tilespmem:$0x10C00] =	vst v63  }
0x4a2: {  	s22 =	sadd.s32 $0x190, s18;
	s23 =	simm.s32 $0xE648  }
0x4a3: {  	[hbm4b:s22+s3] =	stream.linear.scatter [tilespmem:s23], [sflag:$0x4], $0x80, $0x38;
	[tilespmem:$0x10C00] =	vst v63  }
0x4a4: {  	s24 =	sadd.s32 $0x1A0, s18;
	s26 =	simm.s32 $0xE6D0  }
0x4a5: {  	[hbm4b:s24+s3] =	stream.linear.scatter [tilespmem:s26], [sflag:$0x4], $0x80, $0x38;
	[tilespmem:$0x10C00] =	vst v63  }
0x4a6: {  	s28 =	sadd.s32 $0x1B0, s18;
	s29 =	simm.s32 $0xE758  }
0x4a7: {  	[hbm4b:s28+s3] =	stream.linear.scatter [tilespmem:s29], [sflag:$0x4], $0x80, $0x38;
	[tilespmem:$0x10C00] =	vst v63  }
0x4a8: {  	s30 =	sadd.s32 $0x1C0, s18;
	s31 =	simm.s32 $0xE7E0  }
0x4a9: {  	[hbm4b:s30+s3] =	stream.linear.scatter [tilespmem:s31], [sflag:$0x4], $0x80, $0x38;
	[tilespmem:$0x10C00] =	vst v63  }
0x4aa: {  	s22 =	sadd.s32 $0x1D0, s18;
	s23 =	simm.s32 $0xE868  }
0x4ab: {  	[hbm4b:s22+s3] =	stream.linear.scatter [tilespmem:s23], [sflag:$0x4], $0x80, $0x38;
	[tilespmem:$0x10C00] =	vst v63  }
0x4ac: {  	s24 =	sadd.s32 $0x1E0, s18;
	s26 =	simm.s32 $0xE8F0  }
0x4ad: {  	[hbm4b:s24+s3] =	stream.linear.scatter [tilespmem:s26], [sflag:$0x4], $0x80, $0x38;
	[tilespmem:$0x10C00] =	vst v63  }
0x4ae: {  	s18 =	sadd.s32 $0x1F0, s18;
	s28 =	simm.s32 $0xE978  }
0x4af: {  	[hbm4b:s18+s3] =	stream.linear.scatter [tilespmem:s28], [sflag:$0x4], $0x80, $0x38;
	[tilespmem:$0x10C00] =	vst v63  }
0x4b0: {  	s29 =	simm.s32 $0xEA00;
	s18 =	sadd.s32 s21, s25  }
0x4b1: {  	[hbm4b:s18+s3] =	stream.linear.scatter [tilespmem:s29], [sflag:$0x4], $0x80, $0x38;
	[tilespmem:$0x10C00] =	vst v63  }
0x4b2: {  	s31 =	simm.s32 $0xEA88;
	s30 =	sadd.s32 $0x10, s18  }
0x4b3: {  	[hbm4b:s30+s3] =	stream.linear.scatter [tilespmem:s31], [sflag:$0x4], $0x80, $0x38;
	[tilespmem:$0x10C00] =	vst v63  }
0x4b4: {  	s23 =	simm.s32 $0xEB10;
	s22 =	sadd.s32 $0x20, s18  }
0x4b5: {  	[hbm4b:s22+s3] =	stream.linear.scatter [tilespmem:s23], [sflag:$0x4], $0x80, $0x38;
	[tilespmem:$0x10C00] =	vst v63  }
0x4b6: {  	s26 =	simm.s32 $0xEB98;
	s24 =	sadd.s32 $0x30, s18  }
0x4b7: {  	[hbm4b:s24+s3] =	stream.linear.scatter [tilespmem:s26], [sflag:$0x4], $0x80, $0x38;
	[tilespmem:$0x10C00] =	vst v63  }
0x4b8: {  	s28 =	sadd.s32 $0x40, s18;
	s29 =	simm.s32 $0xEC20  }
0x4b9: {  	[hbm4b:s28+s3] =	stream.linear.scatter [tilespmem:s29], [sflag:$0x4], $0x80, $0x38;
	[tilespmem:$0x10C00] =	vst v63  }
0x4ba: {  	s30 =	sadd.s32 $0x50, s18;
	s31 =	simm.s32 $0xECA8  }
0x4bb: {  	[hbm4b:s30+s3] =	stream.linear.scatter [tilespmem:s31], [sflag:$0x4], $0x80, $0x38;
	[tilespmem:$0x10C00] =	vst v63  }
0x4bc: {  	s22 =	sadd.s32 $0x60, s18;
	s23 =	simm.s32 $0xED30  }
0x4bd: {  	[hbm4b:s22+s3] =	stream.linear.scatter [tilespmem:s23], [sflag:$0x4], $0x80, $0x38;
	[tilespmem:$0x10C00] =	vst v63  }
0x4be: {  	s24 =	sadd.s32 $0x70, s18;
	s26 =	simm.s32 $0xEDB8  }
0x4bf: {  	[hbm4b:s24+s3] =	stream.linear.scatter [tilespmem:s26], [sflag:$0x4], $0x80, $0x38;
	[tilespmem:$0x10C00] =	vst v63  }
0x4c0: {  	s28 =	sadd.s32 $0x80, s18;
	s29 =	simm.s32 $0xF280  }
0x4c1: {  	[hbm4b:s28+s3] =	stream.linear.scatter [tilespmem:s29], [sflag:$0x4], $0x80, $0x38;
	[tilespmem:$0x10C00] =	vst v63  }
0x4c2: {  	s30 =	sadd.s32 $0x90, s18;
	s31 =	simm.s32 $0xF308  }
0x4c3: {  	[hbm4b:s30+s3] =	stream.linear.scatter [tilespmem:s31], [sflag:$0x4], $0x80, $0x38;
	[tilespmem:$0x10C00] =	vst v63  }
0x4c4: {  	s22 =	sadd.s32 $0xA0, s18;
	s23 =	simm.s32 $0xF390  }
0x4c5: {  	[hbm4b:s22+s3] =	stream.linear.scatter [tilespmem:s23], [sflag:$0x4], $0x80, $0x38;
	[tilespmem:$0x10C00] =	vst v63  }
0x4c6: {  	s24 =	sadd.s32 $0xB0, s18;
	s26 =	simm.s32 $0xF418  }
0x4c7: {  	[hbm4b:s24+s3] =	stream.linear.scatter [tilespmem:s26], [sflag:$0x4], $0x80, $0x38;
	[tilespmem:$0x10C00] =	vst v63  }
0x4c8: {  	s28 =	sadd.s32 $0xC0, s18;
	s29 =	simm.s32 $0xF4A0  }
0x4c9: {  	[hbm4b:s28+s3] =	stream.linear.scatter [tilespmem:s29], [sflag:$0x4], $0x80, $0x38;
	[tilespmem:$0x10C00] =	vst v63  }
0x4ca: {  	s30 =	sadd.s32 $0xD0, s18;
	s31 =	simm.s32 $0xF528  }
0x4cb: {  	[hbm4b:s30+s3] =	stream.linear.scatter [tilespmem:s31], [sflag:$0x4], $0x80, $0x38;
	[tilespmem:$0x10C00] =	vst v63  }
0x4cc: {  	s22 =	sadd.s32 $0xE0, s18;
	s23 =	simm.s32 $0xF5B0  }
0x4cd: {  	[hbm4b:s22+s3] =	stream.linear.scatter [tilespmem:s23], [sflag:$0x4], $0x80, $0x38;
	[tilespmem:$0x10C00] =	vst v63  }
0x4ce: {  	s24 =	sadd.s32 $0xF0, s18;
	s26 =	simm.s32 $0xF638  }
0x4cf: {  	[hbm4b:s24+s3] =	stream.linear.scatter [tilespmem:s26], [sflag:$0x4], $0x80, $0x38;
	[tilespmem:$0x10C00] =	vst v63  }
0x4d0: {  	s28 =	sadd.s32 $0x100, s18;
	s29 =	simm.s32 $0xFB00  }
0x4d1: {  	[hbm4b:s28+s3] =	stream.linear.scatter [tilespmem:s29], [sflag:$0x4], $0x80, $0x38;
	[tilespmem:$0x10C00] =	vst v63  }
0x4d2: {  	s30 =	sadd.s32 $0x110, s18;
	s31 =	simm.s32 $0xFB88  }
0x4d3: {  	[hbm4b:s30+s3] =	stream.linear.scatter [tilespmem:s31], [sflag:$0x4], $0x80, $0x38;
	[tilespmem:$0x10C00] =	vst v63  }
0x4d4: {  	s22 =	sadd.s32 $0x120, s18;
	s23 =	simm.s32 $0xFC10  }
0x4d5: {  	[hbm4b:s22+s3] =	stream.linear.scatter [tilespmem:s23], [sflag:$0x4], $0x80, $0x38;
	[tilespmem:$0x10C00] =	vst v63  }
0x4d6: {  	s24 =	sadd.s32 $0x130, s18;
	s26 =	simm.s32 $0xFC98  }
0x4d7: {  	[hbm4b:s24+s3] =	stream.linear.scatter [tilespmem:s26], [sflag:$0x4], $0x80, $0x38;
	[tilespmem:$0x10C00] =	vst v63  }
0x4d8: {  	s28 =	sadd.s32 $0x140, s18;
	s29 =	simm.s32 $0xFD20  }
0x4d9: {  	[hbm4b:s28+s3] =	stream.linear.scatter [tilespmem:s29], [sflag:$0x4], $0x80, $0x38;
	[tilespmem:$0x10C00] =	vst v63  }
0x4da: {  	s30 =	sadd.s32 $0x150, s18;
	s31 =	simm.s32 $0xFDA8  }
0x4db: {  	[hbm4b:s30+s3] =	stream.linear.scatter [tilespmem:s31], [sflag:$0x4], $0x80, $0x38;
	[tilespmem:$0x10C00] =	vst v63  }
0x4dc: {  	s22 =	sadd.s32 $0x160, s18;
	s23 =	simm.s32 $0xFE30  }
0x4dd: {  	[hbm4b:s22+s3] =	stream.linear.scatter [tilespmem:s23], [sflag:$0x4], $0x80, $0x38;
	[tilespmem:$0x10C00] =	vst v63  }
0x4de: {  	s24 =	sadd.s32 $0x170, s18;
	s26 =	simm.s32 $0xFEB8  }
0x4df: {  	[hbm4b:s24+s3] =	stream.linear.scatter [tilespmem:s26], [sflag:$0x4], $0x80, $0x38;
	[tilespmem:$0x10C00] =	vst v63  }
0x4e0: {  	s28 =	sadd.s32 $0x180, s18;
	s29 =	simm.s32 $0x10380  }
0x4e1: {  	[hbm4b:s28+s3] =	stream.linear.scatter [tilespmem:s29], [sflag:$0x4], $0x80, $0x38;
	[tilespmem:$0x10C00] =	vst v63  }
0x4e2: {  	s30 =	sadd.s32 $0x190, s18;
	s31 =	simm.s32 $0x10408  }
0x4e3: {  	[hbm4b:s30+s3] =	stream.linear.scatter [tilespmem:s31], [sflag:$0x4], $0x80, $0x38;
	[tilespmem:$0x10C00] =	vst v63  }
0x4e4: {  	s22 =	sadd.s32 $0x1A0, s18;
	s23 =	simm.s32 $0x10490  }
0x4e5: {  	[hbm4b:s22+s3] =	stream.linear.scatter [tilespmem:s23], [sflag:$0x4], $0x80, $0x38;
	[tilespmem:$0x10C00] =	vst v63  }
0x4e6: {  	s24 =	sadd.s32 $0x1B0, s18;
	s26 =	simm.s32 $0x10518  }
0x4e7: {  	[hbm4b:s24+s3] =	stream.linear.scatter [tilespmem:s26], [sflag:$0x4], $0x80, $0x38;
	[tilespmem:$0x10C00] =	vst v63  }
0x4e8: {  	s28 =	sadd.s32 $0x1C0, s18;
	s29 =	simm.s32 $0x105A0  }
0x4e9: {  	[hbm4b:s28+s3] =	stream.linear.scatter [tilespmem:s29], [sflag:$0x4], $0x80, $0x38;
	[tilespmem:$0x10C00] =	vst v63  }
0x4ea: {  	s30 =	sadd.s32 $0x1D0, s18;
	s31 =	simm.s32 $0x10628  }
0x4eb: {  	[hbm4b:s30+s3] =	stream.linear.scatter [tilespmem:s31], [sflag:$0x4], $0x80, $0x38;
	[tilespmem:$0x10C00] =	vst v63  }
0x4ec: {  	s22 =	sadd.s32 $0x1E0, s18;
	s23 =	simm.s32 $0x106B0  }
0x4ed: {  	[hbm4b:s22+s3] =	stream.linear.scatter [tilespmem:s23], [sflag:$0x4], $0x80, $0x38;
	[tilespmem:$0x10C00] =	vst v63  }
0x4ee: {  	s18 =	sadd.s32 $0x1F0, s18;
	s24 =	simm.s32 $0x10738  }
0x4ef: {  	[hbm4b:s18+s3] =	stream.linear.scatter [tilespmem:s24], [sflag:$0x4], $0x80, $0x38;
	[tilespmem:$0x10C00] =	vst v63  }
0x4f0: {  	s26 =	simm.s32 $0xEE40;
	s18 =	sadd.s32 s21, s10  }
0x4f1: {  	[hbm4b:s18+s3] =	stream.linear.scatter [tilespmem:s26], [sflag:$0x4], $0x80, $0x38;
	[tilespmem:$0x10C00] =	vst v63  }
0x4f2: {  	s29 =	simm.s32 $0xEEC8;
	s28 =	sadd.s32 $0x10, s18  }
0x4f3: {  	[hbm4b:s28+s3] =	stream.linear.scatter [tilespmem:s29], [sflag:$0x4], $0x80, $0x38;
	[tilespmem:$0x10C00] =	vst v63  }
0x4f4: {  	s31 =	simm.s32 $0xEF50;
	s30 =	sadd.s32 $0x20, s18  }
0x4f5: {  	[hbm4b:s30+s3] =	stream.linear.scatter [tilespmem:s31], [sflag:$0x4], $0x80, $0x38;
	[tilespmem:$0x10C00] =	vst v63  }
0x4f6: {  	s23 =	simm.s32 $0xEFD8;
	s22 =	sadd.s32 $0x30, s18  }
0x4f7: {  	[hbm4b:s22+s3] =	stream.linear.scatter [tilespmem:s23], [sflag:$0x4], $0x80, $0x38;
	[tilespmem:$0x10C00] =	vst v63  }
0x4f8: {  	s24 =	sadd.s32 $0x40, s18;
	s26 =	simm.s32 $0xF060  }
0x4f9: {  	[hbm4b:s24+s3] =	stream.linear.scatter [tilespmem:s26], [sflag:$0x4], $0x80, $0x38;
	[tilespmem:$0x10C00] =	vst v63  }
0x4fa: {  	s28 =	sadd.s32 $0x50, s18;
	s29 =	simm.s32 $0xF0E8  }
0x4fb: {  	[hbm4b:s28+s3] =	stream.linear.scatter [tilespmem:s29], [sflag:$0x4], $0x80, $0x38;
	[tilespmem:$0x10C00] =	vst v63  }
0x4fc: {  	s30 =	sadd.s32 $0x60, s18;
	s31 =	simm.s32 $0xF170  }
0x4fd: {  	[hbm4b:s30+s3] =	stream.linear.scatter [tilespmem:s31], [sflag:$0x4], $0x80, $0x38;
	[tilespmem:$0x10C00] =	vst v63  }
0x4fe: {  	s22 =	sadd.s32 $0x70, s18;
	s23 =	simm.s32 $0xF1F8  }
0x4ff: {  	[hbm4b:s22+s3] =	stream.linear.scatter [tilespmem:s23], [sflag:$0x4], $0x80, $0x38;
	[tilespmem:$0x10C00] =	vst v63  }
0x500: {  	s24 =	sadd.s32 $0x80, s18;
	s26 =	simm.s32 $0xF6C0  }
0x501: {  	[hbm4b:s24+s3] =	stream.linear.scatter [tilespmem:s26], [sflag:$0x4], $0x80, $0x38;
	[tilespmem:$0x10C00] =	vst v63  }
0x502: {  	s28 =	sadd.s32 $0x90, s18;
	s29 =	simm.s32 $0xF748  }
0x503: {  	[hbm4b:s28+s3] =	stream.linear.scatter [tilespmem:s29], [sflag:$0x4], $0x80, $0x38;
	[tilespmem:$0x10C00] =	vst v63  }
0x504: {  	s30 =	sadd.s32 $0xA0, s18;
	s31 =	simm.s32 $0xF7D0  }
0x505: {  	[hbm4b:s30+s3] =	stream.linear.scatter [tilespmem:s31], [sflag:$0x4], $0x80, $0x38;
	[tilespmem:$0x10C00] =	vst v63  }
0x506: {  	s22 =	sadd.s32 $0xB0, s18;
	s23 =	simm.s32 $0xF858  }
0x507: {  	[hbm4b:s22+s3] =	stream.linear.scatter [tilespmem:s23], [sflag:$0x4], $0x80, $0x38;
	[tilespmem:$0x10C00] =	vst v63  }
0x508: {  	s24 =	sadd.s32 $0xC0, s18;
	s26 =	simm.s32 $0xF8E0  }
0x509: {  	[hbm4b:s24+s3] =	stream.linear.scatter [tilespmem:s26], [sflag:$0x4], $0x80, $0x38;
	[tilespmem:$0x10C00] =	vst v63  }
0x50a: {  	s28 =	sadd.s32 $0xD0, s18;
	s29 =	simm.s32 $0xF968  }
0x50b: {  	[hbm4b:s28+s3] =	stream.linear.scatter [tilespmem:s29], [sflag:$0x4], $0x80, $0x38;
	[tilespmem:$0x10C00] =	vst v63  }
0x50c: {  	s30 =	sadd.s32 $0xE0, s18;
	s31 =	simm.s32 $0xF9F0  }
0x50d: {  	[hbm4b:s30+s3] =	stream.linear.scatter [tilespmem:s31], [sflag:$0x4], $0x80, $0x38;
	[tilespmem:$0x10C00] =	vst v63  }
0x50e: {  	s22 =	sadd.s32 $0xF0, s18;
	s23 =	simm.s32 $0xFA78  }
0x50f: {  	[hbm4b:s22+s3] =	stream.linear.scatter [tilespmem:s23], [sflag:$0x4], $0x80, $0x38;
	[tilespmem:$0x10C00] =	vst v63  }
0x510: {  	s24 =	sadd.s32 $0x100, s18;
	s26 =	simm.s32 $0xFF40  }
0x511: {  	[hbm4b:s24+s3] =	stream.linear.scatter [tilespmem:s26], [sflag:$0x4], $0x80, $0x38;
	[tilespmem:$0x10C00] =	vst v63  }
0x512: {  	s28 =	sadd.s32 $0x110, s18;
	s29 =	simm.s32 $0xFFC8  }
0x513: {  	[hbm4b:s28+s3] =	stream.linear.scatter [tilespmem:s29], [sflag:$0x4], $0x80, $0x38;
	[tilespmem:$0x10C00] =	vst v63  }
0x514: {  	s30 =	sadd.s32 $0x120, s18;
	s31 =	simm.s32 $0x10050  }
0x515: {  	[hbm4b:s30+s3] =	stream.linear.scatter [tilespmem:s31], [sflag:$0x4], $0x80, $0x38;
	[tilespmem:$0x10C00] =	vst v63  }
0x516: {  	s22 =	sadd.s32 $0x130, s18;
	s23 =	simm.s32 $0x100D8  }
0x517: {  	[hbm4b:s22+s3] =	stream.linear.scatter [tilespmem:s23], [sflag:$0x4], $0x80, $0x38;
	[tilespmem:$0x10C00] =	vst v63  }
0x518: {  	s24 =	sadd.s32 $0x140, s18;
	s26 =	simm.s32 $0x10160  }
0x519: {  	[hbm4b:s24+s3] =	stream.linear.scatter [tilespmem:s26], [sflag:$0x4], $0x80, $0x38;
	[tilespmem:$0x10C00] =	vst v63  }
0x51a: {  	s28 =	sadd.s32 $0x150, s18;
	s29 =	simm.s32 $0x101E8  }
0x51b: {  	[hbm4b:s28+s3] =	stream.linear.scatter [tilespmem:s29], [sflag:$0x4], $0x80, $0x38;
	[tilespmem:$0x10C00] =	vst v63  }
0x51c: {  	s30 =	sadd.s32 $0x160, s18;
	s31 =	simm.s32 $0x10270  }
0x51d: {  	[hbm4b:s30+s3] =	stream.linear.scatter [tilespmem:s31], [sflag:$0x4], $0x80, $0x38;
	[tilespmem:$0x10C00] =	vst v63  }
0x51e: {  	s22 =	sadd.s32 $0x170, s18;
	s23 =	simm.s32 $0x102F8  }
0x51f: {  	[hbm4b:s22+s3] =	stream.linear.scatter [tilespmem:s23], [sflag:$0x4], $0x80, $0x38;
	[tilespmem:$0x10C00] =	vst v63  }
0x520: {  	s24 =	sadd.s32 $0x180, s18;
	s26 =	simm.s32 $0x107C0  }
0x521: {  	[hbm4b:s24+s3] =	stream.linear.scatter [tilespmem:s26], [sflag:$0x4], $0x80, $0x38;
	[tilespmem:$0x10C00] =	vst v63  }
0x522: {  	s28 =	sadd.s32 $0x190, s18;
	s29 =	simm.s32 $0x10848  }
0x523: {  	[hbm4b:s28+s3] =	stream.linear.scatter [tilespmem:s29], [sflag:$0x4], $0x80, $0x38;
	[tilespmem:$0x10C00] =	vst v63  }
0x524: {  	s30 =	sadd.s32 $0x1A0, s18;
	s31 =	simm.s32 $0x108D0  }
0x525: {  	[hbm4b:s30+s3] =	stream.linear.scatter [tilespmem:s31], [sflag:$0x4], $0x80, $0x38;
	[tilespmem:$0x10C00] =	vst v63  }
0x526: {  	s21 =	sadd.s32 $0x1B0, s18;
	s22 =	simm.s32 $0x10958  }
0x527: {  	[hbm4b:s21+s3] =	stream.linear.scatter [tilespmem:s22], [sflag:$0x4], $0x80, $0x38;
	[tilespmem:$0x10C00] =	vst v63  }
0x528: {  	s20 =	sadd.s32 $0x1, s20;
	s23 =	sadd.s32 $0x1C0, s18;
	s24 =	simm.s32 $0x109E0  }
0x529: {  	[hbm4b:s23+s3] =	stream.linear.scatter [tilespmem:s24], [sflag:$0x4], $0x80, $0x38;
	[tilespmem:$0x10C00] =	vst v63  }
0x52a: {  	p0 =	sne.s32 s20, $0x63;
	s26 =	sadd.s32 $0x1D0, s18;
	s28 =	simm.s32 $0x10A68  }
0x52b: {  	[hbm4b:s26+s3] =	stream.linear.scatter [tilespmem:s28], [sflag:$0x4], $0x80, $0x38;
	[tilespmem:$0x10C00] =	vst v63  }
.Ltmp4:
0x52c: {  	_ = 	snop;
	(pc) =	sbr.rel @p0 .LBB2_6-.Ltmp4, $4  }
0x52d: {  	s29 =	sadd.s32 $0x1E0, s18;
	s30 =	simm.s32 $0x10AF0  }
0x52e: {  	[hbm4b:s29+s3] =	stream.linear.scatter [tilespmem:s30], [sflag:$0x4], $0x80, $0x38;
	[tilespmem:$0x10C00] =	vst v63  }
0x52f: {  	s18 =	sadd.s32 $0x1F0, s18;
	s31 =	simm.s32 $0x10B78  }
0x530: {  	[hbm4b:s18+s3] =	stream.linear.scatter [tilespmem:s31], [sflag:$0x4], $0x80, $0x38;
	[tilespmem:$0x10C00] =	vst v63  }
0x531: {  	_ =	swait.ge [sflag:s14], $0x4000  }
0x532: {  	[sflag:s14] =	ssyncset.done $0x0  }
0x533: {  	s18 =	simm.s32 $0x0;
	[sflag:s14] =	ssyncadd.s32 $0xFFFFC000  }
0x534: {  	s19 =	simm.s32 $0x0;
	s21 =	simm.s32 $0x1;
	_ =	swait.ge [sflag:s16], $0x1000  }
0x535: {  	s22 =	simm.s32 $0x7;
	s30 =	simm.s32 $0x4;
	[sflag:s16] =	ssyncset.done $0x0  }
0x536: {  	s23 =	simm.s32 $0x6;
	s24 =	simm.s32 $0x3;
	[sflag:s16] =	ssyncadd.s32 $0xFFFFF000  }
0x537: {  	s29 =	simm.s32 $0x2;
	s20 =	sand.u32 $0x78, s18;
	_ =	swait.ge [sflag:s16], $0x1000  }
0x538: {  	v3 =	vmov s19;
	s31 =	sand.u32 $0x78, s21;
	s22 =	sand.u32 $0x78, s22;
	[sflag:s16] =	ssyncset.done $0x0  }
0x539: {  	s19 =	sand.u32 $0x78, s30;
	s28 =	sand.u32 $0x78, s24;
	v4 =	vmov s20;
	v3 =	vmul.u32 $0x880, v3;
	v5 =	vmov s22;
	[sflag:s16] =	ssyncadd.s32 $0xFFFFF000  }
0x53a: {  	s26 =	sand.u32 $0x78, s23;
	s30 =	sand.u32 $0x78, s29;
	v6 =	vmov s31;
	v7 =	vmov s19;
	v8 =	vmov s28;
	_ =	swait.ge [sflag:s16], $0x1000  }
0x53b: {  	v9 =	vmov s26;
	v11 =	vmov s30;
	v4 =	vshrl.u32 v4, $0x3;
	[sflag:s16] =	ssyncset.done $0x0  }
0x53c: {  	v6 =	vshrl.u32 v6, $0x3;
	v5 =	vshrl.u32 v5, $0x3;
	v9 =	vshrl.u32 v9, $0x3;
	[sflag:s16] =	ssyncadd.s32 $0xFFFFF000  }
0x53d: {  	v8 =	vshrl.u32 v8, $0x3;
	v4 =	vshll.u32 v4, v1;
	v3 =	vbroadcast v3, $0x0;
	_ =	swait.ge [sflag:s16], $0x1000  }
0x53e: {  	v11 =	vshrl.u32 v11, $0x3;
	v6 =	vshll.u32 v6, v1;
	v4 =	vbroadcast v4, $0x0;
	[sflag:s16] =	ssyncset.done $0x0  }
0x53f: {  	s19 =	simm.s32 $0x480;
	v5 =	vshll.u32 v5, v1;
	v19 =	vbroadcast v6, $0x0;
	v10 =	vadd.s32 v0, v3;
	[sflag:s16] =	ssyncadd.s32 $0xFFFFF000  }
0x540: {  	v6 =	vshrl.u32 v7, $0x3;
	v3 =	vadd.s32 v2, v3;
	v13 =	vadd.s32 v4, v10;
	v12 =	vld [tilespmem:s19+$0xFFFFFF80]  }
0x541: {  	s31 =	simm.s32 $0x5;
	v16 =	vadd.s32 v4, v3;
	v4 =	vshll.u32 v6, v1;
	v6 =	vshll.u32 v9, v1  }
0x542: {  	s20 =	sand.u32 $0x78, s31;
	v8 =	vshll.u32 v8, v1;
	v7 =	vadd.s32 v10, v19;
	v6 =	vbroadcast v6, $0x0  }
0x543: {  	v9 =	vmov s20;
	v15 =	vor.u32 $0x1, v7;
	v17 =	vbroadcast v4, $0x0;
	v14 =	vld [tilespmem:s19+$0xFFFFFFA0]  }
0x544: {  	v7 =	vbroadcast v5, $0x0;
	v5 =	vshll.u32 v11, v1;
	v11 =	vadd.s32 v10, v6;
	v4 =	vld [tilespmem:s19+$0xFFFFFFC0]  }
0x545: {  	v23 =	vbroadcast v8, $0x0;
	v9 =	vshrl.u32 v9, $0x3;
	v11 =	vor.u32 $0x6, v11;
	v18 =	vld [tilespmem:s19+$0x40];
	[tilespmem:v13+s11+$0x0] =	vst.idx.msk $0xffff, v12  }
0x546: {  	v9 =	vshll.u32 v9, v1;
	v25 =	vbroadcast v5, $0x0;
	v12 =	vadd.s32 v10, v17;
	v20 =	vld [tilespmem:s19+$0xFFFFFF90]  }
0x547: {  	v22 =	vadd.s32 v3, v17;
	v8 =	vadd.s32 v3, v6;
	v24 =	vld [tilespmem:s19+$0x0];
	v21 =	vor.u32 $0x4, v12  }
0x548: {  	v5 =	vor.u32 $0x6, v8;
	v8 =	vadd.s32 v10, v7;
	[tilespmem:v15+s11+$0x0] =	vst.idx.msk $0xffff, v14;
	v14 =	vadd.s32 v10, v23;
	v15 =	vld [tilespmem:s19+$0x60]  }
0x549: {  	v17 =	vor.u32 $0x7, v8;
	v8 =	vadd.s32 v10, v25;
	v13 =	vld [tilespmem:s19+$0xFFFFFFE0];
	v12 =	vbroadcast v9, $0x0  }
0x54a: {  	[tilespmem:v11+s11+$0x0] =	vst.idx.msk $0xffff, v18;
	v18 =	vadd.s32 v3, v25;
	v6 =	vld [tilespmem:s19+$0xFFFFFFB0];
	v14 =	vor.u32 $0x3, v14;
	v11 =	vor.u32 $0x2, v8  }
0x54b: {  	v8 =	vor.u32 $0x4, v22;
	v9 =	vadd.s32 v3, v12;
	v12 =	vadd.s32 v10, v12;
	v10 =	vld [tilespmem:s19+$0x50];
	[tilespmem:v16+s11+$0x0] =	vst.idx.msk $0xffff, v20  }
0x54c: {  	s20 =	simm.s32 $0x580;
	v12 =	vor.u32 $0x5, v12;
	v16 =	vld [tilespmem:s19+$0x20];
	v20 =	vadd.s32 v3, v19;
	v19 =	vadd.s32 v3, v23;
	[tilespmem:v21+s11+$0x0] =	vst.idx.msk $0xffff, v24  }
.LBB2_12:
0x54d: {  	s21 =	sadd.s32 $0x9, s18  }
0x54e: {  	s22 =	sadd.s32 $0xF, s18;
	v20 =	vor.u32 $0x1, v20;
	v21 =	vld [tilespmem:s19+$0x10];
	v3 =	vadd.s32 v3, v7;
	s23 =	smov.u32 s18;
	s18 =	sadd.s32 $0x8, s18  }
0x54f: {  	v7 =	vor.u32 $0x2, v18;
	v18 =	vor.u32 $0x3, v19;
	s24 =	sshrl.u32 s18, $0x7;
	s26 =	sand.u32 $0x78, s18;
	s28 =	sadd.s32 $0xC, s23;
	[tilespmem:v17+s11+$0x0] =	vst.idx.msk $0xffff, v15;
	v15 =	vor.u32 $0x7, v3  }
0x550: {  	v9 =	vor.u32 $0x5, v9;
	s21 =	sand.u32 $0x78, s21;
	s22 =	sand.u32 $0x78, s22;
	v3 =	vmov s24;
	v17 =	vmov s26;
	s24 =	sadd.s32 $0xE, s23;
	[tilespmem:v14+s11+$0x0] =	vst.idx.msk $0xffff, v13  }
0x551: {  	s26 =	sand.u32 $0x78, s28;
	s28 =	sadd.s32 $0xD, s23;
	v14 =	vmov s22;
	v13 =	vshrl.u32 v17, $0x3;
	v3 =	vmul.u32 $0x880, v3;
	s24 =	sand.u32 $0x78, s24;
	[tilespmem:v12+s11+$0x0] =	vst.idx.msk $0xffff, v16;
	v12 =	vld [tilespmem:s19+$0x70]  }
0x552: {  	s22 =	sadd.s32 $0xB, s23;
	v16 =	vmov s21;
	s21 =	sadd.s32 $0xA, s23;
	v17 =	vmov s26;
	s23 =	sand.u32 $0x78, s28;
	v13 =	vshll.u32 v13, v1;
	[tilespmem:v11+s11+$0x0] =	vst.idx.msk $0xffff, v4;
	v4 =	vld [tilespmem:s19+$0x30]  }
0x553: {  	p0 =	slt.u32 s18, $0x1F8;
	s22 =	sand.u32 $0x78, s22;
	s21 =	sand.u32 $0x78, s21;
	v3 =	vbroadcast v3, $0x0;
	v11 =	vbroadcast v13, $0x0;
	v13 =	vshrl.u32 v16, $0x3;
	[tilespmem:v20+s11+$0x0] =	vst.idx.msk $0xffff, v6;
	v6 =	vld [tilespmem:s19+$0xFFFFFFD0]  }
0x554: {  	v14 =	vshrl.u32 v14, $0x3;
	v19 =	vmov s24;
	v16 =	vmov s22;
	v20 =	vld [tilespmem:s19+$0xFFFFFFF0];
	[tilespmem:v5+s11+$0x0] =	vst.idx.msk $0xffff, v10;
	s19 =	smov.u32 s20  }
0x555: {  	v5 =	vshrl.u32 v19, $0x3;
	v10 =	vadd.s32 v0, v3;
	v3 =	vadd.s32 v2, v3;
	[tilespmem:v8+s11+$0x0] =	vst.idx.msk $0xffff, v21  }
0x556: {  	v14 =	vshll.u32 v14, v1;
	v8 =	vshll.u32 v13, v1;
	v13 =	vmov s21;
	[tilespmem:v15+s11+$0x0] =	vst.idx.msk $0xffff, v12  }
0x557: {  	v19 =	vadd.s32 v11, v3;
	v21 =	vbroadcast v8, $0x0;
	v8 =	vshrl.u32 v17, $0x3;
	[tilespmem:v9+s11+$0x0] =	vst.idx.msk $0xffff, v4  }
0x558: {  	v5 =	vshll.u32 v5, v1;
	v11 =	vadd.s32 v11, v10;
	v4 =	vshll.u32 v8, v1;
	v9 =	vld [tilespmem:s20+$0xFFFFFF80]  }
0x559: {  	v12 =	vshrl.u32 v16, $0x3;
	v15 =	vmov s23;
	v8 =	vadd.s32 v10, v21;
	[tilespmem:v18+s11+$0x0] =	vst.idx.msk $0xffff, v20  }
0x55a: {  	v5 =	vbroadcast v5, $0x0;
	v15 =	vshrl.u32 v15, $0x3;
	v8 =	vor.u32 $0x1, v8;
	v16 =	vld [tilespmem:s20+$0xFFFFFFA0];
	[tilespmem:v7+s11+$0x0] =	vst.idx.msk $0xffff, v6  }
0x55b: {  	v6 =	vshrl.u32 v13, $0x3;
	v13 =	vbroadcast v4, $0x0;
	v7 =	vbroadcast v14, $0x0  }
0x55c: {  	v14 =	vshll.u32 v15, v1;
	v15 =	vadd.s32 v10, v5;
	v6 =	vshll.u32 v6, v1;
	v4 =	vld [tilespmem:s20+$0xFFFFFFC0]  }
0x55d: {  	v20 =	vor.u32 $0x6, v15;
	[tilespmem:v11+s11+$0x0] =	vst.idx.msk $0xffff, v9;
	v9 =	vshll.u32 v12, v1;
	v11 =	vadd.s32 v10, v13;
	v18 =	vld [tilespmem:s20+$0x40]  }
0x55e: {  	v24 =	vadd.s32 v3, v13;
	v22 =	vld [tilespmem:s20+$0xFFFFFF90];
	v23 =	vor.u32 $0x4, v11;
	v11 =	vbroadcast v14, $0x0  }
0x55f: {  	v5 =	vadd.s32 v3, v5;
	v25 =	vbroadcast v9, $0x0;
	[tilespmem:v8+s11+$0x0] =	vst.idx.msk $0xffff, v16;
	v8 =	vbroadcast v6, $0x0;
	v26 =	vld [tilespmem:s20+$0x0]  }
.Ltmp5:
0x560: {  	v5 =	vor.u32 $0x6, v5;
	v12 =	vadd.s32 v10, v7;
	v6 =	vld [tilespmem:s20+$0xFFFFFFB0];
	v9 =	vadd.s32 v3, v11;
	(pc) =	sbr.rel @p0 .LBB2_12-.Ltmp5, $4  }
0x561: {  	v17 =	vor.u32 $0x7, v12;
	v14 =	vadd.s32 v10, v25;
	v11 =	vadd.s32 v10, v11;
	v15 =	vld [tilespmem:s20+$0x60]  }
0x562: {  	v10 =	vadd.s32 v10, v8;
	v14 =	vor.u32 $0x3, v14;
	v12 =	vor.u32 $0x5, v11;
	v13 =	vld [tilespmem:s20+$0xFFFFFFE0];
	[tilespmem:v20+s11+$0x0] =	vst.idx.msk $0xffff, v18  }
0x563: {  	v11 =	vor.u32 $0x2, v10;
	v18 =	vadd.s32 v3, v8;
	v8 =	vor.u32 $0x4, v24;
	[tilespmem:v19+s11+$0x0] =	vst.idx.msk $0xffff, v22;
	v16 =	vld [tilespmem:s20+$0x20]  }
0x564: {  	v20 =	vadd.s32 v3, v21;
	v19 =	vadd.s32 v3, v25;
	s20 =	sadd.s32 $0x100, s20;
	[tilespmem:v23+s11+$0x0] =	vst.idx.msk $0xffff, v26;
	v10 =	vld [tilespmem:s19+$0x50]  }
0x565: {  	_ =	sdelay $0x3  }
0x566: {  	v20 =	vor.u32 $0x1, v20;
	[tilespmem:v11+s11+$0x0] =	vst.idx.msk $0xffff, v4  }
0x567: {  	v3 =	vadd.s32 v3, v7;
	[tilespmem:v17+s11+$0x0] =	vst.idx.msk $0xffff, v15;
	v15 =	vld [tilespmem:s19+$0x10]  }
0x568: {  	v3 =	vor.u32 $0x7, v3;
	[tilespmem:v14+s11+$0x0] =	vst.idx.msk $0xffff, v13;
	v7 =	vld [tilespmem:s19+$0x70]  }
0x569: {  	v13 =	vld [tilespmem:s19+$0xFFFFFFD0];
	[tilespmem:v12+s11+$0x0] =	vst.idx.msk $0xffff, v16;
	v12 =	vor.u32 $0x2, v18  }
0x56a: {  	v9 =	vor.u32 $0x5, v9;
	v4 =	vld [tilespmem:s19+$0x30];
	[tilespmem:v5+s11+$0x0] =	vst.idx.msk $0xffff, v10  }
0x56b: {  	v11 =	vor.u32 $0x3, v19;
	[tilespmem:v20+s11+$0x0] =	vst.idx.msk $0xffff, v6;
	v6 =	vld [tilespmem:s19+$0xFFFFFFF0]  }
0x56c: {  	[tilespmem:v8+s11+$0x0] =	vst.idx.msk $0xffff, v15  }
0x56d: {  	[tilespmem:v3+s11+$0x0] =	vst.idx.msk $0xffff, v7  }
0x56e: {  	[tilespmem:v12+s11+$0x0] =	vst.idx.msk $0xffff, v13  }
0x56f: {  	[tilespmem:v9+s11+$0x0] =	vst.idx.msk $0xffff, v4  }
0x570: {  	[tilespmem:v11+s11+$0x0] =	vst.idx.msk $0xffff, v6  }
0x571: {  	s19 =	rddreg [dreg:$0x12]  }
0x572: {  	[hbm4b:s19+s3] =	stream.linear.scatter [tilespmem:s11], [sflag:$0x3], $0x80, $0x38;
	[tilespmem:$0x10C00] =	vst v63  }
0x573: {  	s20 =	simm.s32 $0x8488;
	s18 =	sadd.s32 $0x10, s19  }
0x574: {  	[hbm4b:s18+s3] =	stream.linear.scatter [tilespmem:s20], [sflag:$0x3], $0x80, $0x38;
	[tilespmem:$0x10C00] =	vst v63  }
0x575: {  	s31 =	simm.s32 $0x8510;
	s30 =	sadd.s32 $0x20, s19  }
0x576: {  	[hbm4b:s30+s3] =	stream.linear.scatter [tilespmem:s31], [sflag:$0x3], $0x80, $0x38;
	[tilespmem:$0x10C00] =	vst v63  }
0x577: {  	s21 =	simm.s32 $0x8598;
	s20 =	sadd.s32 $0x30, s19  }
0x578: {  	[hbm4b:s20+s3] =	stream.linear.scatter [tilespmem:s21], [sflag:$0x3], $0x80, $0x38;
	[tilespmem:$0x10C00] =	vst v63  }
0x579: {  	s23 =	simm.s32 $0x8620;
	s22 =	sadd.s32 $0x40, s19  }
0x57a: {  	[hbm4b:s22+s3] =	stream.linear.scatter [tilespmem:s23], [sflag:$0x3], $0x80, $0x38;
	[tilespmem:$0x10C00] =	vst v63  }
0x57b: {  	s26 =	simm.s32 $0x86A8;
	s24 =	sadd.s32 $0x50, s19  }
0x57c: {  	[hbm4b:s24+s3] =	stream.linear.scatter [tilespmem:s26], [sflag:$0x3], $0x80, $0x38;
	[tilespmem:$0x10C00] =	vst v63  }
0x57d: {  	s29 =	simm.s32 $0x8730;
	s28 =	sadd.s32 $0x60, s19  }
0x57e: {  	[hbm4b:s28+s3] =	stream.linear.scatter [tilespmem:s29], [sflag:$0x3], $0x80, $0x38;
	[tilespmem:$0x10C00] =	vst v63  }
0x57f: {  	s30 =	sadd.s32 $0x70, s19;
	s31 =	simm.s32 $0x87B8  }
0x580: {  	[hbm4b:s30+s3] =	stream.linear.scatter [tilespmem:s31], [sflag:$0x3], $0x80, $0x38;
	[tilespmem:$0x10C00] =	vst v63  }
0x581: {  	s20 =	sadd.s32 $0x80, s19;
	s21 =	simm.s32 $0x8C80  }
0x582: {  	[hbm4b:s20+s3] =	stream.linear.scatter [tilespmem:s21], [sflag:$0x3], $0x80, $0x38;
	[tilespmem:$0x10C00] =	vst v63  }
0x583: {  	s22 =	sadd.s32 $0x90, s19;
	s23 =	simm.s32 $0x8D08  }
0x584: {  	[hbm4b:s22+s3] =	stream.linear.scatter [tilespmem:s23], [sflag:$0x3], $0x80, $0x38;
	[tilespmem:$0x10C00] =	vst v63  }
0x585: {  	s24 =	sadd.s32 $0xA0, s19;
	s26 =	simm.s32 $0x8D90  }
0x586: {  	[hbm4b:s24+s3] =	stream.linear.scatter [tilespmem:s26], [sflag:$0x3], $0x80, $0x38;
	[tilespmem:$0x10C00] =	vst v63  }
0x587: {  	s28 =	sadd.s32 $0xB0, s19;
	s29 =	simm.s32 $0x8E18  }
0x588: {  	[hbm4b:s28+s3] =	stream.linear.scatter [tilespmem:s29], [sflag:$0x3], $0x80, $0x38;
	[tilespmem:$0x10C00] =	vst v63  }
0x589: {  	s30 =	sadd.s32 $0xC0, s19;
	s31 =	simm.s32 $0x8EA0  }
0x58a: {  	[hbm4b:s30+s3] =	stream.linear.scatter [tilespmem:s31], [sflag:$0x3], $0x80, $0x38;
	[tilespmem:$0x10C00] =	vst v63  }
0x58b: {  	s20 =	sadd.s32 $0xD0, s19;
	s21 =	simm.s32 $0x8F28  }
0x58c: {  	[hbm4b:s20+s3] =	stream.linear.scatter [tilespmem:s21], [sflag:$0x3], $0x80, $0x38;
	[tilespmem:$0x10C00] =	vst v63  }
0x58d: {  	s22 =	sadd.s32 $0xE0, s19;
	s23 =	simm.s32 $0x8FB0  }
0x58e: {  	[hbm4b:s22+s3] =	stream.linear.scatter [tilespmem:s23], [sflag:$0x3], $0x80, $0x38;
	[tilespmem:$0x10C00] =	vst v63  }
0x58f: {  	s24 =	sadd.s32 $0xF0, s19;
	s26 =	simm.s32 $0x9038  }
0x590: {  	[hbm4b:s24+s3] =	stream.linear.scatter [tilespmem:s26], [sflag:$0x3], $0x80, $0x38;
	[tilespmem:$0x10C00] =	vst v63  }
0x591: {  	s28 =	sadd.s32 $0x100, s19;
	s29 =	simm.s32 $0x9500  }
0x592: {  	[hbm4b:s28+s3] =	stream.linear.scatter [tilespmem:s29], [sflag:$0x3], $0x80, $0x38;
	[tilespmem:$0x10C00] =	vst v63  }
0x593: {  	s30 =	sadd.s32 $0x110, s19;
	s31 =	simm.s32 $0x9588  }
0x594: {  	[hbm4b:s30+s3] =	stream.linear.scatter [tilespmem:s31], [sflag:$0x3], $0x80, $0x38;
	[tilespmem:$0x10C00] =	vst v63  }
0x595: {  	s20 =	sadd.s32 $0x120, s19;
	s21 =	simm.s32 $0x9610  }
0x596: {  	[hbm4b:s20+s3] =	stream.linear.scatter [tilespmem:s21], [sflag:$0x3], $0x80, $0x38;
	[tilespmem:$0x10C00] =	vst v63  }
0x597: {  	s22 =	sadd.s32 $0x130, s19;
	s23 =	simm.s32 $0x9698  }
0x598: {  	[hbm4b:s22+s3] =	stream.linear.scatter [tilespmem:s23], [sflag:$0x3], $0x80, $0x38;
	[tilespmem:$0x10C00] =	vst v63  }
0x599: {  	s24 =	sadd.s32 $0x140, s19;
	s26 =	simm.s32 $0x9720  }
0x59a: {  	[hbm4b:s24+s3] =	stream.linear.scatter [tilespmem:s26], [sflag:$0x3], $0x80, $0x38;
	[tilespmem:$0x10C00] =	vst v63  }
0x59b: {  	s28 =	sadd.s32 $0x150, s19;
	s29 =	simm.s32 $0x97A8  }
0x59c: {  	[hbm4b:s28+s3] =	stream.linear.scatter [tilespmem:s29], [sflag:$0x3], $0x80, $0x38;
	[tilespmem:$0x10C00] =	vst v63  }
0x59d: {  	s30 =	sadd.s32 $0x160, s19;
	s31 =	simm.s32 $0x9830  }
0x59e: {  	[hbm4b:s30+s3] =	stream.linear.scatter [tilespmem:s31], [sflag:$0x3], $0x80, $0x38;
	[tilespmem:$0x10C00] =	vst v63  }
0x59f: {  	s20 =	sadd.s32 $0x170, s19;
	s21 =	simm.s32 $0x98B8  }
0x5a0: {  	[hbm4b:s20+s3] =	stream.linear.scatter [tilespmem:s21], [sflag:$0x3], $0x80, $0x38;
	[tilespmem:$0x10C00] =	vst v63  }
0x5a1: {  	s22 =	sadd.s32 $0x180, s19;
	s23 =	simm.s32 $0x9D80  }
0x5a2: {  	[hbm4b:s22+s3] =	stream.linear.scatter [tilespmem:s23], [sflag:$0x3], $0x80, $0x38;
	[tilespmem:$0x10C00] =	vst v63  }
0x5a3: {  	s24 =	sadd.s32 $0x190, s19;
	s26 =	simm.s32 $0x9E08  }
0x5a4: {  	[hbm4b:s24+s3] =	stream.linear.scatter [tilespmem:s26], [sflag:$0x3], $0x80, $0x38;
	[tilespmem:$0x10C00] =	vst v63  }
0x5a5: {  	s28 =	sadd.s32 $0x1A0, s19;
	s29 =	simm.s32 $0x9E90  }
0x5a6: {  	[hbm4b:s28+s3] =	stream.linear.scatter [tilespmem:s29], [sflag:$0x3], $0x80, $0x38;
	[tilespmem:$0x10C00] =	vst v63  }
0x5a7: {  	s30 =	sadd.s32 $0x1B0, s19;
	s31 =	simm.s32 $0x9F18  }
0x5a8: {  	[hbm4b:s30+s3] =	stream.linear.scatter [tilespmem:s31], [sflag:$0x3], $0x80, $0x38;
	[tilespmem:$0x10C00] =	vst v63  }
0x5a9: {  	s21 =	sadd.s32 $0x1C0, s19;
	s22 =	simm.s32 $0x9FA0  }
0x5aa: {  	[hbm4b:s21+s3] =	stream.linear.scatter [tilespmem:s22], [sflag:$0x3], $0x80, $0x38;
	[tilespmem:$0x10C00] =	vst v63  }
0x5ab: {  	s23 =	sadd.s32 $0x1D0, s19;
	s24 =	simm.s32 $0xA028  }
0x5ac: {  	[hbm4b:s23+s3] =	stream.linear.scatter [tilespmem:s24], [sflag:$0x3], $0x80, $0x38;
	[tilespmem:$0x10C00] =	vst v63  }
0x5ad: {  	s26 =	sadd.s32 $0x1E0, s19;
	s28 =	simm.s32 $0xA0B0  }
0x5ae: {  	[hbm4b:s26+s3] =	stream.linear.scatter [tilespmem:s28], [sflag:$0x3], $0x80, $0x38;
	[tilespmem:$0x10C00] =	vst v63  }
0x5af: {  	s29 =	sadd.s32 $0x1F0, s19;
	s30 =	simm.s32 $0xA138  }
0x5b0: {  	[hbm4b:s29+s3] =	stream.linear.scatter [tilespmem:s30], [sflag:$0x3], $0x80, $0x38;
	[tilespmem:$0x10C00] =	vst v63  }
0x5b1: {  	s19 =	rddreg [dreg:$0x13];
	s31 =	simm.s32 $0x8840  }
0x5b2: {  	[hbm4b:s19+s3] =	stream.linear.scatter [tilespmem:s31], [sflag:$0x3], $0x80, $0x38;
	[tilespmem:$0x10C00] =	vst v63  }
0x5b3: {  	s20 =	sadd.s32 $0x10, s19;
	s21 =	simm.s32 $0x88C8  }
0x5b4: {  	[hbm4b:s20+s3] =	stream.linear.scatter [tilespmem:s21], [sflag:$0x3], $0x80, $0x38;
	[tilespmem:$0x10C00] =	vst v63  }
0x5b5: {  	s22 =	sadd.s32 $0x20, s19;
	s23 =	simm.s32 $0x8950  }
0x5b6: {  	[hbm4b:s22+s3] =	stream.linear.scatter [tilespmem:s23], [sflag:$0x3], $0x80, $0x38;
	[tilespmem:$0x10C00] =	vst v63  }
0x5b7: {  	s24 =	sadd.s32 $0x30, s19;
	s26 =	simm.s32 $0x89D8  }
0x5b8: {  	[hbm4b:s24+s3] =	stream.linear.scatter [tilespmem:s26], [sflag:$0x3], $0x80, $0x38;
	[tilespmem:$0x10C00] =	vst v63  }
0x5b9: {  	s28 =	sadd.s32 $0x40, s19;
	s29 =	simm.s32 $0x8A60  }
0x5ba: {  	[hbm4b:s28+s3] =	stream.linear.scatter [tilespmem:s29], [sflag:$0x3], $0x80, $0x38;
	[tilespmem:$0x10C00] =	vst v63  }
0x5bb: {  	s30 =	sadd.s32 $0x50, s19;
	s31 =	simm.s32 $0x8AE8  }
0x5bc: {  	[hbm4b:s30+s3] =	stream.linear.scatter [tilespmem:s31], [sflag:$0x3], $0x80, $0x38;
	[tilespmem:$0x10C00] =	vst v63  }
0x5bd: {  	s20 =	sadd.s32 $0x60, s19;
	s21 =	simm.s32 $0x8B70  }
0x5be: {  	[hbm4b:s20+s3] =	stream.linear.scatter [tilespmem:s21], [sflag:$0x3], $0x80, $0x38;
	[tilespmem:$0x10C00] =	vst v63  }
0x5bf: {  	s22 =	sadd.s32 $0x70, s19;
	s23 =	simm.s32 $0x8BF8  }
0x5c0: {  	[hbm4b:s22+s3] =	stream.linear.scatter [tilespmem:s23], [sflag:$0x3], $0x80, $0x38;
	[tilespmem:$0x10C00] =	vst v63  }
0x5c1: {  	s24 =	sadd.s32 $0x80, s19;
	s26 =	simm.s32 $0x90C0  }
0x5c2: {  	[hbm4b:s24+s3] =	stream.linear.scatter [tilespmem:s26], [sflag:$0x3], $0x80, $0x38;
	[tilespmem:$0x10C00] =	vst v63  }
0x5c3: {  	s28 =	sadd.s32 $0x90, s19;
	s29 =	simm.s32 $0x9148  }
0x5c4: {  	[hbm4b:s28+s3] =	stream.linear.scatter [tilespmem:s29], [sflag:$0x3], $0x80, $0x38;
	[tilespmem:$0x10C00] =	vst v63  }
0x5c5: {  	s30 =	sadd.s32 $0xA0, s19;
	s31 =	simm.s32 $0x91D0  }
0x5c6: {  	[hbm4b:s30+s3] =	stream.linear.scatter [tilespmem:s31], [sflag:$0x3], $0x80, $0x38;
	[tilespmem:$0x10C00] =	vst v63  }
0x5c7: {  	s20 =	sadd.s32 $0xB0, s19;
	s21 =	simm.s32 $0x9258  }
0x5c8: {  	[hbm4b:s20+s3] =	stream.linear.scatter [tilespmem:s21], [sflag:$0x3], $0x80, $0x38;
	[tilespmem:$0x10C00] =	vst v63  }
0x5c9: {  	s22 =	sadd.s32 $0xC0, s19;
	s23 =	simm.s32 $0x92E0  }
0x5ca: {  	[hbm4b:s22+s3] =	stream.linear.scatter [tilespmem:s23], [sflag:$0x3], $0x80, $0x38;
	[tilespmem:$0x10C00] =	vst v63  }
0x5cb: {  	s24 =	sadd.s32 $0xD0, s19;
	s26 =	simm.s32 $0x9368  }
0x5cc: {  	[hbm4b:s24+s3] =	stream.linear.scatter [tilespmem:s26], [sflag:$0x3], $0x80, $0x38;
	[tilespmem:$0x10C00] =	vst v63  }
0x5cd: {  	s28 =	sadd.s32 $0xE0, s19;
	s29 =	simm.s32 $0x93F0  }
0x5ce: {  	[hbm4b:s28+s3] =	stream.linear.scatter [tilespmem:s29], [sflag:$0x3], $0x80, $0x38;
	[tilespmem:$0x10C00] =	vst v63  }
0x5cf: {  	s30 =	sadd.s32 $0xF0, s19;
	s31 =	simm.s32 $0x9478  }
0x5d0: {  	[hbm4b:s30+s3] =	stream.linear.scatter [tilespmem:s31], [sflag:$0x3], $0x80, $0x38;
	[tilespmem:$0x10C00] =	vst v63  }
0x5d1: {  	s20 =	sadd.s32 $0x100, s19;
	s21 =	simm.s32 $0x9940  }
0x5d2: {  	[hbm4b:s20+s3] =	stream.linear.scatter [tilespmem:s21], [sflag:$0x3], $0x80, $0x38;
	[tilespmem:$0x10C00] =	vst v63  }
0x5d3: {  	s22 =	sadd.s32 $0x110, s19;
	s23 =	simm.s32 $0x99C8  }
0x5d4: {  	[hbm4b:s22+s3] =	stream.linear.scatter [tilespmem:s23], [sflag:$0x3], $0x80, $0x38;
	[tilespmem:$0x10C00] =	vst v63  }
0x5d5: {  	s24 =	sadd.s32 $0x120, s19;
	s26 =	simm.s32 $0x9A50  }
0x5d6: {  	[hbm4b:s24+s3] =	stream.linear.scatter [tilespmem:s26], [sflag:$0x3], $0x80, $0x38;
	[tilespmem:$0x10C00] =	vst v63  }
0x5d7: {  	s28 =	sadd.s32 $0x130, s19;
	s29 =	simm.s32 $0x9AD8  }
0x5d8: {  	[hbm4b:s28+s3] =	stream.linear.scatter [tilespmem:s29], [sflag:$0x3], $0x80, $0x38;
	[tilespmem:$0x10C00] =	vst v63  }
0x5d9: {  	s30 =	sadd.s32 $0x140, s19;
	s31 =	simm.s32 $0x9B60  }
0x5da: {  	[hbm4b:s30+s3] =	stream.linear.scatter [tilespmem:s31], [sflag:$0x3], $0x80, $0x38;
	[tilespmem:$0x10C00] =	vst v63  }
0x5db: {  	s20 =	sadd.s32 $0x150, s19;
	s21 =	simm.s32 $0x9BE8  }
0x5dc: {  	[hbm4b:s20+s3] =	stream.linear.scatter [tilespmem:s21], [sflag:$0x3], $0x80, $0x38;
	[tilespmem:$0x10C00] =	vst v63  }
0x5dd: {  	s22 =	sadd.s32 $0x160, s19;
	s23 =	simm.s32 $0x9C70  }
0x5de: {  	[hbm4b:s22+s3] =	stream.linear.scatter [tilespmem:s23], [sflag:$0x3], $0x80, $0x38;
	[tilespmem:$0x10C00] =	vst v63  }
0x5df: {  	s24 =	sadd.s32 $0x170, s19;
	s26 =	simm.s32 $0x9CF8  }
0x5e0: {  	[hbm4b:s24+s3] =	stream.linear.scatter [tilespmem:s26], [sflag:$0x3], $0x80, $0x38;
	[tilespmem:$0x10C00] =	vst v63  }
0x5e1: {  	s28 =	sadd.s32 $0x180, s19;
	s29 =	simm.s32 $0xA1C0  }
0x5e2: {  	[hbm4b:s28+s3] =	stream.linear.scatter [tilespmem:s29], [sflag:$0x3], $0x80, $0x38;
	[tilespmem:$0x10C00] =	vst v63  }
0x5e3: {  	s30 =	sadd.s32 $0x190, s19;
	s31 =	simm.s32 $0xA248  }
0x5e4: {  	[hbm4b:s30+s3] =	stream.linear.scatter [tilespmem:s31], [sflag:$0x3], $0x80, $0x38;
	[tilespmem:$0x10C00] =	vst v63  }
0x5e5: {  	s20 =	sadd.s32 $0x1A0, s19;
	s21 =	simm.s32 $0xA2D0  }
0x5e6: {  	[hbm4b:s20+s3] =	stream.linear.scatter [tilespmem:s21], [sflag:$0x3], $0x80, $0x38;
	[tilespmem:$0x10C00] =	vst v63  }
0x5e7: {  	s22 =	sadd.s32 $0x1B0, s19;
	s23 =	simm.s32 $0xA358  }
0x5e8: {  	[hbm4b:s22+s3] =	stream.linear.scatter [tilespmem:s23], [sflag:$0x3], $0x80, $0x38;
	[tilespmem:$0x10C00] =	vst v63  }
0x5e9: {  	s24 =	sadd.s32 $0x1C0, s19;
	s26 =	simm.s32 $0xA3E0  }
0x5ea: {  	[hbm4b:s24+s3] =	stream.linear.scatter [tilespmem:s26], [sflag:$0x3], $0x80, $0x38;
	[tilespmem:$0x10C00] =	vst v63  }
0x5eb: {  	s28 =	sadd.s32 $0x1D0, s19;
	s29 =	simm.s32 $0xA468  }
0x5ec: {  	[hbm4b:s28+s3] =	stream.linear.scatter [tilespmem:s29], [sflag:$0x3], $0x80, $0x38;
	[tilespmem:$0x10C00] =	vst v63  }
0x5ed: {  	s30 =	sadd.s32 $0x1E0, s19;
	s31 =	simm.s32 $0xA4F0  }
0x5ee: {  	[hbm4b:s30+s3] =	stream.linear.scatter [tilespmem:s31], [sflag:$0x3], $0x80, $0x38;
	[tilespmem:$0x10C00] =	vst v63  }
0x5ef: {  	s19 =	sadd.s32 $0x1F0, s19;
	s20 =	simm.s32 $0xA578  }
0x5f0: {  	[hbm4b:s19+s3] =	stream.linear.scatter [tilespmem:s20], [sflag:$0x3], $0x80, $0x38;
	[tilespmem:$0x10C00] =	vst v63  }
0x5f1: {  	s21 =	simm.s32 $0xA600;
	s19 =	rddreg [dreg:$0x14]  }
0x5f2: {  	[hbm4b:s19+s3] =	stream.linear.scatter [tilespmem:s21], [sflag:$0x3], $0x80, $0x38;
	[tilespmem:$0x10C00] =	vst v63  }
0x5f3: {  	s23 =	simm.s32 $0xA688;
	s22 =	sadd.s32 $0x10, s19  }
0x5f4: {  	[hbm4b:s22+s3] =	stream.linear.scatter [tilespmem:s23], [sflag:$0x3], $0x80, $0x38;
	[tilespmem:$0x10C00] =	vst v63  }
0x5f5: {  	s26 =	simm.s32 $0xA710;
	s24 =	sadd.s32 $0x20, s19  }
0x5f6: {  	[hbm4b:s24+s3] =	stream.linear.scatter [tilespmem:s26], [sflag:$0x3], $0x80, $0x38;
	[tilespmem:$0x10C00] =	vst v63  }
0x5f7: {  	s29 =	simm.s32 $0xA798;
	s28 =	sadd.s32 $0x30, s19  }
0x5f8: {  	[hbm4b:s28+s3] =	stream.linear.scatter [tilespmem:s29], [sflag:$0x3], $0x80, $0x38;
	[tilespmem:$0x10C00] =	vst v63  }
0x5f9: {  	s31 =	simm.s32 $0xA820;
	s30 =	sadd.s32 $0x40, s19  }
0x5fa: {  	[hbm4b:s30+s3] =	stream.linear.scatter [tilespmem:s31], [sflag:$0x3], $0x80, $0x38;
	[tilespmem:$0x10C00] =	vst v63  }
0x5fb: {  	s20 =	sadd.s32 $0x50, s19;
	s21 =	simm.s32 $0xA8A8  }
0x5fc: {  	[hbm4b:s20+s3] =	stream.linear.scatter [tilespmem:s21], [sflag:$0x3], $0x80, $0x38;
	[tilespmem:$0x10C00] =	vst v63  }
0x5fd: {  	s22 =	sadd.s32 $0x60, s19;
	s23 =	simm.s32 $0xA930  }
0x5fe: {  	[hbm4b:s22+s3] =	stream.linear.scatter [tilespmem:s23], [sflag:$0x3], $0x80, $0x38;
	[tilespmem:$0x10C00] =	vst v63  }
0x5ff: {  	s24 =	sadd.s32 $0x70, s19;
	s26 =	simm.s32 $0xA9B8  }
0x600: {  	[hbm4b:s24+s3] =	stream.linear.scatter [tilespmem:s26], [sflag:$0x3], $0x80, $0x38;
	[tilespmem:$0x10C00] =	vst v63  }
0x601: {  	s28 =	sadd.s32 $0x80, s19;
	s29 =	simm.s32 $0xAE80  }
0x602: {  	[hbm4b:s28+s3] =	stream.linear.scatter [tilespmem:s29], [sflag:$0x3], $0x80, $0x38;
	[tilespmem:$0x10C00] =	vst v63  }
0x603: {  	s30 =	sadd.s32 $0x90, s19;
	s31 =	simm.s32 $0xAF08  }
0x604: {  	[hbm4b:s30+s3] =	stream.linear.scatter [tilespmem:s31], [sflag:$0x3], $0x80, $0x38;
	[tilespmem:$0x10C00] =	vst v63  }
0x605: {  	s20 =	sadd.s32 $0xA0, s19;
	s21 =	simm.s32 $0xAF90  }
0x606: {  	[hbm4b:s20+s3] =	stream.linear.scatter [tilespmem:s21], [sflag:$0x3], $0x80, $0x38;
	[tilespmem:$0x10C00] =	vst v63  }
0x607: {  	s22 =	sadd.s32 $0xB0, s19;
	s23 =	simm.s32 $0xB018  }
0x608: {  	[hbm4b:s22+s3] =	stream.linear.scatter [tilespmem:s23], [sflag:$0x3], $0x80, $0x38;
	[tilespmem:$0x10C00] =	vst v63  }
0x609: {  	s24 =	sadd.s32 $0xC0, s19;
	s26 =	simm.s32 $0xB0A0  }
0x60a: {  	[hbm4b:s24+s3] =	stream.linear.scatter [tilespmem:s26], [sflag:$0x3], $0x80, $0x38;
	[tilespmem:$0x10C00] =	vst v63  }
0x60b: {  	s28 =	sadd.s32 $0xD0, s19;
	s29 =	simm.s32 $0xB128  }
0x60c: {  	[hbm4b:s28+s3] =	stream.linear.scatter [tilespmem:s29], [sflag:$0x3], $0x80, $0x38;
	[tilespmem:$0x10C00] =	vst v63  }
0x60d: {  	s30 =	sadd.s32 $0xE0, s19;
	s31 =	simm.s32 $0xB1B0  }
0x60e: {  	[hbm4b:s30+s3] =	stream.linear.scatter [tilespmem:s31], [sflag:$0x3], $0x80, $0x38;
	[tilespmem:$0x10C00] =	vst v63  }
0x60f: {  	s20 =	sadd.s32 $0xF0, s19;
	s21 =	simm.s32 $0xB238  }
0x610: {  	[hbm4b:s20+s3] =	stream.linear.scatter [tilespmem:s21], [sflag:$0x3], $0x80, $0x38;
	[tilespmem:$0x10C00] =	vst v63  }
0x611: {  	s22 =	sadd.s32 $0x100, s19;
	s23 =	simm.s32 $0xB700  }
0x612: {  	[hbm4b:s22+s3] =	stream.linear.scatter [tilespmem:s23], [sflag:$0x3], $0x80, $0x38;
	[tilespmem:$0x10C00] =	vst v63  }
0x613: {  	s24 =	sadd.s32 $0x110, s19;
	s26 =	simm.s32 $0xB788  }
0x614: {  	[hbm4b:s24+s3] =	stream.linear.scatter [tilespmem:s26], [sflag:$0x3], $0x80, $0x38;
	[tilespmem:$0x10C00] =	vst v63  }
0x615: {  	s28 =	sadd.s32 $0x120, s19;
	s29 =	simm.s32 $0xB810  }
0x616: {  	[hbm4b:s28+s3] =	stream.linear.scatter [tilespmem:s29], [sflag:$0x3], $0x80, $0x38;
	[tilespmem:$0x10C00] =	vst v63  }
0x617: {  	s30 =	sadd.s32 $0x130, s19;
	s31 =	simm.s32 $0xB898  }
0x618: {  	[hbm4b:s30+s3] =	stream.linear.scatter [tilespmem:s31], [sflag:$0x3], $0x80, $0x38;
	[tilespmem:$0x10C00] =	vst v63  }
0x619: {  	s20 =	sadd.s32 $0x140, s19;
	s21 =	simm.s32 $0xB920  }
0x61a: {  	[hbm4b:s20+s3] =	stream.linear.scatter [tilespmem:s21], [sflag:$0x3], $0x80, $0x38;
	[tilespmem:$0x10C00] =	vst v63  }
0x61b: {  	s22 =	sadd.s32 $0x150, s19;
	s23 =	simm.s32 $0xB9A8  }
0x61c: {  	[hbm4b:s22+s3] =	stream.linear.scatter [tilespmem:s23], [sflag:$0x3], $0x80, $0x38;
	[tilespmem:$0x10C00] =	vst v63  }
0x61d: {  	s24 =	sadd.s32 $0x160, s19;
	s26 =	simm.s32 $0xBA30  }
0x61e: {  	[hbm4b:s24+s3] =	stream.linear.scatter [tilespmem:s26], [sflag:$0x3], $0x80, $0x38;
	[tilespmem:$0x10C00] =	vst v63  }
0x61f: {  	s28 =	sadd.s32 $0x170, s19;
	s29 =	simm.s32 $0xBAB8  }
0x620: {  	[hbm4b:s28+s3] =	stream.linear.scatter [tilespmem:s29], [sflag:$0x3], $0x80, $0x38;
	[tilespmem:$0x10C00] =	vst v63  }
0x621: {  	s30 =	sadd.s32 $0x180, s19;
	s31 =	simm.s32 $0xBF80  }
0x622: {  	[hbm4b:s30+s3] =	stream.linear.scatter [tilespmem:s31], [sflag:$0x3], $0x80, $0x38;
	[tilespmem:$0x10C00] =	vst v63  }
0x623: {  	s20 =	sadd.s32 $0x190, s19;
	s21 =	simm.s32 $0xC008  }
0x624: {  	[hbm4b:s20+s3] =	stream.linear.scatter [tilespmem:s21], [sflag:$0x3], $0x80, $0x38;
	[tilespmem:$0x10C00] =	vst v63  }
0x625: {  	s22 =	sadd.s32 $0x1A0, s19;
	s23 =	simm.s32 $0xC090  }
0x626: {  	[hbm4b:s22+s3] =	stream.linear.scatter [tilespmem:s23], [sflag:$0x3], $0x80, $0x38;
	[tilespmem:$0x10C00] =	vst v63  }
0x627: {  	s24 =	sadd.s32 $0x1B0, s19;
	s26 =	simm.s32 $0xC118  }
0x628: {  	[hbm4b:s24+s3] =	stream.linear.scatter [tilespmem:s26], [sflag:$0x3], $0x80, $0x38;
	[tilespmem:$0x10C00] =	vst v63  }
0x629: {  	s28 =	sadd.s32 $0x1C0, s19;
	s29 =	simm.s32 $0xC1A0  }
0x62a: {  	[hbm4b:s28+s3] =	stream.linear.scatter [tilespmem:s29], [sflag:$0x3], $0x80, $0x38;
	[tilespmem:$0x10C00] =	vst v63  }
0x62b: {  	s30 =	sadd.s32 $0x1D0, s19;
	s31 =	simm.s32 $0xC228  }
0x62c: {  	[hbm4b:s30+s3] =	stream.linear.scatter [tilespmem:s31], [sflag:$0x3], $0x80, $0x38;
	[tilespmem:$0x10C00] =	vst v63  }
0x62d: {  	s21 =	sadd.s32 $0x1E0, s19;
	s22 =	simm.s32 $0xC2B0  }
0x62e: {  	[hbm4b:s21+s3] =	stream.linear.scatter [tilespmem:s22], [sflag:$0x3], $0x80, $0x38;
	[tilespmem:$0x10C00] =	vst v63  }
0x62f: {  	s23 =	sadd.s32 $0x1F0, s19;
	s24 =	simm.s32 $0xC338  }
0x630: {  	[hbm4b:s23+s3] =	stream.linear.scatter [tilespmem:s24], [sflag:$0x3], $0x80, $0x38;
	[tilespmem:$0x10C00] =	vst v63  }
0x631: {  	s19 =	rddreg [dreg:$0x15];
	s26 =	simm.s32 $0xAA40  }
0x632: {  	[hbm4b:s19+s3] =	stream.linear.scatter [tilespmem:s26], [sflag:$0x3], $0x80, $0x38;
	[tilespmem:$0x10C00] =	vst v63  }
0x633: {  	s28 =	sadd.s32 $0x10, s19;
	s29 =	simm.s32 $0xAAC8  }
0x634: {  	[hbm4b:s28+s3] =	stream.linear.scatter [tilespmem:s29], [sflag:$0x3], $0x80, $0x38;
	[tilespmem:$0x10C00] =	vst v63  }
0x635: {  	s30 =	sadd.s32 $0x20, s19;
	s31 =	simm.s32 $0xAB50  }
0x636: {  	[hbm4b:s30+s3] =	stream.linear.scatter [tilespmem:s31], [sflag:$0x3], $0x80, $0x38;
	[tilespmem:$0x10C00] =	vst v63  }
0x637: {  	s20 =	sadd.s32 $0x30, s19;
	s21 =	simm.s32 $0xABD8  }
0x638: {  	[hbm4b:s20+s3] =	stream.linear.scatter [tilespmem:s21], [sflag:$0x3], $0x80, $0x38;
	[tilespmem:$0x10C00] =	vst v63  }
0x639: {  	s22 =	sadd.s32 $0x40, s19;
	s23 =	simm.s32 $0xAC60  }
0x63a: {  	[hbm4b:s22+s3] =	stream.linear.scatter [tilespmem:s23], [sflag:$0x3], $0x80, $0x38;
	[tilespmem:$0x10C00] =	vst v63  }
0x63b: {  	s24 =	sadd.s32 $0x50, s19;
	s26 =	simm.s32 $0xACE8  }
0x63c: {  	[hbm4b:s24+s3] =	stream.linear.scatter [tilespmem:s26], [sflag:$0x3], $0x80, $0x38;
	[tilespmem:$0x10C00] =	vst v63  }
0x63d: {  	s28 =	sadd.s32 $0x60, s19;
	s29 =	simm.s32 $0xAD70  }
0x63e: {  	[hbm4b:s28+s3] =	stream.linear.scatter [tilespmem:s29], [sflag:$0x3], $0x80, $0x38;
	[tilespmem:$0x10C00] =	vst v63  }
0x63f: {  	s30 =	sadd.s32 $0x70, s19;
	s31 =	simm.s32 $0xADF8  }
0x640: {  	[hbm4b:s30+s3] =	stream.linear.scatter [tilespmem:s31], [sflag:$0x3], $0x80, $0x38;
	[tilespmem:$0x10C00] =	vst v63  }
0x641: {  	s20 =	sadd.s32 $0x80, s19;
	s21 =	simm.s32 $0xB2C0  }
0x642: {  	[hbm4b:s20+s3] =	stream.linear.scatter [tilespmem:s21], [sflag:$0x3], $0x80, $0x38;
	[tilespmem:$0x10C00] =	vst v63  }
0x643: {  	s22 =	sadd.s32 $0x90, s19;
	s23 =	simm.s32 $0xB348  }
0x644: {  	[hbm4b:s22+s3] =	stream.linear.scatter [tilespmem:s23], [sflag:$0x3], $0x80, $0x38;
	[tilespmem:$0x10C00] =	vst v63  }
0x645: {  	s24 =	sadd.s32 $0xA0, s19;
	s26 =	simm.s32 $0xB3D0  }
0x646: {  	[hbm4b:s24+s3] =	stream.linear.scatter [tilespmem:s26], [sflag:$0x3], $0x80, $0x38;
	[tilespmem:$0x10C00] =	vst v63  }
0x647: {  	s28 =	sadd.s32 $0xB0, s19;
	s29 =	simm.s32 $0xB458  }
0x648: {  	[hbm4b:s28+s3] =	stream.linear.scatter [tilespmem:s29], [sflag:$0x3], $0x80, $0x38;
	[tilespmem:$0x10C00] =	vst v63  }
0x649: {  	s30 =	sadd.s32 $0xC0, s19;
	s31 =	simm.s32 $0xB4E0  }
0x64a: {  	[hbm4b:s30+s3] =	stream.linear.scatter [tilespmem:s31], [sflag:$0x3], $0x80, $0x38;
	[tilespmem:$0x10C00] =	vst v63  }
0x64b: {  	s20 =	sadd.s32 $0xD0, s19;
	s21 =	simm.s32 $0xB568  }
0x64c: {  	[hbm4b:s20+s3] =	stream.linear.scatter [tilespmem:s21], [sflag:$0x3], $0x80, $0x38;
	[tilespmem:$0x10C00] =	vst v63  }
0x64d: {  	s22 =	sadd.s32 $0xE0, s19;
	s23 =	simm.s32 $0xB5F0  }
0x64e: {  	[hbm4b:s22+s3] =	stream.linear.scatter [tilespmem:s23], [sflag:$0x3], $0x80, $0x38;
	[tilespmem:$0x10C00] =	vst v63  }
0x64f: {  	s24 =	sadd.s32 $0xF0, s19;
	s26 =	simm.s32 $0xB678  }
0x650: {  	[hbm4b:s24+s3] =	stream.linear.scatter [tilespmem:s26], [sflag:$0x3], $0x80, $0x38;
	[tilespmem:$0x10C00] =	vst v63  }
0x651: {  	s28 =	sadd.s32 $0x100, s19;
	s29 =	simm.s32 $0xBB40  }
0x652: {  	[hbm4b:s28+s3] =	stream.linear.scatter [tilespmem:s29], [sflag:$0x3], $0x80, $0x38;
	[tilespmem:$0x10C00] =	vst v63  }
0x653: {  	s30 =	sadd.s32 $0x110, s19;
	s31 =	simm.s32 $0xBBC8  }
0x654: {  	[hbm4b:s30+s3] =	stream.linear.scatter [tilespmem:s31], [sflag:$0x3], $0x80, $0x38;
	[tilespmem:$0x10C00] =	vst v63  }
0x655: {  	s20 =	sadd.s32 $0x120, s19;
	s21 =	simm.s32 $0xBC50  }
0x656: {  	[hbm4b:s20+s3] =	stream.linear.scatter [tilespmem:s21], [sflag:$0x3], $0x80, $0x38;
	[tilespmem:$0x10C00] =	vst v63  }
0x657: {  	s22 =	sadd.s32 $0x130, s19;
	s23 =	simm.s32 $0xBCD8  }
0x658: {  	[hbm4b:s22+s3] =	stream.linear.scatter [tilespmem:s23], [sflag:$0x3], $0x80, $0x38;
	[tilespmem:$0x10C00] =	vst v63  }
0x659: {  	s24 =	sadd.s32 $0x140, s19;
	s26 =	simm.s32 $0xBD60  }
0x65a: {  	[hbm4b:s24+s3] =	stream.linear.scatter [tilespmem:s26], [sflag:$0x3], $0x80, $0x38;
	[tilespmem:$0x10C00] =	vst v63  }
0x65b: {  	s28 =	sadd.s32 $0x150, s19;
	s29 =	simm.s32 $0xBDE8  }
0x65c: {  	[hbm4b:s28+s3] =	stream.linear.scatter [tilespmem:s29], [sflag:$0x3], $0x80, $0x38;
	[tilespmem:$0x10C00] =	vst v63  }
0x65d: {  	s30 =	sadd.s32 $0x160, s19;
	s31 =	simm.s32 $0xBE70  }
0x65e: {  	[hbm4b:s30+s3] =	stream.linear.scatter [tilespmem:s31], [sflag:$0x3], $0x80, $0x38;
	[tilespmem:$0x10C00] =	vst v63  }
0x65f: {  	s20 =	sadd.s32 $0x170, s19;
	s21 =	simm.s32 $0xBEF8  }
0x660: {  	[hbm4b:s20+s3] =	stream.linear.scatter [tilespmem:s21], [sflag:$0x3], $0x80, $0x38;
	[tilespmem:$0x10C00] =	vst v63  }
0x661: {  	s22 =	sadd.s32 $0x180, s19;
	s23 =	simm.s32 $0xC3C0  }
0x662: {  	[hbm4b:s22+s3] =	stream.linear.scatter [tilespmem:s23], [sflag:$0x3], $0x80, $0x38;
	[tilespmem:$0x10C00] =	vst v63  }
0x663: {  	s24 =	sadd.s32 $0x190, s19;
	s26 =	simm.s32 $0xC448  }
0x664: {  	[hbm4b:s24+s3] =	stream.linear.scatter [tilespmem:s26], [sflag:$0x3], $0x80, $0x38;
	[tilespmem:$0x10C00] =	vst v63  }
0x665: {  	s28 =	sadd.s32 $0x1A0, s19;
	s29 =	simm.s32 $0xC4D0  }
0x666: {  	[hbm4b:s28+s3] =	stream.linear.scatter [tilespmem:s29], [sflag:$0x3], $0x80, $0x38;
	[tilespmem:$0x10C00] =	vst v63  }
0x667: {  	s30 =	sadd.s32 $0x1B0, s19;
	s31 =	simm.s32 $0xC558  }
0x668: {  	[hbm4b:s30+s3] =	stream.linear.scatter [tilespmem:s31], [sflag:$0x3], $0x80, $0x38;
	[tilespmem:$0x10C00] =	vst v63  }
0x669: {  	s21 =	sadd.s32 $0x1C0, s19;
	s22 =	simm.s32 $0xC5E0  }
0x66a: {  	[hbm4b:s21+s3] =	stream.linear.scatter [tilespmem:s22], [sflag:$0x3], $0x80, $0x38;
	[tilespmem:$0x10C00] =	vst v63  }
0x66b: {  	s23 =	sadd.s32 $0x1D0, s19;
	s24 =	simm.s32 $0xC668  }
0x66c: {  	[hbm4b:s23+s3] =	stream.linear.scatter [tilespmem:s24], [sflag:$0x3], $0x80, $0x38;
	[tilespmem:$0x10C00] =	vst v63  }
0x66d: {  	s26 =	sadd.s32 $0x1E0, s19;
	s28 =	simm.s32 $0xC6F0  }
0x66e: {  	[hbm4b:s26+s3] =	stream.linear.scatter [tilespmem:s28], [sflag:$0x3], $0x80, $0x38;
	[tilespmem:$0x10C00] =	vst v63  }
0x66f: {  	s29 =	sadd.s32 $0x1F0, s19;
	s30 =	simm.s32 $0xC778  }
0x670: {  	[hbm4b:s29+s3] =	stream.linear.scatter [tilespmem:s30], [sflag:$0x3], $0x80, $0x38;
	[tilespmem:$0x10C00] =	vst v63  }
0x671: {  	_ =	swait.ge [sflag:s15], $0x4000  }
0x672: {  	[sflag:s15] =	ssyncset.done $0x0  }
0x673: {  	[sflag:s15] =	ssyncadd.s32 $0xFFFFC000  }
0x674: {  	_ =	swait.ge [sflag:s13], $0x1000  }
0x675: {  	[sflag:s13] =	ssyncset.done $0x0  }
0x676: {  	s31 =	simm.s32 $0x1;
	[sflag:s13] =	ssyncadd.s32 $0xFFFFF000  }
0x677: {  	s18 =	simm.s32 $0x0;
	s19 =	sand.u32 $0x78, s31;
	_ =	swait.ge [sflag:s13], $0x1000  }
0x678: {  	s21 =	simm.s32 $0x0;
	s22 =	sand.u32 $0x78, s18;
	v6 =	vmov s19;
	[sflag:s13] =	ssyncset.done $0x0  }
0x679: {  	v3 =	vmov s21;
	v4 =	vmov s22;
	v6 =	vshrl.u32 v6, $0x3;
	s23 =	simm.s32 $0x7;
	[sflag:s13] =	ssyncadd.s32 $0xFFFFF000  }
0x67a: {  	s24 =	simm.s32 $0x4;
	v3 =	vmul.u32 $0x880, v3;
	v4 =	vshrl.u32 v4, $0x3;
	v6 =	vshll.u32 v6, v1;
	s20 =	sand.u32 $0x78, s23;
	_ =	swait.ge [sflag:s13], $0x1000  }
0x67b: {  	s21 =	sand.u32 $0x78, s24;
	v4 =	vshll.u32 v4, v1;
	v19 =	vbroadcast v6, $0x0;
	v5 =	vmov s20;
	s26 =	simm.s32 $0x3;
	[sflag:s13] =	ssyncset.done $0x0  }
0x67c: {  	v7 =	vmov s21;
	s28 =	simm.s32 $0x6;
	v3 =	vbroadcast v3, $0x0;
	v4 =	vbroadcast v4, $0x0;
	s20 =	sand.u32 $0x78, s26;
	[sflag:s13] =	ssyncadd.s32 $0xFFFFF000  }
0x67d: {  	s19 =	sand.u32 $0x78, s28;
	v5 =	vshrl.u32 v5, $0x3;
	v6 =	vshrl.u32 v7, $0x3;
	v8 =	vmov s20;
	_ =	swait.ge [sflag:s13], $0x1000  }
0x67e: {  	v9 =	vmov s19;
	v10 =	vadd.s32 v0, v3;
	v3 =	vadd.s32 v2, v3;
	[sflag:s13] =	ssyncset.done $0x0  }
0x67f: {  	s29 =	simm.s32 $0x2;
	s19 =	simm.s32 $0x4480;
	v5 =	vshll.u32 v5, v1;
	v9 =	vshrl.u32 v9, $0x3;
	v16 =	vadd.s32 v4, v3;
	[sflag:s13] =	ssyncadd.s32 $0xFFFFF000  }
0x680: {  	s31 =	simm.s32 $0x5;
	s30 =	sand.u32 $0x78, s29;
	v13 =	vadd.s32 v4, v10;
	v4 =	vshll.u32 v6, v1;
	v7 =	vadd.s32 v10, v19;
	v12 =	vld [tilespmem:s19+$0xFFFFFF80]  }
0x681: {  	s20 =	sand.u32 $0x78, s31;
	v8 =	vshrl.u32 v8, $0x3;
	v11 =	vmov s30;
	v6 =	vshll.u32 v9, v1  }
0x682: {  	v9 =	vmov s20;
	v15 =	vor.u32 $0x1, v7;
	v6 =	vbroadcast v6, $0x0  }
0x683: {  	v17 =	vbroadcast v4, $0x0;
	v7 =	vbroadcast v5, $0x0;
	v11 =	vshrl.u32 v11, $0x3;
	v14 =	vld [tilespmem:s19+$0xFFFFFFA0]  }
0x684: {  	v8 =	vshll.u32 v8, v1;
	v5 =	vshll.u32 v11, v1;
	v11 =	vadd.s32 v10, v6;
	v4 =	vld [tilespmem:s19+$0xFFFFFFC0]  }
0x685: {  	v9 =	vshrl.u32 v9, $0x3;
	v23 =	vbroadcast v8, $0x0;
	v11 =	vor.u32 $0x6, v11;
	v18 =	vld [tilespmem:s19+$0x40];
	[tilespmem:v13+s12+$0x0] =	vst.idx.msk $0xffff, v12  }
0x686: {  	v9 =	vshll.u32 v9, v1;
	v22 =	vadd.s32 v3, v17;
	v12 =	vadd.s32 v10, v17;
	v20 =	vld [tilespmem:s19+$0xFFFFFF90]  }
0x687: {  	v8 =	vadd.s32 v3, v6;
	v25 =	vbroadcast v5, $0x0;
	v24 =	vld [tilespmem:s19+$0x0];
	v21 =	vor.u32 $0x4, v12  }
0x688: {  	v5 =	vor.u32 $0x6, v8;
	v8 =	vadd.s32 v10, v7;
	[tilespmem:v15+s12+$0x0] =	vst.idx.msk $0xffff, v14;
	v14 =	vadd.s32 v10, v23;
	v15 =	vld [tilespmem:s19+$0x60]  }
0x689: {  	v17 =	vor.u32 $0x7, v8;
	v8 =	vadd.s32 v10, v25;
	v13 =	vld [tilespmem:s19+$0xFFFFFFE0];
	v12 =	vbroadcast v9, $0x0  }
0x68a: {  	[tilespmem:v11+s12+$0x0] =	vst.idx.msk $0xffff, v18;
	v18 =	vadd.s32 v3, v25;
	v6 =	vld [tilespmem:s19+$0xFFFFFFB0];
	v14 =	vor.u32 $0x3, v14;
	v11 =	vor.u32 $0x2, v8  }
0x68b: {  	v8 =	vor.u32 $0x4, v22;
	v9 =	vadd.s32 v3, v12;
	v12 =	vadd.s32 v10, v12;
	v10 =	vld [tilespmem:s19+$0x50];
	[tilespmem:v16+s12+$0x0] =	vst.idx.msk $0xffff, v20  }
0x68c: {  	s20 =	simm.s32 $0x4580;
	v12 =	vor.u32 $0x5, v12;
	v16 =	vld [tilespmem:s19+$0x20];
	v20 =	vadd.s32 v3, v19;
	v19 =	vadd.s32 v3, v23;
	[tilespmem:v21+s12+$0x0] =	vst.idx.msk $0xffff, v24  }
.LBB2_14:
0x68d: {  	s21 =	sadd.s32 $0x9, s18  }
0x68e: {  	s22 =	sadd.s32 $0xF, s18;
	v20 =	vor.u32 $0x1, v20;
	v21 =	vld [tilespmem:s19+$0x10];
	v3 =	vadd.s32 v3, v7;
	s23 =	smov.u32 s18;
	s18 =	sadd.s32 $0x8, s18  }
0x68f: {  	v7 =	vor.u32 $0x2, v18;
	v18 =	vor.u32 $0x3, v19;
	s24 =	sshrl.u32 s18, $0x7;
	s26 =	sand.u32 $0x78, s18;
	s28 =	sadd.s32 $0xC, s23;
	[tilespmem:v17+s12+$0x0] =	vst.idx.msk $0xffff, v15;
	v15 =	vor.u32 $0x7, v3  }
0x690: {  	v9 =	vor.u32 $0x5, v9;
	s21 =	sand.u32 $0x78, s21;
	s22 =	sand.u32 $0x78, s22;
	v3 =	vmov s24;
	v17 =	vmov s26;
	s24 =	sadd.s32 $0xE, s23;
	[tilespmem:v14+s12+$0x0] =	vst.idx.msk $0xffff, v13  }
0x691: {  	s26 =	sand.u32 $0x78, s28;
	s28 =	sadd.s32 $0xD, s23;
	v14 =	vmov s22;
	v13 =	vshrl.u32 v17, $0x3;
	v3 =	vmul.u32 $0x880, v3;
	s24 =	sand.u32 $0x78, s24;
	[tilespmem:v12+s12+$0x0] =	vst.idx.msk $0xffff, v16;
	v12 =	vld [tilespmem:s19+$0x70]  }
0x692: {  	s22 =	sadd.s32 $0xB, s23;
	v16 =	vmov s21;
	s21 =	sadd.s32 $0xA, s23;
	v17 =	vmov s26;
	s23 =	sand.u32 $0x78, s28;
	v13 =	vshll.u32 v13, v1;
	[tilespmem:v11+s12+$0x0] =	vst.idx.msk $0xffff, v4;
	v4 =	vld [tilespmem:s19+$0x30]  }
0x693: {  	p0 =	slt.u32 s18, $0x1F8;
	s22 =	sand.u32 $0x78, s22;
	s21 =	sand.u32 $0x78, s21;
	v3 =	vbroadcast v3, $0x0;
	v11 =	vbroadcast v13, $0x0;
	v13 =	vshrl.u32 v16, $0x3;
	[tilespmem:v20+s12+$0x0] =	vst.idx.msk $0xffff, v6;
	v6 =	vld [tilespmem:s19+$0xFFFFFFD0]  }
0x694: {  	v14 =	vshrl.u32 v14, $0x3;
	v19 =	vmov s24;
	v16 =	vmov s22;
	v20 =	vld [tilespmem:s19+$0xFFFFFFF0];
	[tilespmem:v5+s12+$0x0] =	vst.idx.msk $0xffff, v10;
	s19 =	smov.u32 s20  }
0x695: {  	v5 =	vshrl.u32 v19, $0x3;
	v10 =	vadd.s32 v0, v3;
	v3 =	vadd.s32 v2, v3;
	[tilespmem:v8+s12+$0x0] =	vst.idx.msk $0xffff, v21  }
0x696: {  	v14 =	vshll.u32 v14, v1;
	v8 =	vshll.u32 v13, v1;
	v13 =	vmov s21;
	[tilespmem:v15+s12+$0x0] =	vst.idx.msk $0xffff, v12  }
0x697: {  	v19 =	vadd.s32 v11, v3;
	v21 =	vbroadcast v8, $0x0;
	v8 =	vshrl.u32 v17, $0x3;
	[tilespmem:v9+s12+$0x0] =	vst.idx.msk $0xffff, v4  }
0x698: {  	v5 =	vshll.u32 v5, v1;
	v11 =	vadd.s32 v11, v10;
	v4 =	vshll.u32 v8, v1;
	v9 =	vld [tilespmem:s20+$0xFFFFFF80]  }
0x699: {  	v12 =	vshrl.u32 v16, $0x3;
	v15 =	vmov s23;
	v8 =	vadd.s32 v10, v21;
	[tilespmem:v18+s12+$0x0] =	vst.idx.msk $0xffff, v20  }
0x69a: {  	v5 =	vbroadcast v5, $0x0;
	v15 =	vshrl.u32 v15, $0x3;
	v8 =	vor.u32 $0x1, v8;
	v16 =	vld [tilespmem:s20+$0xFFFFFFA0];
	[tilespmem:v7+s12+$0x0] =	vst.idx.msk $0xffff, v6  }
0x69b: {  	v6 =	vshrl.u32 v13, $0x3;
	v13 =	vbroadcast v4, $0x0;
	v7 =	vbroadcast v14, $0x0  }
0x69c: {  	v14 =	vshll.u32 v15, v1;
	v15 =	vadd.s32 v10, v5;
	v6 =	vshll.u32 v6, v1;
	v4 =	vld [tilespmem:s20+$0xFFFFFFC0]  }
0x69d: {  	v20 =	vor.u32 $0x6, v15;
	[tilespmem:v11+s12+$0x0] =	vst.idx.msk $0xffff, v9;
	v9 =	vshll.u32 v12, v1;
	v11 =	vadd.s32 v10, v13;
	v18 =	vld [tilespmem:s20+$0x40]  }
0x69e: {  	v24 =	vadd.s32 v3, v13;
	v22 =	vld [tilespmem:s20+$0xFFFFFF90];
	v23 =	vor.u32 $0x4, v11;
	v11 =	vbroadcast v14, $0x0  }
0x69f: {  	v5 =	vadd.s32 v3, v5;
	v25 =	vbroadcast v9, $0x0;
	[tilespmem:v8+s12+$0x0] =	vst.idx.msk $0xffff, v16;
	v8 =	vbroadcast v6, $0x0;
	v26 =	vld [tilespmem:s20+$0x0]  }
.Ltmp6:
0x6a0: {  	v5 =	vor.u32 $0x6, v5;
	v12 =	vadd.s32 v10, v7;
	v6 =	vld [tilespmem:s20+$0xFFFFFFB0];
	v9 =	vadd.s32 v3, v11;
	(pc) =	sbr.rel @p0 .LBB2_14-.Ltmp6, $4  }
0x6a1: {  	v17 =	vor.u32 $0x7, v12;
	v14 =	vadd.s32 v10, v25;
	v11 =	vadd.s32 v10, v11;
	v15 =	vld [tilespmem:s20+$0x60]  }
0x6a2: {  	v10 =	vadd.s32 v10, v8;
	v14 =	vor.u32 $0x3, v14;
	v12 =	vor.u32 $0x5, v11;
	v13 =	vld [tilespmem:s20+$0xFFFFFFE0];
	[tilespmem:v20+s12+$0x0] =	vst.idx.msk $0xffff, v18  }
0x6a3: {  	v11 =	vor.u32 $0x2, v10;
	v18 =	vadd.s32 v3, v8;
	v8 =	vor.u32 $0x4, v24;
	[tilespmem:v19+s12+$0x0] =	vst.idx.msk $0xffff, v22;
	v16 =	vld [tilespmem:s20+$0x20]  }
0x6a4: {  	v20 =	vadd.s32 v3, v21;
	v19 =	vadd.s32 v3, v25;
	s20 =	sadd.s32 $0x100, s20;
	[tilespmem:v23+s12+$0x0] =	vst.idx.msk $0xffff, v26;
	v10 =	vld [tilespmem:s19+$0x50]  }
0x6a5: {  	_ =	sdelay $0x3  }
0x6a6: {  	v20 =	vor.u32 $0x1, v20;
	[tilespmem:v11+s12+$0x0] =	vst.idx.msk $0xffff, v4  }
0x6a7: {  	v57 =	vld [tilespmem:s19+$0x10];
	[tilespmem:v17+s12+$0x0] =	vst.idx.msk $0xffff, v15  }
0x6a8: {  	v3 =	vadd.s32 v3, v7;
	v62 =	vor.u32 $0x2, v18;
	v63 =	vld [tilespmem:s19+$0xFFFFFFD0];
	[tilespmem:v14+s12+$0x0] =	vst.idx.msk $0xffff, v13  }
0x6a9: {  	v3 =	vor.u32 $0x7, v3;
	v58 =	vld [tilespmem:s19+$0x70];
	[tilespmem:v12+s12+$0x0] =	vst.idx.msk $0xffff, v16  }
0x6aa: {  	v60 =	vor.u32 $0x3, v19;
	v61 =	vld [tilespmem:s19+$0xFFFFFFF0];
	[tilespmem:v5+s12+$0x0] =	vst.idx.msk $0xffff, v10  }
0x6ab: {  	v9 =	vor.u32 $0x5, v9;
	v59 =	vld [tilespmem:s19+$0x30];
	[tilespmem:v20+s12+$0x0] =	vst.idx.msk $0xffff, v6  }
0x6ac: {  	[tilespmem:v8+s12+$0x0] =	vst.idx.msk $0xffff, v57  }
0x6ad: {  	[tilespmem:v62+s12+$0x0] =	vst.idx.msk $0xffff, v63  }
0x6ae: {  	[tilespmem:v3+s12+$0x0] =	vst.idx.msk $0xffff, v58  }
0x6af: {  	[tilespmem:v60+s12+$0x0] =	vst.idx.msk $0xffff, v61  }
0x6b0: {  	[tilespmem:v9+s12+$0x0] =	vst.idx.msk $0xffff, v59  }
0x6b1: {  	s19 =	rddreg [dreg:$0x16]  }
0x6b2: {  	[hbm4b:s19+s3] =	stream.linear.scatter [tilespmem:s12], [sflag:$0x4], $0x80, $0x38;
	[tilespmem:$0x10C00] =	vst v63  }
0x6b3: {  	s20 =	simm.s32 $0xC888;
	s18 =	sadd.s32 $0x10, s19  }
0x6b4: {  	[hbm4b:s18+s3] =	stream.linear.scatter [tilespmem:s20], [sflag:$0x4], $0x80, $0x38;
	[tilespmem:$0x10C00] =	vst v63  }
0x6b5: {  	s31 =	simm.s32 $0xC910;
	s30 =	sadd.s32 $0x20, s19  }
0x6b6: {  	[hbm4b:s30+s3] =	stream.linear.scatter [tilespmem:s31], [sflag:$0x4], $0x80, $0x38;
	[tilespmem:$0x10C00] =	vst v63  }
0x6b7: {  	s21 =	simm.s32 $0xC998;
	s20 =	sadd.s32 $0x30, s19  }
0x6b8: {  	[hbm4b:s20+s3] =	stream.linear.scatter [tilespmem:s21], [sflag:$0x4], $0x80, $0x38;
	[tilespmem:$0x10C00] =	vst v63  }
0x6b9: {  	s23 =	simm.s32 $0xCA20;
	s22 =	sadd.s32 $0x40, s19  }
0x6ba: {  	[hbm4b:s22+s3] =	stream.linear.scatter [tilespmem:s23], [sflag:$0x4], $0x80, $0x38;
	[tilespmem:$0x10C00] =	vst v63  }
0x6bb: {  	s26 =	simm.s32 $0xCAA8;
	s24 =	sadd.s32 $0x50, s19  }
0x6bc: {  	[hbm4b:s24+s3] =	stream.linear.scatter [tilespmem:s26], [sflag:$0x4], $0x80, $0x38;
	[tilespmem:$0x10C00] =	vst v63  }
0x6bd: {  	s29 =	simm.s32 $0xCB30;
	s28 =	sadd.s32 $0x60, s19  }
0x6be: {  	[hbm4b:s28+s3] =	stream.linear.scatter [tilespmem:s29], [sflag:$0x4], $0x80, $0x38;
	[tilespmem:$0x10C00] =	vst v63  }
0x6bf: {  	s30 =	sadd.s32 $0x70, s19;
	s31 =	simm.s32 $0xCBB8  }
0x6c0: {  	[hbm4b:s30+s3] =	stream.linear.scatter [tilespmem:s31], [sflag:$0x4], $0x80, $0x38;
	[tilespmem:$0x10C00] =	vst v63  }
0x6c1: {  	s20 =	sadd.s32 $0x80, s19;
	s21 =	simm.s32 $0xD080  }
0x6c2: {  	[hbm4b:s20+s3] =	stream.linear.scatter [tilespmem:s21], [sflag:$0x4], $0x80, $0x38;
	[tilespmem:$0x10C00] =	vst v63  }
0x6c3: {  	s22 =	sadd.s32 $0x90, s19;
	s23 =	simm.s32 $0xD108  }
0x6c4: {  	[hbm4b:s22+s3] =	stream.linear.scatter [tilespmem:s23], [sflag:$0x4], $0x80, $0x38;
	[tilespmem:$0x10C00] =	vst v63  }
0x6c5: {  	s24 =	sadd.s32 $0xA0, s19;
	s26 =	simm.s32 $0xD190  }
0x6c6: {  	[hbm4b:s24+s3] =	stream.linear.scatter [tilespmem:s26], [sflag:$0x4], $0x80, $0x38;
	[tilespmem:$0x10C00] =	vst v63  }
0x6c7: {  	s28 =	sadd.s32 $0xB0, s19;
	s29 =	simm.s32 $0xD218  }
0x6c8: {  	[hbm4b:s28+s3] =	stream.linear.scatter [tilespmem:s29], [sflag:$0x4], $0x80, $0x38;
	[tilespmem:$0x10C00] =	vst v63  }
0x6c9: {  	s30 =	sadd.s32 $0xC0, s19;
	s31 =	simm.s32 $0xD2A0  }
0x6ca: {  	[hbm4b:s30+s3] =	stream.linear.scatter [tilespmem:s31], [sflag:$0x4], $0x80, $0x38;
	[tilespmem:$0x10C00] =	vst v63  }
0x6cb: {  	s20 =	sadd.s32 $0xD0, s19;
	s21 =	simm.s32 $0xD328  }
0x6cc: {  	[hbm4b:s20+s3] =	stream.linear.scatter [tilespmem:s21], [sflag:$0x4], $0x80, $0x38;
	[tilespmem:$0x10C00] =	vst v63  }
0x6cd: {  	s22 =	sadd.s32 $0xE0, s19;
	s23 =	simm.s32 $0xD3B0  }
0x6ce: {  	[hbm4b:s22+s3] =	stream.linear.scatter [tilespmem:s23], [sflag:$0x4], $0x80, $0x38;
	[tilespmem:$0x10C00] =	vst v63  }
0x6cf: {  	s24 =	sadd.s32 $0xF0, s19;
	s26 =	simm.s32 $0xD438  }
0x6d0: {  	[hbm4b:s24+s3] =	stream.linear.scatter [tilespmem:s26], [sflag:$0x4], $0x80, $0x38;
	[tilespmem:$0x10C00] =	vst v63  }
0x6d1: {  	s28 =	sadd.s32 $0x100, s19;
	s29 =	simm.s32 $0xD900  }
0x6d2: {  	[hbm4b:s28+s3] =	stream.linear.scatter [tilespmem:s29], [sflag:$0x4], $0x80, $0x38;
	[tilespmem:$0x10C00] =	vst v63  }
0x6d3: {  	s30 =	sadd.s32 $0x110, s19;
	s31 =	simm.s32 $0xD988  }
0x6d4: {  	[hbm4b:s30+s3] =	stream.linear.scatter [tilespmem:s31], [sflag:$0x4], $0x80, $0x38;
	[tilespmem:$0x10C00] =	vst v63  }
0x6d5: {  	s20 =	sadd.s32 $0x120, s19;
	s21 =	simm.s32 $0xDA10  }
0x6d6: {  	[hbm4b:s20+s3] =	stream.linear.scatter [tilespmem:s21], [sflag:$0x4], $0x80, $0x38;
	[tilespmem:$0x10C00] =	vst v63  }
0x6d7: {  	s22 =	sadd.s32 $0x130, s19;
	s23 =	simm.s32 $0xDA98  }
0x6d8: {  	[hbm4b:s22+s3] =	stream.linear.scatter [tilespmem:s23], [sflag:$0x4], $0x80, $0x38;
	[tilespmem:$0x10C00] =	vst v63  }
0x6d9: {  	s24 =	sadd.s32 $0x140, s19;
	s26 =	simm.s32 $0xDB20  }
0x6da: {  	[hbm4b:s24+s3] =	stream.linear.scatter [tilespmem:s26], [sflag:$0x4], $0x80, $0x38;
	[tilespmem:$0x10C00] =	vst v63  }
0x6db: {  	s28 =	sadd.s32 $0x150, s19;
	s29 =	simm.s32 $0xDBA8  }
0x6dc: {  	[hbm4b:s28+s3] =	stream.linear.scatter [tilespmem:s29], [sflag:$0x4], $0x80, $0x38;
	[tilespmem:$0x10C00] =	vst v63  }
0x6dd: {  	s30 =	sadd.s32 $0x160, s19;
	s31 =	simm.s32 $0xDC30  }
0x6de: {  	[hbm4b:s30+s3] =	stream.linear.scatter [tilespmem:s31], [sflag:$0x4], $0x80, $0x38;
	[tilespmem:$0x10C00] =	vst v63  }
0x6df: {  	s20 =	sadd.s32 $0x170, s19;
	s21 =	simm.s32 $0xDCB8  }
0x6e0: {  	[hbm4b:s20+s3] =	stream.linear.scatter [tilespmem:s21], [sflag:$0x4], $0x80, $0x38;
	[tilespmem:$0x10C00] =	vst v63  }
0x6e1: {  	s22 =	sadd.s32 $0x180, s19;
	s23 =	simm.s32 $0xE180  }
0x6e2: {  	[hbm4b:s22+s3] =	stream.linear.scatter [tilespmem:s23], [sflag:$0x4], $0x80, $0x38;
	[tilespmem:$0x10C00] =	vst v63  }
0x6e3: {  	s24 =	sadd.s32 $0x190, s19;
	s26 =	simm.s32 $0xE208  }
0x6e4: {  	[hbm4b:s24+s3] =	stream.linear.scatter [tilespmem:s26], [sflag:$0x4], $0x80, $0x38;
	[tilespmem:$0x10C00] =	vst v63  }
0x6e5: {  	s28 =	sadd.s32 $0x1A0, s19;
	s29 =	simm.s32 $0xE290  }
0x6e6: {  	[hbm4b:s28+s3] =	stream.linear.scatter [tilespmem:s29], [sflag:$0x4], $0x80, $0x38;
	[tilespmem:$0x10C00] =	vst v63  }
0x6e7: {  	s30 =	sadd.s32 $0x1B0, s19;
	s31 =	simm.s32 $0xE318  }
0x6e8: {  	[hbm4b:s30+s3] =	stream.linear.scatter [tilespmem:s31], [sflag:$0x4], $0x80, $0x38;
	[tilespmem:$0x10C00] =	vst v63  }
0x6e9: {  	s21 =	sadd.s32 $0x1C0, s19;
	s22 =	simm.s32 $0xE3A0  }
0x6ea: {  	[hbm4b:s21+s3] =	stream.linear.scatter [tilespmem:s22], [sflag:$0x4], $0x80, $0x38;
	[tilespmem:$0x10C00] =	vst v63  }
0x6eb: {  	s23 =	sadd.s32 $0x1D0, s19;
	s24 =	simm.s32 $0xE428  }
0x6ec: {  	[hbm4b:s23+s3] =	stream.linear.scatter [tilespmem:s24], [sflag:$0x4], $0x80, $0x38;
	[tilespmem:$0x10C00] =	vst v63  }
0x6ed: {  	s26 =	sadd.s32 $0x1E0, s19;
	s28 =	simm.s32 $0xE4B0  }
0x6ee: {  	[hbm4b:s26+s3] =	stream.linear.scatter [tilespmem:s28], [sflag:$0x4], $0x80, $0x38;
	[tilespmem:$0x10C00] =	vst v63  }
0x6ef: {  	s29 =	sadd.s32 $0x1F0, s19;
	s30 =	simm.s32 $0xE538  }
0x6f0: {  	[hbm4b:s29+s3] =	stream.linear.scatter [tilespmem:s30], [sflag:$0x4], $0x80, $0x38;
	[tilespmem:$0x10C00] =	vst v63  }
0x6f1: {  	s19 =	rddreg [dreg:$0x17];
	s31 =	simm.s32 $0xCC40  }
0x6f2: {  	[hbm4b:s19+s3] =	stream.linear.scatter [tilespmem:s31], [sflag:$0x4], $0x80, $0x38;
	[tilespmem:$0x10C00] =	vst v63  }
0x6f3: {  	s20 =	sadd.s32 $0x10, s19;
	s21 =	simm.s32 $0xCCC8  }
0x6f4: {  	[hbm4b:s20+s3] =	stream.linear.scatter [tilespmem:s21], [sflag:$0x4], $0x80, $0x38;
	[tilespmem:$0x10C00] =	vst v63  }
0x6f5: {  	s22 =	sadd.s32 $0x20, s19;
	s23 =	simm.s32 $0xCD50  }
0x6f6: {  	[hbm4b:s22+s3] =	stream.linear.scatter [tilespmem:s23], [sflag:$0x4], $0x80, $0x38;
	[tilespmem:$0x10C00] =	vst v63  }
0x6f7: {  	s24 =	sadd.s32 $0x30, s19;
	s26 =	simm.s32 $0xCDD8  }
0x6f8: {  	[hbm4b:s24+s3] =	stream.linear.scatter [tilespmem:s26], [sflag:$0x4], $0x80, $0x38;
	[tilespmem:$0x10C00] =	vst v63  }
0x6f9: {  	s28 =	sadd.s32 $0x40, s19;
	s29 =	simm.s32 $0xCE60  }
0x6fa: {  	[hbm4b:s28+s3] =	stream.linear.scatter [tilespmem:s29], [sflag:$0x4], $0x80, $0x38;
	[tilespmem:$0x10C00] =	vst v63  }
0x6fb: {  	s30 =	sadd.s32 $0x50, s19;
	s31 =	simm.s32 $0xCEE8  }
0x6fc: {  	[hbm4b:s30+s3] =	stream.linear.scatter [tilespmem:s31], [sflag:$0x4], $0x80, $0x38;
	[tilespmem:$0x10C00] =	vst v63  }
0x6fd: {  	s20 =	sadd.s32 $0x60, s19;
	s21 =	simm.s32 $0xCF70  }
0x6fe: {  	[hbm4b:s20+s3] =	stream.linear.scatter [tilespmem:s21], [sflag:$0x4], $0x80, $0x38;
	[tilespmem:$0x10C00] =	vst v63  }
0x6ff: {  	s22 =	sadd.s32 $0x70, s19;
	s23 =	simm.s32 $0xCFF8  }
0x700: {  	[hbm4b:s22+s3] =	stream.linear.scatter [tilespmem:s23], [sflag:$0x4], $0x80, $0x38;
	[tilespmem:$0x10C00] =	vst v63  }
0x701: {  	s24 =	sadd.s32 $0x80, s19;
	s26 =	simm.s32 $0xD4C0  }
0x702: {  	[hbm4b:s24+s3] =	stream.linear.scatter [tilespmem:s26], [sflag:$0x4], $0x80, $0x38;
	[tilespmem:$0x10C00] =	vst v63  }
0x703: {  	s28 =	sadd.s32 $0x90, s19;
	s29 =	simm.s32 $0xD548  }
0x704: {  	[hbm4b:s28+s3] =	stream.linear.scatter [tilespmem:s29], [sflag:$0x4], $0x80, $0x38;
	[tilespmem:$0x10C00] =	vst v63  }
0x705: {  	s30 =	sadd.s32 $0xA0, s19;
	s31 =	simm.s32 $0xD5D0  }
0x706: {  	[hbm4b:s30+s3] =	stream.linear.scatter [tilespmem:s31], [sflag:$0x4], $0x80, $0x38;
	[tilespmem:$0x10C00] =	vst v63  }
0x707: {  	s20 =	sadd.s32 $0xB0, s19;
	s21 =	simm.s32 $0xD658  }
0x708: {  	[hbm4b:s20+s3] =	stream.linear.scatter [tilespmem:s21], [sflag:$0x4], $0x80, $0x38;
	[tilespmem:$0x10C00] =	vst v63  }
0x709: {  	s22 =	sadd.s32 $0xC0, s19;
	s23 =	simm.s32 $0xD6E0  }
0x70a: {  	[hbm4b:s22+s3] =	stream.linear.scatter [tilespmem:s23], [sflag:$0x4], $0x80, $0x38;
	[tilespmem:$0x10C00] =	vst v63  }
0x70b: {  	s24 =	sadd.s32 $0xD0, s19;
	s26 =	simm.s32 $0xD768  }
0x70c: {  	[hbm4b:s24+s3] =	stream.linear.scatter [tilespmem:s26], [sflag:$0x4], $0x80, $0x38;
	[tilespmem:$0x10C00] =	vst v63  }
0x70d: {  	s28 =	sadd.s32 $0xE0, s19;
	s29 =	simm.s32 $0xD7F0  }
0x70e: {  	[hbm4b:s28+s3] =	stream.linear.scatter [tilespmem:s29], [sflag:$0x4], $0x80, $0x38;
	[tilespmem:$0x10C00] =	vst v63  }
0x70f: {  	s30 =	sadd.s32 $0xF0, s19;
	s31 =	simm.s32 $0xD878  }
0x710: {  	[hbm4b:s30+s3] =	stream.linear.scatter [tilespmem:s31], [sflag:$0x4], $0x80, $0x38;
	[tilespmem:$0x10C00] =	vst v63  }
0x711: {  	s20 =	sadd.s32 $0x100, s19;
	s21 =	simm.s32 $0xDD40  }
0x712: {  	[hbm4b:s20+s3] =	stream.linear.scatter [tilespmem:s21], [sflag:$0x4], $0x80, $0x38;
	[tilespmem:$0x10C00] =	vst v63  }
0x713: {  	s22 =	sadd.s32 $0x110, s19;
	s23 =	simm.s32 $0xDDC8  }
0x714: {  	[hbm4b:s22+s3] =	stream.linear.scatter [tilespmem:s23], [sflag:$0x4], $0x80, $0x38;
	[tilespmem:$0x10C00] =	vst v63  }
0x715: {  	s24 =	sadd.s32 $0x120, s19;
	s26 =	simm.s32 $0xDE50  }
0x716: {  	[hbm4b:s24+s3] =	stream.linear.scatter [tilespmem:s26], [sflag:$0x4], $0x80, $0x38;
	[tilespmem:$0x10C00] =	vst v63  }
0x717: {  	s28 =	sadd.s32 $0x130, s19;
	s29 =	simm.s32 $0xDED8  }
0x718: {  	[hbm4b:s28+s3] =	stream.linear.scatter [tilespmem:s29], [sflag:$0x4], $0x80, $0x38;
	[tilespmem:$0x10C00] =	vst v63  }
0x719: {  	s30 =	sadd.s32 $0x140, s19;
	s31 =	simm.s32 $0xDF60  }
0x71a: {  	[hbm4b:s30+s3] =	stream.linear.scatter [tilespmem:s31], [sflag:$0x4], $0x80, $0x38;
	[tilespmem:$0x10C00] =	vst v63  }
0x71b: {  	s20 =	sadd.s32 $0x150, s19;
	s21 =	simm.s32 $0xDFE8  }
0x71c: {  	[hbm4b:s20+s3] =	stream.linear.scatter [tilespmem:s21], [sflag:$0x4], $0x80, $0x38;
	[tilespmem:$0x10C00] =	vst v63  }
0x71d: {  	s22 =	sadd.s32 $0x160, s19;
	s23 =	simm.s32 $0xE070  }
0x71e: {  	[hbm4b:s22+s3] =	stream.linear.scatter [tilespmem:s23], [sflag:$0x4], $0x80, $0x38;
	[tilespmem:$0x10C00] =	vst v63  }
0x71f: {  	s24 =	sadd.s32 $0x170, s19;
	s26 =	simm.s32 $0xE0F8  }
0x720: {  	[hbm4b:s24+s3] =	stream.linear.scatter [tilespmem:s26], [sflag:$0x4], $0x80, $0x38;
	[tilespmem:$0x10C00] =	vst v63  }
0x721: {  	s28 =	sadd.s32 $0x180, s19;
	s29 =	simm.s32 $0xE5C0  }
0x722: {  	[hbm4b:s28+s3] =	stream.linear.scatter [tilespmem:s29], [sflag:$0x4], $0x80, $0x38;
	[tilespmem:$0x10C00] =	vst v63  }
0x723: {  	s30 =	sadd.s32 $0x190, s19;
	s31 =	simm.s32 $0xE648  }
0x724: {  	[hbm4b:s30+s3] =	stream.linear.scatter [tilespmem:s31], [sflag:$0x4], $0x80, $0x38;
	[tilespmem:$0x10C00] =	vst v63  }
0x725: {  	s20 =	sadd.s32 $0x1A0, s19;
	s21 =	simm.s32 $0xE6D0  }
0x726: {  	[hbm4b:s20+s3] =	stream.linear.scatter [tilespmem:s21], [sflag:$0x4], $0x80, $0x38;
	[tilespmem:$0x10C00] =	vst v63  }
0x727: {  	s22 =	sadd.s32 $0x1B0, s19;
	s23 =	simm.s32 $0xE758  }
0x728: {  	[hbm4b:s22+s3] =	stream.linear.scatter [tilespmem:s23], [sflag:$0x4], $0x80, $0x38;
	[tilespmem:$0x10C00] =	vst v63  }
0x729: {  	s24 =	sadd.s32 $0x1C0, s19;
	s26 =	simm.s32 $0xE7E0  }
0x72a: {  	[hbm4b:s24+s3] =	stream.linear.scatter [tilespmem:s26], [sflag:$0x4], $0x80, $0x38;
	[tilespmem:$0x10C00] =	vst v63  }
0x72b: {  	s28 =	sadd.s32 $0x1D0, s19;
	s29 =	simm.s32 $0xE868  }
0x72c: {  	[hbm4b:s28+s3] =	stream.linear.scatter [tilespmem:s29], [sflag:$0x4], $0x80, $0x38;
	[tilespmem:$0x10C00] =	vst v63  }
0x72d: {  	s30 =	sadd.s32 $0x1E0, s19;
	s31 =	simm.s32 $0xE8F0  }
0x72e: {  	[hbm4b:s30+s3] =	stream.linear.scatter [tilespmem:s31], [sflag:$0x4], $0x80, $0x38;
	[tilespmem:$0x10C00] =	vst v63  }
0x72f: {  	s19 =	sadd.s32 $0x1F0, s19;
	s20 =	simm.s32 $0xE978  }
0x730: {  	[hbm4b:s19+s3] =	stream.linear.scatter [tilespmem:s20], [sflag:$0x4], $0x80, $0x38;
	[tilespmem:$0x10C00] =	vst v63  }
0x731: {  	s21 =	simm.s32 $0xEA00;
	s19 =	rddreg [dreg:$0x18]  }
0x732: {  	[hbm4b:s19+s3] =	stream.linear.scatter [tilespmem:s21], [sflag:$0x4], $0x80, $0x38;
	[tilespmem:$0x10C00] =	vst v63  }
0x733: {  	s23 =	simm.s32 $0xEA88;
	s22 =	sadd.s32 $0x10, s19  }
0x734: {  	[hbm4b:s22+s3] =	stream.linear.scatter [tilespmem:s23], [sflag:$0x4], $0x80, $0x38;
	[tilespmem:$0x10C00] =	vst v63  }
0x735: {  	s26 =	simm.s32 $0xEB10;
	s24 =	sadd.s32 $0x20, s19  }
0x736: {  	[hbm4b:s24+s3] =	stream.linear.scatter [tilespmem:s26], [sflag:$0x4], $0x80, $0x38;
	[tilespmem:$0x10C00] =	vst v63  }
0x737: {  	s29 =	simm.s32 $0xEB98;
	s28 =	sadd.s32 $0x30, s19  }
0x738: {  	[hbm4b:s28+s3] =	stream.linear.scatter [tilespmem:s29], [sflag:$0x4], $0x80, $0x38;
	[tilespmem:$0x10C00] =	vst v63  }
0x739: {  	s31 =	simm.s32 $0xEC20;
	s30 =	sadd.s32 $0x40, s19  }
0x73a: {  	[hbm4b:s30+s3] =	stream.linear.scatter [tilespmem:s31], [sflag:$0x4], $0x80, $0x38;
	[tilespmem:$0x10C00] =	vst v63  }
0x73b: {  	s20 =	sadd.s32 $0x50, s19;
	s21 =	simm.s32 $0xECA8  }
0x73c: {  	[hbm4b:s20+s3] =	stream.linear.scatter [tilespmem:s21], [sflag:$0x4], $0x80, $0x38;
	[tilespmem:$0x10C00] =	vst v63  }
0x73d: {  	s22 =	sadd.s32 $0x60, s19;
	s23 =	simm.s32 $0xED30  }
0x73e: {  	[hbm4b:s22+s3] =	stream.linear.scatter [tilespmem:s23], [sflag:$0x4], $0x80, $0x38;
	[tilespmem:$0x10C00] =	vst v63  }
0x73f: {  	s24 =	sadd.s32 $0x70, s19;
	s26 =	simm.s32 $0xEDB8  }
0x740: {  	[hbm4b:s24+s3] =	stream.linear.scatter [tilespmem:s26], [sflag:$0x4], $0x80, $0x38;
	[tilespmem:$0x10C00] =	vst v63  }
0x741: {  	s28 =	sadd.s32 $0x80, s19;
	s29 =	simm.s32 $0xF280  }
0x742: {  	[hbm4b:s28+s3] =	stream.linear.scatter [tilespmem:s29], [sflag:$0x4], $0x80, $0x38;
	[tilespmem:$0x10C00] =	vst v63  }
0x743: {  	s30 =	sadd.s32 $0x90, s19;
	s31 =	simm.s32 $0xF308  }
0x744: {  	[hbm4b:s30+s3] =	stream.linear.scatter [tilespmem:s31], [sflag:$0x4], $0x80, $0x38;
	[tilespmem:$0x10C00] =	vst v63  }
0x745: {  	s20 =	sadd.s32 $0xA0, s19;
	s21 =	simm.s32 $0xF390  }
0x746: {  	[hbm4b:s20+s3] =	stream.linear.scatter [tilespmem:s21], [sflag:$0x4], $0x80, $0x38;
	[tilespmem:$0x10C00] =	vst v63  }
0x747: {  	s22 =	sadd.s32 $0xB0, s19;
	s23 =	simm.s32 $0xF418  }
0x748: {  	[hbm4b:s22+s3] =	stream.linear.scatter [tilespmem:s23], [sflag:$0x4], $0x80, $0x38;
	[tilespmem:$0x10C00] =	vst v63  }
0x749: {  	s24 =	sadd.s32 $0xC0, s19;
	s26 =	simm.s32 $0xF4A0  }
0x74a: {  	[hbm4b:s24+s3] =	stream.linear.scatter [tilespmem:s26], [sflag:$0x4], $0x80, $0x38;
	[tilespmem:$0x10C00] =	vst v63  }
0x74b: {  	s28 =	sadd.s32 $0xD0, s19;
	s29 =	simm.s32 $0xF528  }
0x74c: {  	[hbm4b:s28+s3] =	stream.linear.scatter [tilespmem:s29], [sflag:$0x4], $0x80, $0x38;
	[tilespmem:$0x10C00] =	vst v63  }
0x74d: {  	s30 =	sadd.s32 $0xE0, s19;
	s31 =	simm.s32 $0xF5B0  }
0x74e: {  	[hbm4b:s30+s3] =	stream.linear.scatter [tilespmem:s31], [sflag:$0x4], $0x80, $0x38;
	[tilespmem:$0x10C00] =	vst v63  }
0x74f: {  	s20 =	sadd.s32 $0xF0, s19;
	s21 =	simm.s32 $0xF638  }
0x750: {  	[hbm4b:s20+s3] =	stream.linear.scatter [tilespmem:s21], [sflag:$0x4], $0x80, $0x38;
	[tilespmem:$0x10C00] =	vst v63  }
0x751: {  	s22 =	sadd.s32 $0x100, s19;
	s23 =	simm.s32 $0xFB00  }
0x752: {  	[hbm4b:s22+s3] =	stream.linear.scatter [tilespmem:s23], [sflag:$0x4], $0x80, $0x38;
	[tilespmem:$0x10C00] =	vst v63  }
0x753: {  	s24 =	sadd.s32 $0x110, s19;
	s26 =	simm.s32 $0xFB88  }
0x754: {  	[hbm4b:s24+s3] =	stream.linear.scatter [tilespmem:s26], [sflag:$0x4], $0x80, $0x38;
	[tilespmem:$0x10C00] =	vst v63  }
0x755: {  	s28 =	sadd.s32 $0x120, s19;
	s29 =	simm.s32 $0xFC10  }
0x756: {  	[hbm4b:s28+s3] =	stream.linear.scatter [tilespmem:s29], [sflag:$0x4], $0x80, $0x38;
	[tilespmem:$0x10C00] =	vst v63  }
0x757: {  	s30 =	sadd.s32 $0x130, s19;
	s31 =	simm.s32 $0xFC98  }
0x758: {  	[hbm4b:s30+s3] =	stream.linear.scatter [tilespmem:s31], [sflag:$0x4], $0x80, $0x38;
	[tilespmem:$0x10C00] =	vst v63  }
0x759: {  	s20 =	sadd.s32 $0x140, s19;
	s21 =	simm.s32 $0xFD20  }
0x75a: {  	[hbm4b:s20+s3] =	stream.linear.scatter [tilespmem:s21], [sflag:$0x4], $0x80, $0x38;
	[tilespmem:$0x10C00] =	vst v63  }
0x75b: {  	s22 =	sadd.s32 $0x150, s19;
	s23 =	simm.s32 $0xFDA8  }
0x75c: {  	[hbm4b:s22+s3] =	stream.linear.scatter [tilespmem:s23], [sflag:$0x4], $0x80, $0x38;
	[tilespmem:$0x10C00] =	vst v63  }
0x75d: {  	s24 =	sadd.s32 $0x160, s19;
	s26 =	simm.s32 $0xFE30  }
0x75e: {  	[hbm4b:s24+s3] =	stream.linear.scatter [tilespmem:s26], [sflag:$0x4], $0x80, $0x38;
	[tilespmem:$0x10C00] =	vst v63  }
0x75f: {  	s28 =	sadd.s32 $0x170, s19;
	s29 =	simm.s32 $0xFEB8  }
0x760: {  	[hbm4b:s28+s3] =	stream.linear.scatter [tilespmem:s29], [sflag:$0x4], $0x80, $0x38;
	[tilespmem:$0x10C00] =	vst v63  }
0x761: {  	s30 =	sadd.s32 $0x180, s19;
	s31 =	simm.s32 $0x10380  }
0x762: {  	[hbm4b:s30+s3] =	stream.linear.scatter [tilespmem:s31], [sflag:$0x4], $0x80, $0x38;
	[tilespmem:$0x10C00] =	vst v63  }
0x763: {  	s20 =	sadd.s32 $0x190, s19;
	s21 =	simm.s32 $0x10408  }
0x764: {  	[hbm4b:s20+s3] =	stream.linear.scatter [tilespmem:s21], [sflag:$0x4], $0x80, $0x38;
	[tilespmem:$0x10C00] =	vst v63  }
0x765: {  	s22 =	sadd.s32 $0x1A0, s19;
	s23 =	simm.s32 $0x10490  }
0x766: {  	[hbm4b:s22+s3] =	stream.linear.scatter [tilespmem:s23], [sflag:$0x4], $0x80, $0x38;
	[tilespmem:$0x10C00] =	vst v63  }
0x767: {  	s24 =	sadd.s32 $0x1B0, s19;
	s26 =	simm.s32 $0x10518  }
0x768: {  	[hbm4b:s24+s3] =	stream.linear.scatter [tilespmem:s26], [sflag:$0x4], $0x80, $0x38;
	[tilespmem:$0x10C00] =	vst v63  }
0x769: {  	s28 =	sadd.s32 $0x1C0, s19;
	s29 =	simm.s32 $0x105A0  }
0x76a: {  	[hbm4b:s28+s3] =	stream.linear.scatter [tilespmem:s29], [sflag:$0x4], $0x80, $0x38;
	[tilespmem:$0x10C00] =	vst v63  }
0x76b: {  	s30 =	sadd.s32 $0x1D0, s19;
	s31 =	simm.s32 $0x10628  }
0x76c: {  	[hbm4b:s30+s3] =	stream.linear.scatter [tilespmem:s31], [sflag:$0x4], $0x80, $0x38;
	[tilespmem:$0x10C00] =	vst v63  }
0x76d: {  	s21 =	sadd.s32 $0x1E0, s19;
	s22 =	simm.s32 $0x106B0  }
0x76e: {  	[hbm4b:s21+s3] =	stream.linear.scatter [tilespmem:s22], [sflag:$0x4], $0x80, $0x38;
	[tilespmem:$0x10C00] =	vst v63  }
0x76f: {  	s23 =	sadd.s32 $0x1F0, s19;
	s24 =	simm.s32 $0x10738  }
0x770: {  	[hbm4b:s23+s3] =	stream.linear.scatter [tilespmem:s24], [sflag:$0x4], $0x80, $0x38;
	[tilespmem:$0x10C00] =	vst v63  }
0x771: {  	s19 =	rddreg [dreg:$0x19];
	s26 =	simm.s32 $0xEE40  }
0x772: {  	[hbm4b:s19+s3] =	stream.linear.scatter [tilespmem:s26], [sflag:$0x4], $0x80, $0x38;
	[tilespmem:$0x10C00] =	vst v63  }
0x773: {  	s28 =	sadd.s32 $0x10, s19;
	s29 =	simm.s32 $0xEEC8  }
0x774: {  	[hbm4b:s28+s3] =	stream.linear.scatter [tilespmem:s29], [sflag:$0x4], $0x80, $0x38;
	[tilespmem:$0x10C00] =	vst v63  }
0x775: {  	s30 =	sadd.s32 $0x20, s19;
	s31 =	simm.s32 $0xEF50  }
0x776: {  	[hbm4b:s30+s3] =	stream.linear.scatter [tilespmem:s31], [sflag:$0x4], $0x80, $0x38;
	[tilespmem:$0x10C00] =	vst v63  }
0x777: {  	s20 =	sadd.s32 $0x30, s19;
	s21 =	simm.s32 $0xEFD8  }
0x778: {  	[hbm4b:s20+s3] =	stream.linear.scatter [tilespmem:s21], [sflag:$0x4], $0x80, $0x38;
	[tilespmem:$0x10C00] =	vst v63  }
0x779: {  	s22 =	sadd.s32 $0x40, s19;
	s23 =	simm.s32 $0xF060  }
0x77a: {  	[hbm4b:s22+s3] =	stream.linear.scatter [tilespmem:s23], [sflag:$0x4], $0x80, $0x38;
	[tilespmem:$0x10C00] =	vst v63  }
0x77b: {  	s24 =	sadd.s32 $0x50, s19;
	s26 =	simm.s32 $0xF0E8  }
0x77c: {  	[hbm4b:s24+s3] =	stream.linear.scatter [tilespmem:s26], [sflag:$0x4], $0x80, $0x38;
	[tilespmem:$0x10C00] =	vst v63  }
0x77d: {  	s28 =	sadd.s32 $0x60, s19;
	s29 =	simm.s32 $0xF170  }
0x77e: {  	[hbm4b:s28+s3] =	stream.linear.scatter [tilespmem:s29], [sflag:$0x4], $0x80, $0x38;
	[tilespmem:$0x10C00] =	vst v63  }
0x77f: {  	s30 =	sadd.s32 $0x70, s19;
	s31 =	simm.s32 $0xF1F8  }
0x780: {  	[hbm4b:s30+s3] =	stream.linear.scatter [tilespmem:s31], [sflag:$0x4], $0x80, $0x38;
	[tilespmem:$0x10C00] =	vst v63  }
0x781: {  	s20 =	sadd.s32 $0x80, s19;
	s21 =	simm.s32 $0xF6C0  }
0x782: {  	[hbm4b:s20+s3] =	stream.linear.scatter [tilespmem:s21], [sflag:$0x4], $0x80, $0x38;
	[tilespmem:$0x10C00] =	vst v63  }
0x783: {  	s22 =	sadd.s32 $0x90, s19;
	s23 =	simm.s32 $0xF748  }
0x784: {  	[hbm4b:s22+s3] =	stream.linear.scatter [tilespmem:s23], [sflag:$0x4], $0x80, $0x38;
	[tilespmem:$0x10C00] =	vst v63  }
0x785: {  	s24 =	sadd.s32 $0xA0, s19;
	s26 =	simm.s32 $0xF7D0  }
0x786: {  	[hbm4b:s24+s3] =	stream.linear.scatter [tilespmem:s26], [sflag:$0x4], $0x80, $0x38;
	[tilespmem:$0x10C00] =	vst v63  }
0x787: {  	s28 =	sadd.s32 $0xB0, s19;
	s29 =	simm.s32 $0xF858  }
0x788: {  	[hbm4b:s28+s3] =	stream.linear.scatter [tilespmem:s29], [sflag:$0x4], $0x80, $0x38;
	[tilespmem:$0x10C00] =	vst v63  }
0x789: {  	s30 =	sadd.s32 $0xC0, s19;
	s31 =	simm.s32 $0xF8E0  }
0x78a: {  	[hbm4b:s30+s3] =	stream.linear.scatter [tilespmem:s31], [sflag:$0x4], $0x80, $0x38;
	[tilespmem:$0x10C00] =	vst v63  }
0x78b: {  	s20 =	sadd.s32 $0xD0, s19;
	s21 =	simm.s32 $0xF968  }
0x78c: {  	[hbm4b:s20+s3] =	stream.linear.scatter [tilespmem:s21], [sflag:$0x4], $0x80, $0x38;
	[tilespmem:$0x10C00] =	vst v63  }
0x78d: {  	s22 =	sadd.s32 $0xE0, s19;
	s23 =	simm.s32 $0xF9F0  }
0x78e: {  	[hbm4b:s22+s3] =	stream.linear.scatter [tilespmem:s23], [sflag:$0x4], $0x80, $0x38;
	[tilespmem:$0x10C00] =	vst v63  }
0x78f: {  	s24 =	sadd.s32 $0xF0, s19;
	s26 =	simm.s32 $0xFA78  }
0x790: {  	[hbm4b:s24+s3] =	stream.linear.scatter [tilespmem:s26], [sflag:$0x4], $0x80, $0x38;
	[tilespmem:$0x10C00] =	vst v63  }
0x791: {  	s28 =	sadd.s32 $0x100, s19;
	s29 =	simm.s32 $0xFF40  }
0x792: {  	[hbm4b:s28+s3] =	stream.linear.scatter [tilespmem:s29], [sflag:$0x4], $0x80, $0x38;
	[tilespmem:$0x10C00] =	vst v63  }
0x793: {  	s30 =	sadd.s32 $0x110, s19;
	s31 =	simm.s32 $0xFFC8  }
0x794: {  	[hbm4b:s30+s3] =	stream.linear.scatter [tilespmem:s31], [sflag:$0x4], $0x80, $0x38;
	[tilespmem:$0x10C00] =	vst v63  }
0x795: {  	s20 =	sadd.s32 $0x120, s19;
	s21 =	simm.s32 $0x10050  }
0x796: {  	[hbm4b:s20+s3] =	stream.linear.scatter [tilespmem:s21], [sflag:$0x4], $0x80, $0x38;
	[tilespmem:$0x10C00] =	vst v63  }
0x797: {  	s22 =	sadd.s32 $0x130, s19;
	s23 =	simm.s32 $0x100D8  }
0x798: {  	[hbm4b:s22+s3] =	stream.linear.scatter [tilespmem:s23], [sflag:$0x4], $0x80, $0x38;
	[tilespmem:$0x10C00] =	vst v63  }
0x799: {  	s24 =	sadd.s32 $0x140, s19;
	s26 =	simm.s32 $0x10160  }
0x79a: {  	[hbm4b:s24+s3] =	stream.linear.scatter [tilespmem:s26], [sflag:$0x4], $0x80, $0x38;
	[tilespmem:$0x10C00] =	vst v63  }
0x79b: {  	s28 =	sadd.s32 $0x150, s19;
	s29 =	simm.s32 $0x101E8  }
0x79c: {  	[hbm4b:s28+s3] =	stream.linear.scatter [tilespmem:s29], [sflag:$0x4], $0x80, $0x38;
	[tilespmem:$0x10C00] =	vst v63  }
0x79d: {  	s30 =	sadd.s32 $0x160, s19;
	s31 =	simm.s32 $0x10270  }
0x79e: {  	[hbm4b:s30+s3] =	stream.linear.scatter [tilespmem:s31], [sflag:$0x4], $0x80, $0x38;
	[tilespmem:$0x10C00] =	vst v63  }
0x79f: {  	s20 =	sadd.s32 $0x170, s19;
	s21 =	simm.s32 $0x102F8  }
0x7a0: {  	[hbm4b:s20+s3] =	stream.linear.scatter [tilespmem:s21], [sflag:$0x4], $0x80, $0x38;
	[tilespmem:$0x10C00] =	vst v63  }
0x7a1: {  	s22 =	sadd.s32 $0x180, s19;
	s23 =	simm.s32 $0x107C0  }
0x7a2: {  	[hbm4b:s22+s3] =	stream.linear.scatter [tilespmem:s23], [sflag:$0x4], $0x80, $0x38;
	[tilespmem:$0x10C00] =	vst v63  }
0x7a3: {  	s24 =	sadd.s32 $0x190, s19;
	s26 =	simm.s32 $0x10848  }
0x7a4: {  	[hbm4b:s24+s3] =	stream.linear.scatter [tilespmem:s26], [sflag:$0x4], $0x80, $0x38;
	[tilespmem:$0x10C00] =	vst v63  }
0x7a5: {  	s28 =	sadd.s32 $0x1A0, s19;
	s29 =	simm.s32 $0x108D0  }
0x7a6: {  	[hbm4b:s28+s3] =	stream.linear.scatter [tilespmem:s29], [sflag:$0x4], $0x80, $0x38;
	[tilespmem:$0x10C00] =	vst v63  }
0x7a7: {  	s30 =	sadd.s32 $0x1B0, s19;
	s31 =	simm.s32 $0x10958  }
0x7a8: {  	[hbm4b:s30+s3] =	stream.linear.scatter [tilespmem:s31], [sflag:$0x4], $0x80, $0x38;
	[tilespmem:$0x10C00] =	vst v63  }
0x7a9: {  	s20 =	sadd.s32 $0x1C0, s19;
	s21 =	simm.s32 $0x109E0  }
0x7aa: {  	[hbm4b:s20+s3] =	stream.linear.scatter [tilespmem:s21], [sflag:$0x4], $0x80, $0x38;
	[tilespmem:$0x10C00] =	vst v63  }
0x7ab: {  	s22 =	sadd.s32 $0x1D0, s19;
	s23 =	simm.s32 $0x10A68  }
0x7ac: {  	[hbm4b:s22+s3] =	stream.linear.scatter [tilespmem:s23], [sflag:$0x4], $0x80, $0x38;
	[tilespmem:$0x10C00] =	vst v63  }
0x7ad: {  	s24 =	sadd.s32 $0x1E0, s19;
	s26 =	simm.s32 $0x10AF0  }
0x7ae: {  	[hbm4b:s24+s3] =	stream.linear.scatter [tilespmem:s26], [sflag:$0x4], $0x80, $0x38;
	[tilespmem:$0x10C00] =	vst v63  }
0x7af: {  	s28 =	sadd.s32 $0x1F0, s19;
	s29 =	simm.s32 $0x10B78  }
0x7b0: {  	[hbm4b:s28+s3] =	stream.linear.scatter [tilespmem:s29], [sflag:$0x4], $0x80, $0x38;
	[tilespmem:$0x10C00] =	vst v63  }
0x7b1: {  	_ =	swait.ge [sflag:s16], $0x1000  }
0x7b2: {  	[sflag:s16] =	ssyncset.done $0x0  }
0x7b3: {  	[sflag:s16] =	ssyncadd.s32 $0xFFFFF000  }
0x7b4: {  	_ =	swait.ge [sflag:s16], $0x1000  }
0x7b5: {  	[sflag:s16] =	ssyncset.done $0x0  }
0x7b6: {  	[sflag:s16] =	ssyncadd.s32 $0xFFFFF000  }
0x7b7: {  	_ =	swait.ge [sflag:s16], $0x1000  }
0x7b8: {  	[sflag:s16] =	ssyncset.done $0x0  }
0x7b9: {  	[sflag:s16] =	ssyncadd.s32 $0xFFFFF000  }
0x7ba: {  	_ =	swait.ge [sflag:s16], $0x1000  }
0x7bb: {  	[sflag:s16] =	ssyncset.done $0x0  }
0x7bc: {  	[sflag:s16] =	ssyncadd.s32 $0xFFFFF000  }
0x7bd: {  	_ =	swait.ge [sflag:s13], $0x1000  }
0x7be: {  	[sflag:s13] =	ssyncset.done $0x0  }
0x7bf: {  	[sflag:s13] =	ssyncadd.s32 $0xFFFFF000  }
0x7c0: {  	_ =	swait.ge [sflag:s13], $0x1000  }
0x7c1: {  	[sflag:s13] =	ssyncset.done $0x0  }
0x7c2: {  	[sflag:s13] =	ssyncadd.s32 $0xFFFFF000  }
0x7c3: {  	_ =	swait.ge [sflag:s13], $0x1000  }
0x7c4: {  	[sflag:s13] =	ssyncset.done $0x0  }
0x7c5: {  	[sflag:s13] =	ssyncadd.s32 $0xFFFFF000  }
0x7c6: {  	_ =	swait.ge [sflag:s13], $0x1000  }
0x7c7: {  	s30 =	rddreg [dreg:$0x1a]  }
0x7c8: {  	s31 =	rddreg [dreg:$0xe];
	s19 =	sadd.s32 $0x1, s30  }
0x7c9: {  	p0 =	sne.s32 s19, s31  }
.Ltmp7:
0x7ca: {  	_ = 	snop;
	(pc) =	sbr.rel @p0 .LBB2_1-.Ltmp7, $3  }
0x7cb: {  	_ =	sdelay $0x1  }
0x7cc: {  	[sflag:s13] =	ssyncset.done $0x0  }
0x7cd: {  	[sflag:s13] =	ssyncadd.s32 $0xFFFFF000  }
0x7ce: {  	_ =	sfence.sel $0x180000  }
0x7cf: {  	[bflag:$0x0] =	sbarrier.arrive $0xFFFF  }
0x7d0: {  	_ =	strace $0x90000047  }
0x7d1: {  	s0 =	stileid.u32;
	[bflag:$0x2] =	sbarrier.arrive $0xFFFF  }
0x7d2: {  	p0 =	sne.s32 s0, $0x0;
	s0 =	rddreg [dreg:$0x2]  }
0x7d3: {  	s0 =	sadd.s32 @!p0 $0x100000, s0  }
0x7d4: {  	[sflag:s0] =	ssyncadd.tile.s32 @!p0 $0x1;
	_ =	shalt  }
.Lfunc_end2:
_tile_overlayer_lowered:
.L_overlay_start_2:
0x7d5: {  	(tag) =	ssettag $0x2  }
0x7d6: {  	s0 =	rddreg [dreg:$0x0];
	s2 =	stileid.u32  }
0x7d7: {  	s1 =	rddreg [dreg:$0x1];
	p0 =	sne.s32 s2, $0x0  }
0x7d8: {  	s3 =	rddreg [dreg:$0x2];
	[bflag:$0x3] =	sbarrier.arrive $0xFFFF;
	s2 =	simm.s32 @!p0 $0x1C05  }
0x7d9: {  	[timem:s3], [sflag:s2] =	dma.local @!p0 [hbm:s0], s1  }
0x7da: {  	s0 =	simm.s32 @!p0 $0x5  }
0x7db: {  	_ =	swait.ge @!p0 [sflag:s0], s1  }
0x7dc: {  	s1 =	ssub.s32 @!p0 $0x0, s1;
	[sflag:s0] =	ssyncset.done @!p0 $0x0  }
0x7dd: {  	[sflag:s0] =	ssyncadd.s32 @!p0 s1  }
0x7de: {  	[bflag:$0x3] =	sbarrier.arrive $0xFFFF  }
0x7df: {  	_ =	shalt  }

</sc_bundles>
